<compile_context>
chip_gen: v7x
topology: tpu7x:2x2x1
jax: 0.10.2.dev20260603
libtpu: 0.0.44.dev20260713+nightly
codegen_flags: <defaults>
</compile_context>

<pallas_src>
import functools

import jax
import jax.numpy as jnp
from jax import lax
from jax.experimental import pallas as pl
from jax.experimental.pallas import tpu as pltpu
from jax.experimental.pallas import tpu_sc as plsc

N = 10000
NP = 10240
D_IN = 128
DH = 128
DO = 64
E = 320000
NC, NS = 2, 16
NT = NC * NS
CH = 128
NCHUNK = 80
NCHUNK2 = 160
EPT = CH * NCHUNK
EP = EPT * NT
RPS = NP // NS
DEGW = 8

_mesh = functools.partial(
    plsc.VectorSubcoreMesh,
    core_axis_name="c", subcore_axis_name="s", num_cores=NC, num_subcores=NS,
)

_sc_params = pltpu.CompilerParams(use_tc_tiling_on_sc=False)


def _zero_fill(buf, nrows, f):
    @pl.loop(0, nrows)
    def _(i):
        for k in range(f // 16):
            buf[i, pl.ds(16 * k, 16)] = jnp.zeros((16,), jnp.float32)


def _zero_shared(acc_sh, zbuf, nrows, sid):
    @pl.loop(0, RPS // nrows)
    def _(j):
        pltpu.sync_copy(zbuf, acc_sh.at[pl.ds(sid * RPS + j * nrows, nrows)])


_RING = 5


@functools.partial(
    pl.kernel,
    out_type=jax.ShapeDtypeStruct((NC, NP, DEGW), jnp.float32),
    mesh=_mesh(),
    compiler_params=_sc_params,
    scratch_types=[
        pltpu.VMEM((NCHUNK, 2, CH), jnp.int32),
        pltpu.VMEM((64 + CH, DEGW), jnp.float32),
        pltpu.VMEM_SHARED((NP, DEGW), jnp.float32),
        [pltpu.SemaphoreType.DMA for _ in range(_RING)],
        pltpu.SemaphoreType.DMA,
    ],
)
def _deg_pass(e_hbm, oz_hbm, out_hbm, idx_all, ozv, acc_sh, ssem, esem):
    cid = lax.axis_index("c")
    sid = lax.axis_index("s")
    wid = cid * NS + sid

    eload = pltpu.async_copy(e_hbm.at[pl.ds(wid * NCHUNK, NCHUNK)],
                             idx_all, esem)
    pltpu.sync_copy(oz_hbm, ozv)
    ones_v = ozv.at[pl.ds(64, CH)]
    _zero_shared(acc_sh, ozv.at[pl.ds(0, 64)], 64, sid)
    eload.wait()
    plsc.subcore_barrier()

    def wait_scatter(r):
        pltpu.make_async_copy(ones_v, acc_sh.at[pl.ds(0, CH)], ssem[r]).wait()

    @pl.loop(0, NCHUNK // _RING)
    def _(p):
        g0 = _RING * p
        for r in range(_RING):
            @pl.when(p > 0)
            def _(r=r):
                wait_scatter(r)
            pltpu.async_copy(ones_v, acc_sh.at[idx_all.at[g0 + r, 1]],
                             ssem[r], add=True)

    for r in range(_RING):
        wait_scatter(r)
    plsc.subcore_barrier()
    pltpu.sync_copy(acc_sh.at[pl.ds(sid * RPS, RPS)],
                    out_hbm.at[cid, pl.ds(sid * RPS, RPS)])


def _make_edge_pass(f, ring, blk, finale=False):
    h = f // 2
    nblk = NCHUNK2 // blk
    ngroup = blk // ring

    extra_in = ([jax.ShapeDtypeStruct((NP, h), jnp.float32),
                 jax.ShapeDtypeStruct((NC, 1, h), jnp.float32)]
                if finale else [])

    @functools.partial(
        pl.kernel,
        out_type=jax.ShapeDtypeStruct((NC, NP, h), jnp.float32),
        mesh=_mesh(),
        compiler_params=_sc_params,
        scratch_types=[
            pltpu.VMEM((blk, 2, CH), jnp.int32),
            [pltpu.VMEM((CH, h), jnp.float32) for _ in range(ring)],
            pltpu.VMEM((1, h), jnp.float32),
            pltpu.VMEM_SHARED((NP, h), jnp.float32),
            pltpu.VMEM_SHARED((NP, h), jnp.float32),
            [pltpu.SemaphoreType.DMA for _ in range(ring)],
            [pltpu.SemaphoreType.DMA for _ in range(ring)],
            pltpu.SemaphoreType.DMA,
        ],
    )
    def edge_pass(hs_hbm, e_hbm, *rest):
        if finale:
            (disb_hbm, bb_hbm, out_hbm,
             idx_all, rows, bbv, tab_sh, acc_sh, gsem, ssem, esem) = rest
        else:
            (out_hbm,
             idx_all, rows, bbv, tab_sh, acc_sh, gsem, ssem, esem) = rest
        cid = lax.axis_index("c")
        sid = lax.axis_index("s")

        eload = pltpu.async_copy(e_hbm.at[pl.ds(sid * NCHUNK2, blk)],
                                 idx_all, esem)
        pltpu.sync_copy(hs_hbm.at[cid, pl.ds(sid * RPS, RPS)],
                        tab_sh.at[pl.ds(sid * RPS, RPS)])
        _zero_fill(rows[0], CH, h)
        _zero_shared(acc_sh, rows[0], CH, sid)
        eload.wait()
        plsc.subcore_barrier()

        def wait_gather(r):
            pltpu.make_async_copy(hs_hbm.at[0, pl.ds(0, CH)],
                                  rows[r], gsem[r]).wait()

        def wait_scatter(r):
            pltpu.make_async_copy(rows[r], acc_sh.at[pl.ds(0, CH)],
                                  ssem[r]).wait()

        @pl.loop(0, nblk)
        def _(b):
            @pl.when(b > 0)
            def _():
                for r in range(ring):
                    wait_scatter(r)
                pltpu.sync_copy(
                    e_hbm.at[pl.ds(sid * NCHUNK2 + b * blk, blk)], idx_all)

            @pl.loop(0, ngroup)
            def _(p):
                g0 = ring * p
                for r in range(ring):
                    @pl.when(p > 0)
                    def _(r=r):
                        wait_scatter(r)
                    pltpu.async_copy(tab_sh.at[idx_all.at[g0 + r, 0]],
                                     rows[r], gsem[r])
                for r in range(ring):
                    wait_gather(r)
                    pltpu.async_copy(rows[r], acc_sh.at[idx_all.at[g0 + r, 1]],
                                     ssem[r], add=True)

        for r in range(ring):
            wait_scatter(r)
        plsc.subcore_barrier()
        if not finale:
            pltpu.sync_copy(acc_sh.at[pl.ds(sid * RPS, RPS)],
                            out_hbm.at[cid, pl.ds(sid * RPS, RPS)])
        else:
            pltpu.sync_copy(bb_hbm.at[cid], bbv)
            for blk_i in range(RPS // CH):
                rbase = sid * RPS + blk_i * CH
                pltpu.sync_copy(acc_sh.at[pl.ds(rbase, CH)], rows[0])
                pltpu.sync_copy(tab_sh.at[pl.ds(rbase, CH)], rows[1])
                pltpu.sync_copy(disb_hbm.at[pl.ds(rbase, CH)], rows[2])

                @pl.loop(0, CH)
                def _(i):
                    for k in range(h // 16):
                        sl = pl.ds(16 * k, 16)
                        rows[0][i, sl] = ((rows[0][i, sl] + rows[1][i, sl])
                                          * rows[2][i, sl] + bbv[0, sl])
                pltpu.sync_copy(rows[0], out_hbm.at[cid, pl.ds(rbase, CH)])

    return edge_pass


_edge_pass_h = _make_edge_pass(DH, 4, 32)
_edge_pass_o = _make_edge_pass(DO, 8, NCHUNK2, finale=True)


def _dis_from_deg(deg_ref):
    deg = deg_ref[0, :, 0:1] + deg_ref[1, :, 0:1]
    rows = lax.broadcasted_iota(jnp.int32, (NP, 1), 0)
    deg = deg + jnp.where(rows < N, 1.0, 0.0)
    return jnp.where(deg > 0, lax.rsqrt(deg), 0.0)


def _tc1_body(x_ref, w_ref, deg_ref, o_ref):
    dis = _dis_from_deg(deg_ref)
    hh = jnp.dot(x_ref[...], w_ref[...],
                 preferred_element_type=jnp.float32) * dis[:N]
    zt = jnp.zeros((NP - N, DH // 2), jnp.float32)
    o_ref[0] = jnp.concatenate([hh[:, :DH // 2], zt], axis=0)
    o_ref[1] = jnp.concatenate([hh[:, DH // 2:], zt], axis=0)


TC2_R = NP // 8


def _tc2_body(acc_ref, hs1_ref, deg_ref, b1_ref, g_ref, be_ref, w_ref, o_ref, disb_ref):
    row0 = pl.program_id(0) * TC2_R
    deg = deg_ref[0, :, 0:1] + deg_ref[1, :, 0:1]
    rows = row0 + lax.broadcasted_iota(jnp.int32, (TC2_R, 1), 0)
    deg = deg + jnp.where(rows < N, 1.0, 0.0)
    dis = jnp.where(deg > 0, lax.rsqrt(deg), 0.0)
    acc = jnp.concatenate([acc_ref[0] + hs1_ref[0],
                           acc_ref[1] + hs1_ref[1]], axis=1)
    t = acc * dis + b1_ref[...]
    t = jnp.maximum(t, 0.0)
    mu = jnp.mean(t, axis=-1, keepdims=True)
    var = jnp.mean((t - mu) ** 2, axis=-1, keepdims=True)
    h = (t - mu) * lax.rsqrt(var + 1e-5) * g_ref[...] + be_ref[...]
    hs2 = jnp.dot(h, w_ref[...], preferred_element_type=jnp.float32) * dis
    o_ref[0] = hs2[:, :DO // 2]
    o_ref[1] = hs2[:, DO // 2:]
    disb_ref[...] = jnp.broadcast_to(dis, (TC2_R, DO // 2))


_tc1 = pl.pallas_call(_tc1_body,
                      out_shape=jax.ShapeDtypeStruct((NC, NP, DH // 2),
                                                     jnp.float32))
_tc2 = pl.pallas_call(
    _tc2_body,
    grid=(NP // TC2_R,),
    in_specs=[
        pl.BlockSpec((NC, TC2_R, DH // 2), lambda i: (0, i, 0)),
        pl.BlockSpec((NC, TC2_R, DH // 2), lambda i: (0, i, 0)),
        pl.BlockSpec((NC, TC2_R, DEGW), lambda i: (0, i, 0)),
        pl.BlockSpec((1, DH), lambda i: (0, 0)),
        pl.BlockSpec((1, DH), lambda i: (0, 0)),
        pl.BlockSpec((1, DH), lambda i: (0, 0)),
        pl.BlockSpec((DH, DO), lambda i: (0, 0)),
    ],
    out_specs=(pl.BlockSpec((NC, TC2_R, DO // 2), lambda i: (0, i, 0)),
               pl.BlockSpec((TC2_R, DO // 2), lambda i: (i, 0))),
    out_shape=(jax.ShapeDtypeStruct((NC, NP, DO // 2), jnp.float32),
               jax.ShapeDtypeStruct((NP, DO // 2), jnp.float32)))


def kernel(x, edge_index, W1, b1, gamma, beta, W2, b2):
    ei = edge_index.astype(jnp.int32)
    pad = jnp.full((2, EP - E), N, jnp.int32)
    e3 = jnp.concatenate([ei, pad], axis=1)
    e3 = e3.reshape(2, NT * NCHUNK, CH).transpose(1, 0, 2)

    oz = jnp.concatenate([jnp.zeros((64, DEGW), jnp.float32),
                          jnp.ones((CH, DEGW), jnp.float32)])

    degp = _deg_pass(e3, oz)
    hs1 = _tc1(x, W1, degp)
    acc1 = _edge_pass_h(hs1, e3)
    hs2, disb = _tc2(acc1, hs1, degp, b1.reshape(1, DH),
                     gamma.reshape(1, DH), beta.reshape(1, DH), W2)
    out = _edge_pass_o(hs2, e3, disb, b2.reshape(NC, 1, DO // 2))
    return jnp.concatenate([out[0], out[1]], axis=1)[:N]

# --- scband reference (transcript-rebuilt; emitter-appended) ---
"""Pipeline reference for scband-sslgcnencoder-39522289058399 (READ-ONLY COPY).

The authoritative reference and input builder live on the scoring server;
editing this copy changes nothing except your own understanding.
"""

import jax, jax.numpy as jnp
import numpy as np

N_NODES = 10000
D_IN = 128
HIDDEN = 64


def gcn_conv(x, edge_index, W, b, num_nodes):
    # Faithful PyG GCNConv: add self loops, symmetric normalization, linear, scatter-add, bias
    src = edge_index[0]
    dst = edge_index[1]
    loop = jnp.arange(num_nodes, dtype=src.dtype)
    src = jnp.concatenate([src, loop])
    dst = jnp.concatenate([dst, loop])
    ones = jnp.ones(src.shape[0], dtype=x.dtype)
    deg = jnp.zeros((num_nodes,), dtype=x.dtype).at[dst].add(ones)
    deg_inv_sqrt = jnp.where(deg > 0, 1.0 / jnp.sqrt(deg), 0.0)
    norm = deg_inv_sqrt[src] * deg_inv_sqrt[dst]
    h = x @ W
    msg = h[src] * norm[:, None]
    out = jnp.zeros((num_nodes, W.shape[1]), dtype=h.dtype).at[dst].add(msg)
    return out + b


def layer_norm(h, gamma, beta, eps=1e-5):
    mu = jnp.mean(h, axis=-1, keepdims=True)
    var = jnp.mean((h - mu) ** 2, axis=-1, keepdims=True)
    return (h - mu) / jnp.sqrt(var + eps) * gamma + beta


def setup_inputs(seed: int = 0) -> dict:
    key = jax.random.key(seed)
    k_x, k_e, k_w1, k_w2 = jax.random.split(key, 4)
    x = jax.random.normal(k_x, (N_NODES, D_IN), dtype=jnp.float32)
    edge_index = jax.random.randint(k_e, (2, 320000), 0, N_NODES, dtype=jnp.int64)
    d_hid = 2 * HIDDEN
    s1 = float(np.sqrt(6.0 / (D_IN + d_hid)))
    W1 = jax.random.uniform(k_w1, (D_IN, d_hid), dtype=jnp.float32, minval=-s1, maxval=s1)
    b1 = jnp.zeros((d_hid,), dtype=jnp.float32)
    gamma = jnp.ones((d_hid,), dtype=jnp.float32)
    beta = jnp.zeros((d_hid,), dtype=jnp.float32)
    s2 = float(np.sqrt(6.0 / (d_hid + HIDDEN)))
    W2 = jax.random.uniform(k_w2, (d_hid, HIDDEN), dtype=jnp.float32, minval=-s2, maxval=s2)
    b2 = jnp.zeros((HIDDEN,), dtype=jnp.float32)
    return {"x": x, "edge_index": edge_index, "W1": W1, "b1": b1, "gamma": gamma, "beta": beta, "W2": W2, "b2": b2}


def reference(x, edge_index, W1, b1, gamma, beta, W2, b2):
    h = jax.nn.relu(gcn_conv(x, edge_index, W1, b1, N_NODES))
    h = layer_norm(h, gamma, beta)
    return gcn_conv(h, edge_index, W2, b2, N_NODES)

if __name__ == "__main__":
    import jax
    _d = setup_inputs()
    print(jax.jit(kernel)(*tuple(_d.values())))

</pallas_src>

<mosaic_0001>
#map = affine_map<(d0, d1) -> (0, 0, 0)>
#map1 = affine_map<(d0, d1) -> (0, 0)>
module attributes {stable_mosaic.version = 14 : i64} {
  func.func @edge_pass(%arg0: i32, %arg1: i32, %arg2: memref<2x10240x32xf32, #tpu.memory_space<hbm>>, %arg3: memref<2560x2x128xi32, #tpu.memory_space<hbm>>, %arg4: memref<10240x32xf32, #tpu.memory_space<hbm>>, %arg5: memref<2x1x32xf32, #tpu.memory_space<hbm>>, %arg6: memref<2x10240x32xf32, #tpu.memory_space<hbm>>, %arg7: memref<160x2x128xi32, #tpu.memory_space<vmem>>, %arg8: memref<128x32xf32, #tpu.memory_space<vmem>>, %arg9: memref<128x32xf32, #tpu.memory_space<vmem>>, %arg10: memref<128x32xf32, #tpu.memory_space<vmem>>, %arg11: memref<128x32xf32, #tpu.memory_space<vmem>>, %arg12: memref<128x32xf32, #tpu.memory_space<vmem>>, %arg13: memref<128x32xf32, #tpu.memory_space<vmem>>, %arg14: memref<128x32xf32, #tpu.memory_space<vmem>>, %arg15: memref<128x32xf32, #tpu.memory_space<vmem>>, %arg16: memref<1x32xf32, #tpu.memory_space<vmem>>, %arg17: memref<10240x32xf32, #tpu.memory_space<vmem_shared>>, %arg18: memref<10240x32xf32, #tpu.memory_space<vmem_shared>>, %arg19: memref<!tpu.dma_semaphore, #tpu.memory_space<semaphore_mem>>, %arg20: memref<!tpu.dma_semaphore, #tpu.memory_space<semaphore_mem>>, %arg21: memref<!tpu.dma_semaphore, #tpu.memory_space<semaphore_mem>>, %arg22: memref<!tpu.dma_semaphore, #tpu.memory_space<semaphore_mem>>, %arg23: memref<!tpu.dma_semaphore, #tpu.memory_space<semaphore_mem>>, %arg24: memref<!tpu.dma_semaphore, #tpu.memory_space<semaphore_mem>>, %arg25: memref<!tpu.dma_semaphore, #tpu.memory_space<semaphore_mem>>, %arg26: memref<!tpu.dma_semaphore, #tpu.memory_space<semaphore_mem>>, %arg27: memref<!tpu.dma_semaphore, #tpu.memory_space<semaphore_mem>>, %arg28: memref<!tpu.dma_semaphore, #tpu.memory_space<semaphore_mem>>, %arg29: memref<!tpu.dma_semaphore, #tpu.memory_space<semaphore_mem>>, %arg30: memref<!tpu.dma_semaphore, #tpu.memory_space<semaphore_mem>>, %arg31: memref<!tpu.dma_semaphore, #tpu.memory_space<semaphore_mem>>, %arg32: memref<!tpu.dma_semaphore, #tpu.memory_space<semaphore_mem>>, %arg33: memref<!tpu.dma_semaphore, #tpu.memory_space<semaphore_mem>>, %arg34: memref<!tpu.dma_semaphore, #tpu.memory_space<semaphore_mem>>, %arg35: memref<!tpu.dma_semaphore, #tpu.memory_space<semaphore_mem>>) attributes {dimension_semantics = [#tpu.dimension_semantics<core_parallel>, #tpu.dimension_semantics<subcore_parallel>], iteration_bounds = array<i64: 2, 16>, scalar_prefetch = 0 : i64, scratch_operands = 29 : i64, tpu.core_type = #tpu.core_type<sc_vector_subcore>, window_params = [{transform_indices = #map}, {transform_indices = #map}, {transform_indices = #map1}, {transform_indices = #map}, {transform_indices = #map}]} {
    %mul3A = arith.constant 160 : i32
    %mul3A_0 = arith.muli %arg1, %mul3A : i32
    %dma_start3A = arith.constant 0 : i32
    %dma_start3A_1 = arith.constant 0 : i32
    %dma_start3A_2 = tpu.memref_slice %arg3[%mul3A_0, %dma_start3A, %dma_start3A_1] : memref<2560x2x128xi32, #tpu.memory_space<hbm>> -> memref<160x2x128xi32, #tpu.memory_space<hbm>>
    %dma_start3A_3 = arith.constant 0 : i32
    %dma_start3A_4 = arith.constant 0 : i32
    %dma_start3A_5 = tpu.memref_slice %arg3[%mul3A_0, %dma_start3A_3, %dma_start3A_4] : memref<2560x2x128xi32, #tpu.memory_space<hbm>> -> memref<160x2x128xi32, #tpu.memory_space<hbm>>
    tpu.enqueue_dma source(%dma_start3A_5 : memref<160x2x128xi32, #tpu.memory_space<hbm>>) target(%arg7 : memref<160x2x128xi32, #tpu.memory_space<vmem>>) target_semaphore(%arg35 : memref<!tpu.dma_semaphore, #tpu.memory_space<semaphore_mem>>)
    %mul3A_6 = arith.constant 640 : i32
    %mul3A_7 = arith.muli %arg1, %mul3A_6 : i32
    %mul3A_8 = arith.constant 640 : i32
    %mul3A_9 = arith.muli %arg1, %mul3A_8 : i32
    "tpu.region"() ({
      %run_scoped3A = tpu.sem_alloc : memref<!tpu.dma_semaphore, #tpu.memory_space<semaphore_mem>>
      %dma_start3A_130 = arith.constant 0 : i32
      %dma_start3A_131 = tpu.memref_slice %arg17[%mul3A_9, %dma_start3A_130] : memref<10240x32xf32, #tpu.memory_space<vmem_shared>> -> memref<640x32xf32, #tpu.memory_space<vmem_shared>>
      %dma_start3A_132 = arith.constant 0 : i32
      %dma_start3A_133 = tpu.memref_slice %arg2[%arg0, %mul3A_7, %dma_start3A_132] : memref<2x10240x32xf32, #tpu.memory_space<hbm>> -> memref<1x640x32xf32, #tpu.memory_space<hbm>>
      %dma_start3A_134 = tpu.memref_squeeze %dma_start3A_133 : memref<1x640x32xf32, #tpu.memory_space<hbm>> -> memref<640x32xf32, #tpu.memory_space<hbm>>
      tpu.enqueue_dma source(%dma_start3A_134 : memref<640x32xf32, #tpu.memory_space<hbm>>) target(%dma_start3A_131 : memref<640x32xf32, #tpu.memory_space<vmem_shared>>) target_semaphore(%run_scoped3A : memref<!tpu.dma_semaphore, #tpu.memory_space<semaphore_mem>>)
      %dma_wait3A_135 = arith.constant 0 : i32
      %dma_wait3A_136 = tpu.memref_slice %arg17[%mul3A_9, %dma_wait3A_135] : memref<10240x32xf32, #tpu.memory_space<vmem_shared>> -> memref<640x32xf32, #tpu.memory_space<vmem_shared>>
      %dma_wait3A_137 = arith.constant 0 : i32
      %dma_wait3A_138 = tpu.memref_slice %arg2[%arg0, %mul3A_7, %dma_wait3A_137] : memref<2x10240x32xf32, #tpu.memory_space<hbm>> -> memref<1x640x32xf32, #tpu.memory_space<hbm>>
      %dma_wait3A_139 = tpu.memref_squeeze %dma_wait3A_138 : memref<1x640x32xf32, #tpu.memory_space<hbm>> -> memref<640x32xf32, #tpu.memory_space<hbm>>
      tpu.wait_dma2 semaphore(%run_scoped3A : memref<!tpu.dma_semaphore, #tpu.memory_space<semaphore_mem>>) src(%dma_wait3A_139 : memref<640x32xf32, #tpu.memory_space<hbm>>) dst(%dma_wait3A_136 : memref<640x32xf32, #tpu.memory_space<vmem_shared>>)
      tpu.yield
    }) : () -> ()
    %scan3A = arith.constant 0 : i32
    %scan3A_10 = arith.constant 128 : i32
    %scan3A_11 = arith.addi %scan3A, %scan3A_10 : i32
    %scan3A_12 = arith.constant 1 : i32
    scf.for %scan3A_130 = %scan3A to %scan3A_11 step %scan3A_12  : i32 {
      %mul3A_131 = arith.constant 1 : i32
      %mul3A_132 = arith.muli %scan3A_130, %mul3A_131 : i32
      %add3A_133 = arith.constant 0 : i32
      %add3A_134 = arith.addi %add3A_133, %mul3A_132 : i32
      %broadcast_in_dim3A = arith.constant 0.000000e+00 : f32
      %broadcast_in_dim3A_135 = vector.broadcast %broadcast_in_dim3A : f32 to vector<16xf32>
      %swap3A = arith.index_cast %add3A_134 : i32 to index
      %swap3A_136 = arith.constant 0 : index
      %swap3A_137 = tpu.vector_load %arg8[%swap3A, %swap3A_136] {strides = array<i32>} : memref<128x32xf32, #tpu.memory_space<vmem>>, vector<1x16xf32>,
      %swap3A_138 = vector.shape_cast %swap3A_137 : vector<1x16xf32> to vector<16xf32>
      %swap3A_139 = vector.shape_cast %broadcast_in_dim3A_135 : vector<16xf32> to vector<1x16xf32>
      tpu.vector_store %arg8[%swap3A, %swap3A_136], %swap3A_139 {strides = array<i32>} : memref<128x32xf32, #tpu.memory_space<vmem>>, vector<1x16xf32>,
      %broadcast_in_dim3A_140 = arith.constant 0.000000e+00 : f32
      %broadcast_in_dim3A_141 = vector.broadcast %broadcast_in_dim3A_140 : f32 to vector<16xf32>
      %swap3A_142 = arith.index_cast %add3A_134 : i32 to index
      %swap3A_143 = arith.constant 16 : index
      %swap3A_144 = tpu.vector_load %arg8[%swap3A_142, %swap3A_143] {strides = array<i32>} : memref<128x32xf32, #tpu.memory_space<vmem>>, vector<1x16xf32>,
      %swap3A_145 = vector.shape_cast %swap3A_144 : vector<1x16xf32> to vector<16xf32>
      %swap3A_146 = vector.shape_cast %broadcast_in_dim3A_141 : vector<16xf32> to vector<1x16xf32>
      tpu.vector_store %arg8[%swap3A_142, %swap3A_143], %swap3A_146 {strides = array<i32>} : memref<128x32xf32, #tpu.memory_space<vmem>>, vector<1x16xf32>,
    }
    %scan3A_13 = arith.constant 128 : i32
    %scan3A_14 = arith.constant 0 : i32
    %scan3A_15 = arith.constant 5 : i32
    %scan3A_16 = arith.addi %scan3A_14, %scan3A_15 : i32
    %scan3A_17 = arith.constant 1 : i32
    scf.for %scan3A_130 = %scan3A_14 to %scan3A_16 step %scan3A_17  : i32 {
      %mul3A_131 = arith.constant 1 : i32
      %mul3A_132 = arith.muli %scan3A_130, %mul3A_131 : i32
      %add3A_133 = arith.constant 0 : i32
      %add3A_134 = arith.addi %add3A_133, %mul3A_132 : i32
      %mul3A_135 = arith.constant 640 : i32
      %mul3A_136 = arith.muli %arg1, %mul3A_135 : i32
      %mul3A_137 = arith.constant 128 : i32
      %mul3A_138 = arith.muli %add3A_134, %mul3A_137 : i32
      %add3A_139 = arith.addi %mul3A_136, %mul3A_138 : i32
      "tpu.region"() ({
        %run_scoped3A = tpu.sem_alloc : memref<!tpu.dma_semaphore, #tpu.memory_space<semaphore_mem>>
        %dma_start3A_140 = arith.constant 0 : i32
        %dma_start3A_141 = tpu.memref_slice %arg18[%add3A_139, %dma_start3A_140] : memref<10240x32xf32, #tpu.memory_space<vmem_shared>> -> memref<128x32xf32, #tpu.memory_space<vmem_shared>>
        %dma_start3A_142 = arith.constant 0 : i32
        %dma_start3A_143 = tpu.memref_slice %arg18[%add3A_139, %dma_start3A_142] : memref<10240x32xf32, #tpu.memory_space<vmem_shared>> -> memref<128x32xf32, #tpu.memory_space<vmem_shared>>
        tpu.enqueue_dma source(%arg8 : memref<128x32xf32, #tpu.memory_space<vmem>>) target(%dma_start3A_143 : memref<128x32xf32, #tpu.memory_space<vmem_shared>>) target_semaphore(%run_scoped3A : memref<!tpu.dma_semaphore, #tpu.memory_space<semaphore_mem>>)
        %dma_wait3A_144 = arith.constant 0 : i32
        %dma_wait3A_145 = tpu.memref_slice %arg18[%add3A_139, %dma_wait3A_144] : memref<10240x32xf32, #tpu.memory_space<vmem_shared>> -> memref<128x32xf32, #tpu.memory_space<vmem_shared>>
        %dma_wait3A_146 = arith.constant 0 : i32
        %dma_wait3A_147 = tpu.memref_slice %arg18[%add3A_139, %dma_wait3A_146] : memref<10240x32xf32, #tpu.memory_space<vmem_shared>> -> memref<128x32xf32, #tpu.memory_space<vmem_shared>>
        tpu.wait_dma2 semaphore(%run_scoped3A : memref<!tpu.dma_semaphore, #tpu.memory_space<semaphore_mem>>) src(%arg8 : memref<128x32xf32, #tpu.memory_space<vmem>>) dst(%dma_wait3A_147 : memref<128x32xf32, #tpu.memory_space<vmem_shared>>)
        tpu.yield
      }) : () -> ()
    }
    %scan3A_18 = arith.constant 5 : i32
    %dma_wait3A = arith.constant 0 : i32
    %dma_wait3A_19 = arith.constant 0 : i32
    %dma_wait3A_20 = tpu.memref_slice %arg3[%mul3A_0, %dma_wait3A, %dma_wait3A_19] : memref<2560x2x128xi32, #tpu.memory_space<hbm>> -> memref<160x2x128xi32, #tpu.memory_space<hbm>>
    %dma_wait3A_21 = arith.constant 0 : i32
    %dma_wait3A_22 = arith.constant 0 : i32
    %dma_wait3A_23 = tpu.memref_slice %arg3[%mul3A_0, %dma_wait3A_21, %dma_wait3A_22] : memref<2560x2x128xi32, #tpu.memory_space<hbm>> -> memref<160x2x128xi32, #tpu.memory_space<hbm>>
    tpu.wait_dma2 semaphore(%arg35 : memref<!tpu.dma_semaphore, #tpu.memory_space<semaphore_mem>>) src(%dma_wait3A_23 : memref<160x2x128xi32, #tpu.memory_space<hbm>>) dst(%arg7 : memref<160x2x128xi32, #tpu.memory_space<vmem>>)
    %barrier3A = arith.constant 0 : index
    tpu.barrier barrier_id(%barrier3A)
    %scan3A_24 = arith.constant 0 : i32
    %mul3A_25 = arith.constant 1 : i32
    %mul3A_26 = arith.muli %scan3A_24, %mul3A_25 : i32
    %add3A = arith.constant 0 : i32
    %add3A_27 = arith.addi %add3A, %mul3A_26 : i32
    %gt3A = arith.constant 0 : i32
    %gt3A_28 = arith.cmpi sgt, %add3A_27, %gt3A : i32
    %convert_element_type3A = arith.extui %gt3A_28 : i1 to i32
    %cond3A = arith.constant 0 : i32
    %cond3A_29 = arith.cmpi ne, %convert_element_type3A, %cond3A : i32
    scf.if %cond3A_29 {
      %dma_wait3A_130 = arith.constant 0 : i32
      %dma_wait3A_131 = arith.constant 0 : i32
      %dma_wait3A_132 = tpu.memref_slice %arg18[%dma_wait3A_130, %dma_wait3A_131] : memref<10240x32xf32, #tpu.memory_space<vmem_shared>> -> memref<128x32xf32, #tpu.memory_space<vmem_shared>>
      %dma_wait3A_133 = arith.constant 0 : i32
      %dma_wait3A_134 = arith.constant 0 : i32
      %dma_wait3A_135 = tpu.memref_slice %arg18[%dma_wait3A_133, %dma_wait3A_134] : memref<10240x32xf32, #tpu.memory_space<vmem_shared>> -> memref<128x32xf32, #tpu.memory_space<vmem_shared>>
      tpu.wait_dma2 semaphore(%arg27 : memref<!tpu.dma_semaphore, #tpu.memory_space<semaphore_mem>>) src(%arg8 : memref<128x32xf32, #tpu.memory_space<vmem>>) dst(%dma_wait3A_135 : memref<128x32xf32, #tpu.memory_space<vmem_shared>>)
      %dma_wait3A_136 = arith.constant 0 : i32
      %dma_wait3A_137 = arith.constant 0 : i32
      %dma_wait3A_138 = tpu.memref_slice %arg18[%dma_wait3A_136, %dma_wait3A_137] : memref<10240x32xf32, #tpu.memory_space<vmem_shared>> -> memref<128x32xf32, #tpu.memory_space<vmem_shared>>
      %dma_wait3A_139 = arith.constant 0 : i32
      %dma_wait3A_140 = arith.constant 0 : i32
      %dma_wait3A_141 = tpu.memref_slice %arg18[%dma_wait3A_139, %dma_wait3A_140] : memref<10240x32xf32, #tpu.memory_space<vmem_shared>> -> memref<128x32xf32, #tpu.memory_space<vmem_shared>>
      tpu.wait_dma2 semaphore(%arg28 : memref<!tpu.dma_semaphore, #tpu.memory_space<semaphore_mem>>) src(%arg9 : memref<128x32xf32, #tpu.memory_space<vmem>>) dst(%dma_wait3A_141 : memref<128x32xf32, #tpu.memory_space<vmem_shared>>)
      %dma_wait3A_142 = arith.constant 0 : i32
      %dma_wait3A_143 = arith.constant 0 : i32
      %dma_wait3A_144 = tpu.memref_slice %arg18[%dma_wait3A_142, %dma_wait3A_143] : memref<10240x32xf32, #tpu.memory_space<vmem_shared>> -> memref<128x32xf32, #tpu.memory_space<vmem_shared>>
      %dma_wait3A_145 = arith.constant 0 : i32
      %dma_wait3A_146 = arith.constant 0 : i32
      %dma_wait3A_147 = tpu.memref_slice %arg18[%dma_wait3A_145, %dma_wait3A_146] : memref<10240x32xf32, #tpu.memory_space<vmem_shared>> -> memref<128x32xf32, #tpu.memory_space<vmem_shared>>
      tpu.wait_dma2 semaphore(%arg29 : memref<!tpu.dma_semaphore, #tpu.memory_space<semaphore_mem>>) src(%arg10 : memref<128x32xf32, #tpu.memory_space<vmem>>) dst(%dma_wait3A_147 : memref<128x32xf32, #tpu.memory_space<vmem_shared>>)
      %dma_wait3A_148 = arith.constant 0 : i32
      %dma_wait3A_149 = arith.constant 0 : i32
      %dma_wait3A_150 = tpu.memref_slice %arg18[%dma_wait3A_148, %dma_wait3A_149] : memref<10240x32xf32, #tpu.memory_space<vmem_shared>> -> memref<128x32xf32, #tpu.memory_space<vmem_shared>>
      %dma_wait3A_151 = arith.constant 0 : i32
      %dma_wait3A_152 = arith.constant 0 : i32
      %dma_wait3A_153 = tpu.memref_slice %arg18[%dma_wait3A_151, %dma_wait3A_152] : memref<10240x32xf32, #tpu.memory_space<vmem_shared>> -> memref<128x32xf32, #tpu.memory_space<vmem_shared>>
      tpu.wait_dma2 semaphore(%arg30 : memref<!tpu.dma_semaphore, #tpu.memory_space<semaphore_mem>>) src(%arg11 : memref<128x32xf32, #tpu.memory_space<vmem>>) dst(%dma_wait3A_153 : memref<128x32xf32, #tpu.memory_space<vmem_shared>>)
      %dma_wait3A_154 = arith.constant 0 : i32
      %dma_wait3A_155 = arith.constant 0 : i32
      %dma_wait3A_156 = tpu.memref_slice %arg18[%dma_wait3A_154, %dma_wait3A_155] : memref<10240x32xf32, #tpu.memory_space<vmem_shared>> -> memref<128x32xf32, #tpu.memory_space<vmem_shared>>
      %dma_wait3A_157 = arith.constant 0 : i32
      %dma_wait3A_158 = arith.constant 0 : i32
      %dma_wait3A_159 = tpu.memref_slice %arg18[%dma_wait3A_157, %dma_wait3A_158] : memref<10240x32xf32, #tpu.memory_space<vmem_shared>> -> memref<128x32xf32, #tpu.memory_space<vmem_shared>>
      tpu.wait_dma2 semaphore(%arg31 : memref<!tpu.dma_semaphore, #tpu.memory_space<semaphore_mem>>) src(%arg12 : memref<128x32xf32, #tpu.memory_space<vmem>>) dst(%dma_wait3A_159 : memref<128x32xf32, #tpu.memory_space<vmem_shared>>)
      %dma_wait3A_160 = arith.constant 0 : i32
      %dma_wait3A_161 = arith.constant 0 : i32
      %dma_wait3A_162 = tpu.memref_slice %arg18[%dma_wait3A_160, %dma_wait3A_161] : memref<10240x32xf32, #tpu.memory_space<vmem_shared>> -> memref<128x32xf32, #tpu.memory_space<vmem_shared>>
      %dma_wait3A_163 = arith.constant 0 : i32
      %dma_wait3A_164 = arith.constant 0 : i32
      %dma_wait3A_165 = tpu.memref_slice %arg18[%dma_wait3A_163, %dma_wait3A_164] : memref<10240x32xf32, #tpu.memory_space<vmem_shared>> -> memref<128x32xf32, #tpu.memory_space<vmem_shared>>
      tpu.wait_dma2 semaphore(%arg32 : memref<!tpu.dma_semaphore, #tpu.memory_space<semaphore_mem>>) src(%arg13 : memref<128x32xf32, #tpu.memory_space<vmem>>) dst(%dma_wait3A_165 : memref<128x32xf32, #tpu.memory_space<vmem_shared>>)
      %dma_wait3A_166 = arith.constant 0 : i32
      %dma_wait3A_167 = arith.constant 0 : i32
      %dma_wait3A_168 = tpu.memref_slice %arg18[%dma_wait3A_166, %dma_wait3A_167] : memref<10240x32xf32, #tpu.memory_space<vmem_shared>> -> memref<128x32xf32, #tpu.memory_space<vmem_shared>>
      %dma_wait3A_169 = arith.constant 0 : i32
      %dma_wait3A_170 = arith.constant 0 : i32
      %dma_wait3A_171 = tpu.memref_slice %arg18[%dma_wait3A_169, %dma_wait3A_170] : memref<10240x32xf32, #tpu.memory_space<vmem_shared>> -> memref<128x32xf32, #tpu.memory_space<vmem_shared>>
      tpu.wait_dma2 semaphore(%arg33 : memref<!tpu.dma_semaphore, #tpu.memory_space<semaphore_mem>>) src(%arg14 : memref<128x32xf32, #tpu.memory_space<vmem>>) dst(%dma_wait3A_171 : memref<128x32xf32, #tpu.memory_space<vmem_shared>>)
      %dma_wait3A_172 = arith.constant 0 : i32
      %dma_wait3A_173 = arith.constant 0 : i32
      %dma_wait3A_174 = tpu.memref_slice %arg18[%dma_wait3A_172, %dma_wait3A_173] : memref<10240x32xf32, #tpu.memory_space<vmem_shared>> -> memref<128x32xf32, #tpu.memory_space<vmem_shared>>
      %dma_wait3A_175 = arith.constant 0 : i32
      %dma_wait3A_176 = arith.constant 0 : i32
      %dma_wait3A_177 = tpu.memref_slice %arg18[%dma_wait3A_175, %dma_wait3A_176] : memref<10240x32xf32, #tpu.memory_space<vmem_shared>> -> memref<128x32xf32, #tpu.memory_space<vmem_shared>>
      tpu.wait_dma2 semaphore(%arg34 : memref<!tpu.dma_semaphore, #tpu.memory_space<semaphore_mem>>) src(%arg15 : memref<128x32xf32, #tpu.memory_space<vmem>>) dst(%dma_wait3A_177 : memref<128x32xf32, #tpu.memory_space<vmem_shared>>)
      %mul3A_178 = arith.constant 160 : i32
      %mul3A_179 = arith.muli %arg1, %mul3A_178 : i32
      %mul3A_180 = arith.constant 160 : i32
      %mul3A_181 = arith.muli %add3A_27, %mul3A_180 : i32
      %add3A_182 = arith.addi %mul3A_179, %mul3A_181 : i32
      "tpu.region"() ({
        %run_scoped3A = tpu.sem_alloc : memref<!tpu.dma_semaphore, #tpu.memory_space<semaphore_mem>>
        %dma_start3A_183 = arith.constant 0 : i32
        %dma_start3A_184 = arith.constant 0 : i32
        %dma_start3A_185 = tpu.memref_slice %arg3[%add3A_182, %dma_start3A_183, %dma_start3A_184] : memref<2560x2x128xi32, #tpu.memory_space<hbm>> -> memref<160x2x128xi32, #tpu.memory_space<hbm>>
        %dma_start3A_186 = arith.constant 0 : i32
        %dma_start3A_187 = arith.constant 0 : i32
        %dma_start3A_188 = tpu.memref_slice %arg3[%add3A_182, %dma_start3A_186, %dma_start3A_187] : memref<2560x2x128xi32, #tpu.memory_space<hbm>> -> memref<160x2x128xi32, #tpu.memory_space<hbm>>
        tpu.enqueue_dma source(%dma_start3A_188 : memref<160x2x128xi32, #tpu.memory_space<hbm>>) target(%arg7 : memref<160x2x128xi32, #tpu.memory_space<vmem>>) target_semaphore(%run_scoped3A : memref<!tpu.dma_semaphore, #tpu.memory_space<semaphore_mem>>)
        %dma_wait3A_189 = arith.constant 0 : i32
        %dma_wait3A_190 = arith.constant 0 : i32
        %dma_wait3A_191 = tpu.memref_slice %arg3[%add3A_182, %dma_wait3A_189, %dma_wait3A_190] : memref<2560x2x128xi32, #tpu.memory_space<hbm>> -> memref<160x2x128xi32, #tpu.memory_space<hbm>>
        %dma_wait3A_192 = arith.constant 0 : i32
        %dma_wait3A_193 = arith.constant 0 : i32
        %dma_wait3A_194 = tpu.memref_slice %arg3[%add3A_182, %dma_wait3A_192, %dma_wait3A_193] : memref<2560x2x128xi32, #tpu.memory_space<hbm>> -> memref<160x2x128xi32, #tpu.memory_space<hbm>>
        tpu.wait_dma2 semaphore(%run_scoped3A : memref<!tpu.dma_semaphore, #tpu.memory_space<semaphore_mem>>) src(%dma_wait3A_194 : memref<160x2x128xi32, #tpu.memory_space<hbm>>) dst(%arg7 : memref<160x2x128xi32, #tpu.memory_space<vmem>>)
        tpu.yield
      }) : () -> ()
    } else {
    }
    %scan3A_30 = arith.constant 0 : i32
    %scan3A_31 = arith.constant 20 : i32
    %scan3A_32 = arith.addi %scan3A_30, %scan3A_31 : i32
    %scan3A_33 = arith.constant 1 : i32
    scf.for %scan3A_130 = %scan3A_30 to %scan3A_32 step %scan3A_33  : i32 {
      %mul3A_131 = arith.constant 1 : i32
      %mul3A_132 = arith.muli %scan3A_130, %mul3A_131 : i32
      %add3A_133 = arith.constant 0 : i32
      %add3A_134 = arith.addi %add3A_133, %mul3A_132 : i32
      %mul3A_135 = arith.constant 8 : i32
      %mul3A_136 = arith.muli %mul3A_135, %add3A_134 : i32
      %gt3A_137 = arith.constant 0 : i32
      %gt3A_138 = arith.cmpi sgt, %add3A_134, %gt3A_137 : i32
      %convert_element_type3A_139 = arith.extui %gt3A_138 : i1 to i32
      %cond3A_140 = arith.constant 0 : i32
      %cond3A_141 = arith.cmpi ne, %convert_element_type3A_139, %cond3A_140 : i32
      scf.if %cond3A_141 {
        %dma_wait3A_393 = arith.constant 0 : i32
        %dma_wait3A_394 = arith.constant 0 : i32
        %dma_wait3A_395 = tpu.memref_slice %arg18[%dma_wait3A_393, %dma_wait3A_394] : memref<10240x32xf32, #tpu.memory_space<vmem_shared>> -> memref<128x32xf32, #tpu.memory_space<vmem_shared>>
        %dma_wait3A_396 = arith.constant 0 : i32
        %dma_wait3A_397 = arith.constant 0 : i32
        %dma_wait3A_398 = tpu.memref_slice %arg18[%dma_wait3A_396, %dma_wait3A_397] : memref<10240x32xf32, #tpu.memory_space<vmem_shared>> -> memref<128x32xf32, #tpu.memory_space<vmem_shared>>
        tpu.wait_dma2 semaphore(%arg27 : memref<!tpu.dma_semaphore, #tpu.memory_space<semaphore_mem>>) src(%arg8 : memref<128x32xf32, #tpu.memory_space<vmem>>) dst(%dma_wait3A_398 : memref<128x32xf32, #tpu.memory_space<vmem_shared>>)
      } else {
      }
      %add3A_142 = arith.constant 0 : i32
      %add3A_143 = arith.addi %mul3A_136, %add3A_142 : i32
      %dma_start3A_144 = arith.constant 0 : i32
      %dma_start3A_145 = arith.constant 0 : i32
      %dma_start3A_146 = tpu.memref_slice %arg7[%add3A_143, %dma_start3A_144, %dma_start3A_145] : memref<160x2x128xi32, #tpu.memory_space<vmem>> -> memref<1x1x128xi32, #tpu.memory_space<vmem>>
      %dma_start3A_147 = tpu.memref_squeeze %dma_start3A_146 : memref<1x1x128xi32, #tpu.memory_space<vmem>> -> memref<128xi32, #tpu.memory_space<vmem>>
      %dma_start3A_148 = arith.constant 0 : i32
      %dma_start3A_149 = arith.constant 0 : i32
      %dma_start3A_150 = tpu.memref_slice %arg17[%dma_start3A_148, %dma_start3A_149] : memref<10240x32xf32, #tpu.memory_space<vmem_shared>> -> memref<10240x32xf32, #tpu.memory_space<vmem_shared>>
      tpu.enqueue_indirect_dma source(%dma_start3A_150 : memref<10240x32xf32, #tpu.memory_space<vmem_shared>>) target(%arg8 : memref<128x32xf32, #tpu.memory_space<vmem>>) offsets(%dma_start3A_147 : memref<128xi32, #tpu.memory_space<vmem>>) semaphore(%arg19 : memref<!tpu.dma_semaphore, #tpu.memory_space<semaphore_mem>>)
      %gt3A_151 = arith.constant 0 : i32
      %gt3A_152 = arith.cmpi sgt, %add3A_134, %gt3A_151 : i32
      %convert_element_type3A_153 = arith.extui %gt3A_152 : i1 to i32
      %cond3A_154 = arith.constant 0 : i32
      %cond3A_155 = arith.cmpi ne, %convert_element_type3A_153, %cond3A_154 : i32
      scf.if %cond3A_155 {
        %dma_wait3A_393 = arith.constant 0 : i32
        %dma_wait3A_394 = arith.constant 0 : i32
        %dma_wait3A_395 = tpu.memref_slice %arg18[%dma_wait3A_393, %dma_wait3A_394] : memref<10240x32xf32, #tpu.memory_space<vmem_shared>> -> memref<128x32xf32, #tpu.memory_space<vmem_shared>>
        %dma_wait3A_396 = arith.constant 0 : i32
        %dma_wait3A_397 = arith.constant 0 : i32
        %dma_wait3A_398 = tpu.memref_slice %arg18[%dma_wait3A_396, %dma_wait3A_397] : memref<10240x32xf32, #tpu.memory_space<vmem_shared>> -> memref<128x32xf32, #tpu.memory_space<vmem_shared>>
        tpu.wait_dma2 semaphore(%arg28 : memref<!tpu.dma_semaphore, #tpu.memory_space<semaphore_mem>>) src(%arg9 : memref<128x32xf32, #tpu.memory_space<vmem>>) dst(%dma_wait3A_398 : memref<128x32xf32, #tpu.memory_space<vmem_shared>>)
      } else {
      }
      %add3A_156 = arith.constant 1 : i32
      %add3A_157 = arith.addi %mul3A_136, %add3A_156 : i32
      %dma_start3A_158 = arith.constant 0 : i32
      %dma_start3A_159 = arith.constant 0 : i32
      %dma_start3A_160 = tpu.memref_slice %arg7[%add3A_157, %dma_start3A_158, %dma_start3A_159] : memref<160x2x128xi32, #tpu.memory_space<vmem>> -> memref<1x1x128xi32, #tpu.memory_space<vmem>>
      %dma_start3A_161 = tpu.memref_squeeze %dma_start3A_160 : memref<1x1x128xi32, #tpu.memory_space<vmem>> -> memref<128xi32, #tpu.memory_space<vmem>>
      %dma_start3A_162 = arith.constant 0 : i32
      %dma_start3A_163 = arith.constant 0 : i32
      %dma_start3A_164 = tpu.memref_slice %arg17[%dma_start3A_162, %dma_start3A_163] : memref<10240x32xf32, #tpu.memory_space<vmem_shared>> -> memref<10240x32xf32, #tpu.memory_space<vmem_shared>>
      tpu.enqueue_indirect_dma source(%dma_start3A_164 : memref<10240x32xf32, #tpu.memory_space<vmem_shared>>) target(%arg9 : memref<128x32xf32, #tpu.memory_space<vmem>>) offsets(%dma_start3A_161 : memref<128xi32, #tpu.memory_space<vmem>>) semaphore(%arg20 : memref<!tpu.dma_semaphore, #tpu.memory_space<semaphore_mem>>)
      %gt3A_165 = arith.constant 0 : i32
      %gt3A_166 = arith.cmpi sgt, %add3A_134, %gt3A_165 : i32
      %convert_element_type3A_167 = arith.extui %gt3A_166 : i1 to i32
      %cond3A_168 = arith.constant 0 : i32
      %cond3A_169 = arith.cmpi ne, %convert_element_type3A_167, %cond3A_168 : i32
      scf.if %cond3A_169 {
        %dma_wait3A_393 = arith.constant 0 : i32
        %dma_wait3A_394 = arith.constant 0 : i32
        %dma_wait3A_395 = tpu.memref_slice %arg18[%dma_wait3A_393, %dma_wait3A_394] : memref<10240x32xf32, #tpu.memory_space<vmem_shared>> -> memref<128x32xf32, #tpu.memory_space<vmem_shared>>
        %dma_wait3A_396 = arith.constant 0 : i32
        %dma_wait3A_397 = arith.constant 0 : i32
        %dma_wait3A_398 = tpu.memref_slice %arg18[%dma_wait3A_396, %dma_wait3A_397] : memref<10240x32xf32, #tpu.memory_space<vmem_shared>> -> memref<128x32xf32, #tpu.memory_space<vmem_shared>>
        tpu.wait_dma2 semaphore(%arg29 : memref<!tpu.dma_semaphore, #tpu.memory_space<semaphore_mem>>) src(%arg10 : memref<128x32xf32, #tpu.memory_space<vmem>>) dst(%dma_wait3A_398 : memref<128x32xf32, #tpu.memory_space<vmem_shared>>)
      } else {
      }
      %add3A_170 = arith.constant 2 : i32
      %add3A_171 = arith.addi %mul3A_136, %add3A_170 : i32
      %dma_start3A_172 = arith.constant 0 : i32
      %dma_start3A_173 = arith.constant 0 : i32
      %dma_start3A_174 = tpu.memref_slice %arg7[%add3A_171, %dma_start3A_172, %dma_start3A_173] : memref<160x2x128xi32, #tpu.memory_space<vmem>> -> memref<1x1x128xi32, #tpu.memory_space<vmem>>
      %dma_start3A_175 = tpu.memref_squeeze %dma_start3A_174 : memref<1x1x128xi32, #tpu.memory_space<vmem>> -> memref<128xi32, #tpu.memory_space<vmem>>
      %dma_start3A_176 = arith.constant 0 : i32
      %dma_start3A_177 = arith.constant 0 : i32
      %dma_start3A_178 = tpu.memref_slice %arg17[%dma_start3A_176, %dma_start3A_177] : memref<10240x32xf32, #tpu.memory_space<vmem_shared>> -> memref<10240x32xf32, #tpu.memory_space<vmem_shared>>
      tpu.enqueue_indirect_dma source(%dma_start3A_178 : memref<10240x32xf32, #tpu.memory_space<vmem_shared>>) target(%arg10 : memref<128x32xf32, #tpu.memory_space<vmem>>) offsets(%dma_start3A_175 : memref<128xi32, #tpu.memory_space<vmem>>) semaphore(%arg21 : memref<!tpu.dma_semaphore, #tpu.memory_space<semaphore_mem>>)
      %gt3A_179 = arith.constant 0 : i32
      %gt3A_180 = arith.cmpi sgt, %add3A_134, %gt3A_179 : i32
      %convert_element_type3A_181 = arith.extui %gt3A_180 : i1 to i32
      %cond3A_182 = arith.constant 0 : i32
      %cond3A_183 = arith.cmpi ne, %convert_element_type3A_181, %cond3A_182 : i32
      scf.if %cond3A_183 {
        %dma_wait3A_393 = arith.constant 0 : i32
        %dma_wait3A_394 = arith.constant 0 : i32
        %dma_wait3A_395 = tpu.memref_slice %arg18[%dma_wait3A_393, %dma_wait3A_394] : memref<10240x32xf32, #tpu.memory_space<vmem_shared>> -> memref<128x32xf32, #tpu.memory_space<vmem_shared>>
        %dma_wait3A_396 = arith.constant 0 : i32
        %dma_wait3A_397 = arith.constant 0 : i32
        %dma_wait3A_398 = tpu.memref_slice %arg18[%dma_wait3A_396, %dma_wait3A_397] : memref<10240x32xf32, #tpu.memory_space<vmem_shared>> -> memref<128x32xf32, #tpu.memory_space<vmem_shared>>
        tpu.wait_dma2 semaphore(%arg30 : memref<!tpu.dma_semaphore, #tpu.memory_space<semaphore_mem>>) src(%arg11 : memref<128x32xf32, #tpu.memory_space<vmem>>) dst(%dma_wait3A_398 : memref<128x32xf32, #tpu.memory_space<vmem_shared>>)
      } else {
      }
      %add3A_184 = arith.constant 3 : i32
      %add3A_185 = arith.addi %mul3A_136, %add3A_184 : i32
      %dma_start3A_186 = arith.constant 0 : i32
      %dma_start3A_187 = arith.constant 0 : i32
      %dma_start3A_188 = tpu.memref_slice %arg7[%add3A_185, %dma_start3A_186, %dma_start3A_187] : memref<160x2x128xi32, #tpu.memory_space<vmem>> -> memref<1x1x128xi32, #tpu.memory_space<vmem>>
      %dma_start3A_189 = tpu.memref_squeeze %dma_start3A_188 : memref<1x1x128xi32, #tpu.memory_space<vmem>> -> memref<128xi32, #tpu.memory_space<vmem>>
      %dma_start3A_190 = arith.constant 0 : i32
      %dma_start3A_191 = arith.constant 0 : i32
      %dma_start3A_192 = tpu.memref_slice %arg17[%dma_start3A_190, %dma_start3A_191] : memref<10240x32xf32, #tpu.memory_space<vmem_shared>> -> memref<10240x32xf32, #tpu.memory_space<vmem_shared>>
      tpu.enqueue_indirect_dma source(%dma_start3A_192 : memref<10240x32xf32, #tpu.memory_space<vmem_shared>>) target(%arg11 : memref<128x32xf32, #tpu.memory_space<vmem>>) offsets(%dma_start3A_189 : memref<128xi32, #tpu.memory_space<vmem>>) semaphore(%arg22 : memref<!tpu.dma_semaphore, #tpu.memory_space<semaphore_mem>>)
      %gt3A_193 = arith.constant 0 : i32
      %gt3A_194 = arith.cmpi sgt, %add3A_134, %gt3A_193 : i32
      %convert_element_type3A_195 = arith.extui %gt3A_194 : i1 to i32
      %cond3A_196 = arith.constant 0 : i32
      %cond3A_197 = arith.cmpi ne, %convert_element_type3A_195, %cond3A_196 : i32
      scf.if %cond3A_197 {
        %dma_wait3A_393 = arith.constant 0 : i32
        %dma_wait3A_394 = arith.constant 0 : i32
        %dma_wait3A_395 = tpu.memref_slice %arg18[%dma_wait3A_393, %dma_wait3A_394] : memref<10240x32xf32, #tpu.memory_space<vmem_shared>> -> memref<128x32xf32, #tpu.memory_space<vmem_shared>>
        %dma_wait3A_396 = arith.constant 0 : i32
        %dma_wait3A_397 = arith.constant 0 : i32
        %dma_wait3A_398 = tpu.memref_slice %arg18[%dma_wait3A_396, %dma_wait3A_397] : memref<10240x32xf32, #tpu.memory_space<vmem_shared>> -> memref<128x32xf32, #tpu.memory_space<vmem_shared>>
        tpu.wait_dma2 semaphore(%arg31 : memref<!tpu.dma_semaphore, #tpu.memory_space<semaphore_mem>>) src(%arg12 : memref<128x32xf32, #tpu.memory_space<vmem>>) dst(%dma_wait3A_398 : memref<128x32xf32, #tpu.memory_space<vmem_shared>>)
      } else {
      }
      %add3A_198 = arith.constant 4 : i32
      %add3A_199 = arith.addi %mul3A_136, %add3A_198 : i32
      %dma_start3A_200 = arith.constant 0 : i32
      %dma_start3A_201 = arith.constant 0 : i32
      %dma_start3A_202 = tpu.memref_slice %arg7[%add3A_199, %dma_start3A_200, %dma_start3A_201] : memref<160x2x128xi32, #tpu.memory_space<vmem>> -> memref<1x1x128xi32, #tpu.memory_space<vmem>>
      %dma_start3A_203 = tpu.memref_squeeze %dma_start3A_202 : memref<1x1x128xi32, #tpu.memory_space<vmem>> -> memref<128xi32, #tpu.memory_space<vmem>>
      %dma_start3A_204 = arith.constant 0 : i32
      %dma_start3A_205 = arith.constant 0 : i32
      %dma_start3A_206 = tpu.memref_slice %arg17[%dma_start3A_204, %dma_start3A_205] : memref<10240x32xf32, #tpu.memory_space<vmem_shared>> -> memref<10240x32xf32, #tpu.memory_space<vmem_shared>>
      tpu.enqueue_indirect_dma source(%dma_start3A_206 : memref<10240x32xf32, #tpu.memory_space<vmem_shared>>) target(%arg12 : memref<128x32xf32, #tpu.memory_space<vmem>>) offsets(%dma_start3A_203 : memref<128xi32, #tpu.memory_space<vmem>>) semaphore(%arg23 : memref<!tpu.dma_semaphore, #tpu.memory_space<semaphore_mem>>)
      %gt3A_207 = arith.constant 0 : i32
      %gt3A_208 = arith.cmpi sgt, %add3A_134, %gt3A_207 : i32
      %convert_element_type3A_209 = arith.extui %gt3A_208 : i1 to i32
      %cond3A_210 = arith.constant 0 : i32
      %cond3A_211 = arith.cmpi ne, %convert_element_type3A_209, %cond3A_210 : i32
      scf.if %cond3A_211 {
        %dma_wait3A_393 = arith.constant 0 : i32
        %dma_wait3A_394 = arith.constant 0 : i32
        %dma_wait3A_395 = tpu.memref_slice %arg18[%dma_wait3A_393, %dma_wait3A_394] : memref<10240x32xf32, #tpu.memory_space<vmem_shared>> -> memref<128x32xf32, #tpu.memory_space<vmem_shared>>
        %dma_wait3A_396 = arith.constant 0 : i32
        %dma_wait3A_397 = arith.constant 0 : i32
        %dma_wait3A_398 = tpu.memref_slice %arg18[%dma_wait3A_396, %dma_wait3A_397] : memref<10240x32xf32, #tpu.memory_space<vmem_shared>> -> memref<128x32xf32, #tpu.memory_space<vmem_shared>>
        tpu.wait_dma2 semaphore(%arg32 : memref<!tpu.dma_semaphore, #tpu.memory_space<semaphore_mem>>) src(%arg13 : memref<128x32xf32, #tpu.memory_space<vmem>>) dst(%dma_wait3A_398 : memref<128x32xf32, #tpu.memory_space<vmem_shared>>)
      } else {
      }
      %add3A_212 = arith.constant 5 : i32
      %add3A_213 = arith.addi %mul3A_136, %add3A_212 : i32
      %dma_start3A_214 = arith.constant 0 : i32
      %dma_start3A_215 = arith.constant 0 : i32
      %dma_start3A_216 = tpu.memref_slice %arg7[%add3A_213, %dma_start3A_214, %dma_start3A_215] : memref<160x2x128xi32, #tpu.memory_space<vmem>> -> memref<1x1x128xi32, #tpu.memory_space<vmem>>
      %dma_start3A_217 = tpu.memref_squeeze %dma_start3A_216 : memref<1x1x128xi32, #tpu.memory_space<vmem>> -> memref<128xi32, #tpu.memory_space<vmem>>
      %dma_start3A_218 = arith.constant 0 : i32
      %dma_start3A_219 = arith.constant 0 : i32
      %dma_start3A_220 = tpu.memref_slice %arg17[%dma_start3A_218, %dma_start3A_219] : memref<10240x32xf32, #tpu.memory_space<vmem_shared>> -> memref<10240x32xf32, #tpu.memory_space<vmem_shared>>
      tpu.enqueue_indirect_dma source(%dma_start3A_220 : memref<10240x32xf32, #tpu.memory_space<vmem_shared>>) target(%arg13 : memref<128x32xf32, #tpu.memory_space<vmem>>) offsets(%dma_start3A_217 : memref<128xi32, #tpu.memory_space<vmem>>) semaphore(%arg24 : memref<!tpu.dma_semaphore, #tpu.memory_space<semaphore_mem>>)
      %gt3A_221 = arith.constant 0 : i32
      %gt3A_222 = arith.cmpi sgt, %add3A_134, %gt3A_221 : i32
      %convert_element_type3A_223 = arith.extui %gt3A_222 : i1 to i32
      %cond3A_224 = arith.constant 0 : i32
      %cond3A_225 = arith.cmpi ne, %convert_element_type3A_223, %cond3A_224 : i32
      scf.if %cond3A_225 {
        %dma_wait3A_393 = arith.constant 0 : i32
        %dma_wait3A_394 = arith.constant 0 : i32
        %dma_wait3A_395 = tpu.memref_slice %arg18[%dma_wait3A_393, %dma_wait3A_394] : memref<10240x32xf32, #tpu.memory_space<vmem_shared>> -> memref<128x32xf32, #tpu.memory_space<vmem_shared>>
        %dma_wait3A_396 = arith.constant 0 : i32
        %dma_wait3A_397 = arith.constant 0 : i32
        %dma_wait3A_398 = tpu.memref_slice %arg18[%dma_wait3A_396, %dma_wait3A_397] : memref<10240x32xf32, #tpu.memory_space<vmem_shared>> -> memref<128x32xf32, #tpu.memory_space<vmem_shared>>
        tpu.wait_dma2 semaphore(%arg33 : memref<!tpu.dma_semaphore, #tpu.memory_space<semaphore_mem>>) src(%arg14 : memref<128x32xf32, #tpu.memory_space<vmem>>) dst(%dma_wait3A_398 : memref<128x32xf32, #tpu.memory_space<vmem_shared>>)
      } else {
      }
      %add3A_226 = arith.constant 6 : i32
      %add3A_227 = arith.addi %mul3A_136, %add3A_226 : i32
      %dma_start3A_228 = arith.constant 0 : i32
      %dma_start3A_229 = arith.constant 0 : i32
      %dma_start3A_230 = tpu.memref_slice %arg7[%add3A_227, %dma_start3A_228, %dma_start3A_229] : memref<160x2x128xi32, #tpu.memory_space<vmem>> -> memref<1x1x128xi32, #tpu.memory_space<vmem>>
      %dma_start3A_231 = tpu.memref_squeeze %dma_start3A_230 : memref<1x1x128xi32, #tpu.memory_space<vmem>> -> memref<128xi32, #tpu.memory_space<vmem>>
      %dma_start3A_232 = arith.constant 0 : i32
      %dma_start3A_233 = arith.constant 0 : i32
      %dma_start3A_234 = tpu.memref_slice %arg17[%dma_start3A_232, %dma_start3A_233] : memref<10240x32xf32, #tpu.memory_space<vmem_shared>> -> memref<10240x32xf32, #tpu.memory_space<vmem_shared>>
      tpu.enqueue_indirect_dma source(%dma_start3A_234 : memref<10240x32xf32, #tpu.memory_space<vmem_shared>>) target(%arg14 : memref<128x32xf32, #tpu.memory_space<vmem>>) offsets(%dma_start3A_231 : memref<128xi32, #tpu.memory_space<vmem>>) semaphore(%arg25 : memref<!tpu.dma_semaphore, #tpu.memory_space<semaphore_mem>>)
      %gt3A_235 = arith.constant 0 : i32
      %gt3A_236 = arith.cmpi sgt, %add3A_134, %gt3A_235 : i32
      %convert_element_type3A_237 = arith.extui %gt3A_236 : i1 to i32
      %cond3A_238 = arith.constant 0 : i32
      %cond3A_239 = arith.cmpi ne, %convert_element_type3A_237, %cond3A_238 : i32
      scf.if %cond3A_239 {
        %dma_wait3A_393 = arith.constant 0 : i32
        %dma_wait3A_394 = arith.constant 0 : i32
        %dma_wait3A_395 = tpu.memref_slice %arg18[%dma_wait3A_393, %dma_wait3A_394] : memref<10240x32xf32, #tpu.memory_space<vmem_shared>> -> memref<128x32xf32, #tpu.memory_space<vmem_shared>>
        %dma_wait3A_396 = arith.constant 0 : i32
        %dma_wait3A_397 = arith.constant 0 : i32
        %dma_wait3A_398 = tpu.memref_slice %arg18[%dma_wait3A_396, %dma_wait3A_397] : memref<10240x32xf32, #tpu.memory_space<vmem_shared>> -> memref<128x32xf32, #tpu.memory_space<vmem_shared>>
        tpu.wait_dma2 semaphore(%arg34 : memref<!tpu.dma_semaphore, #tpu.memory_space<semaphore_mem>>) src(%arg15 : memref<128x32xf32, #tpu.memory_space<vmem>>) dst(%dma_wait3A_398 : memref<128x32xf32, #tpu.memory_space<vmem_shared>>)
      } else {
      }
      %add3A_240 = arith.constant 7 : i32
      %add3A_241 = arith.addi %mul3A_136, %add3A_240 : i32
      %dma_start3A_242 = arith.constant 0 : i32
      %dma_start3A_243 = arith.constant 0 : i32
      %dma_start3A_244 = tpu.memref_slice %arg7[%add3A_241, %dma_start3A_242, %dma_start3A_243] : memref<160x2x128xi32, #tpu.memory_space<vmem>> -> memref<1x1x128xi32, #tpu.memory_space<vmem>>
      %dma_start3A_245 = tpu.memref_squeeze %dma_start3A_244 : memref<1x1x128xi32, #tpu.memory_space<vmem>> -> memref<128xi32, #tpu.memory_space<vmem>>
      %dma_start3A_246 = arith.constant 0 : i32
      %dma_start3A_247 = arith.constant 0 : i32
      %dma_start3A_248 = tpu.memref_slice %arg17[%dma_start3A_246, %dma_start3A_247] : memref<10240x32xf32, #tpu.memory_space<vmem_shared>> -> memref<10240x32xf32, #tpu.memory_space<vmem_shared>>
      tpu.enqueue_indirect_dma source(%dma_start3A_248 : memref<10240x32xf32, #tpu.memory_space<vmem_shared>>) target(%arg15 : memref<128x32xf32, #tpu.memory_space<vmem>>) offsets(%dma_start3A_245 : memref<128xi32, #tpu.memory_space<vmem>>) semaphore(%arg26 : memref<!tpu.dma_semaphore, #tpu.memory_space<semaphore_mem>>)
      %dma_wait3A_249 = arith.constant 0 : i32
      %dma_wait3A_250 = arith.constant 0 : i32
      %dma_wait3A_251 = arith.constant 0 : i32
      %dma_wait3A_252 = tpu.memref_slice %arg2[%dma_wait3A_249, %dma_wait3A_250, %dma_wait3A_251] : memref<2x10240x32xf32, #tpu.memory_space<hbm>> -> memref<1x128x32xf32, #tpu.memory_space<hbm>>
      %dma_wait3A_253 = tpu.memref_squeeze %dma_wait3A_252 : memref<1x128x32xf32, #tpu.memory_space<hbm>> -> memref<128x32xf32, #tpu.memory_space<hbm>>
      %dma_wait3A_254 = arith.constant 0 : i32
      %dma_wait3A_255 = arith.constant 0 : i32
      %dma_wait3A_256 = tpu.memref_slice %arg2[%dma_wait3A_249, %dma_wait3A_254, %dma_wait3A_255] : memref<2x10240x32xf32, #tpu.memory_space<hbm>> -> memref<1x128x32xf32, #tpu.memory_space<hbm>>
      %dma_wait3A_257 = tpu.memref_squeeze %dma_wait3A_256 : memref<1x128x32xf32, #tpu.memory_space<hbm>> -> memref<128x32xf32, #tpu.memory_space<hbm>>
      tpu.wait_dma2 semaphore(%arg19 : memref<!tpu.dma_semaphore, #tpu.memory_space<semaphore_mem>>) src(%dma_wait3A_257 : memref<128x32xf32, #tpu.memory_space<hbm>>) dst(%arg8 : memref<128x32xf32, #tpu.memory_space<vmem>>)
      %add3A_258 = arith.constant 0 : i32
      %add3A_259 = arith.addi %mul3A_136, %add3A_258 : i32
      %dma_start3A_260 = arith.constant 1 : i32
      %dma_start3A_261 = arith.constant 0 : i32
      %dma_start3A_262 = tpu.memref_slice %arg7[%add3A_259, %dma_start3A_260, %dma_start3A_261] : memref<160x2x128xi32, #tpu.memory_space<vmem>> -> memref<1x1x128xi32, #tpu.memory_space<vmem>>
      %dma_start3A_263 = tpu.memref_squeeze %dma_start3A_262 : memref<1x1x128xi32, #tpu.memory_space<vmem>> -> memref<128xi32, #tpu.memory_space<vmem>>
      %dma_start3A_264 = arith.constant 0 : i32
      %dma_start3A_265 = arith.constant 0 : i32
      %dma_start3A_266 = tpu.memref_slice %arg18[%dma_start3A_264, %dma_start3A_265] : memref<10240x32xf32, #tpu.memory_space<vmem_shared>> -> memref<10240x32xf32, #tpu.memory_space<vmem_shared>>
      tpu.enqueue_indirect_dma source(%arg8 : memref<128x32xf32, #tpu.memory_space<vmem>>) target(%dma_start3A_266 : memref<10240x32xf32, #tpu.memory_space<vmem_shared>>) offsets(%dma_start3A_263 : memref<128xi32, #tpu.memory_space<vmem>>) semaphore(%arg27 : memref<!tpu.dma_semaphore, #tpu.memory_space<semaphore_mem>>) {add = true}
      %dma_wait3A_267 = arith.constant 0 : i32
      %dma_wait3A_268 = arith.constant 0 : i32
      %dma_wait3A_269 = arith.constant 0 : i32
      %dma_wait3A_270 = tpu.memref_slice %arg2[%dma_wait3A_267, %dma_wait3A_268, %dma_wait3A_269] : memref<2x10240x32xf32, #tpu.memory_space<hbm>> -> memref<1x128x32xf32, #tpu.memory_space<hbm>>
      %dma_wait3A_271 = tpu.memref_squeeze %dma_wait3A_270 : memref<1x128x32xf32, #tpu.memory_space<hbm>> -> memref<128x32xf32, #tpu.memory_space<hbm>>
      %dma_wait3A_272 = arith.constant 0 : i32
      %dma_wait3A_273 = arith.constant 0 : i32
      %dma_wait3A_274 = tpu.memref_slice %arg2[%dma_wait3A_267, %dma_wait3A_272, %dma_wait3A_273] : memref<2x10240x32xf32, #tpu.memory_space<hbm>> -> memref<1x128x32xf32, #tpu.memory_space<hbm>>
      %dma_wait3A_275 = tpu.memref_squeeze %dma_wait3A_274 : memref<1x128x32xf32, #tpu.memory_space<hbm>> -> memref<128x32xf32, #tpu.memory_space<hbm>>
      tpu.wait_dma2 semaphore(%arg20 : memref<!tpu.dma_semaphore, #tpu.memory_space<semaphore_mem>>) src(%dma_wait3A_275 : memref<128x32xf32, #tpu.memory_space<hbm>>) dst(%arg9 : memref<128x32xf32, #tpu.memory_space<vmem>>)
      %add3A_276 = arith.constant 1 : i32
      %add3A_277 = arith.addi %mul3A_136, %add3A_276 : i32
      %dma_start3A_278 = arith.constant 1 : i32
      %dma_start3A_279 = arith.constant 0 : i32
      %dma_start3A_280 = tpu.memref_slice %arg7[%add3A_277, %dma_start3A_278, %dma_start3A_279] : memref<160x2x128xi32, #tpu.memory_space<vmem>> -> memref<1x1x128xi32, #tpu.memory_space<vmem>>
      %dma_start3A_281 = tpu.memref_squeeze %dma_start3A_280 : memref<1x1x128xi32, #tpu.memory_space<vmem>> -> memref<128xi32, #tpu.memory_space<vmem>>
      %dma_start3A_282 = arith.constant 0 : i32
      %dma_start3A_283 = arith.constant 0 : i32
      %dma_start3A_284 = tpu.memref_slice %arg18[%dma_start3A_282, %dma_start3A_283] : memref<10240x32xf32, #tpu.memory_space<vmem_shared>> -> memref<10240x32xf32, #tpu.memory_space<vmem_shared>>
      tpu.enqueue_indirect_dma source(%arg9 : memref<128x32xf32, #tpu.memory_space<vmem>>) target(%dma_start3A_284 : memref<10240x32xf32, #tpu.memory_space<vmem_shared>>) offsets(%dma_start3A_281 : memref<128xi32, #tpu.memory_space<vmem>>) semaphore(%arg28 : memref<!tpu.dma_semaphore, #tpu.memory_space<semaphore_mem>>) {add = true}
      %dma_wait3A_285 = arith.constant 0 : i32
      %dma_wait3A_286 = arith.constant 0 : i32
      %dma_wait3A_287 = arith.constant 0 : i32
      %dma_wait3A_288 = tpu.memref_slice %arg2[%dma_wait3A_285, %dma_wait3A_286, %dma_wait3A_287] : memref<2x10240x32xf32, #tpu.memory_space<hbm>> -> memref<1x128x32xf32, #tpu.memory_space<hbm>>
      %dma_wait3A_289 = tpu.memref_squeeze %dma_wait3A_288 : memref<1x128x32xf32, #tpu.memory_space<hbm>> -> memref<128x32xf32, #tpu.memory_space<hbm>>
      %dma_wait3A_290 = arith.constant 0 : i32
      %dma_wait3A_291 = arith.constant 0 : i32
      %dma_wait3A_292 = tpu.memref_slice %arg2[%dma_wait3A_285, %dma_wait3A_290, %dma_wait3A_291] : memref<2x10240x32xf32, #tpu.memory_space<hbm>> -> memref<1x128x32xf32, #tpu.memory_space<hbm>>
      %dma_wait3A_293 = tpu.memref_squeeze %dma_wait3A_292 : memref<1x128x32xf32, #tpu.memory_space<hbm>> -> memref<128x32xf32, #tpu.memory_space<hbm>>
      tpu.wait_dma2 semaphore(%arg21 : memref<!tpu.dma_semaphore, #tpu.memory_space<semaphore_mem>>) src(%dma_wait3A_293 : memref<128x32xf32, #tpu.memory_space<hbm>>) dst(%arg10 : memref<128x32xf32, #tpu.memory_space<vmem>>)
      %add3A_294 = arith.constant 2 : i32
      %add3A_295 = arith.addi %mul3A_136, %add3A_294 : i32
      %dma_start3A_296 = arith.constant 1 : i32
      %dma_start3A_297 = arith.constant 0 : i32
      %dma_start3A_298 = tpu.memref_slice %arg7[%add3A_295, %dma_start3A_296, %dma_start3A_297] : memref<160x2x128xi32, #tpu.memory_space<vmem>> -> memref<1x1x128xi32, #tpu.memory_space<vmem>>
      %dma_start3A_299 = tpu.memref_squeeze %dma_start3A_298 : memref<1x1x128xi32, #tpu.memory_space<vmem>> -> memref<128xi32, #tpu.memory_space<vmem>>
      %dma_start3A_300 = arith.constant 0 : i32
      %dma_start3A_301 = arith.constant 0 : i32
      %dma_start3A_302 = tpu.memref_slice %arg18[%dma_start3A_300, %dma_start3A_301] : memref<10240x32xf32, #tpu.memory_space<vmem_shared>> -> memref<10240x32xf32, #tpu.memory_space<vmem_shared>>
      tpu.enqueue_indirect_dma source(%arg10 : memref<128x32xf32, #tpu.memory_space<vmem>>) target(%dma_start3A_302 : memref<10240x32xf32, #tpu.memory_space<vmem_shared>>) offsets(%dma_start3A_299 : memref<128xi32, #tpu.memory_space<vmem>>) semaphore(%arg29 : memref<!tpu.dma_semaphore, #tpu.memory_space<semaphore_mem>>) {add = true}
      %dma_wait3A_303 = arith.constant 0 : i32
      %dma_wait3A_304 = arith.constant 0 : i32
      %dma_wait3A_305 = arith.constant 0 : i32
      %dma_wait3A_306 = tpu.memref_slice %arg2[%dma_wait3A_303, %dma_wait3A_304, %dma_wait3A_305] : memref<2x10240x32xf32, #tpu.memory_space<hbm>> -> memref<1x128x32xf32, #tpu.memory_space<hbm>>
      %dma_wait3A_307 = tpu.memref_squeeze %dma_wait3A_306 : memref<1x128x32xf32, #tpu.memory_space<hbm>> -> memref<128x32xf32, #tpu.memory_space<hbm>>
      %dma_wait3A_308 = arith.constant 0 : i32
      %dma_wait3A_309 = arith.constant 0 : i32
      %dma_wait3A_310 = tpu.memref_slice %arg2[%dma_wait3A_303, %dma_wait3A_308, %dma_wait3A_309] : memref<2x10240x32xf32, #tpu.memory_space<hbm>> -> memref<1x128x32xf32, #tpu.memory_space<hbm>>
      %dma_wait3A_311 = tpu.memref_squeeze %dma_wait3A_310 : memref<1x128x32xf32, #tpu.memory_space<hbm>> -> memref<128x32xf32, #tpu.memory_space<hbm>>
      tpu.wait_dma2 semaphore(%arg22 : memref<!tpu.dma_semaphore, #tpu.memory_space<semaphore_mem>>) src(%dma_wait3A_311 : memref<128x32xf32, #tpu.memory_space<hbm>>) dst(%arg11 : memref<128x32xf32, #tpu.memory_space<vmem>>)
      %add3A_312 = arith.constant 3 : i32
      %add3A_313 = arith.addi %mul3A_136, %add3A_312 : i32
      %dma_start3A_314 = arith.constant 1 : i32
      %dma_start3A_315 = arith.constant 0 : i32
      %dma_start3A_316 = tpu.memref_slice %arg7[%add3A_313, %dma_start3A_314, %dma_start3A_315] : memref<160x2x128xi32, #tpu.memory_space<vmem>> -> memref<1x1x128xi32, #tpu.memory_space<vmem>>
      %dma_start3A_317 = tpu.memref_squeeze %dma_start3A_316 : memref<1x1x128xi32, #tpu.memory_space<vmem>> -> memref<128xi32, #tpu.memory_space<vmem>>
      %dma_start3A_318 = arith.constant 0 : i32
      %dma_start3A_319 = arith.constant 0 : i32
      %dma_start3A_320 = tpu.memref_slice %arg18[%dma_start3A_318, %dma_start3A_319] : memref<10240x32xf32, #tpu.memory_space<vmem_shared>> -> memref<10240x32xf32, #tpu.memory_space<vmem_shared>>
      tpu.enqueue_indirect_dma source(%arg11 : memref<128x32xf32, #tpu.memory_space<vmem>>) target(%dma_start3A_320 : memref<10240x32xf32, #tpu.memory_space<vmem_shared>>) offsets(%dma_start3A_317 : memref<128xi32, #tpu.memory_space<vmem>>) semaphore(%arg30 : memref<!tpu.dma_semaphore, #tpu.memory_space<semaphore_mem>>) {add = true}
      %dma_wait3A_321 = arith.constant 0 : i32
      %dma_wait3A_322 = arith.constant 0 : i32
      %dma_wait3A_323 = arith.constant 0 : i32
      %dma_wait3A_324 = tpu.memref_slice %arg2[%dma_wait3A_321, %dma_wait3A_322, %dma_wait3A_323] : memref<2x10240x32xf32, #tpu.memory_space<hbm>> -> memref<1x128x32xf32, #tpu.memory_space<hbm>>
      %dma_wait3A_325 = tpu.memref_squeeze %dma_wait3A_324 : memref<1x128x32xf32, #tpu.memory_space<hbm>> -> memref<128x32xf32, #tpu.memory_space<hbm>>
      %dma_wait3A_326 = arith.constant 0 : i32
      %dma_wait3A_327 = arith.constant 0 : i32
      %dma_wait3A_328 = tpu.memref_slice %arg2[%dma_wait3A_321, %dma_wait3A_326, %dma_wait3A_327] : memref<2x10240x32xf32, #tpu.memory_space<hbm>> -> memref<1x128x32xf32, #tpu.memory_space<hbm>>
      %dma_wait3A_329 = tpu.memref_squeeze %dma_wait3A_328 : memref<1x128x32xf32, #tpu.memory_space<hbm>> -> memref<128x32xf32, #tpu.memory_space<hbm>>
      tpu.wait_dma2 semaphore(%arg23 : memref<!tpu.dma_semaphore, #tpu.memory_space<semaphore_mem>>) src(%dma_wait3A_329 : memref<128x32xf32, #tpu.memory_space<hbm>>) dst(%arg12 : memref<128x32xf32, #tpu.memory_space<vmem>>)
      %add3A_330 = arith.constant 4 : i32
      %add3A_331 = arith.addi %mul3A_136, %add3A_330 : i32
      %dma_start3A_332 = arith.constant 1 : i32
      %dma_start3A_333 = arith.constant 0 : i32
      %dma_start3A_334 = tpu.memref_slice %arg7[%add3A_331, %dma_start3A_332, %dma_start3A_333] : memref<160x2x128xi32, #tpu.memory_space<vmem>> -> memref<1x1x128xi32, #tpu.memory_space<vmem>>
      %dma_start3A_335 = tpu.memref_squeeze %dma_start3A_334 : memref<1x1x128xi32, #tpu.memory_space<vmem>> -> memref<128xi32, #tpu.memory_space<vmem>>
      %dma_start3A_336 = arith.constant 0 : i32
      %dma_start3A_337 = arith.constant 0 : i32
      %dma_start3A_338 = tpu.memref_slice %arg18[%dma_start3A_336, %dma_start3A_337] : memref<10240x32xf32, #tpu.memory_space<vmem_shared>> -> memref<10240x32xf32, #tpu.memory_space<vmem_shared>>
      tpu.enqueue_indirect_dma source(%arg12 : memref<128x32xf32, #tpu.memory_space<vmem>>) target(%dma_start3A_338 : memref<10240x32xf32, #tpu.memory_space<vmem_shared>>) offsets(%dma_start3A_335 : memref<128xi32, #tpu.memory_space<vmem>>) semaphore(%arg31 : memref<!tpu.dma_semaphore, #tpu.memory_space<semaphore_mem>>) {add = true}
      %dma_wait3A_339 = arith.constant 0 : i32
      %dma_wait3A_340 = arith.constant 0 : i32
      %dma_wait3A_341 = arith.constant 0 : i32
      %dma_wait3A_342 = tpu.memref_slice %arg2[%dma_wait3A_339, %dma_wait3A_340, %dma_wait3A_341] : memref<2x10240x32xf32, #tpu.memory_space<hbm>> -> memref<1x128x32xf32, #tpu.memory_space<hbm>>
      %dma_wait3A_343 = tpu.memref_squeeze %dma_wait3A_342 : memref<1x128x32xf32, #tpu.memory_space<hbm>> -> memref<128x32xf32, #tpu.memory_space<hbm>>
      %dma_wait3A_344 = arith.constant 0 : i32
      %dma_wait3A_345 = arith.constant 0 : i32
      %dma_wait3A_346 = tpu.memref_slice %arg2[%dma_wait3A_339, %dma_wait3A_344, %dma_wait3A_345] : memref<2x10240x32xf32, #tpu.memory_space<hbm>> -> memref<1x128x32xf32, #tpu.memory_space<hbm>>
      %dma_wait3A_347 = tpu.memref_squeeze %dma_wait3A_346 : memref<1x128x32xf32, #tpu.memory_space<hbm>> -> memref<128x32xf32, #tpu.memory_space<hbm>>
      tpu.wait_dma2 semaphore(%arg24 : memref<!tpu.dma_semaphore, #tpu.memory_space<semaphore_mem>>) src(%dma_wait3A_347 : memref<128x32xf32, #tpu.memory_space<hbm>>) dst(%arg13 : memref<128x32xf32, #tpu.memory_space<vmem>>)
      %add3A_348 = arith.constant 5 : i32
      %add3A_349 = arith.addi %mul3A_136, %add3A_348 : i32
      %dma_start3A_350 = arith.constant 1 : i32
      %dma_start3A_351 = arith.constant 0 : i32
      %dma_start3A_352 = tpu.memref_slice %arg7[%add3A_349, %dma_start3A_350, %dma_start3A_351] : memref<160x2x128xi32, #tpu.memory_space<vmem>> -> memref<1x1x128xi32, #tpu.memory_space<vmem>>
      %dma_start3A_353 = tpu.memref_squeeze %dma_start3A_352 : memref<1x1x128xi32, #tpu.memory_space<vmem>> -> memref<128xi32, #tpu.memory_space<vmem>>
      %dma_start3A_354 = arith.constant 0 : i32
      %dma_start3A_355 = arith.constant 0 : i32
      %dma_start3A_356 = tpu.memref_slice %arg18[%dma_start3A_354, %dma_start3A_355] : memref<10240x32xf32, #tpu.memory_space<vmem_shared>> -> memref<10240x32xf32, #tpu.memory_space<vmem_shared>>
      tpu.enqueue_indirect_dma source(%arg13 : memref<128x32xf32, #tpu.memory_space<vmem>>) target(%dma_start3A_356 : memref<10240x32xf32, #tpu.memory_space<vmem_shared>>) offsets(%dma_start3A_353 : memref<128xi32, #tpu.memory_space<vmem>>) semaphore(%arg32 : memref<!tpu.dma_semaphore, #tpu.memory_space<semaphore_mem>>) {add = true}
      %dma_wait3A_357 = arith.constant 0 : i32
      %dma_wait3A_358 = arith.constant 0 : i32
      %dma_wait3A_359 = arith.constant 0 : i32
      %dma_wait3A_360 = tpu.memref_slice %arg2[%dma_wait3A_357, %dma_wait3A_358, %dma_wait3A_359] : memref<2x10240x32xf32, #tpu.memory_space<hbm>> -> memref<1x128x32xf32, #tpu.memory_space<hbm>>
      %dma_wait3A_361 = tpu.memref_squeeze %dma_wait3A_360 : memref<1x128x32xf32, #tpu.memory_space<hbm>> -> memref<128x32xf32, #tpu.memory_space<hbm>>
      %dma_wait3A_362 = arith.constant 0 : i32
      %dma_wait3A_363 = arith.constant 0 : i32
      %dma_wait3A_364 = tpu.memref_slice %arg2[%dma_wait3A_357, %dma_wait3A_362, %dma_wait3A_363] : memref<2x10240x32xf32, #tpu.memory_space<hbm>> -> memref<1x128x32xf32, #tpu.memory_space<hbm>>
      %dma_wait3A_365 = tpu.memref_squeeze %dma_wait3A_364 : memref<1x128x32xf32, #tpu.memory_space<hbm>> -> memref<128x32xf32, #tpu.memory_space<hbm>>
      tpu.wait_dma2 semaphore(%arg25 : memref<!tpu.dma_semaphore, #tpu.memory_space<semaphore_mem>>) src(%dma_wait3A_365 : memref<128x32xf32, #tpu.memory_space<hbm>>) dst(%arg14 : memref<128x32xf32, #tpu.memory_space<vmem>>)
      %add3A_366 = arith.constant 6 : i32
      %add3A_367 = arith.addi %mul3A_136, %add3A_366 : i32
      %dma_start3A_368 = arith.constant 1 : i32
      %dma_start3A_369 = arith.constant 0 : i32
      %dma_start3A_370 = tpu.memref_slice %arg7[%add3A_367, %dma_start3A_368, %dma_start3A_369] : memref<160x2x128xi32, #tpu.memory_space<vmem>> -> memref<1x1x128xi32, #tpu.memory_space<vmem>>
      %dma_start3A_371 = tpu.memref_squeeze %dma_start3A_370 : memref<1x1x128xi32, #tpu.memory_space<vmem>> -> memref<128xi32, #tpu.memory_space<vmem>>
      %dma_start3A_372 = arith.constant 0 : i32
      %dma_start3A_373 = arith.constant 0 : i32
      %dma_start3A_374 = tpu.memref_slice %arg18[%dma_start3A_372, %dma_start3A_373] : memref<10240x32xf32, #tpu.memory_space<vmem_shared>> -> memref<10240x32xf32, #tpu.memory_space<vmem_shared>>
      tpu.enqueue_indirect_dma source(%arg14 : memref<128x32xf32, #tpu.memory_space<vmem>>) target(%dma_start3A_374 : memref<10240x32xf32, #tpu.memory_space<vmem_shared>>) offsets(%dma_start3A_371 : memref<128xi32, #tpu.memory_space<vmem>>) semaphore(%arg33 : memref<!tpu.dma_semaphore, #tpu.memory_space<semaphore_mem>>) {add = true}
      %dma_wait3A_375 = arith.constant 0 : i32
      %dma_wait3A_376 = arith.constant 0 : i32
      %dma_wait3A_377 = arith.constant 0 : i32
      %dma_wait3A_378 = tpu.memref_slice %arg2[%dma_wait3A_375, %dma_wait3A_376, %dma_wait3A_377] : memref<2x10240x32xf32, #tpu.memory_space<hbm>> -> memref<1x128x32xf32, #tpu.memory_space<hbm>>
      %dma_wait3A_379 = tpu.memref_squeeze %dma_wait3A_378 : memref<1x128x32xf32, #tpu.memory_space<hbm>> -> memref<128x32xf32, #tpu.memory_space<hbm>>
      %dma_wait3A_380 = arith.constant 0 : i32
      %dma_wait3A_381 = arith.constant 0 : i32
      %dma_wait3A_382 = tpu.memref_slice %arg2[%dma_wait3A_375, %dma_wait3A_380, %dma_wait3A_381] : memref<2x10240x32xf32, #tpu.memory_space<hbm>> -> memref<1x128x32xf32, #tpu.memory_space<hbm>>
      %dma_wait3A_383 = tpu.memref_squeeze %dma_wait3A_382 : memref<1x128x32xf32, #tpu.memory_space<hbm>> -> memref<128x32xf32, #tpu.memory_space<hbm>>
      tpu.wait_dma2 semaphore(%arg26 : memref<!tpu.dma_semaphore, #tpu.memory_space<semaphore_mem>>) src(%dma_wait3A_383 : memref<128x32xf32, #tpu.memory_space<hbm>>) dst(%arg15 : memref<128x32xf32, #tpu.memory_space<vmem>>)
      %add3A_384 = arith.constant 7 : i32
      %add3A_385 = arith.addi %mul3A_136, %add3A_384 : i32
      %dma_start3A_386 = arith.constant 1 : i32
      %dma_start3A_387 = arith.constant 0 : i32
      %dma_start3A_388 = tpu.memref_slice %arg7[%add3A_385, %dma_start3A_386, %dma_start3A_387] : memref<160x2x128xi32, #tpu.memory_space<vmem>> -> memref<1x1x128xi32, #tpu.memory_space<vmem>>
      %dma_start3A_389 = tpu.memref_squeeze %dma_start3A_388 : memref<1x1x128xi32, #tpu.memory_space<vmem>> -> memref<128xi32, #tpu.memory_space<vmem>>
      %dma_start3A_390 = arith.constant 0 : i32
      %dma_start3A_391 = arith.constant 0 : i32
      %dma_start3A_392 = tpu.memref_slice %arg18[%dma_start3A_390, %dma_start3A_391] : memref<10240x32xf32, #tpu.memory_space<vmem_shared>> -> memref<10240x32xf32, #tpu.memory_space<vmem_shared>>
      tpu.enqueue_indirect_dma source(%arg15 : memref<128x32xf32, #tpu.memory_space<vmem>>) target(%dma_start3A_392 : memref<10240x32xf32, #tpu.memory_space<vmem_shared>>) offsets(%dma_start3A_389 : memref<128xi32, #tpu.memory_space<vmem>>) semaphore(%arg34 : memref<!tpu.dma_semaphore, #tpu.memory_space<semaphore_mem>>) {add = true}
    }
    %scan3A_34 = arith.constant 20 : i32
    %scan3A_35 = arith.constant 1 : i32
    %dma_wait3A_36 = arith.constant 0 : i32
    %dma_wait3A_37 = arith.constant 0 : i32
    %dma_wait3A_38 = tpu.memref_slice %arg18[%dma_wait3A_36, %dma_wait3A_37] : memref<10240x32xf32, #tpu.memory_space<vmem_shared>> -> memref<128x32xf32, #tpu.memory_space<vmem_shared>>
    %dma_wait3A_39 = arith.constant 0 : i32
    %dma_wait3A_40 = arith.constant 0 : i32
    %dma_wait3A_41 = tpu.memref_slice %arg18[%dma_wait3A_39, %dma_wait3A_40] : memref<10240x32xf32, #tpu.memory_space<vmem_shared>> -> memref<128x32xf32, #tpu.memory_space<vmem_shared>>
    tpu.wait_dma2 semaphore(%arg27 : memref<!tpu.dma_semaphore, #tpu.memory_space<semaphore_mem>>) src(%arg8 : memref<128x32xf32, #tpu.memory_space<vmem>>) dst(%dma_wait3A_41 : memref<128x32xf32, #tpu.memory_space<vmem_shared>>)
    %dma_wait3A_42 = arith.constant 0 : i32
    %dma_wait3A_43 = arith.constant 0 : i32
    %dma_wait3A_44 = tpu.memref_slice %arg18[%dma_wait3A_42, %dma_wait3A_43] : memref<10240x32xf32, #tpu.memory_space<vmem_shared>> -> memref<128x32xf32, #tpu.memory_space<vmem_shared>>
    %dma_wait3A_45 = arith.constant 0 : i32
    %dma_wait3A_46 = arith.constant 0 : i32
    %dma_wait3A_47 = tpu.memref_slice %arg18[%dma_wait3A_45, %dma_wait3A_46] : memref<10240x32xf32, #tpu.memory_space<vmem_shared>> -> memref<128x32xf32, #tpu.memory_space<vmem_shared>>
    tpu.wait_dma2 semaphore(%arg28 : memref<!tpu.dma_semaphore, #tpu.memory_space<semaphore_mem>>) src(%arg9 : memref<128x32xf32, #tpu.memory_space<vmem>>) dst(%dma_wait3A_47 : memref<128x32xf32, #tpu.memory_space<vmem_shared>>)
    %dma_wait3A_48 = arith.constant 0 : i32
    %dma_wait3A_49 = arith.constant 0 : i32
    %dma_wait3A_50 = tpu.memref_slice %arg18[%dma_wait3A_48, %dma_wait3A_49] : memref<10240x32xf32, #tpu.memory_space<vmem_shared>> -> memref<128x32xf32, #tpu.memory_space<vmem_shared>>
    %dma_wait3A_51 = arith.constant 0 : i32
    %dma_wait3A_52 = arith.constant 0 : i32
    %dma_wait3A_53 = tpu.memref_slice %arg18[%dma_wait3A_51, %dma_wait3A_52] : memref<10240x32xf32, #tpu.memory_space<vmem_shared>> -> memref<128x32xf32, #tpu.memory_space<vmem_shared>>
    tpu.wait_dma2 semaphore(%arg29 : memref<!tpu.dma_semaphore, #tpu.memory_space<semaphore_mem>>) src(%arg10 : memref<128x32xf32, #tpu.memory_space<vmem>>) dst(%dma_wait3A_53 : memref<128x32xf32, #tpu.memory_space<vmem_shared>>)
    %dma_wait3A_54 = arith.constant 0 : i32
    %dma_wait3A_55 = arith.constant 0 : i32
    %dma_wait3A_56 = tpu.memref_slice %arg18[%dma_wait3A_54, %dma_wait3A_55] : memref<10240x32xf32, #tpu.memory_space<vmem_shared>> -> memref<128x32xf32, #tpu.memory_space<vmem_shared>>
    %dma_wait3A_57 = arith.constant 0 : i32
    %dma_wait3A_58 = arith.constant 0 : i32
    %dma_wait3A_59 = tpu.memref_slice %arg18[%dma_wait3A_57, %dma_wait3A_58] : memref<10240x32xf32, #tpu.memory_space<vmem_shared>> -> memref<128x32xf32, #tpu.memory_space<vmem_shared>>
    tpu.wait_dma2 semaphore(%arg30 : memref<!tpu.dma_semaphore, #tpu.memory_space<semaphore_mem>>) src(%arg11 : memref<128x32xf32, #tpu.memory_space<vmem>>) dst(%dma_wait3A_59 : memref<128x32xf32, #tpu.memory_space<vmem_shared>>)
    %dma_wait3A_60 = arith.constant 0 : i32
    %dma_wait3A_61 = arith.constant 0 : i32
    %dma_wait3A_62 = tpu.memref_slice %arg18[%dma_wait3A_60, %dma_wait3A_61] : memref<10240x32xf32, #tpu.memory_space<vmem_shared>> -> memref<128x32xf32, #tpu.memory_space<vmem_shared>>
    %dma_wait3A_63 = arith.constant 0 : i32
    %dma_wait3A_64 = arith.constant 0 : i32
    %dma_wait3A_65 = tpu.memref_slice %arg18[%dma_wait3A_63, %dma_wait3A_64] : memref<10240x32xf32, #tpu.memory_space<vmem_shared>> -> memref<128x32xf32, #tpu.memory_space<vmem_shared>>
    tpu.wait_dma2 semaphore(%arg31 : memref<!tpu.dma_semaphore, #tpu.memory_space<semaphore_mem>>) src(%arg12 : memref<128x32xf32, #tpu.memory_space<vmem>>) dst(%dma_wait3A_65 : memref<128x32xf32, #tpu.memory_space<vmem_shared>>)
    %dma_wait3A_66 = arith.constant 0 : i32
    %dma_wait3A_67 = arith.constant 0 : i32
    %dma_wait3A_68 = tpu.memref_slice %arg18[%dma_wait3A_66, %dma_wait3A_67] : memref<10240x32xf32, #tpu.memory_space<vmem_shared>> -> memref<128x32xf32, #tpu.memory_space<vmem_shared>>
    %dma_wait3A_69 = arith.constant 0 : i32
    %dma_wait3A_70 = arith.constant 0 : i32
    %dma_wait3A_71 = tpu.memref_slice %arg18[%dma_wait3A_69, %dma_wait3A_70] : memref<10240x32xf32, #tpu.memory_space<vmem_shared>> -> memref<128x32xf32, #tpu.memory_space<vmem_shared>>
    tpu.wait_dma2 semaphore(%arg32 : memref<!tpu.dma_semaphore, #tpu.memory_space<semaphore_mem>>) src(%arg13 : memref<128x32xf32, #tpu.memory_space<vmem>>) dst(%dma_wait3A_71 : memref<128x32xf32, #tpu.memory_space<vmem_shared>>)
    %dma_wait3A_72 = arith.constant 0 : i32
    %dma_wait3A_73 = arith.constant 0 : i32
    %dma_wait3A_74 = tpu.memref_slice %arg18[%dma_wait3A_72, %dma_wait3A_73] : memref<10240x32xf32, #tpu.memory_space<vmem_shared>> -> memref<128x32xf32, #tpu.memory_space<vmem_shared>>
    %dma_wait3A_75 = arith.constant 0 : i32
    %dma_wait3A_76 = arith.constant 0 : i32
    %dma_wait3A_77 = tpu.memref_slice %arg18[%dma_wait3A_75, %dma_wait3A_76] : memref<10240x32xf32, #tpu.memory_space<vmem_shared>> -> memref<128x32xf32, #tpu.memory_space<vmem_shared>>
    tpu.wait_dma2 semaphore(%arg33 : memref<!tpu.dma_semaphore, #tpu.memory_space<semaphore_mem>>) src(%arg14 : memref<128x32xf32, #tpu.memory_space<vmem>>) dst(%dma_wait3A_77 : memref<128x32xf32, #tpu.memory_space<vmem_shared>>)
    %dma_wait3A_78 = arith.constant 0 : i32
    %dma_wait3A_79 = arith.constant 0 : i32
    %dma_wait3A_80 = tpu.memref_slice %arg18[%dma_wait3A_78, %dma_wait3A_79] : memref<10240x32xf32, #tpu.memory_space<vmem_shared>> -> memref<128x32xf32, #tpu.memory_space<vmem_shared>>
    %dma_wait3A_81 = arith.constant 0 : i32
    %dma_wait3A_82 = arith.constant 0 : i32
    %dma_wait3A_83 = tpu.memref_slice %arg18[%dma_wait3A_81, %dma_wait3A_82] : memref<10240x32xf32, #tpu.memory_space<vmem_shared>> -> memref<128x32xf32, #tpu.memory_space<vmem_shared>>
    tpu.wait_dma2 semaphore(%arg34 : memref<!tpu.dma_semaphore, #tpu.memory_space<semaphore_mem>>) src(%arg15 : memref<128x32xf32, #tpu.memory_space<vmem>>) dst(%dma_wait3A_83 : memref<128x32xf32, #tpu.memory_space<vmem_shared>>)
    %barrier3A_84 = arith.constant 0 : index
    tpu.barrier barrier_id(%barrier3A_84)
    "tpu.region"() ({
      %run_scoped3A = tpu.sem_alloc : memref<!tpu.dma_semaphore, #tpu.memory_space<semaphore_mem>>
      %dma_start3A_130 = arith.constant 0 : i32
      %dma_start3A_131 = arith.constant 0 : i32
      %dma_start3A_132 = tpu.memref_slice %arg5[%arg0, %dma_start3A_130, %dma_start3A_131] : memref<2x1x32xf32, #tpu.memory_space<hbm>> -> memref<1x1x32xf32, #tpu.memory_space<hbm>>
      %dma_start3A_133 = tpu.memref_squeeze %dma_start3A_132 : memref<1x1x32xf32, #tpu.memory_space<hbm>> -> memref<1x32xf32, #tpu.memory_space<hbm>>
      %dma_start3A_134 = arith.constant 0 : i32
      %dma_start3A_135 = arith.constant 0 : i32
      %dma_start3A_136 = tpu.memref_slice %arg5[%arg0, %dma_start3A_134, %dma_start3A_135] : memref<2x1x32xf32, #tpu.memory_space<hbm>> -> memref<1x1x32xf32, #tpu.memory_space<hbm>>
      %dma_start3A_137 = tpu.memref_squeeze %dma_start3A_136 : memref<1x1x32xf32, #tpu.memory_space<hbm>> -> memref<1x32xf32, #tpu.memory_space<hbm>>
      tpu.enqueue_dma source(%dma_start3A_137 : memref<1x32xf32, #tpu.memory_space<hbm>>) target(%arg16 : memref<1x32xf32, #tpu.memory_space<vmem>>) target_semaphore(%run_scoped3A : memref<!tpu.dma_semaphore, #tpu.memory_space<semaphore_mem>>)
      %dma_wait3A_138 = arith.constant 0 : i32
      %dma_wait3A_139 = arith.constant 0 : i32
      %dma_wait3A_140 = tpu.memref_slice %arg5[%arg0, %dma_wait3A_138, %dma_wait3A_139] : memref<2x1x32xf32, #tpu.memory_space<hbm>> -> memref<1x1x32xf32, #tpu.memory_space<hbm>>
      %dma_wait3A_141 = tpu.memref_squeeze %dma_wait3A_140 : memref<1x1x32xf32, #tpu.memory_space<hbm>> -> memref<1x32xf32, #tpu.memory_space<hbm>>
      %dma_wait3A_142 = arith.constant 0 : i32
      %dma_wait3A_143 = arith.constant 0 : i32
      %dma_wait3A_144 = tpu.memref_slice %arg5[%arg0, %dma_wait3A_142, %dma_wait3A_143] : memref<2x1x32xf32, #tpu.memory_space<hbm>> -> memref<1x1x32xf32, #tpu.memory_space<hbm>>
      %dma_wait3A_145 = tpu.memref_squeeze %dma_wait3A_144 : memref<1x1x32xf32, #tpu.memory_space<hbm>> -> memref<1x32xf32, #tpu.memory_space<hbm>>
      tpu.wait_dma2 semaphore(%run_scoped3A : memref<!tpu.dma_semaphore, #tpu.memory_space<semaphore_mem>>) src(%dma_wait3A_145 : memref<1x32xf32, #tpu.memory_space<hbm>>) dst(%arg16 : memref<1x32xf32, #tpu.memory_space<vmem>>)
      tpu.yield
    }) : () -> ()
    %mul3A_85 = arith.constant 640 : i32
    %mul3A_86 = arith.muli %arg1, %mul3A_85 : i32
    %add3A_87 = arith.constant 0 : i32
    %add3A_88 = arith.addi %mul3A_86, %add3A_87 : i32
    "tpu.region"() ({
      %run_scoped3A = tpu.sem_alloc : memref<!tpu.dma_semaphore, #tpu.memory_space<semaphore_mem>>
      %dma_start3A_130 = arith.constant 0 : i32
      %dma_start3A_131 = tpu.memref_slice %arg18[%add3A_88, %dma_start3A_130] : memref<10240x32xf32, #tpu.memory_space<vmem_shared>> -> memref<128x32xf32, #tpu.memory_space<vmem_shared>>
      %dma_start3A_132 = arith.constant 0 : i32
      %dma_start3A_133 = tpu.memref_slice %arg18[%add3A_88, %dma_start3A_132] : memref<10240x32xf32, #tpu.memory_space<vmem_shared>> -> memref<128x32xf32, #tpu.memory_space<vmem_shared>>
      tpu.enqueue_dma source(%dma_start3A_133 : memref<128x32xf32, #tpu.memory_space<vmem_shared>>) target(%arg8 : memref<128x32xf32, #tpu.memory_space<vmem>>) target_semaphore(%run_scoped3A : memref<!tpu.dma_semaphore, #tpu.memory_space<semaphore_mem>>)
      %dma_wait3A_134 = arith.constant 0 : i32
      %dma_wait3A_135 = tpu.memref_slice %arg18[%add3A_88, %dma_wait3A_134] : memref<10240x32xf32, #tpu.memory_space<vmem_shared>> -> memref<128x32xf32, #tpu.memory_space<vmem_shared>>
      %dma_wait3A_136 = arith.constant 0 : i32
      %dma_wait3A_137 = tpu.memref_slice %arg18[%add3A_88, %dma_wait3A_136] : memref<10240x32xf32, #tpu.memory_space<vmem_shared>> -> memref<128x32xf32, #tpu.memory_space<vmem_shared>>
      tpu.wait_dma2 semaphore(%run_scoped3A : memref<!tpu.dma_semaphore, #tpu.memory_space<semaphore_mem>>) src(%dma_wait3A_137 : memref<128x32xf32, #tpu.memory_space<vmem_shared>>) dst(%arg8 : memref<128x32xf32, #tpu.memory_space<vmem>>)
      tpu.yield
    }) : () -> ()
    "tpu.region"() ({
      %run_scoped3A = tpu.sem_alloc : memref<!tpu.dma_semaphore, #tpu.memory_space<semaphore_mem>>
      %dma_start3A_130 = arith.constant 0 : i32
      %dma_start3A_131 = tpu.memref_slice %arg17[%add3A_88, %dma_start3A_130] : memref<10240x32xf32, #tpu.memory_space<vmem_shared>> -> memref<128x32xf32, #tpu.memory_space<vmem_shared>>
      %dma_start3A_132 = arith.constant 0 : i32
      %dma_start3A_133 = tpu.memref_slice %arg17[%add3A_88, %dma_start3A_132] : memref<10240x32xf32, #tpu.memory_space<vmem_shared>> -> memref<128x32xf32, #tpu.memory_space<vmem_shared>>
      tpu.enqueue_dma source(%dma_start3A_133 : memref<128x32xf32, #tpu.memory_space<vmem_shared>>) target(%arg9 : memref<128x32xf32, #tpu.memory_space<vmem>>) target_semaphore(%run_scoped3A : memref<!tpu.dma_semaphore, #tpu.memory_space<semaphore_mem>>)
      %dma_wait3A_134 = arith.constant 0 : i32
      %dma_wait3A_135 = tpu.memref_slice %arg17[%add3A_88, %dma_wait3A_134] : memref<10240x32xf32, #tpu.memory_space<vmem_shared>> -> memref<128x32xf32, #tpu.memory_space<vmem_shared>>
      %dma_wait3A_136 = arith.constant 0 : i32
      %dma_wait3A_137 = tpu.memref_slice %arg17[%add3A_88, %dma_wait3A_136] : memref<10240x32xf32, #tpu.memory_space<vmem_shared>> -> memref<128x32xf32, #tpu.memory_space<vmem_shared>>
      tpu.wait_dma2 semaphore(%run_scoped3A : memref<!tpu.dma_semaphore, #tpu.memory_space<semaphore_mem>>) src(%dma_wait3A_137 : memref<128x32xf32, #tpu.memory_space<vmem_shared>>) dst(%arg9 : memref<128x32xf32, #tpu.memory_space<vmem>>)
      tpu.yield
    }) : () -> ()
    "tpu.region"() ({
      %run_scoped3A = tpu.sem_alloc : memref<!tpu.dma_semaphore, #tpu.memory_space<semaphore_mem>>
      %dma_start3A_130 = arith.constant 0 : i32
      %dma_start3A_131 = tpu.memref_slice %arg4[%add3A_88, %dma_start3A_130] : memref<10240x32xf32, #tpu.memory_space<hbm>> -> memref<128x32xf32, #tpu.memory_space<hbm>>
      %dma_start3A_132 = arith.constant 0 : i32
      %dma_start3A_133 = tpu.memref_slice %arg4[%add3A_88, %dma_start3A_132] : memref<10240x32xf32, #tpu.memory_space<hbm>> -> memref<128x32xf32, #tpu.memory_space<hbm>>
      tpu.enqueue_dma source(%dma_start3A_133 : memref<128x32xf32, #tpu.memory_space<hbm>>) target(%arg10 : memref<128x32xf32, #tpu.memory_space<vmem>>) target_semaphore(%run_scoped3A : memref<!tpu.dma_semaphore, #tpu.memory_space<semaphore_mem>>)
      %dma_wait3A_134 = arith.constant 0 : i32
      %dma_wait3A_135 = tpu.memref_slice %arg4[%add3A_88, %dma_wait3A_134] : memref<10240x32xf32, #tpu.memory_space<hbm>> -> memref<128x32xf32, #tpu.memory_space<hbm>>
      %dma_wait3A_136 = arith.constant 0 : i32
      %dma_wait3A_137 = tpu.memref_slice %arg4[%add3A_88, %dma_wait3A_136] : memref<10240x32xf32, #tpu.memory_space<hbm>> -> memref<128x32xf32, #tpu.memory_space<hbm>>
      tpu.wait_dma2 semaphore(%run_scoped3A : memref<!tpu.dma_semaphore, #tpu.memory_space<semaphore_mem>>) src(%dma_wait3A_137 : memref<128x32xf32, #tpu.memory_space<hbm>>) dst(%arg10 : memref<128x32xf32, #tpu.memory_space<vmem>>)
      tpu.yield
    }) : () -> ()
    %scan3A_89 = arith.constant 0 : i32
    %scan3A_90 = arith.constant 128 : i32
    %scan3A_91 = arith.addi %scan3A_89, %scan3A_90 : i32
    %scan3A_92 = arith.constant 1 : i32
    scf.for %scan3A_130 = %scan3A_89 to %scan3A_91 step %scan3A_92  : i32 {
      %mul3A_131 = arith.constant 1 : i32
      %mul3A_132 = arith.muli %scan3A_130, %mul3A_131 : i32
      %add3A_133 = arith.constant 0 : i32
      %add3A_134 = arith.addi %add3A_133, %mul3A_132 : i32
      %get3A = arith.index_cast %add3A_134 : i32 to index
      %get3A_135 = arith.constant 0 : index
      %get3A_136 = tpu.vector_load %arg8[%get3A, %get3A_135] {strides = array<i32>} : memref<128x32xf32, #tpu.memory_space<vmem>>, vector<1x16xf32>,
      %get3A_137 = vector.shape_cast %get3A_136 : vector<1x16xf32> to vector<16xf32>
      %get3A_138 = arith.index_cast %add3A_134 : i32 to index
      %get3A_139 = arith.constant 0 : index
      %get3A_140 = tpu.vector_load %arg9[%get3A_138, %get3A_139] {strides = array<i32>} : memref<128x32xf32, #tpu.memory_space<vmem>>, vector<1x16xf32>,
      %get3A_141 = vector.shape_cast %get3A_140 : vector<1x16xf32> to vector<16xf32>
      %add3A_142 = arith.addf %get3A_137, %get3A_141 : vector<16xf32>
      %get3A_143 = arith.index_cast %add3A_134 : i32 to index
      %get3A_144 = arith.constant 0 : index
      %get3A_145 = tpu.vector_load %arg10[%get3A_143, %get3A_144] {strides = array<i32>} : memref<128x32xf32, #tpu.memory_space<vmem>>, vector<1x16xf32>,
      %get3A_146 = vector.shape_cast %get3A_145 : vector<1x16xf32> to vector<16xf32>
      %mul3A_147 = arith.mulf %add3A_142, %get3A_146 : vector<16xf32>
      %get3A_148 = arith.constant 0 : i32
      %get3A_149 = arith.index_cast %get3A_148 : i32 to index
      %get3A_150 = arith.constant 0 : index
      %get3A_151 = tpu.vector_load %arg16[%get3A_149, %get3A_150] {strides = array<i32>} : memref<1x32xf32, #tpu.memory_space<vmem>>, vector<1x16xf32>,
      %get3A_152 = vector.shape_cast %get3A_151 : vector<1x16xf32> to vector<16xf32>
      %add3A_153 = arith.addf %mul3A_147, %get3A_152 : vector<16xf32>
      %swap3A = arith.index_cast %add3A_134 : i32 to index
      %swap3A_154 = arith.constant 0 : index
      %swap3A_155 = tpu.vector_load %arg8[%swap3A, %swap3A_154] {strides = array<i32>} : memref<128x32xf32, #tpu.memory_space<vmem>>, vector<1x16xf32>,
      %swap3A_156 = vector.shape_cast %swap3A_155 : vector<1x16xf32> to vector<16xf32>
      %swap3A_157 = vector.shape_cast %add3A_153 : vector<16xf32> to vector<1x16xf32>
      tpu.vector_store %arg8[%swap3A, %swap3A_154], %swap3A_157 {strides = array<i32>} : memref<128x32xf32, #tpu.memory_space<vmem>>, vector<1x16xf32>,
      %get3A_158 = arith.index_cast %add3A_134 : i32 to index
      %get3A_159 = arith.constant 16 : index
      %get3A_160 = tpu.vector_load %arg8[%get3A_158, %get3A_159] {strides = array<i32>} : memref<128x32xf32, #tpu.memory_space<vmem>>, vector<1x16xf32>,
      %get3A_161 = vector.shape_cast %get3A_160 : vector<1x16xf32> to vector<16xf32>
      %get3A_162 = arith.index_cast %add3A_134 : i32 to index
      %get3A_163 = arith.constant 16 : index
      %get3A_164 = tpu.vector_load %arg9[%get3A_162, %get3A_163] {strides = array<i32>} : memref<128x32xf32, #tpu.memory_space<vmem>>, vector<1x16xf32>,
      %get3A_165 = vector.shape_cast %get3A_164 : vector<1x16xf32> to vector<16xf32>
      %add3A_166 = arith.addf %get3A_161, %get3A_165 : vector<16xf32>
      %get3A_167 = arith.index_cast %add3A_134 : i32 to index
      %get3A_168 = arith.constant 16 : index
      %get3A_169 = tpu.vector_load %arg10[%get3A_167, %get3A_168] {strides = array<i32>} : memref<128x32xf32, #tpu.memory_space<vmem>>, vector<1x16xf32>,
      %get3A_170 = vector.shape_cast %get3A_169 : vector<1x16xf32> to vector<16xf32>
      %mul3A_171 = arith.mulf %add3A_166, %get3A_170 : vector<16xf32>
      %get3A_172 = arith.constant 0 : i32
      %get3A_173 = arith.index_cast %get3A_172 : i32 to index
      %get3A_174 = arith.constant 16 : index
      %get3A_175 = tpu.vector_load %arg16[%get3A_173, %get3A_174] {strides = array<i32>} : memref<1x32xf32, #tpu.memory_space<vmem>>, vector<1x16xf32>,
      %get3A_176 = vector.shape_cast %get3A_175 : vector<1x16xf32> to vector<16xf32>
      %add3A_177 = arith.addf %mul3A_171, %get3A_176 : vector<16xf32>
      %swap3A_178 = arith.index_cast %add3A_134 : i32 to index
      %swap3A_179 = arith.constant 16 : index
      %swap3A_180 = tpu.vector_load %arg8[%swap3A_178, %swap3A_179] {strides = array<i32>} : memref<128x32xf32, #tpu.memory_space<vmem>>, vector<1x16xf32>,
      %swap3A_181 = vector.shape_cast %swap3A_180 : vector<1x16xf32> to vector<16xf32>
      %swap3A_182 = vector.shape_cast %add3A_177 : vector<16xf32> to vector<1x16xf32>
      tpu.vector_store %arg8[%swap3A_178, %swap3A_179], %swap3A_182 {strides = array<i32>} : memref<128x32xf32, #tpu.memory_space<vmem>>, vector<1x16xf32>,
    }
    %scan3A_93 = arith.constant 128 : i32
    "tpu.region"() ({
      %run_scoped3A = tpu.sem_alloc : memref<!tpu.dma_semaphore, #tpu.memory_space<semaphore_mem>>
      %dma_start3A_130 = arith.constant 0 : i32
      %dma_start3A_131 = tpu.memref_slice %arg6[%arg0, %add3A_88, %dma_start3A_130] : memref<2x10240x32xf32, #tpu.memory_space<hbm>> -> memref<1x128x32xf32, #tpu.memory_space<hbm>>
      %dma_start3A_132 = tpu.memref_squeeze %dma_start3A_131 : memref<1x128x32xf32, #tpu.memory_space<hbm>> -> memref<128x32xf32, #tpu.memory_space<hbm>>
      %dma_start3A_133 = arith.constant 0 : i32
      %dma_start3A_134 = tpu.memref_slice %arg6[%arg0, %add3A_88, %dma_start3A_133] : memref<2x10240x32xf32, #tpu.memory_space<hbm>> -> memref<1x128x32xf32, #tpu.memory_space<hbm>>
      %dma_start3A_135 = tpu.memref_squeeze %dma_start3A_134 : memref<1x128x32xf32, #tpu.memory_space<hbm>> -> memref<128x32xf32, #tpu.memory_space<hbm>>
      tpu.enqueue_dma source(%arg8 : memref<128x32xf32, #tpu.memory_space<vmem>>) target(%dma_start3A_135 : memref<128x32xf32, #tpu.memory_space<hbm>>) target_semaphore(%run_scoped3A : memref<!tpu.dma_semaphore, #tpu.memory_space<semaphore_mem>>)
      %dma_wait3A_136 = arith.constant 0 : i32
      %dma_wait3A_137 = tpu.memref_slice %arg6[%arg0, %add3A_88, %dma_wait3A_136] : memref<2x10240x32xf32, #tpu.memory_space<hbm>> -> memref<1x128x32xf32, #tpu.memory_space<hbm>>
      %dma_wait3A_138 = tpu.memref_squeeze %dma_wait3A_137 : memref<1x128x32xf32, #tpu.memory_space<hbm>> -> memref<128x32xf32, #tpu.memory_space<hbm>>
      %dma_wait3A_139 = arith.constant 0 : i32
      %dma_wait3A_140 = tpu.memref_slice %arg6[%arg0, %add3A_88, %dma_wait3A_139] : memref<2x10240x32xf32, #tpu.memory_space<hbm>> -> memref<1x128x32xf32, #tpu.memory_space<hbm>>
      %dma_wait3A_141 = tpu.memref_squeeze %dma_wait3A_140 : memref<1x128x32xf32, #tpu.memory_space<hbm>> -> memref<128x32xf32, #tpu.memory_space<hbm>>
      tpu.wait_dma2 semaphore(%run_scoped3A : memref<!tpu.dma_semaphore, #tpu.memory_space<semaphore_mem>>) src(%arg8 : memref<128x32xf32, #tpu.memory_space<vmem>>) dst(%dma_wait3A_141 : memref<128x32xf32, #tpu.memory_space<hbm>>)
      tpu.yield
    }) : () -> ()
    %mul3A_94 = arith.constant 640 : i32
    %mul3A_95 = arith.muli %arg1, %mul3A_94 : i32
    %add3A_96 = arith.constant 128 : i32
    %add3A_97 = arith.addi %mul3A_95, %add3A_96 : i32
    "tpu.region"() ({
      %run_scoped3A = tpu.sem_alloc : memref<!tpu.dma_semaphore, #tpu.memory_space<semaphore_mem>>
      %dma_start3A_130 = arith.constant 0 : i32
      %dma_start3A_131 = tpu.memref_slice %arg18[%add3A_97, %dma_start3A_130] : memref<10240x32xf32, #tpu.memory_space<vmem_shared>> -> memref<128x32xf32, #tpu.memory_space<vmem_shared>>
      %dma_start3A_132 = arith.constant 0 : i32
      %dma_start3A_133 = tpu.memref_slice %arg18[%add3A_97, %dma_start3A_132] : memref<10240x32xf32, #tpu.memory_space<vmem_shared>> -> memref<128x32xf32, #tpu.memory_space<vmem_shared>>
      tpu.enqueue_dma source(%dma_start3A_133 : memref<128x32xf32, #tpu.memory_space<vmem_shared>>) target(%arg8 : memref<128x32xf32, #tpu.memory_space<vmem>>) target_semaphore(%run_scoped3A : memref<!tpu.dma_semaphore, #tpu.memory_space<semaphore_mem>>)
      %dma_wait3A_134 = arith.constant 0 : i32
      %dma_wait3A_135 = tpu.memref_slice %arg18[%add3A_97, %dma_wait3A_134] : memref<10240x32xf32, #tpu.memory_space<vmem_shared>> -> memref<128x32xf32, #tpu.memory_space<vmem_shared>>
      %dma_wait3A_136 = arith.constant 0 : i32
      %dma_wait3A_137 = tpu.memref_slice %arg18[%add3A_97, %dma_wait3A_136] : memref<10240x32xf32, #tpu.memory_space<vmem_shared>> -> memref<128x32xf32, #tpu.memory_space<vmem_shared>>
      tpu.wait_dma2 semaphore(%run_scoped3A : memref<!tpu.dma_semaphore, #tpu.memory_space<semaphore_mem>>) src(%dma_wait3A_137 : memref<128x32xf32, #tpu.memory_space<vmem_shared>>) dst(%arg8 : memref<128x32xf32, #tpu.memory_space<vmem>>)
      tpu.yield
    }) : () -> ()
    "tpu.region"() ({
      %run_scoped3A = tpu.sem_alloc : memref<!tpu.dma_semaphore, #tpu.memory_space<semaphore_mem>>
      %dma_start3A_130 = arith.constant 0 : i32
      %dma_start3A_131 = tpu.memref_slice %arg17[%add3A_97, %dma_start3A_130] : memref<10240x32xf32, #tpu.memory_space<vmem_shared>> -> memref<128x32xf32, #tpu.memory_space<vmem_shared>>
      %dma_start3A_132 = arith.constant 0 : i32
      %dma_start3A_133 = tpu.memref_slice %arg17[%add3A_97, %dma_start3A_132] : memref<10240x32xf32, #tpu.memory_space<vmem_shared>> -> memref<128x32xf32, #tpu.memory_space<vmem_shared>>
      tpu.enqueue_dma source(%dma_start3A_133 : memref<128x32xf32, #tpu.memory_space<vmem_shared>>) target(%arg9 : memref<128x32xf32, #tpu.memory_space<vmem>>) target_semaphore(%run_scoped3A : memref<!tpu.dma_semaphore, #tpu.memory_space<semaphore_mem>>)
      %dma_wait3A_134 = arith.constant 0 : i32
      %dma_wait3A_135 = tpu.memref_slice %arg17[%add3A_97, %dma_wait3A_134] : memref<10240x32xf32, #tpu.memory_space<vmem_shared>> -> memref<128x32xf32, #tpu.memory_space<vmem_shared>>
      %dma_wait3A_136 = arith.constant 0 : i32
      %dma_wait3A_137 = tpu.memref_slice %arg17[%add3A_97, %dma_wait3A_136] : memref<10240x32xf32, #tpu.memory_space<vmem_shared>> -> memref<128x32xf32, #tpu.memory_space<vmem_shared>>
      tpu.wait_dma2 semaphore(%run_scoped3A : memref<!tpu.dma_semaphore, #tpu.memory_space<semaphore_mem>>) src(%dma_wait3A_137 : memref<128x32xf32, #tpu.memory_space<vmem_shared>>) dst(%arg9 : memref<128x32xf32, #tpu.memory_space<vmem>>)
      tpu.yield
    }) : () -> ()
    "tpu.region"() ({
      %run_scoped3A = tpu.sem_alloc : memref<!tpu.dma_semaphore, #tpu.memory_space<semaphore_mem>>
      %dma_start3A_130 = arith.constant 0 : i32
      %dma_start3A_131 = tpu.memref_slice %arg4[%add3A_97, %dma_start3A_130] : memref<10240x32xf32, #tpu.memory_space<hbm>> -> memref<128x32xf32, #tpu.memory_space<hbm>>
      %dma_start3A_132 = arith.constant 0 : i32
      %dma_start3A_133 = tpu.memref_slice %arg4[%add3A_97, %dma_start3A_132] : memref<10240x32xf32, #tpu.memory_space<hbm>> -> memref<128x32xf32, #tpu.memory_space<hbm>>
      tpu.enqueue_dma source(%dma_start3A_133 : memref<128x32xf32, #tpu.memory_space<hbm>>) target(%arg10 : memref<128x32xf32, #tpu.memory_space<vmem>>) target_semaphore(%run_scoped3A : memref<!tpu.dma_semaphore, #tpu.memory_space<semaphore_mem>>)
      %dma_wait3A_134 = arith.constant 0 : i32
      %dma_wait3A_135 = tpu.memref_slice %arg4[%add3A_97, %dma_wait3A_134] : memref<10240x32xf32, #tpu.memory_space<hbm>> -> memref<128x32xf32, #tpu.memory_space<hbm>>
      %dma_wait3A_136 = arith.constant 0 : i32
      %dma_wait3A_137 = tpu.memref_slice %arg4[%add3A_97, %dma_wait3A_136] : memref<10240x32xf32, #tpu.memory_space<hbm>> -> memref<128x32xf32, #tpu.memory_space<hbm>>
      tpu.wait_dma2 semaphore(%run_scoped3A : memref<!tpu.dma_semaphore, #tpu.memory_space<semaphore_mem>>) src(%dma_wait3A_137 : memref<128x32xf32, #tpu.memory_space<hbm>>) dst(%arg10 : memref<128x32xf32, #tpu.memory_space<vmem>>)
      tpu.yield
    }) : () -> ()
    %scan3A_98 = arith.constant 0 : i32
    %scan3A_99 = arith.constant 128 : i32
    %scan3A_100 = arith.addi %scan3A_98, %scan3A_99 : i32
    %scan3A_101 = arith.constant 1 : i32
    scf.for %scan3A_130 = %scan3A_98 to %scan3A_100 step %scan3A_101  : i32 {
      %mul3A_131 = arith.constant 1 : i32
      %mul3A_132 = arith.muli %scan3A_130, %mul3A_131 : i32
      %add3A_133 = arith.constant 0 : i32
      %add3A_134 = arith.addi %add3A_133, %mul3A_132 : i32
      %get3A = arith.index_cast %add3A_134 : i32 to index
      %get3A_135 = arith.constant 0 : index
      %get3A_136 = tpu.vector_load %arg8[%get3A, %get3A_135] {strides = array<i32>} : memref<128x32xf32, #tpu.memory_space<vmem>>, vector<1x16xf32>,
      %get3A_137 = vector.shape_cast %get3A_136 : vector<1x16xf32> to vector<16xf32>
      %get3A_138 = arith.index_cast %add3A_134 : i32 to index
      %get3A_139 = arith.constant 0 : index
      %get3A_140 = tpu.vector_load %arg9[%get3A_138, %get3A_139] {strides = array<i32>} : memref<128x32xf32, #tpu.memory_space<vmem>>, vector<1x16xf32>,
      %get3A_141 = vector.shape_cast %get3A_140 : vector<1x16xf32> to vector<16xf32>
      %add3A_142 = arith.addf %get3A_137, %get3A_141 : vector<16xf32>
      %get3A_143 = arith.index_cast %add3A_134 : i32 to index
      %get3A_144 = arith.constant 0 : index
      %get3A_145 = tpu.vector_load %arg10[%get3A_143, %get3A_144] {strides = array<i32>} : memref<128x32xf32, #tpu.memory_space<vmem>>, vector<1x16xf32>,
      %get3A_146 = vector.shape_cast %get3A_145 : vector<1x16xf32> to vector<16xf32>
      %mul3A_147 = arith.mulf %add3A_142, %get3A_146 : vector<16xf32>
      %get3A_148 = arith.constant 0 : i32
      %get3A_149 = arith.index_cast %get3A_148 : i32 to index
      %get3A_150 = arith.constant 0 : index
      %get3A_151 = tpu.vector_load %arg16[%get3A_149, %get3A_150] {strides = array<i32>} : memref<1x32xf32, #tpu.memory_space<vmem>>, vector<1x16xf32>,
      %get3A_152 = vector.shape_cast %get3A_151 : vector<1x16xf32> to vector<16xf32>
      %add3A_153 = arith.addf %mul3A_147, %get3A_152 : vector<16xf32>
      %swap3A = arith.index_cast %add3A_134 : i32 to index
      %swap3A_154 = arith.constant 0 : index
      %swap3A_155 = tpu.vector_load %arg8[%swap3A, %swap3A_154] {strides = array<i32>} : memref<128x32xf32, #tpu.memory_space<vmem>>, vector<1x16xf32>,
      %swap3A_156 = vector.shape_cast %swap3A_155 : vector<1x16xf32> to vector<16xf32>
      %swap3A_157 = vector.shape_cast %add3A_153 : vector<16xf32> to vector<1x16xf32>
      tpu.vector_store %arg8[%swap3A, %swap3A_154], %swap3A_157 {strides = array<i32>} : memref<128x32xf32, #tpu.memory_space<vmem>>, vector<1x16xf32>,
      %get3A_158 = arith.index_cast %add3A_134 : i32 to index
      %get3A_159 = arith.constant 16 : index
      %get3A_160 = tpu.vector_load %arg8[%get3A_158, %get3A_159] {strides = array<i32>} : memref<128x32xf32, #tpu.memory_space<vmem>>, vector<1x16xf32>,
      %get3A_161 = vector.shape_cast %get3A_160 : vector<1x16xf32> to vector<16xf32>
      %get3A_162 = arith.index_cast %add3A_134 : i32 to index
      %get3A_163 = arith.constant 16 : index
      %get3A_164 = tpu.vector_load %arg9[%get3A_162, %get3A_163] {strides = array<i32>} : memref<128x32xf32, #tpu.memory_space<vmem>>, vector<1x16xf32>,
      %get3A_165 = vector.shape_cast %get3A_164 : vector<1x16xf32> to vector<16xf32>
      %add3A_166 = arith.addf %get3A_161, %get3A_165 : vector<16xf32>
      %get3A_167 = arith.index_cast %add3A_134 : i32 to index
      %get3A_168 = arith.constant 16 : index
      %get3A_169 = tpu.vector_load %arg10[%get3A_167, %get3A_168] {strides = array<i32>} : memref<128x32xf32, #tpu.memory_space<vmem>>, vector<1x16xf32>,
      %get3A_170 = vector.shape_cast %get3A_169 : vector<1x16xf32> to vector<16xf32>
      %mul3A_171 = arith.mulf %add3A_166, %get3A_170 : vector<16xf32>
      %get3A_172 = arith.constant 0 : i32
      %get3A_173 = arith.index_cast %get3A_172 : i32 to index
      %get3A_174 = arith.constant 16 : index
      %get3A_175 = tpu.vector_load %arg16[%get3A_173, %get3A_174] {strides = array<i32>} : memref<1x32xf32, #tpu.memory_space<vmem>>, vector<1x16xf32>,
      %get3A_176 = vector.shape_cast %get3A_175 : vector<1x16xf32> to vector<16xf32>
      %add3A_177 = arith.addf %mul3A_171, %get3A_176 : vector<16xf32>
      %swap3A_178 = arith.index_cast %add3A_134 : i32 to index
      %swap3A_179 = arith.constant 16 : index
      %swap3A_180 = tpu.vector_load %arg8[%swap3A_178, %swap3A_179] {strides = array<i32>} : memref<128x32xf32, #tpu.memory_space<vmem>>, vector<1x16xf32>,
      %swap3A_181 = vector.shape_cast %swap3A_180 : vector<1x16xf32> to vector<16xf32>
      %swap3A_182 = vector.shape_cast %add3A_177 : vector<16xf32> to vector<1x16xf32>
      tpu.vector_store %arg8[%swap3A_178, %swap3A_179], %swap3A_182 {strides = array<i32>} : memref<128x32xf32, #tpu.memory_space<vmem>>, vector<1x16xf32>,
    }
    %scan3A_102 = arith.constant 128 : i32
    "tpu.region"() ({
      %run_scoped3A = tpu.sem_alloc : memref<!tpu.dma_semaphore, #tpu.memory_space<semaphore_mem>>
      %dma_start3A_130 = arith.constant 0 : i32
      %dma_start3A_131 = tpu.memref_slice %arg6[%arg0, %add3A_97, %dma_start3A_130] : memref<2x10240x32xf32, #tpu.memory_space<hbm>> -> memref<1x128x32xf32, #tpu.memory_space<hbm>>
      %dma_start3A_132 = tpu.memref_squeeze %dma_start3A_131 : memref<1x128x32xf32, #tpu.memory_space<hbm>> -> memref<128x32xf32, #tpu.memory_space<hbm>>
      %dma_start3A_133 = arith.constant 0 : i32
      %dma_start3A_134 = tpu.memref_slice %arg6[%arg0, %add3A_97, %dma_start3A_133] : memref<2x10240x32xf32, #tpu.memory_space<hbm>> -> memref<1x128x32xf32, #tpu.memory_space<hbm>>
      %dma_start3A_135 = tpu.memref_squeeze %dma_start3A_134 : memref<1x128x32xf32, #tpu.memory_space<hbm>> -> memref<128x32xf32, #tpu.memory_space<hbm>>
      tpu.enqueue_dma source(%arg8 : memref<128x32xf32, #tpu.memory_space<vmem>>) target(%dma_start3A_135 : memref<128x32xf32, #tpu.memory_space<hbm>>) target_semaphore(%run_scoped3A : memref<!tpu.dma_semaphore, #tpu.memory_space<semaphore_mem>>)
      %dma_wait3A_136 = arith.constant 0 : i32
      %dma_wait3A_137 = tpu.memref_slice %arg6[%arg0, %add3A_97, %dma_wait3A_136] : memref<2x10240x32xf32, #tpu.memory_space<hbm>> -> memref<1x128x32xf32, #tpu.memory_space<hbm>>
      %dma_wait3A_138 = tpu.memref_squeeze %dma_wait3A_137 : memref<1x128x32xf32, #tpu.memory_space<hbm>> -> memref<128x32xf32, #tpu.memory_space<hbm>>
      %dma_wait3A_139 = arith.constant 0 : i32
      %dma_wait3A_140 = tpu.memref_slice %arg6[%arg0, %add3A_97, %dma_wait3A_139] : memref<2x10240x32xf32, #tpu.memory_space<hbm>> -> memref<1x128x32xf32, #tpu.memory_space<hbm>>
      %dma_wait3A_141 = tpu.memref_squeeze %dma_wait3A_140 : memref<1x128x32xf32, #tpu.memory_space<hbm>> -> memref<128x32xf32, #tpu.memory_space<hbm>>
      tpu.wait_dma2 semaphore(%run_scoped3A : memref<!tpu.dma_semaphore, #tpu.memory_space<semaphore_mem>>) src(%arg8 : memref<128x32xf32, #tpu.memory_space<vmem>>) dst(%dma_wait3A_141 : memref<128x32xf32, #tpu.memory_space<hbm>>)
      tpu.yield
    }) : () -> ()
    %mul3A_103 = arith.constant 640 : i32
    %mul3A_104 = arith.muli %arg1, %mul3A_103 : i32
    %add3A_105 = arith.constant 256 : i32
    %add3A_106 = arith.addi %mul3A_104, %add3A_105 : i32
    "tpu.region"() ({
      %run_scoped3A = tpu.sem_alloc : memref<!tpu.dma_semaphore, #tpu.memory_space<semaphore_mem>>
      %dma_start3A_130 = arith.constant 0 : i32
      %dma_start3A_131 = tpu.memref_slice %arg18[%add3A_106, %dma_start3A_130] : memref<10240x32xf32, #tpu.memory_space<vmem_shared>> -> memref<128x32xf32, #tpu.memory_space<vmem_shared>>
      %dma_start3A_132 = arith.constant 0 : i32
      %dma_start3A_133 = tpu.memref_slice %arg18[%add3A_106, %dma_start3A_132] : memref<10240x32xf32, #tpu.memory_space<vmem_shared>> -> memref<128x32xf32, #tpu.memory_space<vmem_shared>>
      tpu.enqueue_dma source(%dma_start3A_133 : memref<128x32xf32, #tpu.memory_space<vmem_shared>>) target(%arg8 : memref<128x32xf32, #tpu.memory_space<vmem>>) target_semaphore(%run_scoped3A : memref<!tpu.dma_semaphore, #tpu.memory_space<semaphore_mem>>)
      %dma_wait3A_134 = arith.constant 0 : i32
      %dma_wait3A_135 = tpu.memref_slice %arg18[%add3A_106, %dma_wait3A_134] : memref<10240x32xf32, #tpu.memory_space<vmem_shared>> -> memref<128x32xf32, #tpu.memory_space<vmem_shared>>
      %dma_wait3A_136 = arith.constant 0 : i32
      %dma_wait3A_137 = tpu.memref_slice %arg18[%add3A_106, %dma_wait3A_136] : memref<10240x32xf32, #tpu.memory_space<vmem_shared>> -> memref<128x32xf32, #tpu.memory_space<vmem_shared>>
      tpu.wait_dma2 semaphore(%run_scoped3A : memref<!tpu.dma_semaphore, #tpu.memory_space<semaphore_mem>>) src(%dma_wait3A_137 : memref<128x32xf32, #tpu.memory_space<vmem_shared>>) dst(%arg8 : memref<128x32xf32, #tpu.memory_space<vmem>>)
      tpu.yield
    }) : () -> ()
    "tpu.region"() ({
      %run_scoped3A = tpu.sem_alloc : memref<!tpu.dma_semaphore, #tpu.memory_space<semaphore_mem>>
      %dma_start3A_130 = arith.constant 0 : i32
      %dma_start3A_131 = tpu.memref_slice %arg17[%add3A_106, %dma_start3A_130] : memref<10240x32xf32, #tpu.memory_space<vmem_shared>> -> memref<128x32xf32, #tpu.memory_space<vmem_shared>>
      %dma_start3A_132 = arith.constant 0 : i32
      %dma_start3A_133 = tpu.memref_slice %arg17[%add3A_106, %dma_start3A_132] : memref<10240x32xf32, #tpu.memory_space<vmem_shared>> -> memref<128x32xf32, #tpu.memory_space<vmem_shared>>
      tpu.enqueue_dma source(%dma_start3A_133 : memref<128x32xf32, #tpu.memory_space<vmem_shared>>) target(%arg9 : memref<128x32xf32, #tpu.memory_space<vmem>>) target_semaphore(%run_scoped3A : memref<!tpu.dma_semaphore, #tpu.memory_space<semaphore_mem>>)
      %dma_wait3A_134 = arith.constant 0 : i32
      %dma_wait3A_135 = tpu.memref_slice %arg17[%add3A_106, %dma_wait3A_134] : memref<10240x32xf32, #tpu.memory_space<vmem_shared>> -> memref<128x32xf32, #tpu.memory_space<vmem_shared>>
      %dma_wait3A_136 = arith.constant 0 : i32
      %dma_wait3A_137 = tpu.memref_slice %arg17[%add3A_106, %dma_wait3A_136] : memref<10240x32xf32, #tpu.memory_space<vmem_shared>> -> memref<128x32xf32, #tpu.memory_space<vmem_shared>>
      tpu.wait_dma2 semaphore(%run_scoped3A : memref<!tpu.dma_semaphore, #tpu.memory_space<semaphore_mem>>) src(%dma_wait3A_137 : memref<128x32xf32, #tpu.memory_space<vmem_shared>>) dst(%arg9 : memref<128x32xf32, #tpu.memory_space<vmem>>)
      tpu.yield
    }) : () -> ()
    "tpu.region"() ({
      %run_scoped3A = tpu.sem_alloc : memref<!tpu.dma_semaphore, #tpu.memory_space<semaphore_mem>>
      %dma_start3A_130 = arith.constant 0 : i32
      %dma_start3A_131 = tpu.memref_slice %arg4[%add3A_106, %dma_start3A_130] : memref<10240x32xf32, #tpu.memory_space<hbm>> -> memref<128x32xf32, #tpu.memory_space<hbm>>
      %dma_start3A_132 = arith.constant 0 : i32
      %dma_start3A_133 = tpu.memref_slice %arg4[%add3A_106, %dma_start3A_132] : memref<10240x32xf32, #tpu.memory_space<hbm>> -> memref<128x32xf32, #tpu.memory_space<hbm>>
      tpu.enqueue_dma source(%dma_start3A_133 : memref<128x32xf32, #tpu.memory_space<hbm>>) target(%arg10 : memref<128x32xf32, #tpu.memory_space<vmem>>) target_semaphore(%run_scoped3A : memref<!tpu.dma_semaphore, #tpu.memory_space<semaphore_mem>>)
      %dma_wait3A_134 = arith.constant 0 : i32
      %dma_wait3A_135 = tpu.memref_slice %arg4[%add3A_106, %dma_wait3A_134] : memref<10240x32xf32, #tpu.memory_space<hbm>> -> memref<128x32xf32, #tpu.memory_space<hbm>>
      %dma_wait3A_136 = arith.constant 0 : i32
      %dma_wait3A_137 = tpu.memref_slice %arg4[%add3A_106, %dma_wait3A_136] : memref<10240x32xf32, #tpu.memory_space<hbm>> -> memref<128x32xf32, #tpu.memory_space<hbm>>
      tpu.wait_dma2 semaphore(%run_scoped3A : memref<!tpu.dma_semaphore, #tpu.memory_space<semaphore_mem>>) src(%dma_wait3A_137 : memref<128x32xf32, #tpu.memory_space<hbm>>) dst(%arg10 : memref<128x32xf32, #tpu.memory_space<vmem>>)
      tpu.yield
    }) : () -> ()
    %scan3A_107 = arith.constant 0 : i32
    %scan3A_108 = arith.constant 128 : i32
    %scan3A_109 = arith.addi %scan3A_107, %scan3A_108 : i32
    %scan3A_110 = arith.constant 1 : i32
    scf.for %scan3A_130 = %scan3A_107 to %scan3A_109 step %scan3A_110  : i32 {
      %mul3A_131 = arith.constant 1 : i32
      %mul3A_132 = arith.muli %scan3A_130, %mul3A_131 : i32
      %add3A_133 = arith.constant 0 : i32
      %add3A_134 = arith.addi %add3A_133, %mul3A_132 : i32
      %get3A = arith.index_cast %add3A_134 : i32 to index
      %get3A_135 = arith.constant 0 : index
      %get3A_136 = tpu.vector_load %arg8[%get3A, %get3A_135] {strides = array<i32>} : memref<128x32xf32, #tpu.memory_space<vmem>>, vector<1x16xf32>,
      %get3A_137 = vector.shape_cast %get3A_136 : vector<1x16xf32> to vector<16xf32>
      %get3A_138 = arith.index_cast %add3A_134 : i32 to index
      %get3A_139 = arith.constant 0 : index
      %get3A_140 = tpu.vector_load %arg9[%get3A_138, %get3A_139] {strides = array<i32>} : memref<128x32xf32, #tpu.memory_space<vmem>>, vector<1x16xf32>,
      %get3A_141 = vector.shape_cast %get3A_140 : vector<1x16xf32> to vector<16xf32>
      %add3A_142 = arith.addf %get3A_137, %get3A_141 : vector<16xf32>
      %get3A_143 = arith.index_cast %add3A_134 : i32 to index
      %get3A_144 = arith.constant 0 : index
      %get3A_145 = tpu.vector_load %arg10[%get3A_143, %get3A_144] {strides = array<i32>} : memref<128x32xf32, #tpu.memory_space<vmem>>, vector<1x16xf32>,
      %get3A_146 = vector.shape_cast %get3A_145 : vector<1x16xf32> to vector<16xf32>
      %mul3A_147 = arith.mulf %add3A_142, %get3A_146 : vector<16xf32>
      %get3A_148 = arith.constant 0 : i32
      %get3A_149 = arith.index_cast %get3A_148 : i32 to index
      %get3A_150 = arith.constant 0 : index
      %get3A_151 = tpu.vector_load %arg16[%get3A_149, %get3A_150] {strides = array<i32>} : memref<1x32xf32, #tpu.memory_space<vmem>>, vector<1x16xf32>,
      %get3A_152 = vector.shape_cast %get3A_151 : vector<1x16xf32> to vector<16xf32>
      %add3A_153 = arith.addf %mul3A_147, %get3A_152 : vector<16xf32>
      %swap3A = arith.index_cast %add3A_134 : i32 to index
      %swap3A_154 = arith.constant 0 : index
      %swap3A_155 = tpu.vector_load %arg8[%swap3A, %swap3A_154] {strides = array<i32>} : memref<128x32xf32, #tpu.memory_space<vmem>>, vector<1x16xf32>,
      %swap3A_156 = vector.shape_cast %swap3A_155 : vector<1x16xf32> to vector<16xf32>
      %swap3A_157 = vector.shape_cast %add3A_153 : vector<16xf32> to vector<1x16xf32>
      tpu.vector_store %arg8[%swap3A, %swap3A_154], %swap3A_157 {strides = array<i32>} : memref<128x32xf32, #tpu.memory_space<vmem>>, vector<1x16xf32>,
      %get3A_158 = arith.index_cast %add3A_134 : i32 to index
      %get3A_159 = arith.constant 16 : index
      %get3A_160 = tpu.vector_load %arg8[%get3A_158, %get3A_159] {strides = array<i32>} : memref<128x32xf32, #tpu.memory_space<vmem>>, vector<1x16xf32>,
      %get3A_161 = vector.shape_cast %get3A_160 : vector<1x16xf32> to vector<16xf32>
      %get3A_162 = arith.index_cast %add3A_134 : i32 to index
      %get3A_163 = arith.constant 16 : index
      %get3A_164 = tpu.vector_load %arg9[%get3A_162, %get3A_163] {strides = array<i32>} : memref<128x32xf32, #tpu.memory_space<vmem>>, vector<1x16xf32>,
      %get3A_165 = vector.shape_cast %get3A_164 : vector<1x16xf32> to vector<16xf32>
      %add3A_166 = arith.addf %get3A_161, %get3A_165 : vector<16xf32>
      %get3A_167 = arith.index_cast %add3A_134 : i32 to index
      %get3A_168 = arith.constant 16 : index
      %get3A_169 = tpu.vector_load %arg10[%get3A_167, %get3A_168] {strides = array<i32>} : memref<128x32xf32, #tpu.memory_space<vmem>>, vector<1x16xf32>,
      %get3A_170 = vector.shape_cast %get3A_169 : vector<1x16xf32> to vector<16xf32>
      %mul3A_171 = arith.mulf %add3A_166, %get3A_170 : vector<16xf32>
      %get3A_172 = arith.constant 0 : i32
      %get3A_173 = arith.index_cast %get3A_172 : i32 to index
      %get3A_174 = arith.constant 16 : index
      %get3A_175 = tpu.vector_load %arg16[%get3A_173, %get3A_174] {strides = array<i32>} : memref<1x32xf32, #tpu.memory_space<vmem>>, vector<1x16xf32>,
      %get3A_176 = vector.shape_cast %get3A_175 : vector<1x16xf32> to vector<16xf32>
      %add3A_177 = arith.addf %mul3A_171, %get3A_176 : vector<16xf32>
      %swap3A_178 = arith.index_cast %add3A_134 : i32 to index
      %swap3A_179 = arith.constant 16 : index
      %swap3A_180 = tpu.vector_load %arg8[%swap3A_178, %swap3A_179] {strides = array<i32>} : memref<128x32xf32, #tpu.memory_space<vmem>>, vector<1x16xf32>,
      %swap3A_181 = vector.shape_cast %swap3A_180 : vector<1x16xf32> to vector<16xf32>
      %swap3A_182 = vector.shape_cast %add3A_177 : vector<16xf32> to vector<1x16xf32>
      tpu.vector_store %arg8[%swap3A_178, %swap3A_179], %swap3A_182 {strides = array<i32>} : memref<128x32xf32, #tpu.memory_space<vmem>>, vector<1x16xf32>,
    }
    %scan3A_111 = arith.constant 128 : i32
    "tpu.region"() ({
      %run_scoped3A = tpu.sem_alloc : memref<!tpu.dma_semaphore, #tpu.memory_space<semaphore_mem>>
      %dma_start3A_130 = arith.constant 0 : i32
      %dma_start3A_131 = tpu.memref_slice %arg6[%arg0, %add3A_106, %dma_start3A_130] : memref<2x10240x32xf32, #tpu.memory_space<hbm>> -> memref<1x128x32xf32, #tpu.memory_space<hbm>>
      %dma_start3A_132 = tpu.memref_squeeze %dma_start3A_131 : memref<1x128x32xf32, #tpu.memory_space<hbm>> -> memref<128x32xf32, #tpu.memory_space<hbm>>
      %dma_start3A_133 = arith.constant 0 : i32
      %dma_start3A_134 = tpu.memref_slice %arg6[%arg0, %add3A_106, %dma_start3A_133] : memref<2x10240x32xf32, #tpu.memory_space<hbm>> -> memref<1x128x32xf32, #tpu.memory_space<hbm>>
      %dma_start3A_135 = tpu.memref_squeeze %dma_start3A_134 : memref<1x128x32xf32, #tpu.memory_space<hbm>> -> memref<128x32xf32, #tpu.memory_space<hbm>>
      tpu.enqueue_dma source(%arg8 : memref<128x32xf32, #tpu.memory_space<vmem>>) target(%dma_start3A_135 : memref<128x32xf32, #tpu.memory_space<hbm>>) target_semaphore(%run_scoped3A : memref<!tpu.dma_semaphore, #tpu.memory_space<semaphore_mem>>)
      %dma_wait3A_136 = arith.constant 0 : i32
      %dma_wait3A_137 = tpu.memref_slice %arg6[%arg0, %add3A_106, %dma_wait3A_136] : memref<2x10240x32xf32, #tpu.memory_space<hbm>> -> memref<1x128x32xf32, #tpu.memory_space<hbm>>
      %dma_wait3A_138 = tpu.memref_squeeze %dma_wait3A_137 : memref<1x128x32xf32, #tpu.memory_space<hbm>> -> memref<128x32xf32, #tpu.memory_space<hbm>>
      %dma_wait3A_139 = arith.constant 0 : i32
      %dma_wait3A_140 = tpu.memref_slice %arg6[%arg0, %add3A_106, %dma_wait3A_139] : memref<2x10240x32xf32, #tpu.memory_space<hbm>> -> memref<1x128x32xf32, #tpu.memory_space<hbm>>
      %dma_wait3A_141 = tpu.memref_squeeze %dma_wait3A_140 : memref<1x128x32xf32, #tpu.memory_space<hbm>> -> memref<128x32xf32, #tpu.memory_space<hbm>>
      tpu.wait_dma2 semaphore(%run_scoped3A : memref<!tpu.dma_semaphore, #tpu.memory_space<semaphore_mem>>) src(%arg8 : memref<128x32xf32, #tpu.memory_space<vmem>>) dst(%dma_wait3A_141 : memref<128x32xf32, #tpu.memory_space<hbm>>)
      tpu.yield
    }) : () -> ()
    %mul3A_112 = arith.constant 640 : i32
    %mul3A_113 = arith.muli %arg1, %mul3A_112 : i32
    %add3A_114 = arith.constant 384 : i32
    %add3A_115 = arith.addi %mul3A_113, %add3A_114 : i32
    "tpu.region"() ({
      %run_scoped3A = tpu.sem_alloc : memref<!tpu.dma_semaphore, #tpu.memory_space<semaphore_mem>>
      %dma_start3A_130 = arith.constant 0 : i32
      %dma_start3A_131 = tpu.memref_slice %arg18[%add3A_115, %dma_start3A_130] : memref<10240x32xf32, #tpu.memory_space<vmem_shared>> -> memref<128x32xf32, #tpu.memory_space<vmem_shared>>
      %dma_start3A_132 = arith.constant 0 : i32
      %dma_start3A_133 = tpu.memref_slice %arg18[%add3A_115, %dma_start3A_132] : memref<10240x32xf32, #tpu.memory_space<vmem_shared>> -> memref<128x32xf32, #tpu.memory_space<vmem_shared>>
      tpu.enqueue_dma source(%dma_start3A_133 : memref<128x32xf32, #tpu.memory_space<vmem_shared>>) target(%arg8 : memref<128x32xf32, #tpu.memory_space<vmem>>) target_semaphore(%run_scoped3A : memref<!tpu.dma_semaphore, #tpu.memory_space<semaphore_mem>>)
      %dma_wait3A_134 = arith.constant 0 : i32
      %dma_wait3A_135 = tpu.memref_slice %arg18[%add3A_115, %dma_wait3A_134] : memref<10240x32xf32, #tpu.memory_space<vmem_shared>> -> memref<128x32xf32, #tpu.memory_space<vmem_shared>>
      %dma_wait3A_136 = arith.constant 0 : i32
      %dma_wait3A_137 = tpu.memref_slice %arg18[%add3A_115, %dma_wait3A_136] : memref<10240x32xf32, #tpu.memory_space<vmem_shared>> -> memref<128x32xf32, #tpu.memory_space<vmem_shared>>
      tpu.wait_dma2 semaphore(%run_scoped3A : memref<!tpu.dma_semaphore, #tpu.memory_space<semaphore_mem>>) src(%dma_wait3A_137 : memref<128x32xf32, #tpu.memory_space<vmem_shared>>) dst(%arg8 : memref<128x32xf32, #tpu.memory_space<vmem>>)
      tpu.yield
    }) : () -> ()
    "tpu.region"() ({
      %run_scoped3A = tpu.sem_alloc : memref<!tpu.dma_semaphore, #tpu.memory_space<semaphore_mem>>
      %dma_start3A_130 = arith.constant 0 : i32
      %dma_start3A_131 = tpu.memref_slice %arg17[%add3A_115, %dma_start3A_130] : memref<10240x32xf32, #tpu.memory_space<vmem_shared>> -> memref<128x32xf32, #tpu.memory_space<vmem_shared>>
      %dma_start3A_132 = arith.constant 0 : i32
      %dma_start3A_133 = tpu.memref_slice %arg17[%add3A_115, %dma_start3A_132] : memref<10240x32xf32, #tpu.memory_space<vmem_shared>> -> memref<128x32xf32, #tpu.memory_space<vmem_shared>>
      tpu.enqueue_dma source(%dma_start3A_133 : memref<128x32xf32, #tpu.memory_space<vmem_shared>>) target(%arg9 : memref<128x32xf32, #tpu.memory_space<vmem>>) target_semaphore(%run_scoped3A : memref<!tpu.dma_semaphore, #tpu.memory_space<semaphore_mem>>)
      %dma_wait3A_134 = arith.constant 0 : i32
      %dma_wait3A_135 = tpu.memref_slice %arg17[%add3A_115, %dma_wait3A_134] : memref<10240x32xf32, #tpu.memory_space<vmem_shared>> -> memref<128x32xf32, #tpu.memory_space<vmem_shared>>
      %dma_wait3A_136 = arith.constant 0 : i32
      %dma_wait3A_137 = tpu.memref_slice %arg17[%add3A_115, %dma_wait3A_136] : memref<10240x32xf32, #tpu.memory_space<vmem_shared>> -> memref<128x32xf32, #tpu.memory_space<vmem_shared>>
      tpu.wait_dma2 semaphore(%run_scoped3A : memref<!tpu.dma_semaphore, #tpu.memory_space<semaphore_mem>>) src(%dma_wait3A_137 : memref<128x32xf32, #tpu.memory_space<vmem_shared>>) dst(%arg9 : memref<128x32xf32, #tpu.memory_space<vmem>>)
      tpu.yield
    }) : () -> ()
    "tpu.region"() ({
      %run_scoped3A = tpu.sem_alloc : memref<!tpu.dma_semaphore, #tpu.memory_space<semaphore_mem>>
      %dma_start3A_130 = arith.constant 0 : i32
      %dma_start3A_131 = tpu.memref_slice %arg4[%add3A_115, %dma_start3A_130] : memref<10240x32xf32, #tpu.memory_space<hbm>> -> memref<128x32xf32, #tpu.memory_space<hbm>>
      %dma_start3A_132 = arith.constant 0 : i32
      %dma_start3A_133 = tpu.memref_slice %arg4[%add3A_115, %dma_start3A_132] : memref<10240x32xf32, #tpu.memory_space<hbm>> -> memref<128x32xf32, #tpu.memory_space<hbm>>
      tpu.enqueue_dma source(%dma_start3A_133 : memref<128x32xf32, #tpu.memory_space<hbm>>) target(%arg10 : memref<128x32xf32, #tpu.memory_space<vmem>>) target_semaphore(%run_scoped3A : memref<!tpu.dma_semaphore, #tpu.memory_space<semaphore_mem>>)
      %dma_wait3A_134 = arith.constant 0 : i32
      %dma_wait3A_135 = tpu.memref_slice %arg4[%add3A_115, %dma_wait3A_134] : memref<10240x32xf32, #tpu.memory_space<hbm>> -> memref<128x32xf32, #tpu.memory_space<hbm>>
      %dma_wait3A_136 = arith.constant 0 : i32
      %dma_wait3A_137 = tpu.memref_slice %arg4[%add3A_115, %dma_wait3A_136] : memref<10240x32xf32, #tpu.memory_space<hbm>> -> memref<128x32xf32, #tpu.memory_space<hbm>>
      tpu.wait_dma2 semaphore(%run_scoped3A : memref<!tpu.dma_semaphore, #tpu.memory_space<semaphore_mem>>) src(%dma_wait3A_137 : memref<128x32xf32, #tpu.memory_space<hbm>>) dst(%arg10 : memref<128x32xf32, #tpu.memory_space<vmem>>)
      tpu.yield
    }) : () -> ()
    %scan3A_116 = arith.constant 0 : i32
    %scan3A_117 = arith.constant 128 : i32
    %scan3A_118 = arith.addi %scan3A_116, %scan3A_117 : i32
    %scan3A_119 = arith.constant 1 : i32
    scf.for %scan3A_130 = %scan3A_116 to %scan3A_118 step %scan3A_119  : i32 {
      %mul3A_131 = arith.constant 1 : i32
      %mul3A_132 = arith.muli %scan3A_130, %mul3A_131 : i32
      %add3A_133 = arith.constant 0 : i32
      %add3A_134 = arith.addi %add3A_133, %mul3A_132 : i32
      %get3A = arith.index_cast %add3A_134 : i32 to index
      %get3A_135 = arith.constant 0 : index
      %get3A_136 = tpu.vector_load %arg8[%get3A, %get3A_135] {strides = array<i32>} : memref<128x32xf32, #tpu.memory_space<vmem>>, vector<1x16xf32>,
      %get3A_137 = vector.shape_cast %get3A_136 : vector<1x16xf32> to vector<16xf32>
      %get3A_138 = arith.index_cast %add3A_134 : i32 to index
      %get3A_139 = arith.constant 0 : index
      %get3A_140 = tpu.vector_load %arg9[%get3A_138, %get3A_139] {strides = array<i32>} : memref<128x32xf32, #tpu.memory_space<vmem>>, vector<1x16xf32>,
      %get3A_141 = vector.shape_cast %get3A_140 : vector<1x16xf32> to vector<16xf32>
      %add3A_142 = arith.addf %get3A_137, %get3A_141 : vector<16xf32>
      %get3A_143 = arith.index_cast %add3A_134 : i32 to index
      %get3A_144 = arith.constant 0 : index
      %get3A_145 = tpu.vector_load %arg10[%get3A_143, %get3A_144] {strides = array<i32>} : memref<128x32xf32, #tpu.memory_space<vmem>>, vector<1x16xf32>,
      %get3A_146 = vector.shape_cast %get3A_145 : vector<1x16xf32> to vector<16xf32>
      %mul3A_147 = arith.mulf %add3A_142, %get3A_146 : vector<16xf32>
      %get3A_148 = arith.constant 0 : i32
      %get3A_149 = arith.index_cast %get3A_148 : i32 to index
      %get3A_150 = arith.constant 0 : index
      %get3A_151 = tpu.vector_load %arg16[%get3A_149, %get3A_150] {strides = array<i32>} : memref<1x32xf32, #tpu.memory_space<vmem>>, vector<1x16xf32>,
      %get3A_152 = vector.shape_cast %get3A_151 : vector<1x16xf32> to vector<16xf32>
      %add3A_153 = arith.addf %mul3A_147, %get3A_152 : vector<16xf32>
      %swap3A = arith.index_cast %add3A_134 : i32 to index
      %swap3A_154 = arith.constant 0 : index
      %swap3A_155 = tpu.vector_load %arg8[%swap3A, %swap3A_154] {strides = array<i32>} : memref<128x32xf32, #tpu.memory_space<vmem>>, vector<1x16xf32>,
      %swap3A_156 = vector.shape_cast %swap3A_155 : vector<1x16xf32> to vector<16xf32>
      %swap3A_157 = vector.shape_cast %add3A_153 : vector<16xf32> to vector<1x16xf32>
      tpu.vector_store %arg8[%swap3A, %swap3A_154], %swap3A_157 {strides = array<i32>} : memref<128x32xf32, #tpu.memory_space<vmem>>, vector<1x16xf32>,
      %get3A_158 = arith.index_cast %add3A_134 : i32 to index
      %get3A_159 = arith.constant 16 : index
      %get3A_160 = tpu.vector_load %arg8[%get3A_158, %get3A_159] {strides = array<i32>} : memref<128x32xf32, #tpu.memory_space<vmem>>, vector<1x16xf32>,
      %get3A_161 = vector.shape_cast %get3A_160 : vector<1x16xf32> to vector<16xf32>
      %get3A_162 = arith.index_cast %add3A_134 : i32 to index
      %get3A_163 = arith.constant 16 : index
      %get3A_164 = tpu.vector_load %arg9[%get3A_162, %get3A_163] {strides = array<i32>} : memref<128x32xf32, #tpu.memory_space<vmem>>, vector<1x16xf32>,
      %get3A_165 = vector.shape_cast %get3A_164 : vector<1x16xf32> to vector<16xf32>
      %add3A_166 = arith.addf %get3A_161, %get3A_165 : vector<16xf32>
      %get3A_167 = arith.index_cast %add3A_134 : i32 to index
      %get3A_168 = arith.constant 16 : index
      %get3A_169 = tpu.vector_load %arg10[%get3A_167, %get3A_168] {strides = array<i32>} : memref<128x32xf32, #tpu.memory_space<vmem>>, vector<1x16xf32>,
      %get3A_170 = vector.shape_cast %get3A_169 : vector<1x16xf32> to vector<16xf32>
      %mul3A_171 = arith.mulf %add3A_166, %get3A_170 : vector<16xf32>
      %get3A_172 = arith.constant 0 : i32
      %get3A_173 = arith.index_cast %get3A_172 : i32 to index
      %get3A_174 = arith.constant 16 : index
      %get3A_175 = tpu.vector_load %arg16[%get3A_173, %get3A_174] {strides = array<i32>} : memref<1x32xf32, #tpu.memory_space<vmem>>, vector<1x16xf32>,
      %get3A_176 = vector.shape_cast %get3A_175 : vector<1x16xf32> to vector<16xf32>
      %add3A_177 = arith.addf %mul3A_171, %get3A_176 : vector<16xf32>
      %swap3A_178 = arith.index_cast %add3A_134 : i32 to index
      %swap3A_179 = arith.constant 16 : index
      %swap3A_180 = tpu.vector_load %arg8[%swap3A_178, %swap3A_179] {strides = array<i32>} : memref<128x32xf32, #tpu.memory_space<vmem>>, vector<1x16xf32>,
      %swap3A_181 = vector.shape_cast %swap3A_180 : vector<1x16xf32> to vector<16xf32>
      %swap3A_182 = vector.shape_cast %add3A_177 : vector<16xf32> to vector<1x16xf32>
      tpu.vector_store %arg8[%swap3A_178, %swap3A_179], %swap3A_182 {strides = array<i32>} : memref<128x32xf32, #tpu.memory_space<vmem>>, vector<1x16xf32>,
    }
    %scan3A_120 = arith.constant 128 : i32
    "tpu.region"() ({
      %run_scoped3A = tpu.sem_alloc : memref<!tpu.dma_semaphore, #tpu.memory_space<semaphore_mem>>
      %dma_start3A_130 = arith.constant 0 : i32
      %dma_start3A_131 = tpu.memref_slice %arg6[%arg0, %add3A_115, %dma_start3A_130] : memref<2x10240x32xf32, #tpu.memory_space<hbm>> -> memref<1x128x32xf32, #tpu.memory_space<hbm>>
      %dma_start3A_132 = tpu.memref_squeeze %dma_start3A_131 : memref<1x128x32xf32, #tpu.memory_space<hbm>> -> memref<128x32xf32, #tpu.memory_space<hbm>>
      %dma_start3A_133 = arith.constant 0 : i32
      %dma_start3A_134 = tpu.memref_slice %arg6[%arg0, %add3A_115, %dma_start3A_133] : memref<2x10240x32xf32, #tpu.memory_space<hbm>> -> memref<1x128x32xf32, #tpu.memory_space<hbm>>
      %dma_start3A_135 = tpu.memref_squeeze %dma_start3A_134 : memref<1x128x32xf32, #tpu.memory_space<hbm>> -> memref<128x32xf32, #tpu.memory_space<hbm>>
      tpu.enqueue_dma source(%arg8 : memref<128x32xf32, #tpu.memory_space<vmem>>) target(%dma_start3A_135 : memref<128x32xf32, #tpu.memory_space<hbm>>) target_semaphore(%run_scoped3A : memref<!tpu.dma_semaphore, #tpu.memory_space<semaphore_mem>>)
      %dma_wait3A_136 = arith.constant 0 : i32
      %dma_wait3A_137 = tpu.memref_slice %arg6[%arg0, %add3A_115, %dma_wait3A_136] : memref<2x10240x32xf32, #tpu.memory_space<hbm>> -> memref<1x128x32xf32, #tpu.memory_space<hbm>>
      %dma_wait3A_138 = tpu.memref_squeeze %dma_wait3A_137 : memref<1x128x32xf32, #tpu.memory_space<hbm>> -> memref<128x32xf32, #tpu.memory_space<hbm>>
      %dma_wait3A_139 = arith.constant 0 : i32
      %dma_wait3A_140 = tpu.memref_slice %arg6[%arg0, %add3A_115, %dma_wait3A_139] : memref<2x10240x32xf32, #tpu.memory_space<hbm>> -> memref<1x128x32xf32, #tpu.memory_space<hbm>>
      %dma_wait3A_141 = tpu.memref_squeeze %dma_wait3A_140 : memref<1x128x32xf32, #tpu.memory_space<hbm>> -> memref<128x32xf32, #tpu.memory_space<hbm>>
      tpu.wait_dma2 semaphore(%run_scoped3A : memref<!tpu.dma_semaphore, #tpu.memory_space<semaphore_mem>>) src(%arg8 : memref<128x32xf32, #tpu.memory_space<vmem>>) dst(%dma_wait3A_141 : memref<128x32xf32, #tpu.memory_space<hbm>>)
      tpu.yield
    }) : () -> ()
    %mul3A_121 = arith.constant 640 : i32
    %mul3A_122 = arith.muli %arg1, %mul3A_121 : i32
    %add3A_123 = arith.constant 512 : i32
    %add3A_124 = arith.addi %mul3A_122, %add3A_123 : i32
    "tpu.region"() ({
      %run_scoped3A = tpu.sem_alloc : memref<!tpu.dma_semaphore, #tpu.memory_space<semaphore_mem>>
      %dma_start3A_130 = arith.constant 0 : i32
      %dma_start3A_131 = tpu.memref_slice %arg18[%add3A_124, %dma_start3A_130] : memref<10240x32xf32, #tpu.memory_space<vmem_shared>> -> memref<128x32xf32, #tpu.memory_space<vmem_shared>>
      %dma_start3A_132 = arith.constant 0 : i32
      %dma_start3A_133 = tpu.memref_slice %arg18[%add3A_124, %dma_start3A_132] : memref<10240x32xf32, #tpu.memory_space<vmem_shared>> -> memref<128x32xf32, #tpu.memory_space<vmem_shared>>
      tpu.enqueue_dma source(%dma_start3A_133 : memref<128x32xf32, #tpu.memory_space<vmem_shared>>) target(%arg8 : memref<128x32xf32, #tpu.memory_space<vmem>>) target_semaphore(%run_scoped3A : memref<!tpu.dma_semaphore, #tpu.memory_space<semaphore_mem>>)
      %dma_wait3A_134 = arith.constant 0 : i32
      %dma_wait3A_135 = tpu.memref_slice %arg18[%add3A_124, %dma_wait3A_134] : memref<10240x32xf32, #tpu.memory_space<vmem_shared>> -> memref<128x32xf32, #tpu.memory_space<vmem_shared>>
      %dma_wait3A_136 = arith.constant 0 : i32
      %dma_wait3A_137 = tpu.memref_slice %arg18[%add3A_124, %dma_wait3A_136] : memref<10240x32xf32, #tpu.memory_space<vmem_shared>> -> memref<128x32xf32, #tpu.memory_space<vmem_shared>>
      tpu.wait_dma2 semaphore(%run_scoped3A : memref<!tpu.dma_semaphore, #tpu.memory_space<semaphore_mem>>) src(%dma_wait3A_137 : memref<128x32xf32, #tpu.memory_space<vmem_shared>>) dst(%arg8 : memref<128x32xf32, #tpu.memory_space<vmem>>)
      tpu.yield
    }) : () -> ()
    "tpu.region"() ({
      %run_scoped3A = tpu.sem_alloc : memref<!tpu.dma_semaphore, #tpu.memory_space<semaphore_mem>>
      %dma_start3A_130 = arith.constant 0 : i32
      %dma_start3A_131 = tpu.memref_slice %arg17[%add3A_124, %dma_start3A_130] : memref<10240x32xf32, #tpu.memory_space<vmem_shared>> -> memref<128x32xf32, #tpu.memory_space<vmem_shared>>
      %dma_start3A_132 = arith.constant 0 : i32
      %dma_start3A_133 = tpu.memref_slice %arg17[%add3A_124, %dma_start3A_132] : memref<10240x32xf32, #tpu.memory_space<vmem_shared>> -> memref<128x32xf32, #tpu.memory_space<vmem_shared>>
      tpu.enqueue_dma source(%dma_start3A_133 : memref<128x32xf32, #tpu.memory_space<vmem_shared>>) target(%arg9 : memref<128x32xf32, #tpu.memory_space<vmem>>) target_semaphore(%run_scoped3A : memref<!tpu.dma_semaphore, #tpu.memory_space<semaphore_mem>>)
      %dma_wait3A_134 = arith.constant 0 : i32
      %dma_wait3A_135 = tpu.memref_slice %arg17[%add3A_124, %dma_wait3A_134] : memref<10240x32xf32, #tpu.memory_space<vmem_shared>> -> memref<128x32xf32, #tpu.memory_space<vmem_shared>>
      %dma_wait3A_136 = arith.constant 0 : i32
      %dma_wait3A_137 = tpu.memref_slice %arg17[%add3A_124, %dma_wait3A_136] : memref<10240x32xf32, #tpu.memory_space<vmem_shared>> -> memref<128x32xf32, #tpu.memory_space<vmem_shared>>
      tpu.wait_dma2 semaphore(%run_scoped3A : memref<!tpu.dma_semaphore, #tpu.memory_space<semaphore_mem>>) src(%dma_wait3A_137 : memref<128x32xf32, #tpu.memory_space<vmem_shared>>) dst(%arg9 : memref<128x32xf32, #tpu.memory_space<vmem>>)
      tpu.yield
    }) : () -> ()
    "tpu.region"() ({
      %run_scoped3A = tpu.sem_alloc : memref<!tpu.dma_semaphore, #tpu.memory_space<semaphore_mem>>
      %dma_start3A_130 = arith.constant 0 : i32
      %dma_start3A_131 = tpu.memref_slice %arg4[%add3A_124, %dma_start3A_130] : memref<10240x32xf32, #tpu.memory_space<hbm>> -> memref<128x32xf32, #tpu.memory_space<hbm>>
      %dma_start3A_132 = arith.constant 0 : i32
      %dma_start3A_133 = tpu.memref_slice %arg4[%add3A_124, %dma_start3A_132] : memref<10240x32xf32, #tpu.memory_space<hbm>> -> memref<128x32xf32, #tpu.memory_space<hbm>>
      tpu.enqueue_dma source(%dma_start3A_133 : memref<128x32xf32, #tpu.memory_space<hbm>>) target(%arg10 : memref<128x32xf32, #tpu.memory_space<vmem>>) target_semaphore(%run_scoped3A : memref<!tpu.dma_semaphore, #tpu.memory_space<semaphore_mem>>)
      %dma_wait3A_134 = arith.constant 0 : i32
      %dma_wait3A_135 = tpu.memref_slice %arg4[%add3A_124, %dma_wait3A_134] : memref<10240x32xf32, #tpu.memory_space<hbm>> -> memref<128x32xf32, #tpu.memory_space<hbm>>
      %dma_wait3A_136 = arith.constant 0 : i32
      %dma_wait3A_137 = tpu.memref_slice %arg4[%add3A_124, %dma_wait3A_136] : memref<10240x32xf32, #tpu.memory_space<hbm>> -> memref<128x32xf32, #tpu.memory_space<hbm>>
      tpu.wait_dma2 semaphore(%run_scoped3A : memref<!tpu.dma_semaphore, #tpu.memory_space<semaphore_mem>>) src(%dma_wait3A_137 : memref<128x32xf32, #tpu.memory_space<hbm>>) dst(%arg10 : memref<128x32xf32, #tpu.memory_space<vmem>>)
      tpu.yield
    }) : () -> ()
    %scan3A_125 = arith.constant 0 : i32
    %scan3A_126 = arith.constant 128 : i32
    %scan3A_127 = arith.addi %scan3A_125, %scan3A_126 : i32
    %scan3A_128 = arith.constant 1 : i32
    scf.for %scan3A_130 = %scan3A_125 to %scan3A_127 step %scan3A_128  : i32 {
      %mul3A_131 = arith.constant 1 : i32
      %mul3A_132 = arith.muli %scan3A_130, %mul3A_131 : i32
      %add3A_133 = arith.constant 0 : i32
      %add3A_134 = arith.addi %add3A_133, %mul3A_132 : i32
      %get3A = arith.index_cast %add3A_134 : i32 to index
      %get3A_135 = arith.constant 0 : index
      %get3A_136 = tpu.vector_load %arg8[%get3A, %get3A_135] {strides = array<i32>} : memref<128x32xf32, #tpu.memory_space<vmem>>, vector<1x16xf32>,
      %get3A_137 = vector.shape_cast %get3A_136 : vector<1x16xf32> to vector<16xf32>
      %get3A_138 = arith.index_cast %add3A_134 : i32 to index
      %get3A_139 = arith.constant 0 : index
      %get3A_140 = tpu.vector_load %arg9[%get3A_138, %get3A_139] {strides = array<i32>} : memref<128x32xf32, #tpu.memory_space<vmem>>, vector<1x16xf32>,
      %get3A_141 = vector.shape_cast %get3A_140 : vector<1x16xf32> to vector<16xf32>
      %add3A_142 = arith.addf %get3A_137, %get3A_141 : vector<16xf32>
      %get3A_143 = arith.index_cast %add3A_134 : i32 to index
      %get3A_144 = arith.constant 0 : index
      %get3A_145 = tpu.vector_load %arg10[%get3A_143, %get3A_144] {strides = array<i32>} : memref<128x32xf32, #tpu.memory_space<vmem>>, vector<1x16xf32>,
      %get3A_146 = vector.shape_cast %get3A_145 : vector<1x16xf32> to vector<16xf32>
      %mul3A_147 = arith.mulf %add3A_142, %get3A_146 : vector<16xf32>
      %get3A_148 = arith.constant 0 : i32
      %get3A_149 = arith.index_cast %get3A_148 : i32 to index
      %get3A_150 = arith.constant 0 : index
      %get3A_151 = tpu.vector_load %arg16[%get3A_149, %get3A_150] {strides = array<i32>} : memref<1x32xf32, #tpu.memory_space<vmem>>, vector<1x16xf32>,
      %get3A_152 = vector.shape_cast %get3A_151 : vector<1x16xf32> to vector<16xf32>
      %add3A_153 = arith.addf %mul3A_147, %get3A_152 : vector<16xf32>
      %swap3A = arith.index_cast %add3A_134 : i32 to index
      %swap3A_154 = arith.constant 0 : index
      %swap3A_155 = tpu.vector_load %arg8[%swap3A, %swap3A_154] {strides = array<i32>} : memref<128x32xf32, #tpu.memory_space<vmem>>, vector<1x16xf32>,
      %swap3A_156 = vector.shape_cast %swap3A_155 : vector<1x16xf32> to vector<16xf32>
      %swap3A_157 = vector.shape_cast %add3A_153 : vector<16xf32> to vector<1x16xf32>
      tpu.vector_store %arg8[%swap3A, %swap3A_154], %swap3A_157 {strides = array<i32>} : memref<128x32xf32, #tpu.memory_space<vmem>>, vector<1x16xf32>,
      %get3A_158 = arith.index_cast %add3A_134 : i32 to index
      %get3A_159 = arith.constant 16 : index
      %get3A_160 = tpu.vector_load %arg8[%get3A_158, %get3A_159] {strides = array<i32>} : memref<128x32xf32, #tpu.memory_space<vmem>>, vector<1x16xf32>,
      %get3A_161 = vector.shape_cast %get3A_160 : vector<1x16xf32> to vector<16xf32>
      %get3A_162 = arith.index_cast %add3A_134 : i32 to index
      %get3A_163 = arith.constant 16 : index
      %get3A_164 = tpu.vector_load %arg9[%get3A_162, %get3A_163] {strides = array<i32>} : memref<128x32xf32, #tpu.memory_space<vmem>>, vector<1x16xf32>,
      %get3A_165 = vector.shape_cast %get3A_164 : vector<1x16xf32> to vector<16xf32>
      %add3A_166 = arith.addf %get3A_161, %get3A_165 : vector<16xf32>
      %get3A_167 = arith.index_cast %add3A_134 : i32 to index
      %get3A_168 = arith.constant 16 : index
      %get3A_169 = tpu.vector_load %arg10[%get3A_167, %get3A_168] {strides = array<i32>} : memref<128x32xf32, #tpu.memory_space<vmem>>, vector<1x16xf32>,
      %get3A_170 = vector.shape_cast %get3A_169 : vector<1x16xf32> to vector<16xf32>
      %mul3A_171 = arith.mulf %add3A_166, %get3A_170 : vector<16xf32>
      %get3A_172 = arith.constant 0 : i32
      %get3A_173 = arith.index_cast %get3A_172 : i32 to index
      %get3A_174 = arith.constant 16 : index
      %get3A_175 = tpu.vector_load %arg16[%get3A_173, %get3A_174] {strides = array<i32>} : memref<1x32xf32, #tpu.memory_space<vmem>>, vector<1x16xf32>,
      %get3A_176 = vector.shape_cast %get3A_175 : vector<1x16xf32> to vector<16xf32>
      %add3A_177 = arith.addf %mul3A_171, %get3A_176 : vector<16xf32>
      %swap3A_178 = arith.index_cast %add3A_134 : i32 to index
      %swap3A_179 = arith.constant 16 : index
      %swap3A_180 = tpu.vector_load %arg8[%swap3A_178, %swap3A_179] {strides = array<i32>} : memref<128x32xf32, #tpu.memory_space<vmem>>, vector<1x16xf32>,
      %swap3A_181 = vector.shape_cast %swap3A_180 : vector<1x16xf32> to vector<16xf32>
      %swap3A_182 = vector.shape_cast %add3A_177 : vector<16xf32> to vector<1x16xf32>
      tpu.vector_store %arg8[%swap3A_178, %swap3A_179], %swap3A_182 {strides = array<i32>} : memref<128x32xf32, #tpu.memory_space<vmem>>, vector<1x16xf32>,
    }
    %scan3A_129 = arith.constant 128 : i32
    "tpu.region"() ({
      %run_scoped3A = tpu.sem_alloc : memref<!tpu.dma_semaphore, #tpu.memory_space<semaphore_mem>>
      %dma_start3A_130 = arith.constant 0 : i32
      %dma_start3A_131 = tpu.memref_slice %arg6[%arg0, %add3A_124, %dma_start3A_130] : memref<2x10240x32xf32, #tpu.memory_space<hbm>> -> memref<1x128x32xf32, #tpu.memory_space<hbm>>
      %dma_start3A_132 = tpu.memref_squeeze %dma_start3A_131 : memref<1x128x32xf32, #tpu.memory_space<hbm>> -> memref<128x32xf32, #tpu.memory_space<hbm>>
      %dma_start3A_133 = arith.constant 0 : i32
      %dma_start3A_134 = tpu.memref_slice %arg6[%arg0, %add3A_124, %dma_start3A_133] : memref<2x10240x32xf32, #tpu.memory_space<hbm>> -> memref<1x128x32xf32, #tpu.memory_space<hbm>>
      %dma_start3A_135 = tpu.memref_squeeze %dma_start3A_134 : memref<1x128x32xf32, #tpu.memory_space<hbm>> -> memref<128x32xf32, #tpu.memory_space<hbm>>
      tpu.enqueue_dma source(%arg8 : memref<128x32xf32, #tpu.memory_space<vmem>>) target(%dma_start3A_135 : memref<128x32xf32, #tpu.memory_space<hbm>>) target_semaphore(%run_scoped3A : memref<!tpu.dma_semaphore, #tpu.memory_space<semaphore_mem>>)
      %dma_wait3A_136 = arith.constant 0 : i32
      %dma_wait3A_137 = tpu.memref_slice %arg6[%arg0, %add3A_124, %dma_wait3A_136] : memref<2x10240x32xf32, #tpu.memory_space<hbm>> -> memref<1x128x32xf32, #tpu.memory_space<hbm>>
      %dma_wait3A_138 = tpu.memref_squeeze %dma_wait3A_137 : memref<1x128x32xf32, #tpu.memory_space<hbm>> -> memref<128x32xf32, #tpu.memory_space<hbm>>
      %dma_wait3A_139 = arith.constant 0 : i32
      %dma_wait3A_140 = tpu.memref_slice %arg6[%arg0, %add3A_124, %dma_wait3A_139] : memref<2x10240x32xf32, #tpu.memory_space<hbm>> -> memref<1x128x32xf32, #tpu.memory_space<hbm>>
      %dma_wait3A_141 = tpu.memref_squeeze %dma_wait3A_140 : memref<1x128x32xf32, #tpu.memory_space<hbm>> -> memref<128x32xf32, #tpu.memory_space<hbm>>
      tpu.wait_dma2 semaphore(%run_scoped3A : memref<!tpu.dma_semaphore, #tpu.memory_space<semaphore_mem>>) src(%arg8 : memref<128x32xf32, #tpu.memory_space<vmem>>) dst(%dma_wait3A_141 : memref<128x32xf32, #tpu.memory_space<hbm>>)
      tpu.yield
    }) : () -> ()
    return
  }
}

#map = affine_map<(d0, d1) -> (0, 0, 0)>
#map1 = affine_map<(d0, d1) -> (0, 0)>
module attributes {stable_mosaic.version = 14 : i64} {
  func.func @_deg_pass(%arg0: i32, %arg1: i32, %arg2: memref<2560x2x128xi32, #tpu.memory_space<hbm>>, %arg3: memref<192x8xf32, #tpu.memory_space<hbm>>, %arg4: memref<2x10240x8xf32, #tpu.memory_space<hbm>>, %arg5: memref<80x2x128xi32, #tpu.memory_space<vmem>>, %arg6: memref<192x8xf32, #tpu.memory_space<vmem>>, %arg7: memref<10240x8xf32, #tpu.memory_space<vmem_shared>>, %arg8: memref<!tpu.dma_semaphore, #tpu.memory_space<semaphore_mem>>, %arg9: memref<!tpu.dma_semaphore, #tpu.memory_space<semaphore_mem>>, %arg10: memref<!tpu.dma_semaphore, #tpu.memory_space<semaphore_mem>>, %arg11: memref<!tpu.dma_semaphore, #tpu.memory_space<semaphore_mem>>, %arg12: memref<!tpu.dma_semaphore, #tpu.memory_space<semaphore_mem>>, %arg13: memref<!tpu.dma_semaphore, #tpu.memory_space<semaphore_mem>>) attributes {dimension_semantics = [#tpu.dimension_semantics<core_parallel>, #tpu.dimension_semantics<subcore_parallel>], iteration_bounds = array<i64: 2, 16>, scalar_prefetch = 0 : i64, scratch_operands = 9 : i64, tpu.core_type = #tpu.core_type<sc_vector_subcore>, window_params = [{transform_indices = #map}, {transform_indices = #map1}, {transform_indices = #map}]} {
    %mul3A = arith.constant 16 : i32
    %mul3A_0 = arith.muli %arg0, %mul3A : i32
    %add3A = arith.addi %mul3A_0, %arg1 : i32
    %mul3A_1 = arith.constant 80 : i32
    %mul3A_2 = arith.muli %add3A, %mul3A_1 : i32
    %dma_start3A = arith.constant 0 : i32
    %dma_start3A_3 = arith.constant 0 : i32
    %dma_start3A_4 = tpu.memref_slice %arg2[%mul3A_2, %dma_start3A, %dma_start3A_3] : memref<2560x2x128xi32, #tpu.memory_space<hbm>> -> memref<80x2x128xi32, #tpu.memory_space<hbm>>
    %dma_start3A_5 = arith.constant 0 : i32
    %dma_start3A_6 = arith.constant 0 : i32
    %dma_start3A_7 = tpu.memref_slice %arg2[%mul3A_2, %dma_start3A_5, %dma_start3A_6] : memref<2560x2x128xi32, #tpu.memory_space<hbm>> -> memref<80x2x128xi32, #tpu.memory_space<hbm>>
    tpu.enqueue_dma source(%dma_start3A_7 : memref<80x2x128xi32, #tpu.memory_space<hbm>>) target(%arg5 : memref<80x2x128xi32, #tpu.memory_space<vmem>>) target_semaphore(%arg13 : memref<!tpu.dma_semaphore, #tpu.memory_space<semaphore_mem>>)
    "tpu.region"() ({
      %run_scoped3A = tpu.sem_alloc : memref<!tpu.dma_semaphore, #tpu.memory_space<semaphore_mem>>
      tpu.enqueue_dma source(%arg3 : memref<192x8xf32, #tpu.memory_space<hbm>>) target(%arg6 : memref<192x8xf32, #tpu.memory_space<vmem>>) target_semaphore(%run_scoped3A : memref<!tpu.dma_semaphore, #tpu.memory_space<semaphore_mem>>)
      tpu.wait_dma2 semaphore(%run_scoped3A : memref<!tpu.dma_semaphore, #tpu.memory_space<semaphore_mem>>) src(%arg3 : memref<192x8xf32, #tpu.memory_space<hbm>>) dst(%arg6 : memref<192x8xf32, #tpu.memory_space<vmem>>)
      tpu.yield
    }) : () -> ()
    %scan3A = arith.constant 0 : i32
    %scan3A_8 = arith.constant 10 : i32
    %scan3A_9 = arith.addi %scan3A, %scan3A_8 : i32
    %scan3A_10 = arith.constant 1 : i32
    scf.for %scan3A_87 = %scan3A to %scan3A_9 step %scan3A_10  : i32 {
      %mul3A_88 = arith.constant 1 : i32
      %mul3A_89 = arith.muli %scan3A_87, %mul3A_88 : i32
      %add3A_90 = arith.constant 0 : i32
      %add3A_91 = arith.addi %add3A_90, %mul3A_89 : i32
      %mul3A_92 = arith.constant 640 : i32
      %mul3A_93 = arith.muli %arg1, %mul3A_92 : i32
      %mul3A_94 = arith.constant 64 : i32
      %mul3A_95 = arith.muli %add3A_91, %mul3A_94 : i32
      %add3A_96 = arith.addi %mul3A_93, %mul3A_95 : i32
      "tpu.region"() ({
        %run_scoped3A = tpu.sem_alloc : memref<!tpu.dma_semaphore, #tpu.memory_space<semaphore_mem>>
        %dma_start3A_97 = arith.constant 0 : i32
        %dma_start3A_98 = arith.constant 0 : i32
        %dma_start3A_99 = tpu.memref_slice %arg6[%dma_start3A_97, %dma_start3A_98] : memref<192x8xf32, #tpu.memory_space<vmem>> -> memref<64x8xf32, #tpu.memory_space<vmem>>
        %dma_start3A_100 = arith.constant 0 : i32
        %dma_start3A_101 = tpu.memref_slice %arg7[%add3A_96, %dma_start3A_100] : memref<10240x8xf32, #tpu.memory_space<vmem_shared>> -> memref<64x8xf32, #tpu.memory_space<vmem_shared>>
        %dma_start3A_102 = arith.constant 0 : i32
        %dma_start3A_103 = tpu.memref_slice %arg7[%add3A_96, %dma_start3A_102] : memref<10240x8xf32, #tpu.memory_space<vmem_shared>> -> memref<64x8xf32, #tpu.memory_space<vmem_shared>>
        %dma_start3A_104 = arith.constant 0 : i32
        %dma_start3A_105 = arith.constant 0 : i32
        %dma_start3A_106 = tpu.memref_slice %arg6[%dma_start3A_104, %dma_start3A_105] : memref<192x8xf32, #tpu.memory_space<vmem>> -> memref<64x8xf32, #tpu.memory_space<vmem>>
        tpu.enqueue_dma source(%dma_start3A_106 : memref<64x8xf32, #tpu.memory_space<vmem>>) target(%dma_start3A_103 : memref<64x8xf32, #tpu.memory_space<vmem_shared>>) target_semaphore(%run_scoped3A : memref<!tpu.dma_semaphore, #tpu.memory_space<semaphore_mem>>)
        %dma_wait3A_107 = arith.constant 0 : i32
        %dma_wait3A_108 = arith.constant 0 : i32
        %dma_wait3A_109 = tpu.memref_slice %arg6[%dma_wait3A_107, %dma_wait3A_108] : memref<192x8xf32, #tpu.memory_space<vmem>> -> memref<64x8xf32, #tpu.memory_space<vmem>>
        %dma_wait3A_110 = arith.constant 0 : i32
        %dma_wait3A_111 = tpu.memref_slice %arg7[%add3A_96, %dma_wait3A_110] : memref<10240x8xf32, #tpu.memory_space<vmem_shared>> -> memref<64x8xf32, #tpu.memory_space<vmem_shared>>
        %dma_wait3A_112 = arith.constant 0 : i32
        %dma_wait3A_113 = tpu.memref_slice %arg7[%add3A_96, %dma_wait3A_112] : memref<10240x8xf32, #tpu.memory_space<vmem_shared>> -> memref<64x8xf32, #tpu.memory_space<vmem_shared>>
        %dma_wait3A_114 = arith.constant 0 : i32
        %dma_wait3A_115 = arith.constant 0 : i32
        %dma_wait3A_116 = tpu.memref_slice %arg6[%dma_wait3A_114, %dma_wait3A_115] : memref<192x8xf32, #tpu.memory_space<vmem>> -> memref<64x8xf32, #tpu.memory_space<vmem>>
        tpu.wait_dma2 semaphore(%run_scoped3A : memref<!tpu.dma_semaphore, #tpu.memory_space<semaphore_mem>>) src(%dma_wait3A_116 : memref<64x8xf32, #tpu.memory_space<vmem>>) dst(%dma_wait3A_113 : memref<64x8xf32, #tpu.memory_space<vmem_shared>>)
        tpu.yield
      }) : () -> ()
    }
    %scan3A_11 = arith.constant 10 : i32
    %dma_wait3A = arith.constant 0 : i32
    %dma_wait3A_12 = arith.constant 0 : i32
    %dma_wait3A_13 = tpu.memref_slice %arg2[%mul3A_2, %dma_wait3A, %dma_wait3A_12] : memref<2560x2x128xi32, #tpu.memory_space<hbm>> -> memref<80x2x128xi32, #tpu.memory_space<hbm>>
    %dma_wait3A_14 = arith.constant 0 : i32
    %dma_wait3A_15 = arith.constant 0 : i32
    %dma_wait3A_16 = tpu.memref_slice %arg2[%mul3A_2, %dma_wait3A_14, %dma_wait3A_15] : memref<2560x2x128xi32, #tpu.memory_space<hbm>> -> memref<80x2x128xi32, #tpu.memory_space<hbm>>
    tpu.wait_dma2 semaphore(%arg13 : memref<!tpu.dma_semaphore, #tpu.memory_space<semaphore_mem>>) src(%dma_wait3A_16 : memref<80x2x128xi32, #tpu.memory_space<hbm>>) dst(%arg5 : memref<80x2x128xi32, #tpu.memory_space<vmem>>)
    %barrier3A = arith.constant 0 : index
    tpu.barrier barrier_id(%barrier3A)
    %scan3A_17 = arith.constant 0 : i32
    %scan3A_18 = arith.constant 16 : i32
    %scan3A_19 = arith.addi %scan3A_17, %scan3A_18 : i32
    %scan3A_20 = arith.constant 1 : i32
    scf.for %scan3A_87 = %scan3A_17 to %scan3A_19 step %scan3A_20  : i32 {
      %mul3A_88 = arith.constant 1 : i32
      %mul3A_89 = arith.muli %scan3A_87, %mul3A_88 : i32
      %add3A_90 = arith.constant 0 : i32
      %add3A_91 = arith.addi %add3A_90, %mul3A_89 : i32
      %mul3A_92 = arith.constant 5 : i32
      %mul3A_93 = arith.muli %mul3A_92, %add3A_91 : i32
      %gt3A = arith.constant 0 : i32
      %gt3A_94 = arith.cmpi sgt, %add3A_91, %gt3A : i32
      %convert_element_type3A = arith.extui %gt3A_94 : i1 to i32
      %cond3A = arith.constant 0 : i32
      %cond3A_95 = arith.cmpi ne, %convert_element_type3A, %cond3A : i32
      scf.if %cond3A_95 {
        %dma_wait3A_176 = arith.constant 64 : i32
        %dma_wait3A_177 = arith.constant 0 : i32
        %dma_wait3A_178 = tpu.memref_slice %arg6[%dma_wait3A_176, %dma_wait3A_177] : memref<192x8xf32, #tpu.memory_space<vmem>> -> memref<128x8xf32, #tpu.memory_space<vmem>>
        %dma_wait3A_179 = arith.constant 0 : i32
        %dma_wait3A_180 = arith.constant 0 : i32
        %dma_wait3A_181 = tpu.memref_slice %arg7[%dma_wait3A_179, %dma_wait3A_180] : memref<10240x8xf32, #tpu.memory_space<vmem_shared>> -> memref<128x8xf32, #tpu.memory_space<vmem_shared>>
        %dma_wait3A_182 = arith.constant 0 : i32
        %dma_wait3A_183 = arith.constant 0 : i32
        %dma_wait3A_184 = tpu.memref_slice %arg7[%dma_wait3A_182, %dma_wait3A_183] : memref<10240x8xf32, #tpu.memory_space<vmem_shared>> -> memref<128x8xf32, #tpu.memory_space<vmem_shared>>
        %dma_wait3A_185 = arith.constant 64 : i32
        %dma_wait3A_186 = arith.constant 0 : i32
        %dma_wait3A_187 = tpu.memref_slice %arg6[%dma_wait3A_185, %dma_wait3A_186] : memref<192x8xf32, #tpu.memory_space<vmem>> -> memref<128x8xf32, #tpu.memory_space<vmem>>
        tpu.wait_dma2 semaphore(%arg8 : memref<!tpu.dma_semaphore, #tpu.memory_space<semaphore_mem>>) src(%dma_wait3A_187 : memref<128x8xf32, #tpu.memory_space<vmem>>) dst(%dma_wait3A_184 : memref<128x8xf32, #tpu.memory_space<vmem_shared>>)
      } else {
      }
      %add3A_96 = arith.constant 0 : i32
      %add3A_97 = arith.addi %mul3A_93, %add3A_96 : i32
      %dma_start3A_98 = arith.constant 1 : i32
      %dma_start3A_99 = arith.constant 64 : i32
      %dma_start3A_100 = arith.constant 0 : i32
      %dma_start3A_101 = tpu.memref_slice %arg6[%dma_start3A_99, %dma_start3A_100] : memref<192x8xf32, #tpu.memory_space<vmem>> -> memref<128x8xf32, #tpu.memory_space<vmem>>
      %dma_start3A_102 = arith.constant 0 : i32
      %dma_start3A_103 = tpu.memref_slice %arg5[%add3A_97, %dma_start3A_98, %dma_start3A_102] : memref<80x2x128xi32, #tpu.memory_space<vmem>> -> memref<1x1x128xi32, #tpu.memory_space<vmem>>
      %dma_start3A_104 = tpu.memref_squeeze %dma_start3A_103 : memref<1x1x128xi32, #tpu.memory_space<vmem>> -> memref<128xi32, #tpu.memory_space<vmem>>
      %dma_start3A_105 = arith.constant 0 : i32
      %dma_start3A_106 = arith.constant 0 : i32
      %dma_start3A_107 = tpu.memref_slice %arg7[%dma_start3A_105, %dma_start3A_106] : memref<10240x8xf32, #tpu.memory_space<vmem_shared>> -> memref<10240x8xf32, #tpu.memory_space<vmem_shared>>
      tpu.enqueue_indirect_dma source(%dma_start3A_101 : memref<128x8xf32, #tpu.memory_space<vmem>>) target(%dma_start3A_107 : memref<10240x8xf32, #tpu.memory_space<vmem_shared>>) offsets(%dma_start3A_104 : memref<128xi32, #tpu.memory_space<vmem>>) semaphore(%arg8 : memref<!tpu.dma_semaphore, #tpu.memory_space<semaphore_mem>>) {add = true}
      %gt3A_108 = arith.constant 0 : i32
      %gt3A_109 = arith.cmpi sgt, %add3A_91, %gt3A_108 : i32
      %convert_element_type3A_110 = arith.extui %gt3A_109 : i1 to i32
      %cond3A_111 = arith.constant 0 : i32
      %cond3A_112 = arith.cmpi ne, %convert_element_type3A_110, %cond3A_111 : i32
      scf.if %cond3A_112 {
        %dma_wait3A_176 = arith.constant 64 : i32
        %dma_wait3A_177 = arith.constant 0 : i32
        %dma_wait3A_178 = tpu.memref_slice %arg6[%dma_wait3A_176, %dma_wait3A_177] : memref<192x8xf32, #tpu.memory_space<vmem>> -> memref<128x8xf32, #tpu.memory_space<vmem>>
        %dma_wait3A_179 = arith.constant 0 : i32
        %dma_wait3A_180 = arith.constant 0 : i32
        %dma_wait3A_181 = tpu.memref_slice %arg7[%dma_wait3A_179, %dma_wait3A_180] : memref<10240x8xf32, #tpu.memory_space<vmem_shared>> -> memref<128x8xf32, #tpu.memory_space<vmem_shared>>
        %dma_wait3A_182 = arith.constant 0 : i32
        %dma_wait3A_183 = arith.constant 0 : i32
        %dma_wait3A_184 = tpu.memref_slice %arg7[%dma_wait3A_182, %dma_wait3A_183] : memref<10240x8xf32, #tpu.memory_space<vmem_shared>> -> memref<128x8xf32, #tpu.memory_space<vmem_shared>>
        %dma_wait3A_185 = arith.constant 64 : i32
        %dma_wait3A_186 = arith.constant 0 : i32
        %dma_wait3A_187 = tpu.memref_slice %arg6[%dma_wait3A_185, %dma_wait3A_186] : memref<192x8xf32, #tpu.memory_space<vmem>> -> memref<128x8xf32, #tpu.memory_space<vmem>>
        tpu.wait_dma2 semaphore(%arg9 : memref<!tpu.dma_semaphore, #tpu.memory_space<semaphore_mem>>) src(%dma_wait3A_187 : memref<128x8xf32, #tpu.memory_space<vmem>>) dst(%dma_wait3A_184 : memref<128x8xf32, #tpu.memory_space<vmem_shared>>)
      } else {
      }
      %add3A_113 = arith.constant 1 : i32
      %add3A_114 = arith.addi %mul3A_93, %add3A_113 : i32
      %dma_start3A_115 = arith.constant 1 : i32
      %dma_start3A_116 = arith.constant 64 : i32
      %dma_start3A_117 = arith.constant 0 : i32
      %dma_start3A_118 = tpu.memref_slice %arg6[%dma_start3A_116, %dma_start3A_117] : memref<192x8xf32, #tpu.memory_space<vmem>> -> memref<128x8xf32, #tpu.memory_space<vmem>>
      %dma_start3A_119 = arith.constant 0 : i32
      %dma_start3A_120 = tpu.memref_slice %arg5[%add3A_114, %dma_start3A_115, %dma_start3A_119] : memref<80x2x128xi32, #tpu.memory_space<vmem>> -> memref<1x1x128xi32, #tpu.memory_space<vmem>>
      %dma_start3A_121 = tpu.memref_squeeze %dma_start3A_120 : memref<1x1x128xi32, #tpu.memory_space<vmem>> -> memref<128xi32, #tpu.memory_space<vmem>>
      %dma_start3A_122 = arith.constant 0 : i32
      %dma_start3A_123 = arith.constant 0 : i32
      %dma_start3A_124 = tpu.memref_slice %arg7[%dma_start3A_122, %dma_start3A_123] : memref<10240x8xf32, #tpu.memory_space<vmem_shared>> -> memref<10240x8xf32, #tpu.memory_space<vmem_shared>>
      tpu.enqueue_indirect_dma source(%dma_start3A_118 : memref<128x8xf32, #tpu.memory_space<vmem>>) target(%dma_start3A_124 : memref<10240x8xf32, #tpu.memory_space<vmem_shared>>) offsets(%dma_start3A_121 : memref<128xi32, #tpu.memory_space<vmem>>) semaphore(%arg9 : memref<!tpu.dma_semaphore, #tpu.memory_space<semaphore_mem>>) {add = true}
      %gt3A_125 = arith.constant 0 : i32
      %gt3A_126 = arith.cmpi sgt, %add3A_91, %gt3A_125 : i32
      %convert_element_type3A_127 = arith.extui %gt3A_126 : i1 to i32
      %cond3A_128 = arith.constant 0 : i32
      %cond3A_129 = arith.cmpi ne, %convert_element_type3A_127, %cond3A_128 : i32
      scf.if %cond3A_129 {
        %dma_wait3A_176 = arith.constant 64 : i32
        %dma_wait3A_177 = arith.constant 0 : i32
        %dma_wait3A_178 = tpu.memref_slice %arg6[%dma_wait3A_176, %dma_wait3A_177] : memref<192x8xf32, #tpu.memory_space<vmem>> -> memref<128x8xf32, #tpu.memory_space<vmem>>
        %dma_wait3A_179 = arith.constant 0 : i32
        %dma_wait3A_180 = arith.constant 0 : i32
        %dma_wait3A_181 = tpu.memref_slice %arg7[%dma_wait3A_179, %dma_wait3A_180] : memref<10240x8xf32, #tpu.memory_space<vmem_shared>> -> memref<128x8xf32, #tpu.memory_space<vmem_shared>>
        %dma_wait3A_182 = arith.constant 0 : i32
        %dma_wait3A_183 = arith.constant 0 : i32
        %dma_wait3A_184 = tpu.memref_slice %arg7[%dma_wait3A_182, %dma_wait3A_183] : memref<10240x8xf32, #tpu.memory_space<vmem_shared>> -> memref<128x8xf32, #tpu.memory_space<vmem_shared>>
        %dma_wait3A_185 = arith.constant 64 : i32
        %dma_wait3A_186 = arith.constant 0 : i32
        %dma_wait3A_187 = tpu.memref_slice %arg6[%dma_wait3A_185, %dma_wait3A_186] : memref<192x8xf32, #tpu.memory_space<vmem>> -> memref<128x8xf32, #tpu.memory_space<vmem>>
        tpu.wait_dma2 semaphore(%arg10 : memref<!tpu.dma_semaphore, #tpu.memory_space<semaphore_mem>>) src(%dma_wait3A_187 : memref<128x8xf32, #tpu.memory_space<vmem>>) dst(%dma_wait3A_184 : memref<128x8xf32, #tpu.memory_space<vmem_shared>>)
      } else {
      }
      %add3A_130 = arith.constant 2 : i32
      %add3A_131 = arith.addi %mul3A_93, %add3A_130 : i32
      %dma_start3A_132 = arith.constant 1 : i32
      %dma_start3A_133 = arith.constant 64 : i32
      %dma_start3A_134 = arith.constant 0 : i32
      %dma_start3A_135 = tpu.memref_slice %arg6[%dma_start3A_133, %dma_start3A_134] : memref<192x8xf32, #tpu.memory_space<vmem>> -> memref<128x8xf32, #tpu.memory_space<vmem>>
      %dma_start3A_136 = arith.constant 0 : i32
      %dma_start3A_137 = tpu.memref_slice %arg5[%add3A_131, %dma_start3A_132, %dma_start3A_136] : memref<80x2x128xi32, #tpu.memory_space<vmem>> -> memref<1x1x128xi32, #tpu.memory_space<vmem>>
      %dma_start3A_138 = tpu.memref_squeeze %dma_start3A_137 : memref<1x1x128xi32, #tpu.memory_space<vmem>> -> memref<128xi32, #tpu.memory_space<vmem>>
      %dma_start3A_139 = arith.constant 0 : i32
      %dma_start3A_140 = arith.constant 0 : i32
      %dma_start3A_141 = tpu.memref_slice %arg7[%dma_start3A_139, %dma_start3A_140] : memref<10240x8xf32, #tpu.memory_space<vmem_shared>> -> memref<10240x8xf32, #tpu.memory_space<vmem_shared>>
      tpu.enqueue_indirect_dma source(%dma_start3A_135 : memref<128x8xf32, #tpu.memory_space<vmem>>) target(%dma_start3A_141 : memref<10240x8xf32, #tpu.memory_space<vmem_shared>>) offsets(%dma_start3A_138 : memref<128xi32, #tpu.memory_space<vmem>>) semaphore(%arg10 : memref<!tpu.dma_semaphore, #tpu.memory_space<semaphore_mem>>) {add = true}
      %gt3A_142 = arith.constant 0 : i32
      %gt3A_143 = arith.cmpi sgt, %add3A_91, %gt3A_142 : i32
      %convert_element_type3A_144 = arith.extui %gt3A_143 : i1 to i32
      %cond3A_145 = arith.constant 0 : i32
      %cond3A_146 = arith.cmpi ne, %convert_element_type3A_144, %cond3A_145 : i32
      scf.if %cond3A_146 {
        %dma_wait3A_176 = arith.constant 64 : i32
        %dma_wait3A_177 = arith.constant 0 : i32
        %dma_wait3A_178 = tpu.memref_slice %arg6[%dma_wait3A_176, %dma_wait3A_177] : memref<192x8xf32, #tpu.memory_space<vmem>> -> memref<128x8xf32, #tpu.memory_space<vmem>>
        %dma_wait3A_179 = arith.constant 0 : i32
        %dma_wait3A_180 = arith.constant 0 : i32
        %dma_wait3A_181 = tpu.memref_slice %arg7[%dma_wait3A_179, %dma_wait3A_180] : memref<10240x8xf32, #tpu.memory_space<vmem_shared>> -> memref<128x8xf32, #tpu.memory_space<vmem_shared>>
        %dma_wait3A_182 = arith.constant 0 : i32
        %dma_wait3A_183 = arith.constant 0 : i32
        %dma_wait3A_184 = tpu.memref_slice %arg7[%dma_wait3A_182, %dma_wait3A_183] : memref<10240x8xf32, #tpu.memory_space<vmem_shared>> -> memref<128x8xf32, #tpu.memory_space<vmem_shared>>
        %dma_wait3A_185 = arith.constant 64 : i32
        %dma_wait3A_186 = arith.constant 0 : i32
        %dma_wait3A_187 = tpu.memref_slice %arg6[%dma_wait3A_185, %dma_wait3A_186] : memref<192x8xf32, #tpu.memory_space<vmem>> -> memref<128x8xf32, #tpu.memory_space<vmem>>
        tpu.wait_dma2 semaphore(%arg11 : memref<!tpu.dma_semaphore, #tpu.memory_space<semaphore_mem>>) src(%dma_wait3A_187 : memref<128x8xf32, #tpu.memory_space<vmem>>) dst(%dma_wait3A_184 : memref<128x8xf32, #tpu.memory_space<vmem_shared>>)
      } else {
      }
      %add3A_147 = arith.constant 3 : i32
      %add3A_148 = arith.addi %mul3A_93, %add3A_147 : i32
      %dma_start3A_149 = arith.constant 1 : i32
      %dma_start3A_150 = arith.constant 64 : i32
      %dma_start3A_151 = arith.constant 0 : i32
      %dma_start3A_152 = tpu.memref_slice %arg6[%dma_start3A_150, %dma_start3A_151] : memref<192x8xf32, #tpu.memory_space<vmem>> -> memref<128x8xf32, #tpu.memory_space<vmem>>
      %dma_start3A_153 = arith.constant 0 : i32
      %dma_start3A_154 = tpu.memref_slice %arg5[%add3A_148, %dma_start3A_149, %dma_start3A_153] : memref<80x2x128xi32, #tpu.memory_space<vmem>> -> memref<1x1x128xi32, #tpu.memory_space<vmem>>
      %dma_start3A_155 = tpu.memref_squeeze %dma_start3A_154 : memref<1x1x128xi32, #tpu.memory_space<vmem>> -> memref<128xi32, #tpu.memory_space<vmem>>
      %dma_start3A_156 = arith.constant 0 : i32
      %dma_start3A_157 = arith.constant 0 : i32
      %dma_start3A_158 = tpu.memref_slice %arg7[%dma_start3A_156, %dma_start3A_157] : memref<10240x8xf32, #tpu.memory_space<vmem_shared>> -> memref<10240x8xf32, #tpu.memory_space<vmem_shared>>
      tpu.enqueue_indirect_dma source(%dma_start3A_152 : memref<128x8xf32, #tpu.memory_space<vmem>>) target(%dma_start3A_158 : memref<10240x8xf32, #tpu.memory_space<vmem_shared>>) offsets(%dma_start3A_155 : memref<128xi32, #tpu.memory_space<vmem>>) semaphore(%arg11 : memref<!tpu.dma_semaphore, #tpu.memory_space<semaphore_mem>>) {add = true}
      %gt3A_159 = arith.constant 0 : i32
      %gt3A_160 = arith.cmpi sgt, %add3A_91, %gt3A_159 : i32
      %convert_element_type3A_161 = arith.extui %gt3A_160 : i1 to i32
      %cond3A_162 = arith.constant 0 : i32
      %cond3A_163 = arith.cmpi ne, %convert_element_type3A_161, %cond3A_162 : i32
      scf.if %cond3A_163 {
        %dma_wait3A_176 = arith.constant 64 : i32
        %dma_wait3A_177 = arith.constant 0 : i32
        %dma_wait3A_178 = tpu.memref_slice %arg6[%dma_wait3A_176, %dma_wait3A_177] : memref<192x8xf32, #tpu.memory_space<vmem>> -> memref<128x8xf32, #tpu.memory_space<vmem>>
        %dma_wait3A_179 = arith.constant 0 : i32
        %dma_wait3A_180 = arith.constant 0 : i32
        %dma_wait3A_181 = tpu.memref_slice %arg7[%dma_wait3A_179, %dma_wait3A_180] : memref<10240x8xf32, #tpu.memory_space<vmem_shared>> -> memref<128x8xf32, #tpu.memory_space<vmem_shared>>
        %dma_wait3A_182 = arith.constant 0 : i32
        %dma_wait3A_183 = arith.constant 0 : i32
        %dma_wait3A_184 = tpu.memref_slice %arg7[%dma_wait3A_182, %dma_wait3A_183] : memref<10240x8xf32, #tpu.memory_space<vmem_shared>> -> memref<128x8xf32, #tpu.memory_space<vmem_shared>>
        %dma_wait3A_185 = arith.constant 64 : i32
        %dma_wait3A_186 = arith.constant 0 : i32
        %dma_wait3A_187 = tpu.memref_slice %arg6[%dma_wait3A_185, %dma_wait3A_186] : memref<192x8xf32, #tpu.memory_space<vmem>> -> memref<128x8xf32, #tpu.memory_space<vmem>>
        tpu.wait_dma2 semaphore(%arg12 : memref<!tpu.dma_semaphore, #tpu.memory_space<semaphore_mem>>) src(%dma_wait3A_187 : memref<128x8xf32, #tpu.memory_space<vmem>>) dst(%dma_wait3A_184 : memref<128x8xf32, #tpu.memory_space<vmem_shared>>)
      } else {
      }
      %add3A_164 = arith.constant 4 : i32
      %add3A_165 = arith.addi %mul3A_93, %add3A_164 : i32
      %dma_start3A_166 = arith.constant 1 : i32
      %dma_start3A_167 = arith.constant 64 : i32
      %dma_start3A_168 = arith.constant 0 : i32
      %dma_start3A_169 = tpu.memref_slice %arg6[%dma_start3A_167, %dma_start3A_168] : memref<192x8xf32, #tpu.memory_space<vmem>> -> memref<128x8xf32, #tpu.memory_space<vmem>>
      %dma_start3A_170 = arith.constant 0 : i32
      %dma_start3A_171 = tpu.memref_slice %arg5[%add3A_165, %dma_start3A_166, %dma_start3A_170] : memref<80x2x128xi32, #tpu.memory_space<vmem>> -> memref<1x1x128xi32, #tpu.memory_space<vmem>>
      %dma_start3A_172 = tpu.memref_squeeze %dma_start3A_171 : memref<1x1x128xi32, #tpu.memory_space<vmem>> -> memref<128xi32, #tpu.memory_space<vmem>>
      %dma_start3A_173 = arith.constant 0 : i32
      %dma_start3A_174 = arith.constant 0 : i32
      %dma_start3A_175 = tpu.memref_slice %arg7[%dma_start3A_173, %dma_start3A_174] : memref<10240x8xf32, #tpu.memory_space<vmem_shared>> -> memref<10240x8xf32, #tpu.memory_space<vmem_shared>>
      tpu.enqueue_indirect_dma source(%dma_start3A_169 : memref<128x8xf32, #tpu.memory_space<vmem>>) target(%dma_start3A_175 : memref<10240x8xf32, #tpu.memory_space<vmem_shared>>) offsets(%dma_start3A_172 : memref<128xi32, #tpu.memory_space<vmem>>) semaphore(%arg12 : memref<!tpu.dma_semaphore, #tpu.memory_space<semaphore_mem>>) {add = true}
    }
    %scan3A_21 = arith.constant 16 : i32
    %dma_wait3A_22 = arith.constant 64 : i32
    %dma_wait3A_23 = arith.constant 0 : i32
    %dma_wait3A_24 = tpu.memref_slice %arg6[%dma_wait3A_22, %dma_wait3A_23] : memref<192x8xf32, #tpu.memory_space<vmem>> -> memref<128x8xf32, #tpu.memory_space<vmem>>
    %dma_wait3A_25 = arith.constant 0 : i32
    %dma_wait3A_26 = arith.constant 0 : i32
    %dma_wait3A_27 = tpu.memref_slice %arg7[%dma_wait3A_25, %dma_wait3A_26] : memref<10240x8xf32, #tpu.memory_space<vmem_shared>> -> memref<128x8xf32, #tpu.memory_space<vmem_shared>>
    %dma_wait3A_28 = arith.constant 0 : i32
    %dma_wait3A_29 = arith.constant 0 : i32
    %dma_wait3A_30 = tpu.memref_slice %arg7[%dma_wait3A_28, %dma_wait3A_29] : memref<10240x8xf32, #tpu.memory_space<vmem_shared>> -> memref<128x8xf32, #tpu.memory_space<vmem_shared>>
    %dma_wait3A_31 = arith.constant 64 : i32
    %dma_wait3A_32 = arith.constant 0 : i32
    %dma_wait3A_33 = tpu.memref_slice %arg6[%dma_wait3A_31, %dma_wait3A_32] : memref<192x8xf32, #tpu.memory_space<vmem>> -> memref<128x8xf32, #tpu.memory_space<vmem>>
    tpu.wait_dma2 semaphore(%arg8 : memref<!tpu.dma_semaphore, #tpu.memory_space<semaphore_mem>>) src(%dma_wait3A_33 : memref<128x8xf32, #tpu.memory_space<vmem>>) dst(%dma_wait3A_30 : memref<128x8xf32, #tpu.memory_space<vmem_shared>>)
    %dma_wait3A_34 = arith.constant 64 : i32
    %dma_wait3A_35 = arith.constant 0 : i32
    %dma_wait3A_36 = tpu.memref_slice %arg6[%dma_wait3A_34, %dma_wait3A_35] : memref<192x8xf32, #tpu.memory_space<vmem>> -> memref<128x8xf32, #tpu.memory_space<vmem>>
    %dma_wait3A_37 = arith.constant 0 : i32
    %dma_wait3A_38 = arith.constant 0 : i32
    %dma_wait3A_39 = tpu.memref_slice %arg7[%dma_wait3A_37, %dma_wait3A_38] : memref<10240x8xf32, #tpu.memory_space<vmem_shared>> -> memref<128x8xf32, #tpu.memory_space<vmem_shared>>
    %dma_wait3A_40 = arith.constant 0 : i32
    %dma_wait3A_41 = arith.constant 0 : i32
    %dma_wait3A_42 = tpu.memref_slice %arg7[%dma_wait3A_40, %dma_wait3A_41] : memref<10240x8xf32, #tpu.memory_space<vmem_shared>> -> memref<128x8xf32, #tpu.memory_space<vmem_shared>>
    %dma_wait3A_43 = arith.constant 64 : i32
    %dma_wait3A_44 = arith.constant 0 : i32
    %dma_wait3A_45 = tpu.memref_slice %arg6[%dma_wait3A_43, %dma_wait3A_44] : memref<192x8xf32, #tpu.memory_space<vmem>> -> memref<128x8xf32, #tpu.memory_space<vmem>>
    tpu.wait_dma2 semaphore(%arg9 : memref<!tpu.dma_semaphore, #tpu.memory_space<semaphore_mem>>) src(%dma_wait3A_45 : memref<128x8xf32, #tpu.memory_space<vmem>>) dst(%dma_wait3A_42 : memref<128x8xf32, #tpu.memory_space<vmem_shared>>)
    %dma_wait3A_46 = arith.constant 64 : i32
    %dma_wait3A_47 = arith.constant 0 : i32
    %dma_wait3A_48 = tpu.memref_slice %arg6[%dma_wait3A_46, %dma_wait3A_47] : memref<192x8xf32, #tpu.memory_space<vmem>> -> memref<128x8xf32, #tpu.memory_space<vmem>>
    %dma_wait3A_49 = arith.constant 0 : i32
    %dma_wait3A_50 = arith.constant 0 : i32
    %dma_wait3A_51 = tpu.memref_slice %arg7[%dma_wait3A_49, %dma_wait3A_50] : memref<10240x8xf32, #tpu.memory_space<vmem_shared>> -> memref<128x8xf32, #tpu.memory_space<vmem_shared>>
    %dma_wait3A_52 = arith.constant 0 : i32
    %dma_wait3A_53 = arith.constant 0 : i32
    %dma_wait3A_54 = tpu.memref_slice %arg7[%dma_wait3A_52, %dma_wait3A_53] : memref<10240x8xf32, #tpu.memory_space<vmem_shared>> -> memref<128x8xf32, #tpu.memory_space<vmem_shared>>
    %dma_wait3A_55 = arith.constant 64 : i32
    %dma_wait3A_56 = arith.constant 0 : i32
    %dma_wait3A_57 = tpu.memref_slice %arg6[%dma_wait3A_55, %dma_wait3A_56] : memref<192x8xf32, #tpu.memory_space<vmem>> -> memref<128x8xf32, #tpu.memory_space<vmem>>
    tpu.wait_dma2 semaphore(%arg10 : memref<!tpu.dma_semaphore, #tpu.memory_space<semaphore_mem>>) src(%dma_wait3A_57 : memref<128x8xf32, #tpu.memory_space<vmem>>) dst(%dma_wait3A_54 : memref<128x8xf32, #tpu.memory_space<vmem_shared>>)
    %dma_wait3A_58 = arith.constant 64 : i32
    %dma_wait3A_59 = arith.constant 0 : i32
    %dma_wait3A_60 = tpu.memref_slice %arg6[%dma_wait3A_58, %dma_wait3A_59] : memref<192x8xf32, #tpu.memory_space<vmem>> -> memref<128x8xf32, #tpu.memory_space<vmem>>
    %dma_wait3A_61 = arith.constant 0 : i32
    %dma_wait3A_62 = arith.constant 0 : i32
    %dma_wait3A_63 = tpu.memref_slice %arg7[%dma_wait3A_61, %dma_wait3A_62] : memref<10240x8xf32, #tpu.memory_space<vmem_shared>> -> memref<128x8xf32, #tpu.memory_space<vmem_shared>>
    %dma_wait3A_64 = arith.constant 0 : i32
    %dma_wait3A_65 = arith.constant 0 : i32
    %dma_wait3A_66 = tpu.memref_slice %arg7[%dma_wait3A_64, %dma_wait3A_65] : memref<10240x8xf32, #tpu.memory_space<vmem_shared>> -> memref<128x8xf32, #tpu.memory_space<vmem_shared>>
    %dma_wait3A_67 = arith.constant 64 : i32
    %dma_wait3A_68 = arith.constant 0 : i32
    %dma_wait3A_69 = tpu.memref_slice %arg6[%dma_wait3A_67, %dma_wait3A_68] : memref<192x8xf32, #tpu.memory_space<vmem>> -> memref<128x8xf32, #tpu.memory_space<vmem>>
    tpu.wait_dma2 semaphore(%arg11 : memref<!tpu.dma_semaphore, #tpu.memory_space<semaphore_mem>>) src(%dma_wait3A_69 : memref<128x8xf32, #tpu.memory_space<vmem>>) dst(%dma_wait3A_66 : memref<128x8xf32, #tpu.memory_space<vmem_shared>>)
    %dma_wait3A_70 = arith.constant 64 : i32
    %dma_wait3A_71 = arith.constant 0 : i32
    %dma_wait3A_72 = tpu.memref_slice %arg6[%dma_wait3A_70, %dma_wait3A_71] : memref<192x8xf32, #tpu.memory_space<vmem>> -> memref<128x8xf32, #tpu.memory_space<vmem>>
    %dma_wait3A_73 = arith.constant 0 : i32
    %dma_wait3A_74 = arith.constant 0 : i32
    %dma_wait3A_75 = tpu.memref_slice %arg7[%dma_wait3A_73, %dma_wait3A_74] : memref<10240x8xf32, #tpu.memory_space<vmem_shared>> -> memref<128x8xf32, #tpu.memory_space<vmem_shared>>
    %dma_wait3A_76 = arith.constant 0 : i32
    %dma_wait3A_77 = arith.constant 0 : i32
    %dma_wait3A_78 = tpu.memref_slice %arg7[%dma_wait3A_76, %dma_wait3A_77] : memref<10240x8xf32, #tpu.memory_space<vmem_shared>> -> memref<128x8xf32, #tpu.memory_space<vmem_shared>>
    %dma_wait3A_79 = arith.constant 64 : i32
    %dma_wait3A_80 = arith.constant 0 : i32
    %dma_wait3A_81 = tpu.memref_slice %arg6[%dma_wait3A_79, %dma_wait3A_80] : memref<192x8xf32, #tpu.memory_space<vmem>> -> memref<128x8xf32, #tpu.memory_space<vmem>>
    tpu.wait_dma2 semaphore(%arg12 : memref<!tpu.dma_semaphore, #tpu.memory_space<semaphore_mem>>) src(%dma_wait3A_81 : memref<128x8xf32, #tpu.memory_space<vmem>>) dst(%dma_wait3A_78 : memref<128x8xf32, #tpu.memory_space<vmem_shared>>)
    %barrier3A_82 = arith.constant 0 : index
    tpu.barrier barrier_id(%barrier3A_82)
    %mul3A_83 = arith.constant 640 : i32
    %mul3A_84 = arith.muli %arg1, %mul3A_83 : i32
    %mul3A_85 = arith.constant 640 : i32
    %mul3A_86 = arith.muli %arg1, %mul3A_85 : i32
    "tpu.region"() ({
      %run_scoped3A = tpu.sem_alloc : memref<!tpu.dma_semaphore, #tpu.memory_space<semaphore_mem>>
      %dma_start3A_87 = arith.constant 0 : i32
      %dma_start3A_88 = tpu.memref_slice %arg4[%arg0, %mul3A_86, %dma_start3A_87] : memref<2x10240x8xf32, #tpu.memory_space<hbm>> -> memref<1x640x8xf32, #tpu.memory_space<hbm>>
      %dma_start3A_89 = tpu.memref_squeeze %dma_start3A_88 : memref<1x640x8xf32, #tpu.memory_space<hbm>> -> memref<640x8xf32, #tpu.memory_space<hbm>>
      %dma_start3A_90 = arith.constant 0 : i32
      %dma_start3A_91 = tpu.memref_slice %arg7[%mul3A_84, %dma_start3A_90] : memref<10240x8xf32, #tpu.memory_space<vmem_shared>> -> memref<640x8xf32, #tpu.memory_space<vmem_shared>>
      tpu.enqueue_dma source(%dma_start3A_91 : memref<640x8xf32, #tpu.memory_space<vmem_shared>>) target(%dma_start3A_89 : memref<640x8xf32, #tpu.memory_space<hbm>>) target_semaphore(%run_scoped3A : memref<!tpu.dma_semaphore, #tpu.memory_space<semaphore_mem>>)
      %dma_wait3A_92 = arith.constant 0 : i32
      %dma_wait3A_93 = tpu.memref_slice %arg4[%arg0, %mul3A_86, %dma_wait3A_92] : memref<2x10240x8xf32, #tpu.memory_space<hbm>> -> memref<1x640x8xf32, #tpu.memory_space<hbm>>
      %dma_wait3A_94 = tpu.memref_squeeze %dma_wait3A_93 : memref<1x640x8xf32, #tpu.memory_space<hbm>> -> memref<640x8xf32, #tpu.memory_space<hbm>>
      %dma_wait3A_95 = arith.constant 0 : i32
      %dma_wait3A_96 = tpu.memref_slice %arg7[%mul3A_84, %dma_wait3A_95] : memref<10240x8xf32, #tpu.memory_space<vmem_shared>> -> memref<640x8xf32, #tpu.memory_space<vmem_shared>>
      tpu.wait_dma2 semaphore(%run_scoped3A : memref<!tpu.dma_semaphore, #tpu.memory_space<semaphore_mem>>) src(%dma_wait3A_96 : memref<640x8xf32, #tpu.memory_space<vmem_shared>>) dst(%dma_wait3A_94 : memref<640x8xf32, #tpu.memory_space<hbm>>)
      tpu.yield
    }) : () -> ()
    return
  }
}

#map = affine_map<(d0, d1) -> (0, 0, 0)>
module attributes {stable_mosaic.version = 14 : i64} {
  func.func @edge_pass(%arg0: i32, %arg1: i32, %arg2: memref<2x10240x64xf32, #tpu.memory_space<hbm>>, %arg3: memref<2560x2x128xi32, #tpu.memory_space<hbm>>, %arg4: memref<2x10240x64xf32, #tpu.memory_space<hbm>>, %arg5: memref<32x2x128xi32, #tpu.memory_space<vmem>>, %arg6: memref<128x64xf32, #tpu.memory_space<vmem>>, %arg7: memref<128x64xf32, #tpu.memory_space<vmem>>, %arg8: memref<128x64xf32, #tpu.memory_space<vmem>>, %arg9: memref<128x64xf32, #tpu.memory_space<vmem>>, %arg10: memref<1x64xf32, #tpu.memory_space<vmem>>, %arg11: memref<10240x64xf32, #tpu.memory_space<vmem_shared>>, %arg12: memref<10240x64xf32, #tpu.memory_space<vmem_shared>>, %arg13: memref<!tpu.dma_semaphore, #tpu.memory_space<semaphore_mem>>, %arg14: memref<!tpu.dma_semaphore, #tpu.memory_space<semaphore_mem>>, %arg15: memref<!tpu.dma_semaphore, #tpu.memory_space<semaphore_mem>>, %arg16: memref<!tpu.dma_semaphore, #tpu.memory_space<semaphore_mem>>, %arg17: memref<!tpu.dma_semaphore, #tpu.memory_space<semaphore_mem>>, %arg18: memref<!tpu.dma_semaphore, #tpu.memory_space<semaphore_mem>>, %arg19: memref<!tpu.dma_semaphore, #tpu.memory_space<semaphore_mem>>, %arg20: memref<!tpu.dma_semaphore, #tpu.memory_space<semaphore_mem>>, %arg21: memref<!tpu.dma_semaphore, #tpu.memory_space<semaphore_mem>>) attributes {dimension_semantics = [#tpu.dimension_semantics<core_parallel>, #tpu.dimension_semantics<subcore_parallel>], iteration_bounds = array<i64: 2, 16>, scalar_prefetch = 0 : i64, scratch_operands = 17 : i64, tpu.core_type = #tpu.core_type<sc_vector_subcore>, window_params = [{transform_indices = #map}, {transform_indices = #map}, {transform_indices = #map}]} {
    %mul3A = arith.constant 160 : i32
    %mul3A_0 = arith.muli %arg1, %mul3A : i32
    %dma_start3A = arith.constant 0 : i32
    %dma_start3A_1 = arith.constant 0 : i32
    %dma_start3A_2 = tpu.memref_slice %arg3[%mul3A_0, %dma_start3A, %dma_start3A_1] : memref<2560x2x128xi32, #tpu.memory_space<hbm>> -> memref<32x2x128xi32, #tpu.memory_space<hbm>>
    %dma_start3A_3 = arith.constant 0 : i32
    %dma_start3A_4 = arith.constant 0 : i32
    %dma_start3A_5 = tpu.memref_slice %arg3[%mul3A_0, %dma_start3A_3, %dma_start3A_4] : memref<2560x2x128xi32, #tpu.memory_space<hbm>> -> memref<32x2x128xi32, #tpu.memory_space<hbm>>
    tpu.enqueue_dma source(%dma_start3A_5 : memref<32x2x128xi32, #tpu.memory_space<hbm>>) target(%arg5 : memref<32x2x128xi32, #tpu.memory_space<vmem>>) target_semaphore(%arg21 : memref<!tpu.dma_semaphore, #tpu.memory_space<semaphore_mem>>)
    %mul3A_6 = arith.constant 640 : i32
    %mul3A_7 = arith.muli %arg1, %mul3A_6 : i32
    %mul3A_8 = arith.constant 640 : i32
    %mul3A_9 = arith.muli %arg1, %mul3A_8 : i32
    "tpu.region"() ({
      %run_scoped3A = tpu.sem_alloc : memref<!tpu.dma_semaphore, #tpu.memory_space<semaphore_mem>>
      %dma_start3A_58 = arith.constant 0 : i32
      %dma_start3A_59 = tpu.memref_slice %arg11[%mul3A_9, %dma_start3A_58] : memref<10240x64xf32, #tpu.memory_space<vmem_shared>> -> memref<640x64xf32, #tpu.memory_space<vmem_shared>>
      %dma_start3A_60 = arith.constant 0 : i32
      %dma_start3A_61 = tpu.memref_slice %arg2[%arg0, %mul3A_7, %dma_start3A_60] : memref<2x10240x64xf32, #tpu.memory_space<hbm>> -> memref<1x640x64xf32, #tpu.memory_space<hbm>>
      %dma_start3A_62 = tpu.memref_squeeze %dma_start3A_61 : memref<1x640x64xf32, #tpu.memory_space<hbm>> -> memref<640x64xf32, #tpu.memory_space<hbm>>
      tpu.enqueue_dma source(%dma_start3A_62 : memref<640x64xf32, #tpu.memory_space<hbm>>) target(%dma_start3A_59 : memref<640x64xf32, #tpu.memory_space<vmem_shared>>) target_semaphore(%run_scoped3A : memref<!tpu.dma_semaphore, #tpu.memory_space<semaphore_mem>>)
      %dma_wait3A_63 = arith.constant 0 : i32
      %dma_wait3A_64 = tpu.memref_slice %arg11[%mul3A_9, %dma_wait3A_63] : memref<10240x64xf32, #tpu.memory_space<vmem_shared>> -> memref<640x64xf32, #tpu.memory_space<vmem_shared>>
      %dma_wait3A_65 = arith.constant 0 : i32
      %dma_wait3A_66 = tpu.memref_slice %arg2[%arg0, %mul3A_7, %dma_wait3A_65] : memref<2x10240x64xf32, #tpu.memory_space<hbm>> -> memref<1x640x64xf32, #tpu.memory_space<hbm>>
      %dma_wait3A_67 = tpu.memref_squeeze %dma_wait3A_66 : memref<1x640x64xf32, #tpu.memory_space<hbm>> -> memref<640x64xf32, #tpu.memory_space<hbm>>
      tpu.wait_dma2 semaphore(%run_scoped3A : memref<!tpu.dma_semaphore, #tpu.memory_space<semaphore_mem>>) src(%dma_wait3A_67 : memref<640x64xf32, #tpu.memory_space<hbm>>) dst(%dma_wait3A_64 : memref<640x64xf32, #tpu.memory_space<vmem_shared>>)
      tpu.yield
    }) : () -> ()
    %scan3A = arith.constant 0 : i32
    %scan3A_10 = arith.constant 128 : i32
    %scan3A_11 = arith.addi %scan3A, %scan3A_10 : i32
    %scan3A_12 = arith.constant 1 : i32
    scf.for %scan3A_58 = %scan3A to %scan3A_11 step %scan3A_12  : i32 {
      %mul3A_59 = arith.constant 1 : i32
      %mul3A_60 = arith.muli %scan3A_58, %mul3A_59 : i32
      %add3A = arith.constant 0 : i32
      %add3A_61 = arith.addi %add3A, %mul3A_60 : i32
      %broadcast_in_dim3A = arith.constant 0.000000e+00 : f32
      %broadcast_in_dim3A_62 = vector.broadcast %broadcast_in_dim3A : f32 to vector<16xf32>
      %swap3A = arith.index_cast %add3A_61 : i32 to index
      %swap3A_63 = arith.constant 0 : index
      %swap3A_64 = tpu.vector_load %arg6[%swap3A, %swap3A_63] {strides = array<i32>} : memref<128x64xf32, #tpu.memory_space<vmem>>, vector<1x16xf32>,
      %swap3A_65 = vector.shape_cast %swap3A_64 : vector<1x16xf32> to vector<16xf32>
      %swap3A_66 = vector.shape_cast %broadcast_in_dim3A_62 : vector<16xf32> to vector<1x16xf32>
      tpu.vector_store %arg6[%swap3A, %swap3A_63], %swap3A_66 {strides = array<i32>} : memref<128x64xf32, #tpu.memory_space<vmem>>, vector<1x16xf32>,
      %broadcast_in_dim3A_67 = arith.constant 0.000000e+00 : f32
      %broadcast_in_dim3A_68 = vector.broadcast %broadcast_in_dim3A_67 : f32 to vector<16xf32>
      %swap3A_69 = arith.index_cast %add3A_61 : i32 to index
      %swap3A_70 = arith.constant 16 : index
      %swap3A_71 = tpu.vector_load %arg6[%swap3A_69, %swap3A_70] {strides = array<i32>} : memref<128x64xf32, #tpu.memory_space<vmem>>, vector<1x16xf32>,
      %swap3A_72 = vector.shape_cast %swap3A_71 : vector<1x16xf32> to vector<16xf32>
      %swap3A_73 = vector.shape_cast %broadcast_in_dim3A_68 : vector<16xf32> to vector<1x16xf32>
      tpu.vector_store %arg6[%swap3A_69, %swap3A_70], %swap3A_73 {strides = array<i32>} : memref<128x64xf32, #tpu.memory_space<vmem>>, vector<1x16xf32>,
      %broadcast_in_dim3A_74 = arith.constant 0.000000e+00 : f32
      %broadcast_in_dim3A_75 = vector.broadcast %broadcast_in_dim3A_74 : f32 to vector<16xf32>
      %swap3A_76 = arith.index_cast %add3A_61 : i32 to index
      %swap3A_77 = arith.constant 32 : index
      %swap3A_78 = tpu.vector_load %arg6[%swap3A_76, %swap3A_77] {strides = array<i32>} : memref<128x64xf32, #tpu.memory_space<vmem>>, vector<1x16xf32>,
      %swap3A_79 = vector.shape_cast %swap3A_78 : vector<1x16xf32> to vector<16xf32>
      %swap3A_80 = vector.shape_cast %broadcast_in_dim3A_75 : vector<16xf32> to vector<1x16xf32>
      tpu.vector_store %arg6[%swap3A_76, %swap3A_77], %swap3A_80 {strides = array<i32>} : memref<128x64xf32, #tpu.memory_space<vmem>>, vector<1x16xf32>,
      %broadcast_in_dim3A_81 = arith.constant 0.000000e+00 : f32
      %broadcast_in_dim3A_82 = vector.broadcast %broadcast_in_dim3A_81 : f32 to vector<16xf32>
      %swap3A_83 = arith.index_cast %add3A_61 : i32 to index
      %swap3A_84 = arith.constant 48 : index
      %swap3A_85 = tpu.vector_load %arg6[%swap3A_83, %swap3A_84] {strides = array<i32>} : memref<128x64xf32, #tpu.memory_space<vmem>>, vector<1x16xf32>,
      %swap3A_86 = vector.shape_cast %swap3A_85 : vector<1x16xf32> to vector<16xf32>
      %swap3A_87 = vector.shape_cast %broadcast_in_dim3A_82 : vector<16xf32> to vector<1x16xf32>
      tpu.vector_store %arg6[%swap3A_83, %swap3A_84], %swap3A_87 {strides = array<i32>} : memref<128x64xf32, #tpu.memory_space<vmem>>, vector<1x16xf32>,
    }
    %scan3A_13 = arith.constant 128 : i32
    %scan3A_14 = arith.constant 0 : i32
    %scan3A_15 = arith.constant 5 : i32
    %scan3A_16 = arith.addi %scan3A_14, %scan3A_15 : i32
    %scan3A_17 = arith.constant 1 : i32
    scf.for %scan3A_58 = %scan3A_14 to %scan3A_16 step %scan3A_17  : i32 {
      %mul3A_59 = arith.constant 1 : i32
      %mul3A_60 = arith.muli %scan3A_58, %mul3A_59 : i32
      %add3A = arith.constant 0 : i32
      %add3A_61 = arith.addi %add3A, %mul3A_60 : i32
      %mul3A_62 = arith.constant 640 : i32
      %mul3A_63 = arith.muli %arg1, %mul3A_62 : i32
      %mul3A_64 = arith.constant 128 : i32
      %mul3A_65 = arith.muli %add3A_61, %mul3A_64 : i32
      %add3A_66 = arith.addi %mul3A_63, %mul3A_65 : i32
      "tpu.region"() ({
        %run_scoped3A = tpu.sem_alloc : memref<!tpu.dma_semaphore, #tpu.memory_space<semaphore_mem>>
        %dma_start3A_67 = arith.constant 0 : i32
        %dma_start3A_68 = tpu.memref_slice %arg12[%add3A_66, %dma_start3A_67] : memref<10240x64xf32, #tpu.memory_space<vmem_shared>> -> memref<128x64xf32, #tpu.memory_space<vmem_shared>>
        %dma_start3A_69 = arith.constant 0 : i32
        %dma_start3A_70 = tpu.memref_slice %arg12[%add3A_66, %dma_start3A_69] : memref<10240x64xf32, #tpu.memory_space<vmem_shared>> -> memref<128x64xf32, #tpu.memory_space<vmem_shared>>
        tpu.enqueue_dma source(%arg6 : memref<128x64xf32, #tpu.memory_space<vmem>>) target(%dma_start3A_70 : memref<128x64xf32, #tpu.memory_space<vmem_shared>>) target_semaphore(%run_scoped3A : memref<!tpu.dma_semaphore, #tpu.memory_space<semaphore_mem>>)
        %dma_wait3A_71 = arith.constant 0 : i32
        %dma_wait3A_72 = tpu.memref_slice %arg12[%add3A_66, %dma_wait3A_71] : memref<10240x64xf32, #tpu.memory_space<vmem_shared>> -> memref<128x64xf32, #tpu.memory_space<vmem_shared>>
        %dma_wait3A_73 = arith.constant 0 : i32
        %dma_wait3A_74 = tpu.memref_slice %arg12[%add3A_66, %dma_wait3A_73] : memref<10240x64xf32, #tpu.memory_space<vmem_shared>> -> memref<128x64xf32, #tpu.memory_space<vmem_shared>>
        tpu.wait_dma2 semaphore(%run_scoped3A : memref<!tpu.dma_semaphore, #tpu.memory_space<semaphore_mem>>) src(%arg6 : memref<128x64xf32, #tpu.memory_space<vmem>>) dst(%dma_wait3A_74 : memref<128x64xf32, #tpu.memory_space<vmem_shared>>)
        tpu.yield
      }) : () -> ()
    }
    %scan3A_18 = arith.constant 5 : i32
    %dma_wait3A = arith.constant 0 : i32
    %dma_wait3A_19 = arith.constant 0 : i32
    %dma_wait3A_20 = tpu.memref_slice %arg3[%mul3A_0, %dma_wait3A, %dma_wait3A_19] : memref<2560x2x128xi32, #tpu.memory_space<hbm>> -> memref<32x2x128xi32, #tpu.memory_space<hbm>>
    %dma_wait3A_21 = arith.constant 0 : i32
    %dma_wait3A_22 = arith.constant 0 : i32
    %dma_wait3A_23 = tpu.memref_slice %arg3[%mul3A_0, %dma_wait3A_21, %dma_wait3A_22] : memref<2560x2x128xi32, #tpu.memory_space<hbm>> -> memref<32x2x128xi32, #tpu.memory_space<hbm>>
    tpu.wait_dma2 semaphore(%arg21 : memref<!tpu.dma_semaphore, #tpu.memory_space<semaphore_mem>>) src(%dma_wait3A_23 : memref<32x2x128xi32, #tpu.memory_space<hbm>>) dst(%arg5 : memref<32x2x128xi32, #tpu.memory_space<vmem>>)
    %barrier3A = arith.constant 0 : index
    tpu.barrier barrier_id(%barrier3A)
    %scan3A_24 = arith.constant 0 : i32
    %scan3A_25 = arith.constant 5 : i32
    %scan3A_26 = arith.addi %scan3A_24, %scan3A_25 : i32
    %scan3A_27 = arith.constant 1 : i32
    scf.for %scan3A_58 = %scan3A_24 to %scan3A_26 step %scan3A_27  : i32 {
      %mul3A_59 = arith.constant 1 : i32
      %mul3A_60 = arith.muli %scan3A_58, %mul3A_59 : i32
      %add3A = arith.constant 0 : i32
      %add3A_61 = arith.addi %add3A, %mul3A_60 : i32
      %gt3A = arith.constant 0 : i32
      %gt3A_62 = arith.cmpi sgt, %add3A_61, %gt3A : i32
      %convert_element_type3A = arith.extui %gt3A_62 : i1 to i32
      %cond3A = arith.constant 0 : i32
      %cond3A_63 = arith.cmpi ne, %convert_element_type3A, %cond3A : i32
      scf.if %cond3A_63 {
        %dma_wait3A_69 = arith.constant 0 : i32
        %dma_wait3A_70 = arith.constant 0 : i32
        %dma_wait3A_71 = tpu.memref_slice %arg12[%dma_wait3A_69, %dma_wait3A_70] : memref<10240x64xf32, #tpu.memory_space<vmem_shared>> -> memref<128x64xf32, #tpu.memory_space<vmem_shared>>
        %dma_wait3A_72 = arith.constant 0 : i32
        %dma_wait3A_73 = arith.constant 0 : i32
        %dma_wait3A_74 = tpu.memref_slice %arg12[%dma_wait3A_72, %dma_wait3A_73] : memref<10240x64xf32, #tpu.memory_space<vmem_shared>> -> memref<128x64xf32, #tpu.memory_space<vmem_shared>>
        tpu.wait_dma2 semaphore(%arg17 : memref<!tpu.dma_semaphore, #tpu.memory_space<semaphore_mem>>) src(%arg6 : memref<128x64xf32, #tpu.memory_space<vmem>>) dst(%dma_wait3A_74 : memref<128x64xf32, #tpu.memory_space<vmem_shared>>)
        %dma_wait3A_75 = arith.constant 0 : i32
        %dma_wait3A_76 = arith.constant 0 : i32
        %dma_wait3A_77 = tpu.memref_slice %arg12[%dma_wait3A_75, %dma_wait3A_76] : memref<10240x64xf32, #tpu.memory_space<vmem_shared>> -> memref<128x64xf32, #tpu.memory_space<vmem_shared>>
        %dma_wait3A_78 = arith.constant 0 : i32
        %dma_wait3A_79 = arith.constant 0 : i32
        %dma_wait3A_80 = tpu.memref_slice %arg12[%dma_wait3A_78, %dma_wait3A_79] : memref<10240x64xf32, #tpu.memory_space<vmem_shared>> -> memref<128x64xf32, #tpu.memory_space<vmem_shared>>
        tpu.wait_dma2 semaphore(%arg18 : memref<!tpu.dma_semaphore, #tpu.memory_space<semaphore_mem>>) src(%arg7 : memref<128x64xf32, #tpu.memory_space<vmem>>) dst(%dma_wait3A_80 : memref<128x64xf32, #tpu.memory_space<vmem_shared>>)
        %dma_wait3A_81 = arith.constant 0 : i32
        %dma_wait3A_82 = arith.constant 0 : i32
        %dma_wait3A_83 = tpu.memref_slice %arg12[%dma_wait3A_81, %dma_wait3A_82] : memref<10240x64xf32, #tpu.memory_space<vmem_shared>> -> memref<128x64xf32, #tpu.memory_space<vmem_shared>>
        %dma_wait3A_84 = arith.constant 0 : i32
        %dma_wait3A_85 = arith.constant 0 : i32
        %dma_wait3A_86 = tpu.memref_slice %arg12[%dma_wait3A_84, %dma_wait3A_85] : memref<10240x64xf32, #tpu.memory_space<vmem_shared>> -> memref<128x64xf32, #tpu.memory_space<vmem_shared>>
        tpu.wait_dma2 semaphore(%arg19 : memref<!tpu.dma_semaphore, #tpu.memory_space<semaphore_mem>>) src(%arg8 : memref<128x64xf32, #tpu.memory_space<vmem>>) dst(%dma_wait3A_86 : memref<128x64xf32, #tpu.memory_space<vmem_shared>>)
        %dma_wait3A_87 = arith.constant 0 : i32
        %dma_wait3A_88 = arith.constant 0 : i32
        %dma_wait3A_89 = tpu.memref_slice %arg12[%dma_wait3A_87, %dma_wait3A_88] : memref<10240x64xf32, #tpu.memory_space<vmem_shared>> -> memref<128x64xf32, #tpu.memory_space<vmem_shared>>
        %dma_wait3A_90 = arith.constant 0 : i32
        %dma_wait3A_91 = arith.constant 0 : i32
        %dma_wait3A_92 = tpu.memref_slice %arg12[%dma_wait3A_90, %dma_wait3A_91] : memref<10240x64xf32, #tpu.memory_space<vmem_shared>> -> memref<128x64xf32, #tpu.memory_space<vmem_shared>>
        tpu.wait_dma2 semaphore(%arg20 : memref<!tpu.dma_semaphore, #tpu.memory_space<semaphore_mem>>) src(%arg9 : memref<128x64xf32, #tpu.memory_space<vmem>>) dst(%dma_wait3A_92 : memref<128x64xf32, #tpu.memory_space<vmem_shared>>)
        %mul3A_93 = arith.constant 160 : i32
        %mul3A_94 = arith.muli %arg1, %mul3A_93 : i32
        %mul3A_95 = arith.constant 32 : i32
        %mul3A_96 = arith.muli %add3A_61, %mul3A_95 : i32
        %add3A_97 = arith.addi %mul3A_94, %mul3A_96 : i32
        "tpu.region"() ({
          %run_scoped3A = tpu.sem_alloc : memref<!tpu.dma_semaphore, #tpu.memory_space<semaphore_mem>>
          %dma_start3A_98 = arith.constant 0 : i32
          %dma_start3A_99 = arith.constant 0 : i32
          %dma_start3A_100 = tpu.memref_slice %arg3[%add3A_97, %dma_start3A_98, %dma_start3A_99] : memref<2560x2x128xi32, #tpu.memory_space<hbm>> -> memref<32x2x128xi32, #tpu.memory_space<hbm>>
          %dma_start3A_101 = arith.constant 0 : i32
          %dma_start3A_102 = arith.constant 0 : i32
          %dma_start3A_103 = tpu.memref_slice %arg3[%add3A_97, %dma_start3A_101, %dma_start3A_102] : memref<2560x2x128xi32, #tpu.memory_space<hbm>> -> memref<32x2x128xi32, #tpu.memory_space<hbm>>
          tpu.enqueue_dma source(%dma_start3A_103 : memref<32x2x128xi32, #tpu.memory_space<hbm>>) target(%arg5 : memref<32x2x128xi32, #tpu.memory_space<vmem>>) target_semaphore(%run_scoped3A : memref<!tpu.dma_semaphore, #tpu.memory_space<semaphore_mem>>)
          %dma_wait3A_104 = arith.constant 0 : i32
          %dma_wait3A_105 = arith.constant 0 : i32
          %dma_wait3A_106 = tpu.memref_slice %arg3[%add3A_97, %dma_wait3A_104, %dma_wait3A_105] : memref<2560x2x128xi32, #tpu.memory_space<hbm>> -> memref<32x2x128xi32, #tpu.memory_space<hbm>>
          %dma_wait3A_107 = arith.constant 0 : i32
          %dma_wait3A_108 = arith.constant 0 : i32
          %dma_wait3A_109 = tpu.memref_slice %arg3[%add3A_97, %dma_wait3A_107, %dma_wait3A_108] : memref<2560x2x128xi32, #tpu.memory_space<hbm>> -> memref<32x2x128xi32, #tpu.memory_space<hbm>>
          tpu.wait_dma2 semaphore(%run_scoped3A : memref<!tpu.dma_semaphore, #tpu.memory_space<semaphore_mem>>) src(%dma_wait3A_109 : memref<32x2x128xi32, #tpu.memory_space<hbm>>) dst(%arg5 : memref<32x2x128xi32, #tpu.memory_space<vmem>>)
          tpu.yield
        }) : () -> ()
      } else {
      }
      %scan3A_64 = arith.constant 0 : i32
      %scan3A_65 = arith.constant 8 : i32
      %scan3A_66 = arith.addi %scan3A_64, %scan3A_65 : i32
      %scan3A_67 = arith.constant 1 : i32
      scf.for %scan3A_69 = %scan3A_64 to %scan3A_66 step %scan3A_67  : i32 {
        %mul3A_70 = arith.constant 1 : i32
        %mul3A_71 = arith.muli %scan3A_69, %mul3A_70 : i32
        %add3A_72 = arith.constant 0 : i32
        %add3A_73 = arith.addi %add3A_72, %mul3A_71 : i32
        %mul3A_74 = arith.constant 4 : i32
        %mul3A_75 = arith.muli %mul3A_74, %add3A_73 : i32
        %gt3A_76 = arith.constant 0 : i32
        %gt3A_77 = arith.cmpi sgt, %add3A_73, %gt3A_76 : i32
        %convert_element_type3A_78 = arith.extui %gt3A_77 : i1 to i32
        %cond3A_79 = arith.constant 0 : i32
        %cond3A_80 = arith.cmpi ne, %convert_element_type3A_78, %cond3A_79 : i32
        scf.if %cond3A_80 {
          %dma_wait3A_204 = arith.constant 0 : i32
          %dma_wait3A_205 = arith.constant 0 : i32
          %dma_wait3A_206 = tpu.memref_slice %arg12[%dma_wait3A_204, %dma_wait3A_205] : memref<10240x64xf32, #tpu.memory_space<vmem_shared>> -> memref<128x64xf32, #tpu.memory_space<vmem_shared>>
          %dma_wait3A_207 = arith.constant 0 : i32
          %dma_wait3A_208 = arith.constant 0 : i32
          %dma_wait3A_209 = tpu.memref_slice %arg12[%dma_wait3A_207, %dma_wait3A_208] : memref<10240x64xf32, #tpu.memory_space<vmem_shared>> -> memref<128x64xf32, #tpu.memory_space<vmem_shared>>
          tpu.wait_dma2 semaphore(%arg17 : memref<!tpu.dma_semaphore, #tpu.memory_space<semaphore_mem>>) src(%arg6 : memref<128x64xf32, #tpu.memory_space<vmem>>) dst(%dma_wait3A_209 : memref<128x64xf32, #tpu.memory_space<vmem_shared>>)
        } else {
        }
        %add3A_81 = arith.constant 0 : i32
        %add3A_82 = arith.addi %mul3A_75, %add3A_81 : i32
        %dma_start3A_83 = arith.constant 0 : i32
        %dma_start3A_84 = arith.constant 0 : i32
        %dma_start3A_85 = tpu.memref_slice %arg5[%add3A_82, %dma_start3A_83, %dma_start3A_84] : memref<32x2x128xi32, #tpu.memory_space<vmem>> -> memref<1x1x128xi32, #tpu.memory_space<vmem>>
        %dma_start3A_86 = tpu.memref_squeeze %dma_start3A_85 : memref<1x1x128xi32, #tpu.memory_space<vmem>> -> memref<128xi32, #tpu.memory_space<vmem>>
        %dma_start3A_87 = arith.constant 0 : i32
        %dma_start3A_88 = arith.constant 0 : i32
        %dma_start3A_89 = tpu.memref_slice %arg11[%dma_start3A_87, %dma_start3A_88] : memref<10240x64xf32, #tpu.memory_space<vmem_shared>> -> memref<10240x64xf32, #tpu.memory_space<vmem_shared>>
        tpu.enqueue_indirect_dma source(%dma_start3A_89 : memref<10240x64xf32, #tpu.memory_space<vmem_shared>>) target(%arg6 : memref<128x64xf32, #tpu.memory_space<vmem>>) offsets(%dma_start3A_86 : memref<128xi32, #tpu.memory_space<vmem>>) semaphore(%arg13 : memref<!tpu.dma_semaphore, #tpu.memory_space<semaphore_mem>>)
        %gt3A_90 = arith.constant 0 : i32
        %gt3A_91 = arith.cmpi sgt, %add3A_73, %gt3A_90 : i32
        %convert_element_type3A_92 = arith.extui %gt3A_91 : i1 to i32
        %cond3A_93 = arith.constant 0 : i32
        %cond3A_94 = arith.cmpi ne, %convert_element_type3A_92, %cond3A_93 : i32
        scf.if %cond3A_94 {
          %dma_wait3A_204 = arith.constant 0 : i32
          %dma_wait3A_205 = arith.constant 0 : i32
          %dma_wait3A_206 = tpu.memref_slice %arg12[%dma_wait3A_204, %dma_wait3A_205] : memref<10240x64xf32, #tpu.memory_space<vmem_shared>> -> memref<128x64xf32, #tpu.memory_space<vmem_shared>>
          %dma_wait3A_207 = arith.constant 0 : i32
          %dma_wait3A_208 = arith.constant 0 : i32
          %dma_wait3A_209 = tpu.memref_slice %arg12[%dma_wait3A_207, %dma_wait3A_208] : memref<10240x64xf32, #tpu.memory_space<vmem_shared>> -> memref<128x64xf32, #tpu.memory_space<vmem_shared>>
          tpu.wait_dma2 semaphore(%arg18 : memref<!tpu.dma_semaphore, #tpu.memory_space<semaphore_mem>>) src(%arg7 : memref<128x64xf32, #tpu.memory_space<vmem>>) dst(%dma_wait3A_209 : memref<128x64xf32, #tpu.memory_space<vmem_shared>>)
        } else {
        }
        %add3A_95 = arith.constant 1 : i32
        %add3A_96 = arith.addi %mul3A_75, %add3A_95 : i32
        %dma_start3A_97 = arith.constant 0 : i32
        %dma_start3A_98 = arith.constant 0 : i32
        %dma_start3A_99 = tpu.memref_slice %arg5[%add3A_96, %dma_start3A_97, %dma_start3A_98] : memref<32x2x128xi32, #tpu.memory_space<vmem>> -> memref<1x1x128xi32, #tpu.memory_space<vmem>>
        %dma_start3A_100 = tpu.memref_squeeze %dma_start3A_99 : memref<1x1x128xi32, #tpu.memory_space<vmem>> -> memref<128xi32, #tpu.memory_space<vmem>>
        %dma_start3A_101 = arith.constant 0 : i32
        %dma_start3A_102 = arith.constant 0 : i32
        %dma_start3A_103 = tpu.memref_slice %arg11[%dma_start3A_101, %dma_start3A_102] : memref<10240x64xf32, #tpu.memory_space<vmem_shared>> -> memref<10240x64xf32, #tpu.memory_space<vmem_shared>>
        tpu.enqueue_indirect_dma source(%dma_start3A_103 : memref<10240x64xf32, #tpu.memory_space<vmem_shared>>) target(%arg7 : memref<128x64xf32, #tpu.memory_space<vmem>>) offsets(%dma_start3A_100 : memref<128xi32, #tpu.memory_space<vmem>>) semaphore(%arg14 : memref<!tpu.dma_semaphore, #tpu.memory_space<semaphore_mem>>)
        %gt3A_104 = arith.constant 0 : i32
        %gt3A_105 = arith.cmpi sgt, %add3A_73, %gt3A_104 : i32
        %convert_element_type3A_106 = arith.extui %gt3A_105 : i1 to i32
        %cond3A_107 = arith.constant 0 : i32
        %cond3A_108 = arith.cmpi ne, %convert_element_type3A_106, %cond3A_107 : i32
        scf.if %cond3A_108 {
          %dma_wait3A_204 = arith.constant 0 : i32
          %dma_wait3A_205 = arith.constant 0 : i32
          %dma_wait3A_206 = tpu.memref_slice %arg12[%dma_wait3A_204, %dma_wait3A_205] : memref<10240x64xf32, #tpu.memory_space<vmem_shared>> -> memref<128x64xf32, #tpu.memory_space<vmem_shared>>
          %dma_wait3A_207 = arith.constant 0 : i32
          %dma_wait3A_208 = arith.constant 0 : i32
          %dma_wait3A_209 = tpu.memref_slice %arg12[%dma_wait3A_207, %dma_wait3A_208] : memref<10240x64xf32, #tpu.memory_space<vmem_shared>> -> memref<128x64xf32, #tpu.memory_space<vmem_shared>>
          tpu.wait_dma2 semaphore(%arg19 : memref<!tpu.dma_semaphore, #tpu.memory_space<semaphore_mem>>) src(%arg8 : memref<128x64xf32, #tpu.memory_space<vmem>>) dst(%dma_wait3A_209 : memref<128x64xf32, #tpu.memory_space<vmem_shared>>)
        } else {
        }
        %add3A_109 = arith.constant 2 : i32
        %add3A_110 = arith.addi %mul3A_75, %add3A_109 : i32
        %dma_start3A_111 = arith.constant 0 : i32
        %dma_start3A_112 = arith.constant 0 : i32
        %dma_start3A_113 = tpu.memref_slice %arg5[%add3A_110, %dma_start3A_111, %dma_start3A_112] : memref<32x2x128xi32, #tpu.memory_space<vmem>> -> memref<1x1x128xi32, #tpu.memory_space<vmem>>
        %dma_start3A_114 = tpu.memref_squeeze %dma_start3A_113 : memref<1x1x128xi32, #tpu.memory_space<vmem>> -> memref<128xi32, #tpu.memory_space<vmem>>
        %dma_start3A_115 = arith.constant 0 : i32
        %dma_start3A_116 = arith.constant 0 : i32
        %dma_start3A_117 = tpu.memref_slice %arg11[%dma_start3A_115, %dma_start3A_116] : memref<10240x64xf32, #tpu.memory_space<vmem_shared>> -> memref<10240x64xf32, #tpu.memory_space<vmem_shared>>
        tpu.enqueue_indirect_dma source(%dma_start3A_117 : memref<10240x64xf32, #tpu.memory_space<vmem_shared>>) target(%arg8 : memref<128x64xf32, #tpu.memory_space<vmem>>) offsets(%dma_start3A_114 : memref<128xi32, #tpu.memory_space<vmem>>) semaphore(%arg15 : memref<!tpu.dma_semaphore, #tpu.memory_space<semaphore_mem>>)
        %gt3A_118 = arith.constant 0 : i32
        %gt3A_119 = arith.cmpi sgt, %add3A_73, %gt3A_118 : i32
        %convert_element_type3A_120 = arith.extui %gt3A_119 : i1 to i32
        %cond3A_121 = arith.constant 0 : i32
        %cond3A_122 = arith.cmpi ne, %convert_element_type3A_120, %cond3A_121 : i32
        scf.if %cond3A_122 {
          %dma_wait3A_204 = arith.constant 0 : i32
          %dma_wait3A_205 = arith.constant 0 : i32
          %dma_wait3A_206 = tpu.memref_slice %arg12[%dma_wait3A_204, %dma_wait3A_205] : memref<10240x64xf32, #tpu.memory_space<vmem_shared>> -> memref<128x64xf32, #tpu.memory_space<vmem_shared>>
          %dma_wait3A_207 = arith.constant 0 : i32
          %dma_wait3A_208 = arith.constant 0 : i32
          %dma_wait3A_209 = tpu.memref_slice %arg12[%dma_wait3A_207, %dma_wait3A_208] : memref<10240x64xf32, #tpu.memory_space<vmem_shared>> -> memref<128x64xf32, #tpu.memory_space<vmem_shared>>
          tpu.wait_dma2 semaphore(%arg20 : memref<!tpu.dma_semaphore, #tpu.memory_space<semaphore_mem>>) src(%arg9 : memref<128x64xf32, #tpu.memory_space<vmem>>) dst(%dma_wait3A_209 : memref<128x64xf32, #tpu.memory_space<vmem_shared>>)
        } else {
        }
        %add3A_123 = arith.constant 3 : i32
        %add3A_124 = arith.addi %mul3A_75, %add3A_123 : i32
        %dma_start3A_125 = arith.constant 0 : i32
        %dma_start3A_126 = arith.constant 0 : i32
        %dma_start3A_127 = tpu.memref_slice %arg5[%add3A_124, %dma_start3A_125, %dma_start3A_126] : memref<32x2x128xi32, #tpu.memory_space<vmem>> -> memref<1x1x128xi32, #tpu.memory_space<vmem>>
        %dma_start3A_128 = tpu.memref_squeeze %dma_start3A_127 : memref<1x1x128xi32, #tpu.memory_space<vmem>> -> memref<128xi32, #tpu.memory_space<vmem>>
        %dma_start3A_129 = arith.constant 0 : i32
        %dma_start3A_130 = arith.constant 0 : i32
        %dma_start3A_131 = tpu.memref_slice %arg11[%dma_start3A_129, %dma_start3A_130] : memref<10240x64xf32, #tpu.memory_space<vmem_shared>> -> memref<10240x64xf32, #tpu.memory_space<vmem_shared>>
        tpu.enqueue_indirect_dma source(%dma_start3A_131 : memref<10240x64xf32, #tpu.memory_space<vmem_shared>>) target(%arg9 : memref<128x64xf32, #tpu.memory_space<vmem>>) offsets(%dma_start3A_128 : memref<128xi32, #tpu.memory_space<vmem>>) semaphore(%arg16 : memref<!tpu.dma_semaphore, #tpu.memory_space<semaphore_mem>>)
        %dma_wait3A_132 = arith.constant 0 : i32
        %dma_wait3A_133 = arith.constant 0 : i32
        %dma_wait3A_134 = arith.constant 0 : i32
        %dma_wait3A_135 = tpu.memref_slice %arg2[%dma_wait3A_132, %dma_wait3A_133, %dma_wait3A_134] : memref<2x10240x64xf32, #tpu.memory_space<hbm>> -> memref<1x128x64xf32, #tpu.memory_space<hbm>>
        %dma_wait3A_136 = tpu.memref_squeeze %dma_wait3A_135 : memref<1x128x64xf32, #tpu.memory_space<hbm>> -> memref<128x64xf32, #tpu.memory_space<hbm>>
        %dma_wait3A_137 = arith.constant 0 : i32
        %dma_wait3A_138 = arith.constant 0 : i32
        %dma_wait3A_139 = tpu.memref_slice %arg2[%dma_wait3A_132, %dma_wait3A_137, %dma_wait3A_138] : memref<2x10240x64xf32, #tpu.memory_space<hbm>> -> memref<1x128x64xf32, #tpu.memory_space<hbm>>
        %dma_wait3A_140 = tpu.memref_squeeze %dma_wait3A_139 : memref<1x128x64xf32, #tpu.memory_space<hbm>> -> memref<128x64xf32, #tpu.memory_space<hbm>>
        tpu.wait_dma2 semaphore(%arg13 : memref<!tpu.dma_semaphore, #tpu.memory_space<semaphore_mem>>) src(%dma_wait3A_140 : memref<128x64xf32, #tpu.memory_space<hbm>>) dst(%arg6 : memref<128x64xf32, #tpu.memory_space<vmem>>)
        %add3A_141 = arith.constant 0 : i32
        %add3A_142 = arith.addi %mul3A_75, %add3A_141 : i32
        %dma_start3A_143 = arith.constant 1 : i32
        %dma_start3A_144 = arith.constant 0 : i32
        %dma_start3A_145 = tpu.memref_slice %arg5[%add3A_142, %dma_start3A_143, %dma_start3A_144] : memref<32x2x128xi32, #tpu.memory_space<vmem>> -> memref<1x1x128xi32, #tpu.memory_space<vmem>>
        %dma_start3A_146 = tpu.memref_squeeze %dma_start3A_145 : memref<1x1x128xi32, #tpu.memory_space<vmem>> -> memref<128xi32, #tpu.memory_space<vmem>>
        %dma_start3A_147 = arith.constant 0 : i32
        %dma_start3A_148 = arith.constant 0 : i32
        %dma_start3A_149 = tpu.memref_slice %arg12[%dma_start3A_147, %dma_start3A_148] : memref<10240x64xf32, #tpu.memory_space<vmem_shared>> -> memref<10240x64xf32, #tpu.memory_space<vmem_shared>>
        tpu.enqueue_indirect_dma source(%arg6 : memref<128x64xf32, #tpu.memory_space<vmem>>) target(%dma_start3A_149 : memref<10240x64xf32, #tpu.memory_space<vmem_shared>>) offsets(%dma_start3A_146 : memref<128xi32, #tpu.memory_space<vmem>>) semaphore(%arg17 : memref<!tpu.dma_semaphore, #tpu.memory_space<semaphore_mem>>) {add = true}
        %dma_wait3A_150 = arith.constant 0 : i32
        %dma_wait3A_151 = arith.constant 0 : i32
        %dma_wait3A_152 = arith.constant 0 : i32
        %dma_wait3A_153 = tpu.memref_slice %arg2[%dma_wait3A_150, %dma_wait3A_151, %dma_wait3A_152] : memref<2x10240x64xf32, #tpu.memory_space<hbm>> -> memref<1x128x64xf32, #tpu.memory_space<hbm>>
        %dma_wait3A_154 = tpu.memref_squeeze %dma_wait3A_153 : memref<1x128x64xf32, #tpu.memory_space<hbm>> -> memref<128x64xf32, #tpu.memory_space<hbm>>
        %dma_wait3A_155 = arith.constant 0 : i32
        %dma_wait3A_156 = arith.constant 0 : i32
        %dma_wait3A_157 = tpu.memref_slice %arg2[%dma_wait3A_150, %dma_wait3A_155, %dma_wait3A_156] : memref<2x10240x64xf32, #tpu.memory_space<hbm>> -> memref<1x128x64xf32, #tpu.memory_space<hbm>>
        %dma_wait3A_158 = tpu.memref_squeeze %dma_wait3A_157 : memref<1x128x64xf32, #tpu.memory_space<hbm>> -> memref<128x64xf32, #tpu.memory_space<hbm>>
        tpu.wait_dma2 semaphore(%arg14 : memref<!tpu.dma_semaphore, #tpu.memory_space<semaphore_mem>>) src(%dma_wait3A_158 : memref<128x64xf32, #tpu.memory_space<hbm>>) dst(%arg7 : memref<128x64xf32, #tpu.memory_space<vmem>>)
        %add3A_159 = arith.constant 1 : i32
        %add3A_160 = arith.addi %mul3A_75, %add3A_159 : i32
        %dma_start3A_161 = arith.constant 1 : i32
        %dma_start3A_162 = arith.constant 0 : i32
        %dma_start3A_163 = tpu.memref_slice %arg5[%add3A_160, %dma_start3A_161, %dma_start3A_162] : memref<32x2x128xi32, #tpu.memory_space<vmem>> -> memref<1x1x128xi32, #tpu.memory_space<vmem>>
        %dma_start3A_164 = tpu.memref_squeeze %dma_start3A_163 : memref<1x1x128xi32, #tpu.memory_space<vmem>> -> memref<128xi32, #tpu.memory_space<vmem>>
        %dma_start3A_165 = arith.constant 0 : i32
        %dma_start3A_166 = arith.constant 0 : i32
        %dma_start3A_167 = tpu.memref_slice %arg12[%dma_start3A_165, %dma_start3A_166] : memref<10240x64xf32, #tpu.memory_space<vmem_shared>> -> memref<10240x64xf32, #tpu.memory_space<vmem_shared>>
        tpu.enqueue_indirect_dma source(%arg7 : memref<128x64xf32, #tpu.memory_space<vmem>>) target(%dma_start3A_167 : memref<10240x64xf32, #tpu.memory_space<vmem_shared>>) offsets(%dma_start3A_164 : memref<128xi32, #tpu.memory_space<vmem>>) semaphore(%arg18 : memref<!tpu.dma_semaphore, #tpu.memory_space<semaphore_mem>>) {add = true}
        %dma_wait3A_168 = arith.constant 0 : i32
        %dma_wait3A_169 = arith.constant 0 : i32
        %dma_wait3A_170 = arith.constant 0 : i32
        %dma_wait3A_171 = tpu.memref_slice %arg2[%dma_wait3A_168, %dma_wait3A_169, %dma_wait3A_170] : memref<2x10240x64xf32, #tpu.memory_space<hbm>> -> memref<1x128x64xf32, #tpu.memory_space<hbm>>
        %dma_wait3A_172 = tpu.memref_squeeze %dma_wait3A_171 : memref<1x128x64xf32, #tpu.memory_space<hbm>> -> memref<128x64xf32, #tpu.memory_space<hbm>>
        %dma_wait3A_173 = arith.constant 0 : i32
        %dma_wait3A_174 = arith.constant 0 : i32
        %dma_wait3A_175 = tpu.memref_slice %arg2[%dma_wait3A_168, %dma_wait3A_173, %dma_wait3A_174] : memref<2x10240x64xf32, #tpu.memory_space<hbm>> -> memref<1x128x64xf32, #tpu.memory_space<hbm>>
        %dma_wait3A_176 = tpu.memref_squeeze %dma_wait3A_175 : memref<1x128x64xf32, #tpu.memory_space<hbm>> -> memref<128x64xf32, #tpu.memory_space<hbm>>
        tpu.wait_dma2 semaphore(%arg15 : memref<!tpu.dma_semaphore, #tpu.memory_space<semaphore_mem>>) src(%dma_wait3A_176 : memref<128x64xf32, #tpu.memory_space<hbm>>) dst(%arg8 : memref<128x64xf32, #tpu.memory_space<vmem>>)
        %add3A_177 = arith.constant 2 : i32
        %add3A_178 = arith.addi %mul3A_75, %add3A_177 : i32
        %dma_start3A_179 = arith.constant 1 : i32
        %dma_start3A_180 = arith.constant 0 : i32
        %dma_start3A_181 = tpu.memref_slice %arg5[%add3A_178, %dma_start3A_179, %dma_start3A_180] : memref<32x2x128xi32, #tpu.memory_space<vmem>> -> memref<1x1x128xi32, #tpu.memory_space<vmem>>
        %dma_start3A_182 = tpu.memref_squeeze %dma_start3A_181 : memref<1x1x128xi32, #tpu.memory_space<vmem>> -> memref<128xi32, #tpu.memory_space<vmem>>
        %dma_start3A_183 = arith.constant 0 : i32
        %dma_start3A_184 = arith.constant 0 : i32
        %dma_start3A_185 = tpu.memref_slice %arg12[%dma_start3A_183, %dma_start3A_184] : memref<10240x64xf32, #tpu.memory_space<vmem_shared>> -> memref<10240x64xf32, #tpu.memory_space<vmem_shared>>
        tpu.enqueue_indirect_dma source(%arg8 : memref<128x64xf32, #tpu.memory_space<vmem>>) target(%dma_start3A_185 : memref<10240x64xf32, #tpu.memory_space<vmem_shared>>) offsets(%dma_start3A_182 : memref<128xi32, #tpu.memory_space<vmem>>) semaphore(%arg19 : memref<!tpu.dma_semaphore, #tpu.memory_space<semaphore_mem>>) {add = true}
        %dma_wait3A_186 = arith.constant 0 : i32
        %dma_wait3A_187 = arith.constant 0 : i32
        %dma_wait3A_188 = arith.constant 0 : i32
        %dma_wait3A_189 = tpu.memref_slice %arg2[%dma_wait3A_186, %dma_wait3A_187, %dma_wait3A_188] : memref<2x10240x64xf32, #tpu.memory_space<hbm>> -> memref<1x128x64xf32, #tpu.memory_space<hbm>>
        %dma_wait3A_190 = tpu.memref_squeeze %dma_wait3A_189 : memref<1x128x64xf32, #tpu.memory_space<hbm>> -> memref<128x64xf32, #tpu.memory_space<hbm>>
        %dma_wait3A_191 = arith.constant 0 : i32
        %dma_wait3A_192 = arith.constant 0 : i32
        %dma_wait3A_193 = tpu.memref_slice %arg2[%dma_wait3A_186, %dma_wait3A_191, %dma_wait3A_192] : memref<2x10240x64xf32, #tpu.memory_space<hbm>> -> memref<1x128x64xf32, #tpu.memory_space<hbm>>
        %dma_wait3A_194 = tpu.memref_squeeze %dma_wait3A_193 : memref<1x128x64xf32, #tpu.memory_space<hbm>> -> memref<128x64xf32, #tpu.memory_space<hbm>>
        tpu.wait_dma2 semaphore(%arg16 : memref<!tpu.dma_semaphore, #tpu.memory_space<semaphore_mem>>) src(%dma_wait3A_194 : memref<128x64xf32, #tpu.memory_space<hbm>>) dst(%arg9 : memref<128x64xf32, #tpu.memory_space<vmem>>)
        %add3A_195 = arith.constant 3 : i32
        %add3A_196 = arith.addi %mul3A_75, %add3A_195 : i32
        %dma_start3A_197 = arith.constant 1 : i32
        %dma_start3A_198 = arith.constant 0 : i32
        %dma_start3A_199 = tpu.memref_slice %arg5[%add3A_196, %dma_start3A_197, %dma_start3A_198] : memref<32x2x128xi32, #tpu.memory_space<vmem>> -> memref<1x1x128xi32, #tpu.memory_space<vmem>>
        %dma_start3A_200 = tpu.memref_squeeze %dma_start3A_199 : memref<1x1x128xi32, #tpu.memory_space<vmem>> -> memref<128xi32, #tpu.memory_space<vmem>>
        %dma_start3A_201 = arith.constant 0 : i32
        %dma_start3A_202 = arith.constant 0 : i32
        %dma_start3A_203 = tpu.memref_slice %arg12[%dma_start3A_201, %dma_start3A_202] : memref<10240x64xf32, #tpu.memory_space<vmem_shared>> -> memref<10240x64xf32, #tpu.memory_space<vmem_shared>>
        tpu.enqueue_indirect_dma source(%arg9 : memref<128x64xf32, #tpu.memory_space<vmem>>) target(%dma_start3A_203 : memref<10240x64xf32, #tpu.memory_space<vmem_shared>>) offsets(%dma_start3A_200 : memref<128xi32, #tpu.memory_space<vmem>>) semaphore(%arg20 : memref<!tpu.dma_semaphore, #tpu.memory_space<semaphore_mem>>) {add = true}
      }
      %scan3A_68 = arith.constant 8 : i32
    }
    %scan3A_28 = arith.constant 5 : i32
    %dma_wait3A_29 = arith.constant 0 : i32
    %dma_wait3A_30 = arith.constant 0 : i32
    %dma_wait3A_31 = tpu.memref_slice %arg12[%dma_wait3A_29, %dma_wait3A_30] : memref<10240x64xf32, #tpu.memory_space<vmem_shared>> -> memref<128x64xf32, #tpu.memory_space<vmem_shared>>
    %dma_wait3A_32 = arith.constant 0 : i32
    %dma_wait3A_33 = arith.constant 0 : i32
    %dma_wait3A_34 = tpu.memref_slice %arg12[%dma_wait3A_32, %dma_wait3A_33] : memref<10240x64xf32, #tpu.memory_space<vmem_shared>> -> memref<128x64xf32, #tpu.memory_space<vmem_shared>>
    tpu.wait_dma2 semaphore(%arg17 : memref<!tpu.dma_semaphore, #tpu.memory_space<semaphore_mem>>) src(%arg6 : memref<128x64xf32, #tpu.memory_space<vmem>>) dst(%dma_wait3A_34 : memref<128x64xf32, #tpu.memory_space<vmem_shared>>)
    %dma_wait3A_35 = arith.constant 0 : i32
    %dma_wait3A_36 = arith.constant 0 : i32
    %dma_wait3A_37 = tpu.memref_slice %arg12[%dma_wait3A_35, %dma_wait3A_36] : memref<10240x64xf32, #tpu.memory_space<vmem_shared>> -> memref<128x64xf32, #tpu.memory_space<vmem_shared>>
    %dma_wait3A_38 = arith.constant 0 : i32
    %dma_wait3A_39 = arith.constant 0 : i32
    %dma_wait3A_40 = tpu.memref_slice %arg12[%dma_wait3A_38, %dma_wait3A_39] : memref<10240x64xf32, #tpu.memory_space<vmem_shared>> -> memref<128x64xf32, #tpu.memory_space<vmem_shared>>
    tpu.wait_dma2 semaphore(%arg18 : memref<!tpu.dma_semaphore, #tpu.memory_space<semaphore_mem>>) src(%arg7 : memref<128x64xf32, #tpu.memory_space<vmem>>) dst(%dma_wait3A_40 : memref<128x64xf32, #tpu.memory_space<vmem_shared>>)
    %dma_wait3A_41 = arith.constant 0 : i32
    %dma_wait3A_42 = arith.constant 0 : i32
    %dma_wait3A_43 = tpu.memref_slice %arg12[%dma_wait3A_41, %dma_wait3A_42] : memref<10240x64xf32, #tpu.memory_space<vmem_shared>> -> memref<128x64xf32, #tpu.memory_space<vmem_shared>>
    %dma_wait3A_44 = arith.constant 0 : i32
    %dma_wait3A_45 = arith.constant 0 : i32
    %dma_wait3A_46 = tpu.memref_slice %arg12[%dma_wait3A_44, %dma_wait3A_45] : memref<10240x64xf32, #tpu.memory_space<vmem_shared>> -> memref<128x64xf32, #tpu.memory_space<vmem_shared>>
    tpu.wait_dma2 semaphore(%arg19 : memref<!tpu.dma_semaphore, #tpu.memory_space<semaphore_mem>>) src(%arg8 : memref<128x64xf32, #tpu.memory_space<vmem>>) dst(%dma_wait3A_46 : memref<128x64xf32, #tpu.memory_space<vmem_shared>>)
    %dma_wait3A_47 = arith.constant 0 : i32
    %dma_wait3A_48 = arith.constant 0 : i32
    %dma_wait3A_49 = tpu.memref_slice %arg12[%dma_wait3A_47, %dma_wait3A_48] : memref<10240x64xf32, #tpu.memory_space<vmem_shared>> -> memref<128x64xf32, #tpu.memory_space<vmem_shared>>
    %dma_wait3A_50 = arith.constant 0 : i32
    %dma_wait3A_51 = arith.constant 0 : i32
    %dma_wait3A_52 = tpu.memref_slice %arg12[%dma_wait3A_50, %dma_wait3A_51] : memref<10240x64xf32, #tpu.memory_space<vmem_shared>> -> memref<128x64xf32, #tpu.memory_space<vmem_shared>>
    tpu.wait_dma2 semaphore(%arg20 : memref<!tpu.dma_semaphore, #tpu.memory_space<semaphore_mem>>) src(%arg9 : memref<128x64xf32, #tpu.memory_space<vmem>>) dst(%dma_wait3A_52 : memref<128x64xf32, #tpu.memory_space<vmem_shared>>)
    %barrier3A_53 = arith.constant 0 : index
    tpu.barrier barrier_id(%barrier3A_53)
    %mul3A_54 = arith.constant 640 : i32
    %mul3A_55 = arith.muli %arg1, %mul3A_54 : i32
    %mul3A_56 = arith.constant 640 : i32
    %mul3A_57 = arith.muli %arg1, %mul3A_56 : i32
    "tpu.region"() ({
      %run_scoped3A = tpu.sem_alloc : memref<!tpu.dma_semaphore, #tpu.memory_space<semaphore_mem>>
      %dma_start3A_58 = arith.constant 0 : i32
      %dma_start3A_59 = tpu.memref_slice %arg4[%arg0, %mul3A_57, %dma_start3A_58] : memref<2x10240x64xf32, #tpu.memory_space<hbm>> -> memref<1x640x64xf32, #tpu.memory_space<hbm>>
      %dma_start3A_60 = tpu.memref_squeeze %dma_start3A_59 : memref<1x640x64xf32, #tpu.memory_space<hbm>> -> memref<640x64xf32, #tpu.memory_space<hbm>>
      %dma_start3A_61 = arith.constant 0 : i32
      %dma_start3A_62 = tpu.memref_slice %arg12[%mul3A_55, %dma_start3A_61] : memref<10240x64xf32, #tpu.memory_space<vmem_shared>> -> memref<640x64xf32, #tpu.memory_space<vmem_shared>>
      tpu.enqueue_dma source(%dma_start3A_62 : memref<640x64xf32, #tpu.memory_space<vmem_shared>>) target(%dma_start3A_60 : memref<640x64xf32, #tpu.memory_space<hbm>>) target_semaphore(%run_scoped3A : memref<!tpu.dma_semaphore, #tpu.memory_space<semaphore_mem>>)
      %dma_wait3A_63 = arith.constant 0 : i32
      %dma_wait3A_64 = tpu.memref_slice %arg4[%arg0, %mul3A_57, %dma_wait3A_63] : memref<2x10240x64xf32, #tpu.memory_space<hbm>> -> memref<1x640x64xf32, #tpu.memory_space<hbm>>
      %dma_wait3A_65 = tpu.memref_squeeze %dma_wait3A_64 : memref<1x640x64xf32, #tpu.memory_space<hbm>> -> memref<640x64xf32, #tpu.memory_space<hbm>>
      %dma_wait3A_66 = arith.constant 0 : i32
      %dma_wait3A_67 = tpu.memref_slice %arg12[%mul3A_55, %dma_wait3A_66] : memref<10240x64xf32, #tpu.memory_space<vmem_shared>> -> memref<640x64xf32, #tpu.memory_space<vmem_shared>>
      tpu.wait_dma2 semaphore(%run_scoped3A : memref<!tpu.dma_semaphore, #tpu.memory_space<semaphore_mem>>) src(%dma_wait3A_67 : memref<640x64xf32, #tpu.memory_space<vmem_shared>>) dst(%dma_wait3A_65 : memref<640x64xf32, #tpu.memory_space<hbm>>)
      tpu.yield
    }) : () -> ()
    return
  }
}

module attributes {stable_mosaic.version = 14 : i64} {
  func.func @_tc1_body(%arg0: memref<10000x128xf32, #tpu.memory_space<vmem>>, %arg1: memref<128x128xf32, #tpu.memory_space<vmem>>, %arg2: memref<2x10240x8xf32, #tpu.memory_space<vmem>>, %arg3: memref<2x10240x64xf32, #tpu.memory_space<vmem>>) attributes {dimension_semantics = [], scalar_prefetch = 0 : i64, scratch_operands = 0 : i64, tpu.core_type = #tpu.core_type<tc>} {
    %get3A = arith.constant 0 : index
    %get3A_0 = arith.constant 0 : index
    %get3A_1 = arith.constant 0 : index
    %get3A_2 = vector.load %arg2[%get3A, %get3A_0, %get3A_1] : memref<2x10240x8xf32, #tpu.memory_space<vmem>>, vector<1x10240x1xf32>
    %get3A_3 = vector.shape_cast %get3A_2 : vector<1x10240x1xf32> to vector<10240x1xf32>
    %get3A_4 = arith.constant 1 : index
    %get3A_5 = arith.constant 0 : index
    %get3A_6 = arith.constant 0 : index
    %get3A_7 = vector.load %arg2[%get3A_4, %get3A_5, %get3A_6] : memref<2x10240x8xf32, #tpu.memory_space<vmem>>, vector<1x10240x1xf32>
    %get3A_8 = vector.shape_cast %get3A_7 : vector<1x10240x1xf32> to vector<10240x1xf32>
    %add3A = arith.addf %get3A_3, %get3A_8 : vector<10240x1xf32>
    %iota3A = tpu.iota {dimensions = array<i32: 0>} : vector<10240x1xi32>
    %lt3A = arith.constant 10000 : i32
    %lt3A_9 = vector.broadcast %lt3A : i32 to vector<10240x1xi32>
    %lt3A_10 = arith.cmpi slt, %iota3A, %lt3A_9 : vector<10240x1xi32>
    %jit3A = arith.constant 1.000000e+00 : f32
    %jit3A_11 = arith.constant 0.000000e+00 : f32
    %broadcast_in_dim3A = vector.broadcast %jit3A : f32 to vector<10240x1xf32>
    %broadcast_in_dim3A_12 = vector.broadcast %jit3A_11 : f32 to vector<10240x1xf32>
    %select_n3A = arith.select %lt3A_10, %broadcast_in_dim3A, %broadcast_in_dim3A_12 : vector<10240x1xi1>, vector<10240x1xf32>
    %add3A_13 = arith.addf %add3A, %select_n3A : vector<10240x1xf32>
    %gt3A = arith.constant 0.000000e+00 : f32
    %gt3A_14 = vector.broadcast %gt3A : f32 to vector<10240x1xf32>
    %gt3A_15 = arith.cmpf ogt, %add3A_13, %gt3A_14 : vector<10240x1xf32>
    %rsqrt3A = math.rsqrt %add3A_13 : vector<10240x1xf32>
    %jit3A_16 = arith.constant 0.000000e+00 : f32
    %broadcast_in_dim3A_17 = vector.broadcast %jit3A_16 : f32 to vector<10240x1xf32>
    %select_n3A_18 = arith.select %gt3A_15, %rsqrt3A, %broadcast_in_dim3A_17 : vector<10240x1xi1>, vector<10240x1xf32>
    %get3A_19 = arith.constant 0 : index
    %get3A_20 = arith.constant 0 : index
    %get3A_21 = vector.load %arg0[%get3A_19, %get3A_20] : memref<10000x128xf32, #tpu.memory_space<vmem>>, vector<10000x128xf32>
    %get3A_22 = arith.constant 0 : index
    %get3A_23 = arith.constant 0 : index
    %get3A_24 = vector.load %arg1[%get3A_22, %get3A_23] : memref<128x128xf32, #tpu.memory_space<vmem>>, vector<128x128xf32>
    %dot_general3A = arith.constant dense<0.000000e+00> : vector<10000x128xf32>
    %dot_general3A_25 = tpu.matmul %get3A_21, %get3A_24, %dot_general3A {dimension_numbers = #tpu.dot_dimension_numbers<[1], [0], [0], [1], [0, 0, 1, 1], [], []>, transpose_lhs_hint = false} : vector<10000x128xf32>, vector<128x128xf32>, vector<10000x128xf32> -> vector<10000x128xf32>
    %slice3A = vector.extract_strided_slice %select_n3A_18 {offsets = [0, 0], sizes = [10000, 1], strides = [1, 1]} : vector<10240x1xf32> to vector<10000x1xf32>
    %mul3A = vector.broadcast %slice3A : vector<10000x1xf32> to vector<10000x128xf32>
    %mul3A_26 = arith.mulf %dot_general3A_25, %mul3A : vector<10000x128xf32>
    %broadcast_in_dim3A_27 = arith.constant 0.000000e+00 : f32
    %broadcast_in_dim3A_28 = vector.broadcast %broadcast_in_dim3A_27 : f32 to vector<240x64xf32>
    %slice3A_29 = vector.extract_strided_slice %mul3A_26 {offsets = [0, 0], sizes = [10000, 64], strides = [1, 1]} : vector<10000x128xf32> to vector<10000x64xf32>
    %concatenate3A = tpu.concatenate %slice3A_29, %broadcast_in_dim3A_28 in 0 : vector<10000x64xf32>, vector<240x64xf32> -> vector<10240x64xf32>
    %swap3A = arith.constant 0 : index
    %swap3A_30 = arith.constant 0 : index
    %swap3A_31 = arith.constant 0 : index
    %swap3A_32 = vector.load %arg3[%swap3A, %swap3A_30, %swap3A_31] : memref<2x10240x64xf32, #tpu.memory_space<vmem>>, vector<1x10240x64xf32>
    %swap3A_33 = vector.shape_cast %swap3A_32 : vector<1x10240x64xf32> to vector<10240x64xf32>
    %swap3A_34 = vector.shape_cast %concatenate3A : vector<10240x64xf32> to vector<1x10240x64xf32>
    tpu.vector_store %arg3[%swap3A, %swap3A_30, %swap3A_31], %swap3A_34 {strides = array<i32>} : memref<2x10240x64xf32, #tpu.memory_space<vmem>>, vector<1x10240x64xf32>,
    %slice3A_35 = vector.extract_strided_slice %mul3A_26 {offsets = [0, 64], sizes = [10000, 64], strides = [1, 1]} : vector<10000x128xf32> to vector<10000x64xf32>
    %concatenate3A_36 = tpu.concatenate %slice3A_35, %broadcast_in_dim3A_28 in 0 : vector<10000x64xf32>, vector<240x64xf32> -> vector<10240x64xf32>
    %swap3A_37 = arith.constant 1 : index
    %swap3A_38 = arith.constant 0 : index
    %swap3A_39 = arith.constant 0 : index
    %swap3A_40 = vector.load %arg3[%swap3A_37, %swap3A_38, %swap3A_39] : memref<2x10240x64xf32, #tpu.memory_space<vmem>>, vector<1x10240x64xf32>
    %swap3A_41 = vector.shape_cast %swap3A_40 : vector<1x10240x64xf32> to vector<10240x64xf32>
    %swap3A_42 = vector.shape_cast %concatenate3A_36 : vector<10240x64xf32> to vector<1x10240x64xf32>
    tpu.vector_store %arg3[%swap3A_37, %swap3A_38, %swap3A_39], %swap3A_42 {strides = array<i32>} : memref<2x10240x64xf32, #tpu.memory_space<vmem>>, vector<1x10240x64xf32>,
    return
  }
}

module attributes {stable_mosaic.version = 14 : i64} {
  func.func @_tc2_body(%arg0: i32, %arg1: memref<2x1280x64xf32, #tpu.memory_space<vmem>>, %arg2: memref<2x1280x64xf32, #tpu.memory_space<vmem>>, %arg3: memref<2x1280x8xf32, #tpu.memory_space<vmem>>, %arg4: memref<1x128xf32, #tpu.memory_space<vmem>>, %arg5: memref<1x128xf32, #tpu.memory_space<vmem>>, %arg6: memref<1x128xf32, #tpu.memory_space<vmem>>, %arg7: memref<128x64xf32, #tpu.memory_space<vmem>>, %arg8: memref<2x1280x32xf32, #tpu.memory_space<vmem>>, %arg9: memref<1280x32xf32, #tpu.memory_space<vmem>>) attributes {dimension_semantics = [#tpu.dimension_semantics<arbitrary>], iteration_bounds = array<i64: 8>, scalar_prefetch = 0 : i64, scratch_operands = 0 : i64, tpu.core_type = #tpu.core_type<tc>, window_params = [{transform_indices = @transform_0, window_bounds = array<i64: 2, 1280, 64>}, {transform_indices = @transform_1, window_bounds = array<i64: 2, 1280, 64>}, {transform_indices = @transform_2, window_bounds = array<i64: 2, 1280, 8>}, {pipeline_mode = #tpu.pipeline_mode<synchronous>, transform_indices = @transform_3, window_bounds = array<i64: 1, 128>}, {pipeline_mode = #tpu.pipeline_mode<synchronous>, transform_indices = @transform_4, window_bounds = array<i64: 1, 128>}, {pipeline_mode = #tpu.pipeline_mode<synchronous>, transform_indices = @transform_5, window_bounds = array<i64: 1, 128>}, {pipeline_mode = #tpu.pipeline_mode<synchronous>, transform_indices = @transform_6, window_bounds = array<i64: 128, 64>}, {transform_indices = @transform_7, window_bounds = array<i64: 2, 1280, 32>}, {transform_indices = @transform_8, window_bounds = array<i64: 1280, 32>}]} {
    %mul3A = arith.constant 1280 : i32
    %mul3A_0 = arith.muli %arg0, %mul3A : i32
    %get3A = arith.constant 0 : index
    %get3A_1 = arith.constant 0 : index
    %get3A_2 = arith.constant 0 : index
    %get3A_3 = vector.load %arg3[%get3A, %get3A_1, %get3A_2] : memref<2x1280x8xf32, #tpu.memory_space<vmem>>, vector<1x1280x1xf32>
    %get3A_4 = vector.shape_cast %get3A_3 : vector<1x1280x1xf32> to vector<1280x1xf32>
    %get3A_5 = arith.constant 1 : index
    %get3A_6 = arith.constant 0 : index
    %get3A_7 = arith.constant 0 : index
    %get3A_8 = vector.load %arg3[%get3A_5, %get3A_6, %get3A_7] : memref<2x1280x8xf32, #tpu.memory_space<vmem>>, vector<1x1280x1xf32>
    %get3A_9 = vector.shape_cast %get3A_8 : vector<1x1280x1xf32> to vector<1280x1xf32>
    %add3A = arith.addf %get3A_4, %get3A_9 : vector<1280x1xf32>
    %iota3A = tpu.iota {dimensions = array<i32: 0>} : vector<1280x1xi32>
    %add3A_10 = vector.broadcast %mul3A_0 : i32 to vector<1280x1xi32>
    %add3A_11 = arith.addi %add3A_10, %iota3A : vector<1280x1xi32>
    %lt3A = arith.constant 10000 : i32
    %lt3A_12 = vector.broadcast %lt3A : i32 to vector<1280x1xi32>
    %lt3A_13 = arith.cmpi slt, %add3A_11, %lt3A_12 : vector<1280x1xi32>
    %jit3A = arith.constant 1.000000e+00 : f32
    %jit3A_14 = arith.constant 0.000000e+00 : f32
    %broadcast_in_dim3A = vector.broadcast %jit3A : f32 to vector<1280x1xf32>
    %broadcast_in_dim3A_15 = vector.broadcast %jit3A_14 : f32 to vector<1280x1xf32>
    %select_n3A = arith.select %lt3A_13, %broadcast_in_dim3A, %broadcast_in_dim3A_15 : vector<1280x1xi1>, vector<1280x1xf32>
    %add3A_16 = arith.addf %add3A, %select_n3A : vector<1280x1xf32>
    %gt3A = arith.constant 0.000000e+00 : f32
    %gt3A_17 = vector.broadcast %gt3A : f32 to vector<1280x1xf32>
    %gt3A_18 = arith.cmpf ogt, %add3A_16, %gt3A_17 : vector<1280x1xf32>
    %rsqrt3A = math.rsqrt %add3A_16 : vector<1280x1xf32>
    %jit3A_19 = arith.constant 0.000000e+00 : f32
    %broadcast_in_dim3A_20 = vector.broadcast %jit3A_19 : f32 to vector<1280x1xf32>
    %select_n3A_21 = arith.select %gt3A_18, %rsqrt3A, %broadcast_in_dim3A_20 : vector<1280x1xi1>, vector<1280x1xf32>
    %get3A_22 = arith.constant 0 : index
    %get3A_23 = arith.constant 0 : index
    %get3A_24 = arith.constant 0 : index
    %get3A_25 = vector.load %arg1[%get3A_22, %get3A_23, %get3A_24] : memref<2x1280x64xf32, #tpu.memory_space<vmem>>, vector<1x1280x64xf32>
    %get3A_26 = vector.shape_cast %get3A_25 : vector<1x1280x64xf32> to vector<1280x64xf32>
    %get3A_27 = arith.constant 0 : index
    %get3A_28 = arith.constant 0 : index
    %get3A_29 = arith.constant 0 : index
    %get3A_30 = vector.load %arg2[%get3A_27, %get3A_28, %get3A_29] : memref<2x1280x64xf32, #tpu.memory_space<vmem>>, vector<1x1280x64xf32>
    %get3A_31 = vector.shape_cast %get3A_30 : vector<1x1280x64xf32> to vector<1280x64xf32>
    %add3A_32 = arith.addf %get3A_26, %get3A_31 : vector<1280x64xf32>
    %get3A_33 = arith.constant 1 : index
    %get3A_34 = arith.constant 0 : index
    %get3A_35 = arith.constant 0 : index
    %get3A_36 = vector.load %arg1[%get3A_33, %get3A_34, %get3A_35] : memref<2x1280x64xf32, #tpu.memory_space<vmem>>, vector<1x1280x64xf32>
    %get3A_37 = vector.shape_cast %get3A_36 : vector<1x1280x64xf32> to vector<1280x64xf32>
    %get3A_38 = arith.constant 1 : index
    %get3A_39 = arith.constant 0 : index
    %get3A_40 = arith.constant 0 : index
    %get3A_41 = vector.load %arg2[%get3A_38, %get3A_39, %get3A_40] : memref<2x1280x64xf32, #tpu.memory_space<vmem>>, vector<1x1280x64xf32>
    %get3A_42 = vector.shape_cast %get3A_41 : vector<1x1280x64xf32> to vector<1280x64xf32>
    %add3A_43 = arith.addf %get3A_37, %get3A_42 : vector<1280x64xf32>
    %concatenate3A = tpu.concatenate %add3A_32, %add3A_43 in 1 : vector<1280x64xf32>, vector<1280x64xf32> -> vector<1280x128xf32>
    %mul3A_44 = vector.broadcast %select_n3A_21 : vector<1280x1xf32> to vector<1280x128xf32>
    %mul3A_45 = arith.mulf %concatenate3A, %mul3A_44 : vector<1280x128xf32>
    %get3A_46 = arith.constant 0 : index
    %get3A_47 = arith.constant 0 : index
    %get3A_48 = vector.load %arg4[%get3A_46, %get3A_47] : memref<1x128xf32, #tpu.memory_space<vmem>>, vector<1x128xf32>
    %add3A_49 = vector.broadcast %get3A_48 : vector<1x128xf32> to vector<1280x128xf32>
    %add3A_50 = arith.addf %mul3A_45, %add3A_49 : vector<1280x128xf32>
    %max3A = arith.constant 0.000000e+00 : f32
    %max3A_51 = vector.broadcast %max3A : f32 to vector<1280x128xf32>
    %max3A_52 = arith.maximumf %add3A_50, %max3A_51 : vector<1280x128xf32>
    %reduce_sum3A = arith.constant dense<0.000000e+00> : vector<1280xf32>
    %reduce_sum3A_53 = vector.multi_reduction <add>, %max3A_52, %reduce_sum3A [1] : vector<1280x128xf32> to vector<1280xf32>
    %broadcast_in_dim3A_54 = vector.shape_cast %reduce_sum3A_53 : vector<1280xf32> to vector<1280x1xf32>
    %div3A = arith.constant 1.280000e+02 : f32
    %div3A_55 = vector.broadcast %div3A : f32 to vector<1280x1xf32>
    %div3A_56 = arith.divf %broadcast_in_dim3A_54, %div3A_55 : vector<1280x1xf32>
    %sub3A = vector.broadcast %div3A_56 : vector<1280x1xf32> to vector<1280x128xf32>
    %sub3A_57 = arith.subf %max3A_52, %sub3A : vector<1280x128xf32>
    %integer_pow3A = arith.mulf %sub3A_57, %sub3A_57 : vector<1280x128xf32>
    %reduce_sum3A_58 = arith.constant dense<0.000000e+00> : vector<1280xf32>
    %reduce_sum3A_59 = vector.multi_reduction <add>, %integer_pow3A, %reduce_sum3A_58 [1] : vector<1280x128xf32> to vector<1280xf32>
    %broadcast_in_dim3A_60 = vector.shape_cast %reduce_sum3A_59 : vector<1280xf32> to vector<1280x1xf32>
    %div3A_61 = arith.constant 1.280000e+02 : f32
    %div3A_62 = vector.broadcast %div3A_61 : f32 to vector<1280x1xf32>
    %div3A_63 = arith.divf %broadcast_in_dim3A_60, %div3A_62 : vector<1280x1xf32>
    %sub3A_64 = vector.broadcast %div3A_56 : vector<1280x1xf32> to vector<1280x128xf32>
    %sub3A_65 = arith.subf %max3A_52, %sub3A_64 : vector<1280x128xf32>
    %add3A_66 = arith.constant 9.99999974E-6 : f32
    %add3A_67 = vector.broadcast %add3A_66 : f32 to vector<1280x1xf32>
    %add3A_68 = arith.addf %div3A_63, %add3A_67 : vector<1280x1xf32>
    %rsqrt3A_69 = math.rsqrt %add3A_68 : vector<1280x1xf32>
    %mul3A_70 = vector.broadcast %rsqrt3A_69 : vector<1280x1xf32> to vector<1280x128xf32>
    %mul3A_71 = arith.mulf %sub3A_65, %mul3A_70 : vector<1280x128xf32>
    %get3A_72 = arith.constant 0 : index
    %get3A_73 = arith.constant 0 : index
    %get3A_74 = vector.load %arg5[%get3A_72, %get3A_73] : memref<1x128xf32, #tpu.memory_space<vmem>>, vector<1x128xf32>
    %mul3A_75 = vector.broadcast %get3A_74 : vector<1x128xf32> to vector<1280x128xf32>
    %mul3A_76 = arith.mulf %mul3A_71, %mul3A_75 : vector<1280x128xf32>
    %get3A_77 = arith.constant 0 : index
    %get3A_78 = arith.constant 0 : index
    %get3A_79 = vector.load %arg6[%get3A_77, %get3A_78] : memref<1x128xf32, #tpu.memory_space<vmem>>, vector<1x128xf32>
    %add3A_80 = vector.broadcast %get3A_79 : vector<1x128xf32> to vector<1280x128xf32>
    %add3A_81 = arith.addf %mul3A_76, %add3A_80 : vector<1280x128xf32>
    %get3A_82 = arith.constant 0 : index
    %get3A_83 = arith.constant 0 : index
    %get3A_84 = vector.load %arg7[%get3A_82, %get3A_83] : memref<128x64xf32, #tpu.memory_space<vmem>>, vector<128x64xf32>
    %dot_general3A = arith.constant dense<0.000000e+00> : vector<1280x64xf32>
    %dot_general3A_85 = tpu.matmul %add3A_81, %get3A_84, %dot_general3A {dimension_numbers = #tpu.dot_dimension_numbers<[1], [0], [0], [1], [0, 0, 1, 1], [], []>, transpose_lhs_hint = false} : vector<1280x128xf32>, vector<128x64xf32>, vector<1280x64xf32> -> vector<1280x64xf32>
    %mul3A_86 = vector.broadcast %select_n3A_21 : vector<1280x1xf32> to vector<1280x64xf32>
    %mul3A_87 = arith.mulf %dot_general3A_85, %mul3A_86 : vector<1280x64xf32>
    %slice3A = vector.extract_strided_slice %mul3A_87 {offsets = [0, 0], sizes = [1280, 32], strides = [1, 1]} : vector<1280x64xf32> to vector<1280x32xf32>
    %swap3A = arith.constant 0 : index
    %swap3A_88 = arith.constant 0 : index
    %swap3A_89 = arith.constant 0 : index
    %swap3A_90 = vector.load %arg8[%swap3A, %swap3A_88, %swap3A_89] : memref<2x1280x32xf32, #tpu.memory_space<vmem>>, vector<1x1280x32xf32>
    %swap3A_91 = vector.shape_cast %swap3A_90 : vector<1x1280x32xf32> to vector<1280x32xf32>
    %swap3A_92 = vector.shape_cast %slice3A : vector<1280x32xf32> to vector<1x1280x32xf32>
    tpu.vector_store %arg8[%swap3A, %swap3A_88, %swap3A_89], %swap3A_92 {strides = array<i32>} : memref<2x1280x32xf32, #tpu.memory_space<vmem>>, vector<1x1280x32xf32>,
    %slice3A_93 = vector.extract_strided_slice %mul3A_87 {offsets = [0, 32], sizes = [1280, 32], strides = [1, 1]} : vector<1280x64xf32> to vector<1280x32xf32>
    %swap3A_94 = arith.constant 1 : index
    %swap3A_95 = arith.constant 0 : index
    %swap3A_96 = arith.constant 0 : index
    %swap3A_97 = vector.load %arg8[%swap3A_94, %swap3A_95, %swap3A_96] : memref<2x1280x32xf32, #tpu.memory_space<vmem>>, vector<1x1280x32xf32>
    %swap3A_98 = vector.shape_cast %swap3A_97 : vector<1x1280x32xf32> to vector<1280x32xf32>
    %swap3A_99 = vector.shape_cast %slice3A_93 : vector<1280x32xf32> to vector<1x1280x32xf32>
    tpu.vector_store %arg8[%swap3A_94, %swap3A_95, %swap3A_96], %swap3A_99 {strides = array<i32>} : memref<2x1280x32xf32, #tpu.memory_space<vmem>>, vector<1x1280x32xf32>,
    %broadcast_in_dim3A_100 = vector.shape_cast %select_n3A_21 : vector<1280x1xf32> to vector<1280x1xf32>
    %broadcast_in_dim3A_101 = vector.broadcast %broadcast_in_dim3A_100 : vector<1280x1xf32> to vector<1280x32xf32>
    %swap3A_102 = arith.constant 0 : index
    %swap3A_103 = arith.constant 0 : index
    %swap3A_104 = vector.load %arg9[%swap3A_102, %swap3A_103] : memref<1280x32xf32, #tpu.memory_space<vmem>>, vector<1280x32xf32>
    tpu.vector_store %arg9[%swap3A_102, %swap3A_103], %broadcast_in_dim3A_101 {strides = array<i32>} : memref<1280x32xf32, #tpu.memory_space<vmem>>, vector<1280x32xf32>,
    return
  }
  func.func @transform_0(%arg0: i32) -> (i32, i32, i32) {
    %c0_i32 = arith.constant 0 : i32
    %c0_i32_0 = arith.constant 0 : i32
    %c0_i32_1 = arith.constant 0 : i32
    return %c0_i32, %arg0, %c0_i32_0 : i32, i32, i32
  }
  func.func @transform_1(%arg0: i32) -> (i32, i32, i32) {
    %c0_i32 = arith.constant 0 : i32
    %c0_i32_0 = arith.constant 0 : i32
    %c0_i32_1 = arith.constant 0 : i32
    return %c0_i32, %arg0, %c0_i32_0 : i32, i32, i32
  }
  func.func @transform_2(%arg0: i32) -> (i32, i32, i32) {
    %c0_i32 = arith.constant 0 : i32
    %c0_i32_0 = arith.constant 0 : i32
    %c0_i32_1 = arith.constant 0 : i32
    return %c0_i32, %arg0, %c0_i32_0 : i32, i32, i32
  }
  func.func @transform_3(%arg0: i32) -> (i32, i32) {
    %c0_i32 = arith.constant 0 : i32
    %c0_i32_0 = arith.constant 0 : i32
    %c0_i32_1 = arith.constant 0 : i32
    return %c0_i32, %c0_i32_0 : i32, i32
  }
  func.func @transform_4(%arg0: i32) -> (i32, i32) {
    %c0_i32 = arith.constant 0 : i32
    %c0_i32_0 = arith.constant 0 : i32
    %c0_i32_1 = arith.constant 0 : i32
    return %c0_i32, %c0_i32_0 : i32, i32
  }
  func.func @transform_5(%arg0: i32) -> (i32, i32) {
    %c0_i32 = arith.constant 0 : i32
    %c0_i32_0 = arith.constant 0 : i32
    %c0_i32_1 = arith.constant 0 : i32
    return %c0_i32, %c0_i32_0 : i32, i32
  }
  func.func @transform_6(%arg0: i32) -> (i32, i32) {
    %c0_i32 = arith.constant 0 : i32
    %c0_i32_0 = arith.constant 0 : i32
    %c0_i32_1 = arith.constant 0 : i32
    return %c0_i32, %c0_i32_0 : i32, i32
  }
  func.func @transform_7(%arg0: i32) -> (i32, i32, i32) {
    %c0_i32 = arith.constant 0 : i32
    %c0_i32_0 = arith.constant 0 : i32
    %c0_i32_1 = arith.constant 0 : i32
    return %c0_i32, %arg0, %c0_i32_0 : i32, i32, i32
  }
  func.func @transform_8(%arg0: i32) -> (i32, i32) {
    %c0_i32 = arith.constant 0 : i32
    %c0_i32_0 = arith.constant 0 : i32
    return %arg0, %c0_i32 : i32, i32
  }
}

</mosaic_0001>

<sc_bundles>
// kernel: kernel.10.cloned.1.call-start
scs
__scs_entry_jumppad:
0x0: {  	(pc) =	sbr.rel $0x88, $3  }
0x1: {  	(tag) =	ssettag $0x0;
	lr =	simm.s32 $0x1  }
0x2: {  	[smem:$0x3F99] =	sst lr;
	_ =	strace $0xD0000000  }
0x3: {  	_ = 	snop  }
0x4: {  	_ = 	snop  }
0x5: {  	_ = 	snop  }
0x6: {  	_ = 	snop  }
0x7: {  	_ = 	snop  }
__scs_overlays_trampoline_lowered:
0x8: {  	[smem:$0x3FA8] =	sst s0  }
0x9: {  	[smem:$0x3FA9] =	sst s1  }
0xa: {  	[smem:$0x3FAA] =	sst s2  }
0xb: {  	[smem:$0x3FAB] =	sst s3  }
0xc: {  	[smem:$0x3FAC] =	sst s4  }
0xd: {  	[smem:$0x3FAD] =	sst s5  }
0xe: {  	[smem:$0x3FAE] =	sst s6  }
0xf: {  	[smem:$0x3FAF] =	sst s7  }
0x10: {  	[smem:$0x3FB0] =	sst s8  }
0x11: {  	[smem:$0x3FB1] =	sst s9;
	s0 =	simm.s32 @!p0 $0x0  }
0x12: {  	s1 =	sld [smem:$0x3F97];
	s0 =	simm.s32 @p0 $0x1  }
0x13: {  	[smem:$0x3FB2] =	sst s0;
	s0 =	simm.s32 @!p1 $0x0  }
0x14: {  	s2 =	sld [smem:$0x3F96];
	s0 =	simm.s32 @p1 $0x1  }
0x15: {  	[smem:$0x3FB3] =	sst s0;
	s0 =	simm.s32 @!p2 $0x0  }
0x16: {  	s3 =	sld [smem:$0x3FDB];
	s0 =	simm.s32 @p2 $0x1  }
0x17: {  	s4 =	simm.s32 $0x1BF5;
	[smem:$0x3FB5] =	sst s0  }
0x18: {  	s0 =	sld [smem:$0x3F98];
	_ =	swait.ge [sflag:s4], $0x0  }
0x19: {  	s7 =	sld [smem:$0x3F99]  }
0x1a: {  	s8 =	sadd.s32 $0xFFFFE003, lr  }
0x1b: {  	s9 =	sadd.s32 $0xFFFFFEF7, lr;
	s5 =	simm.s32 $0xFFFFFFFF;
	p2 =	slt.u32 s8, $0xFFFFF086  }
0x1c: {  	p1 =	slt.u32 s9, $0xF7A;
	s5 =	simm.s32 @!p2 $0x0  }
0x1d: {  	s5 =	simm.s32 @p1 $0x1;
	p0 =	seq.s32 s7, s2  }
0x1e: {  	s7 =	smul.u32 @!p0 $0xF7A, s2;
	p2 =	seq.s32 @!p0 s5, $0x0  }
0x1f: {  	s9 =	smul.u32 $0xF7A, s1;
	s8 =	simm.s32 @!p0 $0x1BF5;
	p2 =	por !p2, p0  }
0x20: {  	[sflag:s8] =	ssyncset.s32 @!p0 $0xFFFFF086;
	s6 =	sadd.s32 @!p0 s3, s7;
	s7 =	simm.s32 @!p0 $0x108  }
0x21: {  	s3 =	sadd.s32 s3, s9;
	s6 =	sadd.s32 @!p0 $0x88, s6;
	s7 =	simm.s32 @p2 $0x1082  }
0x22: {  	[simem:s7], [sflag:s8] =	dma.local @!p0 [hbm:s6], $0xF7A  }
0x23: {  	s9 =	sor.u32 $0xD0000000, s2;
	s6 =	simm.s32 $0x108;
	_ =	swait.ge @!p0 [sflag:s8], $0x0  }
0x24: {  	s3 =	sadd.s32 $0x88, s3;
	s6 =	simm.s32 @!p1 $0x1082;
	[sflag:s4] =	ssyncset.s32 $0xFFFFF086  }
0x25: {  	[simem:s6], [sflag:s4] =	dma.local [hbm:s3], $0xF7A  }
0x26: {  	[smem:$0x3F99] =	sst s1;
	(tag) =	ssettag s2;
	_ =	strace s9  }
0x27: {  	s1 =	sld [smem:$0x3FA9]  }
0x28: {  	s2 =	sld [smem:$0x3FAA]  }
0x29: {  	s4 =	sld [smem:$0x3FAC]  }
0x2a: {  	p0 =	seq.s32 s5, $0x0;
	s5 =	sld [smem:$0x3FAD]  }
0x2b: {  	s6 =	sld [smem:$0x3FAE]  }
0x2c: {  	s7 =	sld [smem:$0x3FAF]  }
0x2d: {  	s3 =	simm.s32 $0x108;
	s8 =	sld [smem:$0x3FB0]  }
0x2e: {  	s3 =	simm.s32 @!p0 $0x1082;
	s9 =	sld [smem:$0x3FB1]  }
0x2f: {  	lr =	sadd.s32 s0, s3;
	s0 =	sld [smem:$0x3FA8]  }
0x30: {  	s3 =	sld [smem:$0x3FAB]  }
0x31: {  	[smem:$0x3FB4] =	sst s10  }
0x32: {  	s10 =	sld [smem:$0x3FB2];
	_ =	sdelay $0x3  }
0x33: {  	p0 =	seq.s32 s10, $0x1;
	s10 =	sld [smem:$0x3FB4];
	_ =	sdelay $0x3  }
0x34: {  	[smem:$0x3FB4] =	sst s10  }
0x35: {  	s10 =	sld [smem:$0x3FB3];
	_ =	sdelay $0x3  }
0x36: {  	p1 =	seq.s32 s10, $0x1;
	s10 =	sld [smem:$0x3FB4];
	_ =	sdelay $0x3  }
0x37: {  	[smem:$0x3FB4] =	sst s10  }
0x38: {  	s10 =	sld [smem:$0x3FB5]  }
0x39: {  	_ = 	snop;
	(pc) =	sbr.ind lr, $3  }
0x3a: {  	_ = 	snop  }
0x3b: {  	_ = 	snop  }
0x3c: {  	p2 =	seq.s32 s10, $0x1;
	s10 =	sld [smem:$0x3FB4]  }
0x3d: {  	_ =	shalt  }
0x3e: {  	_ =	shalt  }
0x3f: {  	_ =	shalt  }
0x40: {  	_ =	shalt  }
0x41: {  	_ =	shalt  }
0x42: {  	_ =	shalt  }
0x43: {  	_ =	shalt  }
0x44: {  	_ =	shalt  }
0x45: {  	_ =	shalt  }
0x46: {  	_ =	shalt  }
0x47: {  	_ =	shalt  }
0x48: {  	_ =	shalt  }
0x49: {  	_ =	shalt  }
0x4a: {  	_ =	shalt  }
0x4b: {  	_ =	shalt  }
0x4c: {  	_ =	shalt  }
0x4d: {  	_ =	shalt  }
0x4e: {  	_ =	shalt  }
0x4f: {  	_ =	shalt  }
0x50: {  	_ =	shalt  }
0x51: {  	_ =	shalt  }
0x52: {  	_ =	shalt  }
0x53: {  	_ =	shalt  }
0x54: {  	_ =	shalt  }
0x55: {  	_ =	shalt  }
0x56: {  	_ =	shalt  }
0x57: {  	_ =	shalt  }
0x58: {  	_ =	shalt  }
0x59: {  	_ =	shalt  }
0x5a: {  	_ =	shalt  }
0x5b: {  	_ =	shalt  }
0x5c: {  	_ =	shalt  }
0x5d: {  	_ =	shalt  }
0x5e: {  	_ =	shalt  }
0x5f: {  	_ =	shalt  }
0x60: {  	_ =	shalt  }
0x61: {  	_ =	shalt  }
0x62: {  	_ =	shalt  }
0x63: {  	_ =	shalt  }
0x64: {  	_ =	shalt  }
0x65: {  	_ =	shalt  }
0x66: {  	_ =	shalt  }
0x67: {  	_ =	shalt  }
0x68: {  	_ =	shalt  }
0x69: {  	_ =	shalt  }
0x6a: {  	_ =	shalt  }
0x6b: {  	_ =	shalt  }
0x6c: {  	_ =	shalt  }
0x6d: {  	_ =	shalt  }
0x6e: {  	_ =	shalt  }
0x6f: {  	_ =	shalt  }
0x70: {  	_ =	shalt  }
0x71: {  	_ =	shalt  }
0x72: {  	_ =	shalt  }
0x73: {  	_ =	shalt  }
0x74: {  	_ =	shalt  }
0x75: {  	_ =	shalt  }
0x76: {  	_ =	shalt  }
0x77: {  	_ =	shalt  }
0x78: {  	_ =	shalt  }
0x79: {  	_ =	shalt  }
0x7a: {  	_ =	shalt  }
0x7b: {  	_ =	shalt  }
0x7c: {  	_ =	shalt  }
0x7d: {  	_ =	shalt  }
0x7e: {  	_ =	shalt  }
0x7f: {  	_ =	shalt  }
0x80: {  	_ =	shalt  }
0x81: {  	_ =	shalt  }
0x82: {  	_ =	shalt  }
0x83: {  	_ =	shalt  }
0x84: {  	_ =	shalt  }
0x85: {  	_ =	shalt  }
0x86: {  	_ =	shalt  }
0x87: {  	_ =	shalt  }
.Lfunc_end0:
.L_simem_size_0:
called_computation.1_lowered:
.L_overlay_start_0:
0x88: {  	s2 =	sld [smem:$0x3FD9]  }
0x89: {  	s3 =	sld [smem:$0x3FFE];
	_ =	sdelay $0x1  }
0x8a: {  	s1 =	srdreg.scid  }
0x8b: {  	s0 =	sand.u32 $0x1, s1  }
0x8c: {  	s16 =	sshll.u32 s0, $0xA;
	s2 =	sadd.s32 s3, s2  }
0x8d: {  	s2 =	sadd.s32 s2, s16  }
0x8e: {  	[smem:$0x3FC0] =	sst s2  }
0x8f: {  	_ = 	snop  }
0x90: {  	(tm) =	ssettm $0x1  }
0x91: {  	s17 =	sld [smem:$0x3FFB];
	_ =	sdelay $0x3  }
0x92: {  	_ =	strace s17  }
0x93: {  	s2 =	sld [smem:$0x3FFC];
	_ =	sdelay $0x3  }
0x94: {  	_ =	strace s2  }
0x95: {  	s2 =	sld [smem:$0x3FFD];
	_ =	sdelay $0x3  }
0x96: {  	_ =	strace s2  }
0x97: {  	_ =	strace $0x8FFFFFFF  }
0x98: {  	s18 =	sld [smem:$0x3FDB];
	_ =	sdelay $0x1  }
0x99: {  	s19 =	simm.s32 $_scs_section_size  }
0x9a: {  	s4 =	simm.s32 $_size__tile_overlayer_lowered;
	s5 =	simm.s32 $_tile_overlayer_lowered  }
0x9b: {  	s22 =	simm.s32 $0x1BFF;
	s21 =	sshll.u32 s5, $0x1;
	s2 =	sadd.s32 s19, s18  }
0x9c: {  	s6 =	simm.s32 $0x0;
	s20 =	sshll.u32 s4, $0x1;
	s4 =	sadd.s32 s21, s2  }
0x9d: {  	[timem:s6], [sflag:s22] =	dma.local [hbm:s4], s20  }
0x9e: {  	_ =	swait.ge [sflag:s22], s20  }
0x9f: {  	s3 =	ssub.s32 $0x0, s20;
	[sflag:s22] =	ssyncset.done $0x0  }
0xa0: {  	[sflag:s22] =	ssyncadd.s32 s3;
	_ =	sdelay $0x1  }
0xa1: {  	s23 =	simm.s32 $0x1B8B  }
0xa2: {  	_ =	swait.ge [sflag:s23], $0x1  }
0xa3: {  	[sflag:s23] =	ssyncset.done $0x0  }
0xa4: {  	s25 =	simm.s32 $0x1B8E;
	s24 =	sld [smem:$0x3FFE];
	[sflag:s23] =	ssyncadd.s32 $0xFFFFFFFF  }
0xa5: {  	s26 =	simm.s32 $execute0_lowered;
	[smem:$0x3FD2] =	sst s25  }
0xa6: {  	s4 =	sshll.u32 s26, $0x1;
	_ =	strace $0x80000049;
	[dreg:$0x1] =	wrdreg $0xFFFFFFFF  }
0xa7: {  	s28 =	simm.s32 $_size_execute0_lowered;
	s2 =	sadd.s32 s2, s4;
	[dreg:$0x0] =	wrdreg $0x0  }
0xa8: {  	s4 =	sshll.u32 s28, $0x1;
	[dreg:$0x2] =	wrdreg s2  }
0xa9: {  	[dreg:$0x3] =	wrdreg s4  }
0xaa: {  	[dreg:$0x4] =	wrdreg $0xC0  }
0xab: {  	_ =	task [dreg:s6], $0x5FFFF  }
0xac: {  	[dreg:$0x1] =	wrdreg $0xFFFFFFFF  }
0xad: {  	[dreg:$0x0] =	wrdreg $0x60  }
0xae: {  	[dreg:$0x2] =	wrdreg s24  }
0xaf: {  	[dreg:$0x3] =	wrdreg $0xA0000  }
0xb0: {  	[dreg:$0x4] =	wrdreg $0x140000  }
0xb1: {  	[dreg:$0x5] =	wrdreg $0x9  }
0xb2: {  	_ =	task.clear_ibuf [dreg:s6], $0x6FFFF;
	_ =	strace $0x90000049  }
0xb3: {  	s29 =	simm.s32 $0x9;
	_ =	strace $0x8000004B  }
0xb4: {  	_ =	swait.ge [sflag:s29], $0x1  }
0xb5: {  	[sflag:s29] =	ssyncadd.s32 $0xFFFFFFFF  }
0xb6: {  	_ =	strace $0x9000004B  }
0xb7: {  	_ =	sfence  }
0xb8: {  	s30 =	sld [smem:$0x0];
	_ =	sdelay $0x2  }
0xb9: {  	s31 =	sshll.u32 s1, $0xD;
	s1 =	sshrl.u32 s1, $0x2  }
0xba: {  	s3 =	sand.u32 $0x4000, s31;
	s1 =	sadd.s32 s1, s30  }
0xbb: {  	s0 =	sor.u32 s3, s0;
	s1 =	sshll.u32 s1, $0x11  }
0xbc: {  	s0 =	sor.u32 s1, s0  }
0xbd: {  	s0 =	sadd.s32 $0x8F2B, s0  }
0xbe: {  	[sflag:s0] =	ssyncadd.remote.s32 $0x1  }
0xbf: {  	_ =	sfence.sel $0xFFFF  }
0xc0: {  	[dreg:$0x0] =	wrdreg $0xFFFFFFFF;
	(pc) =	sbr.abs _section_cstart, $3  }
0xc1: {  	[dreg:$0x1] =	wrdreg $0xFFFFFFFF  }
0xc2: {  	_ =	task.clear_ibuf [dreg:s6], $0x2FFFF;
	_ =	strace $0x9FFFFFFF  }
0xc3: {  	(tm) =	ssettm $0x7FFFFFFF  }
tec
execute0_lowered:
.L_overlay_start_1:
0x0: {  	(tag) =	ssettag $0x1  }
0x1: {  	s0 =	rddreg [dreg:$0x0]  }
0x2: {  	s2 =	rddreg [dreg:$0x1];
	s1 =	srdreg.scid  }
0x3: {  	s9 =	stileid.u32;
	s3 =	rddreg [dreg:$0x2]  }
0x4: {  	s6 =	simm.s32 $0x0;
	s21 =	simm.s32 $0x80;
	s28 =	simm.s32 $0x300  }
0x5: {  	s29 =	simm.s32 $0x8000;
	s30 =	simm.s32 $0x1;
	s31 =	simm.s32 $0x2  }
0x6: {  	s11 =	simm.s32 $0x5;
	s12 =	simm.s32 $0x6;
	s4 =	smul.u32 $0xA000, s9  }
0x7: {  	s13 =	simm.s32 $0x7;
	s1 =	sand.u32 $0x1, s1;
	s7 =	smul.u32 $0x1400, s9  }
0x8: {  	[smem:$0x7FF] =	sst s6;
	s6 =	sadd.s32 $0x2400, s0;
	s8 =	smul.u32 $0x28000, s9  }
0x9: {  	s18 =	sshll.u32 s9, $0x6;
	s5 =	smul.u32 $0xA0000, s1;
	_ =	strace $0x8000004A  }
0xa: {  	s1 =	ssub.s32 $0x2, s1;
	s9 =	sor.u32 $0x1C0A, s18;
	s18 =	simm.s32 $0xA  }
0xb: {  	s14 =	sshrl.u32 s1, $0x1;
	s15 =	sadd.s32 s6, s7;
	s16 =	sadd.s32 s4, s2  }
0xc: {  	s8 =	sshrl.u32 s8, $0x2;
	s20 =	sadd.s32 s4, s3;
	s7 =	simm.s32 $0x4  }
0xd: {  	s5 =	sadd.s32 s4, s5;
	[dreg:$0x4] =	wrdreg s15;
	s19 =	sadd.s32 s8, s3  }
0xe: {  	s1 =	ssub.s32 s1, s14;
	s26 =	sshrl.u32 s16, $0x3;
	[dreg:$0x6] =	wrdreg s19  }
0xf: {  	s8 =	simm.s32 $0x380;
	s1 =	smax.u32 s1, $0x1;
	[dreg:$0xd] =	wrdreg s26  }
0x10: {  	s14 =	simm.s32 $0x8;
	s22 =	sadd.s32 $0x2000, s19;
	[dreg:$0x8] =	wrdreg s1  }
0x11: {  	s15 =	simm.s32 $0x0;
	s23 =	sadd.s32 $0x4000, s19;
	[dreg:$0x9] =	wrdreg s22  }
0x12: {  	s5 =	sshrl.u32 s5, $0x3;
	s24 =	sadd.s32 $0x6000, s19;
	[dreg:$0xa] =	wrdreg s23  }
0x13: {  	s25 =	sadd.s32 $0x8000, s19;
	s19 =	simm.s32 $0x2000;
	[dreg:$0xb] =	wrdreg s24  }
0x14: {  	s26 =	simm.s32 $0x6000;
	s0 =	sadd.s32 s5, s0;
	[dreg:$0xc] =	wrdreg s25  }
0x15: {  	s22 =	simm.s32 $0x100;
	s23 =	simm.s32 $0x4000;
	s17 =	sadd.s32 $0xB6400, s0  }
0x16: {  	s24 =	simm.s32 $0x200;
	s0 =	sadd.s32 $0xDE400, s0;
	[dreg:$0x5] =	wrdreg s17  }
0x17: {  	s1 =	simm.s32 $0x180;
	[dreg:$0x7] =	wrdreg s0;
	s0 =	sshrl.u32 s20, $0x3  }
0x18: {  	v0 =	vimm.f32 $0.0e+00;
	s5 =	simm.s32 $0x280;
	[dreg:$0xe] =	wrdreg s0;
	s0 =	simm.s32 $0x3  }
.LBB2_1:
0x19: {  	s16 =	rddreg [dreg:$0x4]  }
0x1a: {  	s20 =	rddreg [dreg:$0x5]  }
0x1b: {  	s10 =	simm.s32 $0x0;
	s25 =	rddreg [dreg:$0xd]  }
0x1c: {  	[tilespmem:s10], [sflag:$0x9] =	stream.linear.gather [hbm4b:s16+s10], $0x2000, $0x38;
	[tilespmem:$0x1E000] =	vst v63  }
0x1d: {  	[spmem:s25], [sflag:s9] =	dma.local [hbm:s20], $0x1400  }
0x1e: {  	_ =	swait.ge [sflag:s18], $0x1400  }
0x1f: {  	[sflag:s18] =	ssyncset.done $0x0  }
0x20: {  	s16 =	simm.s32 $0x100;
	s10 =	simm.s32 $0x0;
	[sflag:s18] =	ssyncadd.s32 $0xFFFFEC00  }
.LBB2_2:
0x21: {  	p0 =	sne.s32 s16, $0x7F00;
	[tilespmem:s10+$0x2030] =	vst v0;
	s17 =	smov.u32 s16;
	s16 =	sadd.s32 $0x100, s16  }
.Ltmp0:
0x22: {  	[tilespmem:s10+$0x2020] =	vst v0;
	(pc) =	sbr.rel @p0 .LBB2_2-.Ltmp0, $3  }
0x23: {  	[tilespmem:s10+$0x2000] =	vst v0  }
0x24: {  	[tilespmem:s10+$0x2010] =	vst v0;
	_ =	sdelay $0x1  }
0x25: {  	s10 =	sshra.s32 s17, $0x2  }
0x26: {  	[tilespmem:s10+$0x2030] =	vst v0  }
0x27: {  	[tilespmem:s10+$0x2020] =	vst v0  }
0x28: {  	[tilespmem:s10+$0x2000] =	vst v0  }
0x29: {  	[tilespmem:s10+$0x2010] =	vst v0;
	s20 =	rddreg [dreg:$0x6]  }
0x2a: {  	[spmem:s20] =	stream.linear.scatter [tilespmem:s19], [sflag:$0xA], $0x2000, $0x38;
	[tilespmem:$0x1E000] =	vst v63  }
0x2b: {  	_ =	swait.ge [sflag:s18], $0x2000  }
0x2c: {  	[sflag:s18] =	ssyncset.done $0x0  }
0x2d: {  	s25 =	rddreg [dreg:$0x9];
	[sflag:s18] =	ssyncadd.s32 $0xFFFFE000  }
0x2e: {  	[spmem:s25] =	stream.linear.scatter [tilespmem:s19], [sflag:$0xA], $0x2000, $0x38;
	[tilespmem:$0x1E000] =	vst v63  }
0x2f: {  	_ =	swait.ge [sflag:s18], $0x2000  }
0x30: {  	[sflag:s18] =	ssyncset.done $0x0  }
0x31: {  	s16 =	rddreg [dreg:$0xa];
	[sflag:s18] =	ssyncadd.s32 $0xFFFFE000  }
0x32: {  	[spmem:s16] =	stream.linear.scatter [tilespmem:s19], [sflag:$0xA], $0x2000, $0x38;
	[tilespmem:$0x1E000] =	vst v63  }
0x33: {  	_ =	swait.ge [sflag:s18], $0x2000  }
0x34: {  	[sflag:s18] =	ssyncset.done $0x0  }
0x35: {  	s17 =	rddreg [dreg:$0xb];
	[sflag:s18] =	ssyncadd.s32 $0xFFFFE000  }
0x36: {  	[spmem:s17] =	stream.linear.scatter [tilespmem:s19], [sflag:$0xA], $0x2000, $0x38;
	[tilespmem:$0x1E000] =	vst v63  }
0x37: {  	_ =	swait.ge [sflag:s18], $0x2000  }
0x38: {  	[sflag:s18] =	ssyncset.done $0x0  }
0x39: {  	s20 =	rddreg [dreg:$0xc];
	[sflag:s18] =	ssyncadd.s32 $0xFFFFE000  }
0x3a: {  	[spmem:s20] =	stream.linear.scatter [tilespmem:s19], [sflag:$0xA], $0x2000, $0x38;
	[tilespmem:$0x1E000] =	vst v63  }
0x3b: {  	_ =	swait.ge [sflag:s18], $0x2000  }
0x3c: {  	[sflag:s18] =	ssyncset.done $0x0  }
0x3d: {  	s25 =	simm.s32 $0x9;
	[sflag:s18] =	ssyncadd.s32 $0xFFFFE000  }
0x3e: {  	_ =	swait.ge [sflag:s25], $0x2000  }
0x3f: {  	[sflag:s25] =	ssyncset.done $0x0  }
0x40: {  	[sflag:s25] =	ssyncadd.s32 $0xFFFFE000  }
0x41: {  	s16 =	simm.s32 $0x0;
	s17 =	simm.s32 $0x0;
	[bflag:$0x0] =	sbarrier.arrive $0xFFFF  }
.LBB2_4:
0x42: {  	p0 =	seq.s32 s17, $0x0  }
0x43: {  	s10 =	simm.s32 @!p0 $0x5  }
0x44: {  	_ =	swait.ge @!p0 [sflag:s10], $0x2000  }
0x45: {  	[sflag:s10] =	ssyncset.done @!p0 $0x0  }
0x46: {  	[sflag:s10] =	ssyncadd.s32 @!p0 $0xFFFFE000;
	s10 =	simm.s32 @!p0 $0x6  }
0x47: {  	_ =	swait.ge @!p0 [sflag:s10], $0x2000  }
0x48: {  	[sflag:s10] =	ssyncset.done @!p0 $0x0  }
0x49: {  	[sflag:s10] =	ssyncadd.s32 @!p0 $0xFFFFE000;
	s10 =	simm.s32 @!p0 $0x7  }
0x4a: {  	_ =	swait.ge @!p0 [sflag:s10], $0x2000  }
0x4b: {  	[sflag:s10] =	ssyncset.done @!p0 $0x0  }
0x4c: {  	s25 =	sshll.u32 @!p0 s17, $0xD;
	[sflag:s10] =	ssyncadd.s32 @!p0 $0xFFFFE000;
	s10 =	simm.s32 @!p0 $0x8  }
0x4d: {  	s25 =	sadd.s32 @!p0 s4, s25;
	_ =	swait.ge @!p0 [sflag:s10], $0x2000  }
0x4e: {  	s25 =	sshrl.u32 @!p0 s25, $0x3;
	[sflag:s10] =	ssyncset.done @!p0 $0x0  }
0x4f: {  	[sflag:s10] =	ssyncadd.s32 @!p0 $0xFFFFE000;
	s10 =	sadd.s32 @!p0 s6, s25;
	s25 =	simm.s32 @!p0 $0x0  }
0x50: {  	[tilespmem:s25], [sflag:$0xA] =	stream.linear.gather @!p0 [hbm4b:s10+s25], $0x2000, $0x38;
	[tilespmem:$0x1E000] =	vst v63  }
0x51: {  	s10 =	simm.s32 @!p0 $0xA  }
0x52: {  	_ =	swait.ge @!p0 [sflag:s10], $0x2000  }
0x53: {  	[sflag:s10] =	ssyncset.done @!p0 $0x0  }
0x54: {  	[sflag:s10] =	ssyncadd.s32 @!p0 $0xFFFFE000  }
0x55: {  	[tilespmem:s19], [sflag:$0x1] =	stream.indirect.gather [spmem:s2], $0x40, s16, s21, $0xb8;
	[tilespmem:$0x1E000] =	vst v63  }
0x56: {  	_ = 	snop  }
0x57: {  	[tilespmem:s23], [sflag:$0x2] =	stream.indirect.gather [spmem:s2], $0x40, s22, s21, $0xb8;
	[tilespmem:$0x1E000] =	vst v63  }
0x58: {  	_ = 	snop  }
0x59: {  	[tilespmem:s26], [sflag:$0x3] =	stream.indirect.gather [spmem:s2], $0x40, s24, s21, $0xb8;
	[tilespmem:$0x1E000] =	vst v63  }
0x5a: {  	_ = 	snop  }
0x5b: {  	[tilespmem:s29], [sflag:$0x4] =	stream.indirect.gather [spmem:s2], $0x40, s28, s21, $0xb8;
	[tilespmem:$0x1E000] =	vst v63  }
0x5c: {  	_ =	swait.ge [sflag:s30], $0x2000  }
0x5d: {  	[sflag:s30] =	ssyncset.done $0x0  }
0x5e: {  	[sflag:s30] =	ssyncadd.s32 $0xFFFFE000  }
0x5f: {  	[spmem:s3] =	stream.indirect.scatter.add.f32 [tilespmem:s19], [sflag:$0x5], $0x40, s21, s21, $0xb8;
	[tilespmem:$0x1E000] =	vst v63  }
0x60: {  	_ =	swait.ge [sflag:s31], $0x2000  }
0x61: {  	[sflag:s31] =	ssyncset.done $0x0  }
0x62: {  	[sflag:s31] =	ssyncadd.s32 $0xFFFFE000  }
0x63: {  	[spmem:s3] =	stream.indirect.scatter.add.f32 [tilespmem:s23], [sflag:$0x6], $0x40, s1, s21, $0xb8;
	[tilespmem:$0x1E000] =	vst v63  }
0x64: {  	_ =	swait.ge [sflag:s0], $0x2000  }
0x65: {  	[sflag:s0] =	ssyncset.done $0x0  }
0x66: {  	[sflag:s0] =	ssyncadd.s32 $0xFFFFE000  }
0x67: {  	[spmem:s3] =	stream.indirect.scatter.add.f32 [tilespmem:s26], [sflag:$0x7], $0x40, s5, s21, $0xb8;
	[tilespmem:$0x1E000] =	vst v63  }
0x68: {  	_ =	swait.ge [sflag:s7], $0x2000  }
0x69: {  	[sflag:s7] =	ssyncset.done $0x0  }
0x6a: {  	[sflag:s7] =	ssyncadd.s32 $0xFFFFE000  }
0x6b: {  	[spmem:s3] =	stream.indirect.scatter.add.f32 [tilespmem:s29], [sflag:$0x8], $0x40, s8, s21, $0xb8;
	[tilespmem:$0x1E000] =	vst v63  }
0x6c: {  	_ =	swait.ge [sflag:s11], $0x2000  }
0x6d: {  	[sflag:s11] =	ssyncset.done $0x0  }
0x6e: {  	s25 =	simm.s32 $0x400;
	[sflag:s11] =	ssyncadd.s32 $0xFFFFE000  }
0x6f: {  	[tilespmem:s19], [sflag:$0x1] =	stream.indirect.gather [spmem:s2], $0x40, s25, s21, $0xb8;
	[tilespmem:$0x1E000] =	vst v63  }
0x70: {  	_ =	swait.ge [sflag:s12], $0x2000  }
0x71: {  	[sflag:s12] =	ssyncset.done $0x0  }
0x72: {  	s20 =	simm.s32 $0x500;
	[sflag:s12] =	ssyncadd.s32 $0xFFFFE000  }
0x73: {  	[tilespmem:s23], [sflag:$0x2] =	stream.indirect.gather [spmem:s2], $0x40, s20, s21, $0xb8;
	[tilespmem:$0x1E000] =	vst v63  }
0x74: {  	_ =	swait.ge [sflag:s13], $0x2000  }
0x75: {  	[sflag:s13] =	ssyncset.done $0x0  }
0x76: {  	s25 =	simm.s32 $0x600;
	[sflag:s13] =	ssyncadd.s32 $0xFFFFE000  }
0x77: {  	[tilespmem:s26], [sflag:$0x3] =	stream.indirect.gather [spmem:s2], $0x40, s25, s21, $0xb8;
	[tilespmem:$0x1E000] =	vst v63  }
0x78: {  	_ =	swait.ge [sflag:s14], $0x2000  }
0x79: {  	[sflag:s14] =	ssyncset.done $0x0  }
0x7a: {  	s20 =	simm.s32 $0x700;
	[sflag:s14] =	ssyncadd.s32 $0xFFFFE000  }
0x7b: {  	[tilespmem:s29], [sflag:$0x4] =	stream.indirect.gather [spmem:s2], $0x40, s20, s21, $0xb8;
	[tilespmem:$0x1E000] =	vst v63  }
0x7c: {  	_ =	swait.ge [sflag:s30], $0x2000  }
0x7d: {  	[sflag:s30] =	ssyncset.done $0x0  }
0x7e: {  	s25 =	simm.s32 $0x480;
	[sflag:s30] =	ssyncadd.s32 $0xFFFFE000  }
0x7f: {  	[spmem:s3] =	stream.indirect.scatter.add.f32 [tilespmem:s19], [sflag:$0x5], $0x40, s25, s21, $0xb8;
	[tilespmem:$0x1E000] =	vst v63  }
0x80: {  	_ =	swait.ge [sflag:s31], $0x2000  }
0x81: {  	[sflag:s31] =	ssyncset.done $0x0  }
0x82: {  	s20 =	simm.s32 $0x580;
	[sflag:s31] =	ssyncadd.s32 $0xFFFFE000  }
0x83: {  	[spmem:s3] =	stream.indirect.scatter.add.f32 [tilespmem:s23], [sflag:$0x6], $0x40, s20, s21, $0xb8;
	[tilespmem:$0x1E000] =	vst v63  }
0x84: {  	_ =	swait.ge [sflag:s0], $0x2000  }
0x85: {  	[sflag:s0] =	ssyncset.done $0x0  }
0x86: {  	s25 =	simm.s32 $0x680;
	[sflag:s0] =	ssyncadd.s32 $0xFFFFE000  }
0x87: {  	[spmem:s3] =	stream.indirect.scatter.add.f32 [tilespmem:s26], [sflag:$0x7], $0x40, s25, s21, $0xb8;
	[tilespmem:$0x1E000] =	vst v63  }
0x88: {  	_ =	swait.ge [sflag:s7], $0x2000  }
0x89: {  	[sflag:s7] =	ssyncset.done $0x0  }
0x8a: {  	s10 =	simm.s32 $0x780;
	s25 =	simm.s32 $0x1000;
	[sflag:s7] =	ssyncadd.s32 $0xFFFFE000  }
.LBB2_5:
0x8b: {  	[spmem:s3] =	stream.indirect.scatter.add.f32 [tilespmem:s29], [sflag:$0x8], $0x40, s10, s21, $0xb8;
	[tilespmem:$0x1E000] =	vst v63  }
0x8c: {  	s10 =	smov.u32 s25  }
0x8d: {  	p0 =	sne.s32 s25, $0x6000;
	s25 =	sadd.s32 $0x1000, s25;
	_ =	swait.ge [sflag:s11], $0x2000  }
0x8e: {  	s10 =	sshra.s32 s10, $0x2;
	[sflag:s11] =	ssyncset.done $0x0  }
0x8f: {  	s20 =	sadd.s32 $0x400, s10;
	[sflag:s11] =	ssyncadd.s32 $0xFFFFE000  }
0x90: {  	[tilespmem:s19], [sflag:$0x1] =	stream.indirect.gather [spmem:s2], $0x40, s20, s21, $0xb8;
	[tilespmem:$0x1E000] =	vst v63  }
0x91: {  	_ =	swait.ge [sflag:s12], $0x2000  }
0x92: {  	[sflag:s12] =	ssyncset.done $0x0  }
0x93: {  	s20 =	sadd.s32 $0x500, s10;
	[sflag:s12] =	ssyncadd.s32 $0xFFFFE000  }
0x94: {  	[tilespmem:s23], [sflag:$0x2] =	stream.indirect.gather [spmem:s2], $0x40, s20, s21, $0xb8;
	[tilespmem:$0x1E000] =	vst v63  }
0x95: {  	_ =	swait.ge [sflag:s13], $0x2000  }
0x96: {  	[sflag:s13] =	ssyncset.done $0x0  }
0x97: {  	s20 =	sadd.s32 $0x600, s10;
	[sflag:s13] =	ssyncadd.s32 $0xFFFFE000  }
0x98: {  	[tilespmem:s26], [sflag:$0x3] =	stream.indirect.gather [spmem:s2], $0x40, s20, s21, $0xb8;
	[tilespmem:$0x1E000] =	vst v63  }
0x99: {  	_ =	swait.ge [sflag:s14], $0x2000  }
0x9a: {  	[sflag:s14] =	ssyncset.done $0x0  }
0x9b: {  	s20 =	sadd.s32 $0x700, s10;
	[sflag:s14] =	ssyncadd.s32 $0xFFFFE000  }
0x9c: {  	[tilespmem:s29], [sflag:$0x4] =	stream.indirect.gather [spmem:s2], $0x40, s20, s21, $0xb8;
	[tilespmem:$0x1E000] =	vst v63  }
0x9d: {  	_ =	swait.ge [sflag:s30], $0x2000  }
0x9e: {  	[sflag:s30] =	ssyncset.done $0x0  }
0x9f: {  	s20 =	sadd.s32 $0x480, s10;
	[sflag:s30] =	ssyncadd.s32 $0xFFFFE000  }
0xa0: {  	[spmem:s3] =	stream.indirect.scatter.add.f32 [tilespmem:s19], [sflag:$0x5], $0x40, s20, s21, $0xb8;
	[tilespmem:$0x1E000] =	vst v63  }
0xa1: {  	_ =	swait.ge [sflag:s31], $0x2000  }
0xa2: {  	[sflag:s31] =	ssyncset.done $0x0  }
0xa3: {  	s20 =	sadd.s32 $0x580, s10;
	[sflag:s31] =	ssyncadd.s32 $0xFFFFE000  }
0xa4: {  	[spmem:s3] =	stream.indirect.scatter.add.f32 [tilespmem:s23], [sflag:$0x6], $0x40, s20, s21, $0xb8;
	[tilespmem:$0x1E000] =	vst v63  }
0xa5: {  	_ =	swait.ge [sflag:s0], $0x2000  }
0xa6: {  	[sflag:s0] =	ssyncset.done $0x0  }
.Ltmp1:
0xa7: {  	s20 =	sadd.s32 $0x680, s10;
	[sflag:s0] =	ssyncadd.s32 $0xFFFFE000;
	(pc) =	sbr.rel @p0 .LBB2_5-.Ltmp1, $4  }
0xa8: {  	[spmem:s3] =	stream.indirect.scatter.add.f32 [tilespmem:s26], [sflag:$0x7], $0x40, s20, s21, $0xb8;
	[tilespmem:$0x1E000] =	vst v63  }
0xa9: {  	_ =	swait.ge [sflag:s7], $0x2000  }
0xaa: {  	[sflag:s7] =	ssyncset.done $0x0  }
0xab: {  	s10 =	sadd.s32 $0x780, s10;
	[sflag:s7] =	ssyncadd.s32 $0xFFFFE000  }
0xac: {  	s17 =	sadd.s32 $0x1, s17  }
0xad: {  	p0 =	sne.s32 s17, $0x5  }
.Ltmp2:
0xae: {  	_ = 	snop;
	(pc) =	sbr.rel @p0 .LBB2_4-.Ltmp2, $2  }
0xaf: {  	_ =	sdelay $0x2  }
0xb0: {  	[spmem:s3] =	stream.indirect.scatter.add.f32 [tilespmem:s29], [sflag:$0x8], $0x40, s10, s21, $0xb8;
	[tilespmem:$0x1E000] =	vst v63  }
0xb1: {  	_ =	swait.ge [sflag:s11], $0x2000  }
0xb2: {  	[sflag:s11] =	ssyncset.done $0x0  }
0xb3: {  	[sflag:s11] =	ssyncadd.s32 $0xFFFFE000  }
0xb4: {  	_ =	swait.ge [sflag:s12], $0x2000  }
0xb5: {  	[sflag:s12] =	ssyncset.done $0x0  }
0xb6: {  	[sflag:s12] =	ssyncadd.s32 $0xFFFFE000  }
0xb7: {  	_ =	swait.ge [sflag:s13], $0x2000  }
0xb8: {  	[sflag:s13] =	ssyncset.done $0x0  }
0xb9: {  	[sflag:s13] =	ssyncadd.s32 $0xFFFFE000  }
0xba: {  	_ =	swait.ge [sflag:s14], $0x2000  }
0xbb: {  	[sflag:s14] =	ssyncset.done $0x0  }
0xbc: {  	[sflag:s14] =	ssyncadd.s32 $0xFFFFE000  }
0xbd: {  	[bflag:$0x0] =	sbarrier.arrive $0xFFFF  }
0xbe: {  	s10 =	rddreg [dreg:$0x7]  }
0xbf: {  	s16 =	rddreg [dreg:$0xe]  }
0xc0: {  	[hbm:s10], [sflag:s9] =	dma.local [spmem:s16], $0x1400  }
0xc1: {  	_ =	swait.ge [sflag:s18], $0x1400  }
0xc2: {  	s15 =	sadd.s32 $0x1, s15;
	s25 =	rddreg [dreg:$0x8]  }
0xc3: {  	p0 =	sne.s32 s15, s25  }
.Ltmp3:
0xc4: {  	_ = 	snop;
	(pc) =	sbr.rel @p0 .LBB2_1-.Ltmp3, $3  }
0xc5: {  	_ =	sdelay $0x1  }
0xc6: {  	[sflag:s18] =	ssyncset.done $0x0  }
0xc7: {  	[sflag:s18] =	ssyncadd.s32 $0xFFFFEC00  }
0xc8: {  	_ =	sfence.sel $0x180000  }
0xc9: {  	[bflag:$0x0] =	sbarrier.arrive $0xFFFF  }
0xca: {  	_ =	strace $0x9000004A  }
0xcb: {  	s0 =	stileid.u32;
	[bflag:$0x2] =	sbarrier.arrive $0xFFFF  }
0xcc: {  	p0 =	sne.s32 s0, $0x0;
	s0 =	rddreg [dreg:$0x3]  }
0xcd: {  	s0 =	sadd.s32 @!p0 $0x100000, s0  }
0xce: {  	[sflag:s0] =	ssyncadd.tile.s32 @!p0 $0x1;
	_ =	shalt  }
.Lfunc_end2:
_tile_overlayer_lowered:
.L_overlay_start_2:
0xcf: {  	(tag) =	ssettag $0x2  }
0xd0: {  	s0 =	rddreg [dreg:$0x0];
	s2 =	stileid.u32  }
0xd1: {  	s1 =	rddreg [dreg:$0x1];
	p0 =	sne.s32 s2, $0x0  }
0xd2: {  	s3 =	rddreg [dreg:$0x2];
	[bflag:$0x3] =	sbarrier.arrive $0xFFFF;
	s2 =	simm.s32 @!p0 $0x1C0A  }
0xd3: {  	[timem:s3], [sflag:s2] =	dma.local @!p0 [hbm:s0], s1  }
0xd4: {  	s0 =	simm.s32 @!p0 $0xA  }
0xd5: {  	_ =	swait.ge @!p0 [sflag:s0], s1  }
0xd6: {  	s1 =	ssub.s32 @!p0 $0x0, s1;
	[sflag:s0] =	ssyncset.done @!p0 $0x0  }
0xd7: {  	[sflag:s0] =	ssyncadd.s32 @!p0 s1  }
0xd8: {  	[bflag:$0x3] =	sbarrier.arrive $0xFFFF  }
0xd9: {  	_ =	shalt  }

// kernel: kernel.13.cloned.1.call-start
scs
__scs_entry_jumppad:
0x0: {  	(pc) =	sbr.rel $0x88, $3  }
0x1: {  	(tag) =	ssettag $0x0;
	lr =	simm.s32 $0x1  }
0x2: {  	[smem:$0x3F99] =	sst lr;
	_ =	strace $0xD0000000  }
0x3: {  	_ = 	snop  }
0x4: {  	_ = 	snop  }
0x5: {  	_ = 	snop  }
0x6: {  	_ = 	snop  }
0x7: {  	_ = 	snop  }
__scs_overlays_trampoline_lowered:
0x8: {  	[smem:$0x3FA8] =	sst s0  }
0x9: {  	[smem:$0x3FA9] =	sst s1  }
0xa: {  	[smem:$0x3FAA] =	sst s2  }
0xb: {  	[smem:$0x3FAB] =	sst s3  }
0xc: {  	[smem:$0x3FAC] =	sst s4  }
0xd: {  	[smem:$0x3FAD] =	sst s5  }
0xe: {  	[smem:$0x3FAE] =	sst s6  }
0xf: {  	[smem:$0x3FAF] =	sst s7  }
0x10: {  	[smem:$0x3FB0] =	sst s8  }
0x11: {  	[smem:$0x3FB1] =	sst s9;
	s0 =	simm.s32 @!p0 $0x0  }
0x12: {  	s1 =	sld [smem:$0x3F97];
	s0 =	simm.s32 @p0 $0x1  }
0x13: {  	[smem:$0x3FB2] =	sst s0;
	s0 =	simm.s32 @!p1 $0x0  }
0x14: {  	s2 =	sld [smem:$0x3F96];
	s0 =	simm.s32 @p1 $0x1  }
0x15: {  	[smem:$0x3FB3] =	sst s0;
	s0 =	simm.s32 @!p2 $0x0  }
0x16: {  	s3 =	sld [smem:$0x3FDB];
	s0 =	simm.s32 @p2 $0x1  }
0x17: {  	s4 =	simm.s32 $0x1BF5;
	[smem:$0x3FB5] =	sst s0  }
0x18: {  	s0 =	sld [smem:$0x3F98];
	_ =	swait.ge [sflag:s4], $0x0  }
0x19: {  	s7 =	sld [smem:$0x3F99]  }
0x1a: {  	s8 =	sadd.s32 $0xFFFFE003, lr  }
0x1b: {  	s9 =	sadd.s32 $0xFFFFFEF7, lr;
	s5 =	simm.s32 $0xFFFFFFFF;
	p2 =	slt.u32 s8, $0xFFFFF086  }
0x1c: {  	p1 =	slt.u32 s9, $0xF7A;
	s5 =	simm.s32 @!p2 $0x0  }
0x1d: {  	s5 =	simm.s32 @p1 $0x1;
	p0 =	seq.s32 s7, s2  }
0x1e: {  	s7 =	smul.u32 @!p0 $0xF7A, s2;
	p2 =	seq.s32 @!p0 s5, $0x0  }
0x1f: {  	s9 =	smul.u32 $0xF7A, s1;
	s8 =	simm.s32 @!p0 $0x1BF5;
	p2 =	por !p2, p0  }
0x20: {  	[sflag:s8] =	ssyncset.s32 @!p0 $0xFFFFF086;
	s6 =	sadd.s32 @!p0 s3, s7;
	s7 =	simm.s32 @!p0 $0x108  }
0x21: {  	s3 =	sadd.s32 s3, s9;
	s6 =	sadd.s32 @!p0 $0x88, s6;
	s7 =	simm.s32 @p2 $0x1082  }
0x22: {  	[simem:s7], [sflag:s8] =	dma.local @!p0 [hbm:s6], $0xF7A  }
0x23: {  	s9 =	sor.u32 $0xD0000000, s2;
	s6 =	simm.s32 $0x108;
	_ =	swait.ge @!p0 [sflag:s8], $0x0  }
0x24: {  	s3 =	sadd.s32 $0x88, s3;
	s6 =	simm.s32 @!p1 $0x1082;
	[sflag:s4] =	ssyncset.s32 $0xFFFFF086  }
0x25: {  	[simem:s6], [sflag:s4] =	dma.local [hbm:s3], $0xF7A  }
0x26: {  	[smem:$0x3F99] =	sst s1;
	(tag) =	ssettag s2;
	_ =	strace s9  }
0x27: {  	s1 =	sld [smem:$0x3FA9]  }
0x28: {  	s2 =	sld [smem:$0x3FAA]  }
0x29: {  	s4 =	sld [smem:$0x3FAC]  }
0x2a: {  	p0 =	seq.s32 s5, $0x0;
	s5 =	sld [smem:$0x3FAD]  }
0x2b: {  	s6 =	sld [smem:$0x3FAE]  }
0x2c: {  	s7 =	sld [smem:$0x3FAF]  }
0x2d: {  	s3 =	simm.s32 $0x108;
	s8 =	sld [smem:$0x3FB0]  }
0x2e: {  	s3 =	simm.s32 @!p0 $0x1082;
	s9 =	sld [smem:$0x3FB1]  }
0x2f: {  	lr =	sadd.s32 s0, s3;
	s0 =	sld [smem:$0x3FA8]  }
0x30: {  	s3 =	sld [smem:$0x3FAB]  }
0x31: {  	[smem:$0x3FB4] =	sst s10  }
0x32: {  	s10 =	sld [smem:$0x3FB2];
	_ =	sdelay $0x3  }
0x33: {  	p0 =	seq.s32 s10, $0x1;
	s10 =	sld [smem:$0x3FB4];
	_ =	sdelay $0x3  }
0x34: {  	[smem:$0x3FB4] =	sst s10  }
0x35: {  	s10 =	sld [smem:$0x3FB3];
	_ =	sdelay $0x3  }
0x36: {  	p1 =	seq.s32 s10, $0x1;
	s10 =	sld [smem:$0x3FB4];
	_ =	sdelay $0x3  }
0x37: {  	[smem:$0x3FB4] =	sst s10  }
0x38: {  	s10 =	sld [smem:$0x3FB5]  }
0x39: {  	_ = 	snop;
	(pc) =	sbr.ind lr, $3  }
0x3a: {  	_ = 	snop  }
0x3b: {  	_ = 	snop  }
0x3c: {  	p2 =	seq.s32 s10, $0x1;
	s10 =	sld [smem:$0x3FB4]  }
0x3d: {  	_ =	shalt  }
0x3e: {  	_ =	shalt  }
0x3f: {  	_ =	shalt  }
0x40: {  	_ =	shalt  }
0x41: {  	_ =	shalt  }
0x42: {  	_ =	shalt  }
0x43: {  	_ =	shalt  }
0x44: {  	_ =	shalt  }
0x45: {  	_ =	shalt  }
0x46: {  	_ =	shalt  }
0x47: {  	_ =	shalt  }
0x48: {  	_ =	shalt  }
0x49: {  	_ =	shalt  }
0x4a: {  	_ =	shalt  }
0x4b: {  	_ =	shalt  }
0x4c: {  	_ =	shalt  }
0x4d: {  	_ =	shalt  }
0x4e: {  	_ =	shalt  }
0x4f: {  	_ =	shalt  }
0x50: {  	_ =	shalt  }
0x51: {  	_ =	shalt  }
0x52: {  	_ =	shalt  }
0x53: {  	_ =	shalt  }
0x54: {  	_ =	shalt  }
0x55: {  	_ =	shalt  }
0x56: {  	_ =	shalt  }
0x57: {  	_ =	shalt  }
0x58: {  	_ =	shalt  }
0x59: {  	_ =	shalt  }
0x5a: {  	_ =	shalt  }
0x5b: {  	_ =	shalt  }
0x5c: {  	_ =	shalt  }
0x5d: {  	_ =	shalt  }
0x5e: {  	_ =	shalt  }
0x5f: {  	_ =	shalt  }
0x60: {  	_ =	shalt  }
0x61: {  	_ =	shalt  }
0x62: {  	_ =	shalt  }
0x63: {  	_ =	shalt  }
0x64: {  	_ =	shalt  }
0x65: {  	_ =	shalt  }
0x66: {  	_ =	shalt  }
0x67: {  	_ =	shalt  }
0x68: {  	_ =	shalt  }
0x69: {  	_ =	shalt  }
0x6a: {  	_ =	shalt  }
0x6b: {  	_ =	shalt  }
0x6c: {  	_ =	shalt  }
0x6d: {  	_ =	shalt  }
0x6e: {  	_ =	shalt  }
0x6f: {  	_ =	shalt  }
0x70: {  	_ =	shalt  }
0x71: {  	_ =	shalt  }
0x72: {  	_ =	shalt  }
0x73: {  	_ =	shalt  }
0x74: {  	_ =	shalt  }
0x75: {  	_ =	shalt  }
0x76: {  	_ =	shalt  }
0x77: {  	_ =	shalt  }
0x78: {  	_ =	shalt  }
0x79: {  	_ =	shalt  }
0x7a: {  	_ =	shalt  }
0x7b: {  	_ =	shalt  }
0x7c: {  	_ =	shalt  }
0x7d: {  	_ =	shalt  }
0x7e: {  	_ =	shalt  }
0x7f: {  	_ =	shalt  }
0x80: {  	_ =	shalt  }
0x81: {  	_ =	shalt  }
0x82: {  	_ =	shalt  }
0x83: {  	_ =	shalt  }
0x84: {  	_ =	shalt  }
0x85: {  	_ =	shalt  }
0x86: {  	_ =	shalt  }
0x87: {  	_ =	shalt  }
.Lfunc_end0:
.L_simem_size_0:
called_computation.2_lowered:
.L_overlay_start_0:
0x88: {  	s2 =	sld [smem:$0x3FD9]  }
0x89: {  	s3 =	sld [smem:$0x3FFE];
	_ =	sdelay $0x1  }
0x8a: {  	s1 =	srdreg.scid  }
0x8b: {  	s0 =	sand.u32 $0x1, s1  }
0x8c: {  	s17 =	sshll.u32 s0, $0xA;
	s2 =	sadd.s32 s3, s2  }
0x8d: {  	s2 =	sadd.s32 s2, s17  }
0x8e: {  	[smem:$0x3FC0] =	sst s2  }
0x8f: {  	_ = 	snop  }
0x90: {  	s2 =	sld [smem:$0x3FD0];
	(tm) =	ssettm $0x1  }
0x91: {  	s18 =	sld [smem:$0x3FFB];
	_ =	sdelay $0x3  }
0x92: {  	_ =	strace s18  }
0x93: {  	s3 =	sld [smem:$0x3FFC];
	_ =	sdelay $0x3  }
0x94: {  	_ =	strace s3  }
0x95: {  	s3 =	sld [smem:$0x3FFD];
	_ =	sdelay $0x3  }
0x96: {  	_ =	strace s3  }
0x97: {  	_ =	strace $0x8FFFFFFF  }
0x98: {  	s19 =	sld [smem:$0x3FDB];
	_ =	sdelay $0x1  }
0x99: {  	s4 =	simm.s32 $_scs_section_size  }
0x9a: {  	s5 =	simm.s32 $_size__tile_overlayer_lowered;
	s6 =	simm.s32 $_tile_overlayer_lowered  }
0x9b: {  	s22 =	simm.s32 $0x1BFF;
	s21 =	sshll.u32 s6, $0x1;
	s3 =	sadd.s32 s4, s19  }
0x9c: {  	s7 =	simm.s32 $0x0;
	s20 =	sshll.u32 s5, $0x1;
	s5 =	sadd.s32 s21, s3  }
0x9d: {  	[timem:s7], [sflag:s22] =	dma.local [hbm:s5], s20  }
0x9e: {  	_ =	swait.ge [sflag:s22], s20  }
0x9f: {  	s4 =	ssub.s32 $0x0, s20;
	[sflag:s22] =	ssyncset.done $0x0  }
0xa0: {  	[sflag:s22] =	ssyncadd.s32 s4;
	_ =	sdelay $0x1  }
0xa1: {  	s23 =	simm.s32 $0x1B8B  }
0xa2: {  	_ =	swait.ge [sflag:s23], $0x1  }
0xa3: {  	[sflag:s23] =	ssyncset.done $0x0  }
0xa4: {  	s25 =	simm.s32 $0x1B8E;
	s24 =	sld [smem:$0x3FFE];
	[sflag:s23] =	ssyncadd.s32 $0xFFFFFFFF  }
0xa5: {  	s26 =	simm.s32 $execute0_lowered;
	[smem:$0x3FD2] =	sst s25  }
0xa6: {  	s5 =	sshll.u32 s26, $0x1;
	_ =	strace $0x8000004C;
	[dreg:$0x1] =	wrdreg $0xFFFFFFFF  }
0xa7: {  	s28 =	simm.s32 $_size_execute0_lowered;
	s3 =	sadd.s32 s3, s5;
	[dreg:$0x0] =	wrdreg $0x0  }
0xa8: {  	s5 =	sshll.u32 s28, $0x1;
	[dreg:$0x2] =	wrdreg s3  }
0xa9: {  	[dreg:$0x3] =	wrdreg s5  }
0xaa: {  	[dreg:$0x4] =	wrdreg $0xC0  }
0xab: {  	_ =	task [dreg:s7], $0x5FFFF  }
0xac: {  	[dreg:$0x1] =	wrdreg $0xFFFFFFFF  }
0xad: {  	[dreg:$0x0] =	wrdreg $0x60  }
0xae: {  	[dreg:$0x2] =	wrdreg s24  }
0xaf: {  	[dreg:$0x3] =	wrdreg s2  }
0xb0: {  	[dreg:$0x4] =	wrdreg $0x120200  }
0xb1: {  	[dreg:$0x5] =	wrdreg $0x170200  }
0xb2: {  	[dreg:$0x6] =	wrdreg $0x9  }
0xb3: {  	_ =	task.clear_ibuf [dreg:s7], $0x7FFFF;
	_ =	strace $0x9000004C  }
0xb4: {  	s29 =	simm.s32 $0x9;
	_ =	strace $0x8000004E  }
0xb5: {  	_ =	swait.ge [sflag:s29], $0x1  }
0xb6: {  	[sflag:s29] =	ssyncadd.s32 $0xFFFFFFFF  }
0xb7: {  	_ =	strace $0x9000004E  }
0xb8: {  	_ =	sfence  }
0xb9: {  	s30 =	sld [smem:$0x0];
	_ =	sdelay $0x2  }
0xba: {  	s31 =	sshll.u32 s1, $0xD;
	s1 =	sshrl.u32 s1, $0x2  }
0xbb: {  	s3 =	sand.u32 $0x4000, s31;
	s1 =	sadd.s32 s1, s30  }
0xbc: {  	s0 =	sor.u32 s3, s0;
	s1 =	sshll.u32 s1, $0x11  }
0xbd: {  	s0 =	sor.u32 s1, s0  }
0xbe: {  	s0 =	sadd.s32 $0x8F2B, s0  }
0xbf: {  	[sflag:s0] =	ssyncadd.remote.s32 $0x1  }
0xc0: {  	_ =	sfence.sel $0xFFFF  }
0xc1: {  	[dreg:$0x0] =	wrdreg $0xFFFFFFFF;
	(pc) =	sbr.abs _section_cstart, $3  }
0xc2: {  	[dreg:$0x1] =	wrdreg $0xFFFFFFFF  }
0xc3: {  	_ =	task.clear_ibuf [dreg:s7], $0x2FFFF;
	_ =	strace $0x9FFFFFFF  }
0xc4: {  	(tm) =	ssettm $0x7FFFFFFF  }
0xc5: {  	_ =	shalt  }
tec
execute0_lowered:
.L_overlay_start_1:
0x0: {  	(tag) =	ssettag $0x1  }
0x1: {  	s1 =	rddreg [dreg:$0x0]  }
0x2: {  	s4 =	rddreg [dreg:$0x1]  }
0x3: {  	s0 =	srdreg.scid;
	s2 =	rddreg [dreg:$0x2]  }
0x4: {  	s16 =	stileid.u32;
	s3 =	rddreg [dreg:$0x3];
	s18 =	simm.s32 $0x0  }
0x5: {  	s23 =	simm.s32 $0xD000;
	s24 =	simm.s32 $0xE000;
	s25 =	simm.s32 $0xF000  }
0x6: {  	s28 =	simm.s32 $0x10000;
	s5 =	sand.u32 $0x1, s0;
	s0 =	smul.u32 $0x5000, s16  }
0x7: {  	s30 =	simm.s32 $0xF;
	[smem:$0x7FF] =	sst s18;
	s8 =	smul.u32 $0x1400, s16  }
0x8: {  	s26 =	smul.u32 $0x14000, s16;
	_ =	strace $0x8000004D;
	[dreg:$0x5] =	wrdreg s23  }
0x9: {  	s31 =	simm.s32 $0x10;
	s6 =	smul.u32 $0x50000, s5;
	[dreg:$0x6] =	wrdreg s24  }
0xa: {  	s10 =	sshll.u32 s5, $0x2;
	s5 =	ssub.s32 $0x2, s5;
	[dreg:$0x7] =	wrdreg s25  }
0xb: {  	[dreg:$0x8] =	wrdreg s28;
	s8 =	sadd.s32 s8, s1;
	s10 =	sadd.s32 s10, s1  }
0xc: {  	s11 =	sshrl.u32 s5, $0x1;
	s29 =	sshrl.u32 s0, $0x3;
	s12 =	sadd.s32 $0x1000, s0  }
0xd: {  	s7 =	sadd.s32 s0, s6;
	s5 =	ssub.s32 s5, s11;
	s11 =	sadd.s32 s4, s29  }
0xe: {  	s13 =	sadd.s32 s6, s12;
	s14 =	sshrl.u32 s12, $0x3;
	s29 =	sadd.s32 $0x2400, s8  }
0xf: {  	s10 =	sadd.s32 $0x2200, s10;
	s7 =	sshrl.u32 s7, $0x3;
	[dreg:$0x9] =	wrdreg s11  }
0x10: {  	s11 =	sadd.s32 s4, s14;
	s14 =	sadd.s32 $0x3000, s0;
	[dreg:$0x13] =	wrdreg s29  }
0x11: {  	[dreg:$0x17] =	wrdreg s10;
	s24 =	smax.u32 s5, $0x1;
	s10 =	simm.s32 $0x11000  }
0x12: {  	s9 =	sadd.s32 s7, s1;
	s1 =	sadd.s32 $0x2A400, s1;
	[dreg:$0xb] =	wrdreg s11  }
0x13: {  	s19 =	sadd.s32 s6, s14;
	s20 =	sshrl.u32 s14, $0x3;
	[smem:$0x7F9] =	sst s24  }
0x14: {  	s7 =	sadd.s32 s1, s7;
	s8 =	sadd.s32 $0x16400, s9;
	s9 =	sshrl.u32 s26, $0x2  }
0x15: {  	[dreg:$0xa] =	wrdreg s7;
	s7 =	sshrl.u32 s13, $0x3;
	s13 =	sadd.s32 $0x2000, s0  }
0x16: {  	[dreg:$0x14] =	wrdreg s8;
	s7 =	sadd.s32 s1, s7;
	s17 =	sshrl.u32 s13, $0x3  }
0x17: {  	s15 =	sadd.s32 s6, s13;
	[dreg:$0xc] =	wrdreg s7;
	s11 =	sadd.s32 s4, s17  }
0x18: {  	s7 =	sshrl.u32 s15, $0x3;
	s17 =	sadd.s32 s13, s2;
	[dreg:$0xd] =	wrdreg s11  }
0x19: {  	s15 =	sadd.s32 $0x4000, s0;
	s7 =	sadd.s32 s1, s7;
	[dreg:$0x1c] =	wrdreg s17  }
0x1a: {  	s11 =	sadd.s32 s4, s20;
	s21 =	sshrl.u32 s15, $0x3;
	[dreg:$0xe] =	wrdreg s7  }
0x1b: {  	s20 =	sadd.s32 s0, s2;
	s0 =	sadd.s32 s0, s3;
	[dreg:$0xf] =	wrdreg s11  }
0x1c: {  	s22 =	sadd.s32 s6, s15;
	s23 =	sadd.s32 s15, s2;
	[dreg:$0x18] =	wrdreg s0  }
0x1d: {  	s6 =	simm.s32 $0x12;
	s4 =	sadd.s32 s4, s21;
	[smem:$0x7F8] =	sst s23  }
0x1e: {  	s17 =	simm.s32 $0x5;
	s11 =	sadd.s32 s12, s3;
	[dreg:$0x11] =	wrdreg s4  }
0x1f: {  	s7 =	sshrl.u32 s19, $0x3;
	s12 =	sadd.s32 s12, s2;
	[dreg:$0x19] =	wrdreg s11  }
0x20: {  	s19 =	sadd.s32 s14, s3;
	s21 =	sadd.s32 s14, s2;
	[dreg:$0x1a] =	wrdreg s12  }
0x21: {  	s14 =	simm.s32 $0x3;
	s7 =	sadd.s32 s1, s7;
	[dreg:$0x1d] =	wrdreg s19  }
0x22: {  	s4 =	sshrl.u32 s22, $0x3;
	[dreg:$0x1e] =	wrdreg s21;
	s22 =	sadd.s32 s15, s3  }
0x23: {  	s11 =	simm.s32 $0x1;
	s12 =	simm.s32 $0x2;
	[dreg:$0x10] =	wrdreg s7  }
0x24: {  	s15 =	simm.s32 $0xC000;
	s1 =	sadd.s32 s1, s4;
	[dreg:$0x1f] =	wrdreg s22  }
0x25: {  	s7 =	sshll.u32 s16, $0x6;
	s16 =	sadd.s32 s13, s3;
	[dreg:$0x12] =	wrdreg s1  }
0x26: {  	s19 =	simm.s32 $0x6;
	s1 =	sor.u32 $0x1C12, s7;
	[dreg:$0x1b] =	wrdreg s16  }
0x27: {  	s21 =	simm.s32 $0x7;
	[dreg:$0x15] =	wrdreg s1;
	s1 =	sadd.s32 s9, s3  }
0x28: {  	s13 =	simm.s32 $0xB000;
	s25 =	sadd.s32 $0x1000, s1;
	[dreg:$0x16] =	wrdreg s1  }
0x29: {  	s22 =	simm.s32 $0x8;
	s26 =	sadd.s32 $0x2000, s1;
	[smem:$0x7FA] =	sst s25  }
0x2a: {  	s7 =	simm.s32 $0xA000;
	s28 =	sadd.s32 $0x3000, s1;
	[smem:$0x7FB] =	sst s26  }
0x2b: {  	s16 =	simm.s32 $0x4;
	s29 =	sadd.s32 $0x4000, s1;
	[smem:$0x7FC] =	sst s28  }
0x2c: {  	v0 =	vimm.f32 $0.0e+00;
	s9 =	simm.s32 $0x80;
	s1 =	simm.s32 $0x0;
	[smem:$0x7FD] =	sst s29  }
.LBB2_1:
0x2d: {  	s0 =	rddreg [dreg:$0x13]  }
0x2e: {  	s4 =	rddreg [dreg:$0x14]  }
0x2f: {  	s29 =	sshrl.u32 s20, $0x3;
	s5 =	rddreg [dreg:$0x15]  }
0x30: {  	[tilespmem:s18], [sflag:$0x11] =	stream.linear.gather [hbm4b:s0+s18], $0xA000, $0x38;
	[tilespmem:$0x1C020] =	vst v63  }
0x31: {  	[spmem:s29], [sflag:s5] =	dma.local [hbm:s4], $0xA00  }
0x32: {  	_ =	swait.ge [sflag:s6], $0xA00  }
0x33: {  	[sflag:s6] =	ssyncset.done $0x0  }
0x34: {  	s0 =	simm.s32 $0x80;
	s4 =	simm.s32 $0x0;
	[sflag:s6] =	ssyncadd.s32 $0xFFFFF600  }
.LBB2_2:
0x35: {  	p0 =	sne.s32 s0, $0x3F80;
	[tilespmem:s4+$0xA000] =	vst v0;
	s5 =	smov.u32 s0;
	s0 =	sadd.s32 $0x80, s0  }
.Ltmp0:
0x36: {  	[tilespmem:s4+$0xA010] =	vst v0;
	(pc) =	sbr.rel @p0 .LBB2_2-.Ltmp0, $2  }
0x37: {  	_ =	sdelay $0x2  }
0x38: {  	s4 =	sshra.s32 s5, $0x2  }
0x39: {  	[tilespmem:s4+$0xA000] =	vst v0  }
0x3a: {  	[tilespmem:s4+$0xA010] =	vst v0;
	s0 =	rddreg [dreg:$0x16]  }
0x3b: {  	[spmem:s0] =	stream.linear.scatter [tilespmem:s7], [sflag:$0x12], $0x1000, $0x38;
	[tilespmem:$0x1C020] =	vst v63  }
0x3c: {  	_ =	swait.ge [sflag:s6], $0x1000  }
0x3d: {  	s18 =	sld [smem:$0x7FA]  }
0x3e: {  	[sflag:s6] =	ssyncset.done $0x0  }
0x3f: {  	[sflag:s6] =	ssyncadd.s32 $0xFFFFF000  }
0x40: {  	[spmem:s18] =	stream.linear.scatter [tilespmem:s7], [sflag:$0x12], $0x1000, $0x38;
	[tilespmem:$0x1C020] =	vst v63  }
0x41: {  	_ =	swait.ge [sflag:s6], $0x1000  }
0x42: {  	s23 =	sld [smem:$0x7FB]  }
0x43: {  	[sflag:s6] =	ssyncset.done $0x0  }
0x44: {  	[sflag:s6] =	ssyncadd.s32 $0xFFFFF000  }
0x45: {  	[spmem:s23] =	stream.linear.scatter [tilespmem:s7], [sflag:$0x12], $0x1000, $0x38;
	[tilespmem:$0x1C020] =	vst v63  }
0x46: {  	_ =	swait.ge [sflag:s6], $0x1000  }
0x47: {  	s24 =	sld [smem:$0x7FC]  }
0x48: {  	[sflag:s6] =	ssyncset.done $0x0  }
0x49: {  	[sflag:s6] =	ssyncadd.s32 $0xFFFFF000  }
0x4a: {  	[spmem:s24] =	stream.linear.scatter [tilespmem:s7], [sflag:$0x12], $0x1000, $0x38;
	[tilespmem:$0x1C020] =	vst v63  }
0x4b: {  	_ =	swait.ge [sflag:s6], $0x1000  }
0x4c: {  	s25 =	sld [smem:$0x7FD]  }
0x4d: {  	[sflag:s6] =	ssyncset.done $0x0  }
0x4e: {  	[sflag:s6] =	ssyncadd.s32 $0xFFFFF000  }
0x4f: {  	[spmem:s25] =	stream.linear.scatter [tilespmem:s7], [sflag:$0x12], $0x1000, $0x38;
	[tilespmem:$0x1C020] =	vst v63  }
0x50: {  	_ =	swait.ge [sflag:s6], $0x1000  }
0x51: {  	[sflag:s6] =	ssyncset.done $0x0  }
0x52: {  	s26 =	simm.s32 $0x11;
	[sflag:s6] =	ssyncadd.s32 $0xFFFFF000  }
0x53: {  	_ =	swait.ge [sflag:s26], $0xA000  }
0x54: {  	[sflag:s26] =	ssyncset.done $0x0  }
0x55: {  	p0 =	por $0x0, $0x0;
	[sflag:s26] =	ssyncadd.s32 $0xFFFF6000  }
0x56: {  	s0 =	simm.s32 @p0 $0x9;
	[bflag:$0x0] =	sbarrier.arrive $0xFFFF  }
0x57: {  	_ =	swait.ge @p0 [sflag:s0], $0x1000  }
0x58: {  	s4 =	simm.s32 @p0 $0xA000;
	[sflag:s0] =	ssyncset.done @p0 $0x0  }
0x59: {  	s5 =	simm.s32 @p0 $0x80;
	[sflag:s0] =	ssyncadd.s32 @p0 $0xFFFFF000;
	s0 =	simm.s32 @p0 $0x0  }
0x5a: {  	[tilespmem:s4], [sflag:$0x1] =	stream.indirect.gather @p0 [spmem:s2], $0x20, s0, s5, $0xb8;
	[tilespmem:$0x1C020] =	vst v63  }
0x5b: {  	s0 =	simm.s32 @p0 $0xA  }
0x5c: {  	_ =	swait.ge @p0 [sflag:s0], $0x1000  }
0x5d: {  	[sflag:s0] =	ssyncset.done @p0 $0x0  }
0x5e: {  	s4 =	simm.s32 @p0 $0x100;
	[sflag:s0] =	ssyncadd.s32 @p0 $0xFFFFF000;
	s0 =	simm.s32 @p0 $0xB000  }
0x5f: {  	[tilespmem:s0], [sflag:$0x2] =	stream.indirect.gather @p0 [spmem:s2], $0x20, s4, s5, $0xb8;
	[tilespmem:$0x1C020] =	vst v63  }
0x60: {  	s0 =	simm.s32 @p0 $0xB  }
0x61: {  	_ =	swait.ge @p0 [sflag:s0], $0x1000  }
0x62: {  	[sflag:s0] =	ssyncset.done @p0 $0x0  }
0x63: {  	s4 =	simm.s32 @p0 $0x200;
	[sflag:s0] =	ssyncadd.s32 @p0 $0xFFFFF000;
	s0 =	simm.s32 @p0 $0xC000  }
0x64: {  	[tilespmem:s0], [sflag:$0x3] =	stream.indirect.gather @p0 [spmem:s2], $0x20, s4, s5, $0xb8;
	[tilespmem:$0x1C020] =	vst v63  }
0x65: {  	s0 =	simm.s32 @p0 $0xC  }
0x66: {  	_ =	swait.ge @p0 [sflag:s0], $0x1000  }
0x67: {  	[sflag:s0] =	ssyncset.done @p0 $0x0  }
0x68: {  	s4 =	simm.s32 @p0 $0x300;
	[sflag:s0] =	ssyncadd.s32 @p0 $0xFFFFF000;
	s0 =	simm.s32 @p0 $0xD000  }
0x69: {  	[tilespmem:s0], [sflag:$0x4] =	stream.indirect.gather @p0 [spmem:s2], $0x20, s4, s5, $0xb8;
	[tilespmem:$0x1C020] =	vst v63  }
0x6a: {  	s0 =	simm.s32 @p0 $0xD  }
0x6b: {  	_ =	swait.ge @p0 [sflag:s0], $0x1000  }
0x6c: {  	[sflag:s0] =	ssyncset.done @p0 $0x0  }
0x6d: {  	s4 =	simm.s32 @p0 $0x400;
	[sflag:s0] =	ssyncadd.s32 @p0 $0xFFFFF000;
	s0 =	simm.s32 @p0 $0xE000  }
0x6e: {  	[tilespmem:s0], [sflag:$0x5] =	stream.indirect.gather @p0 [spmem:s2], $0x20, s4, s5, $0xb8;
	[tilespmem:$0x1C020] =	vst v63  }
0x6f: {  	s0 =	simm.s32 @p0 $0xE  }
0x70: {  	_ =	swait.ge @p0 [sflag:s0], $0x1000  }
0x71: {  	[sflag:s0] =	ssyncset.done @p0 $0x0  }
0x72: {  	s4 =	simm.s32 @p0 $0x500;
	[sflag:s0] =	ssyncadd.s32 @p0 $0xFFFFF000;
	s0 =	simm.s32 @p0 $0xF000  }
0x73: {  	[tilespmem:s0], [sflag:$0x6] =	stream.indirect.gather @p0 [spmem:s2], $0x20, s4, s5, $0xb8;
	[tilespmem:$0x1C020] =	vst v63  }
0x74: {  	s0 =	simm.s32 @p0 $0xF  }
0x75: {  	_ =	swait.ge @p0 [sflag:s0], $0x1000  }
0x76: {  	[sflag:s0] =	ssyncset.done @p0 $0x0  }
0x77: {  	s4 =	simm.s32 @p0 $0x600;
	[sflag:s0] =	ssyncadd.s32 @p0 $0xFFFFF000;
	s0 =	simm.s32 @p0 $0x10000  }
0x78: {  	[tilespmem:s0], [sflag:$0x7] =	stream.indirect.gather @p0 [spmem:s2], $0x20, s4, s5, $0xb8;
	[tilespmem:$0x1C020] =	vst v63  }
0x79: {  	s0 =	simm.s32 @p0 $0x10  }
0x7a: {  	_ =	swait.ge @p0 [sflag:s0], $0x1000  }
0x7b: {  	s4 =	simm.s32 @!p0 $0xA000;
	[sflag:s0] =	ssyncset.done @p0 $0x0  }
0x7c: {  	s5 =	simm.s32 @!p0 $0x80;
	[sflag:s0] =	ssyncadd.s32 @p0 $0xFFFFF000;
	s0 =	simm.s32 @!p0 $0x0  }
0x7d: {  	[tilespmem:s4], [sflag:$0x1] =	stream.indirect.gather @!p0 [spmem:s2], $0x20, s0, s5, $0xb8;
	[tilespmem:$0x1C020] =	vst v63  }
0x7e: {  	s0 =	simm.s32 @!p0 $0xB000;
	s4 =	simm.s32 @!p0 $0x100  }
0x7f: {  	[tilespmem:s0], [sflag:$0x2] =	stream.indirect.gather @!p0 [spmem:s2], $0x20, s4, s5, $0xb8;
	[tilespmem:$0x1C020] =	vst v63  }
0x80: {  	s0 =	simm.s32 @!p0 $0x200;
	s4 =	simm.s32 @!p0 $0xC000  }
0x81: {  	[tilespmem:s4], [sflag:$0x3] =	stream.indirect.gather @!p0 [spmem:s2], $0x20, s0, s5, $0xb8;
	[tilespmem:$0x1C020] =	vst v63  }
0x82: {  	s0 =	simm.s32 @!p0 $0x300;
	s4 =	simm.s32 @!p0 $0xD000  }
0x83: {  	[tilespmem:s4], [sflag:$0x4] =	stream.indirect.gather @!p0 [spmem:s2], $0x20, s0, s5, $0xb8;
	[tilespmem:$0x1C020] =	vst v63  }
0x84: {  	s0 =	simm.s32 @!p0 $0x400;
	s4 =	simm.s32 @!p0 $0xE000  }
0x85: {  	[tilespmem:s4], [sflag:$0x5] =	stream.indirect.gather @!p0 [spmem:s2], $0x20, s0, s5, $0xb8;
	[tilespmem:$0x1C020] =	vst v63  }
0x86: {  	s0 =	simm.s32 @!p0 $0x500;
	s4 =	simm.s32 @!p0 $0xF000  }
0x87: {  	[tilespmem:s4], [sflag:$0x6] =	stream.indirect.gather @!p0 [spmem:s2], $0x20, s0, s5, $0xb8;
	[tilespmem:$0x1C020] =	vst v63  }
0x88: {  	s0 =	simm.s32 @!p0 $0x600;
	s4 =	simm.s32 @!p0 $0x10000  }
0x89: {  	[tilespmem:s4], [sflag:$0x7] =	stream.indirect.gather @!p0 [spmem:s2], $0x20, s0, s5, $0xb8;
	[tilespmem:$0x1C020] =	vst v63  }
0x8a: {  	s28 =	simm.s32 $0x700  }
0x8b: {  	[tilespmem:s10], [sflag:$0x8] =	stream.indirect.gather [spmem:s2], $0x20, s28, s9, $0xb8;
	[tilespmem:$0x1C020] =	vst v63  }
0x8c: {  	_ =	swait.ge [sflag:s11], $0x1000  }
0x8d: {  	[sflag:s11] =	ssyncset.done $0x0  }
0x8e: {  	s29 =	simm.s32 $0x80;
	[sflag:s11] =	ssyncadd.s32 $0xFFFFF000  }
0x8f: {  	[spmem:s3] =	stream.indirect.scatter.add.f32 [tilespmem:s7], [sflag:$0x9], $0x20, s29, s9, $0xb8;
	[tilespmem:$0x1C020] =	vst v63  }
0x90: {  	_ =	swait.ge [sflag:s12], $0x1000  }
0x91: {  	[sflag:s12] =	ssyncset.done $0x0  }
0x92: {  	s4 =	simm.s32 $0x180;
	[sflag:s12] =	ssyncadd.s32 $0xFFFFF000  }
0x93: {  	[spmem:s3] =	stream.indirect.scatter.add.f32 [tilespmem:s13], [sflag:$0xA], $0x20, s4, s9, $0xb8;
	[tilespmem:$0x1C020] =	vst v63  }
0x94: {  	_ =	swait.ge [sflag:s14], $0x1000  }
0x95: {  	[sflag:s14] =	ssyncset.done $0x0  }
0x96: {  	s5 =	simm.s32 $0x280;
	[sflag:s14] =	ssyncadd.s32 $0xFFFFF000  }
0x97: {  	[spmem:s3] =	stream.indirect.scatter.add.f32 [tilespmem:s15], [sflag:$0xB], $0x20, s5, s9, $0xb8;
	[tilespmem:$0x1C020] =	vst v63  }
0x98: {  	_ =	swait.ge [sflag:s16], $0x1000  }
0x99: {  	[sflag:s16] =	ssyncset.done $0x0  }
0x9a: {  	s18 =	simm.s32 $0x380;
	s8 =	rddreg [dreg:$0x5];
	[sflag:s16] =	ssyncadd.s32 $0xFFFFF000  }
0x9b: {  	[spmem:s3] =	stream.indirect.scatter.add.f32 [tilespmem:s8], [sflag:$0xC], $0x20, s18, s9, $0xb8;
	[tilespmem:$0x1C020] =	vst v63  }
0x9c: {  	_ =	swait.ge [sflag:s17], $0x1000  }
0x9d: {  	[sflag:s17] =	ssyncset.done $0x0  }
0x9e: {  	s24 =	simm.s32 $0x480;
	s23 =	rddreg [dreg:$0x6];
	[sflag:s17] =	ssyncadd.s32 $0xFFFFF000  }
0x9f: {  	[spmem:s3] =	stream.indirect.scatter.add.f32 [tilespmem:s23], [sflag:$0xD], $0x20, s24, s9, $0xb8;
	[tilespmem:$0x1C020] =	vst v63  }
0xa0: {  	_ =	swait.ge [sflag:s19], $0x1000  }
0xa1: {  	[sflag:s19] =	ssyncset.done $0x0  }
0xa2: {  	s26 =	simm.s32 $0x580;
	s25 =	rddreg [dreg:$0x7];
	[sflag:s19] =	ssyncadd.s32 $0xFFFFF000  }
0xa3: {  	[spmem:s3] =	stream.indirect.scatter.add.f32 [tilespmem:s25], [sflag:$0xE], $0x20, s26, s9, $0xb8;
	[tilespmem:$0x1C020] =	vst v63  }
0xa4: {  	_ =	swait.ge [sflag:s21], $0x1000  }
0xa5: {  	[sflag:s21] =	ssyncset.done $0x0  }
0xa6: {  	s29 =	simm.s32 $0x680;
	s28 =	rddreg [dreg:$0x8];
	[sflag:s21] =	ssyncadd.s32 $0xFFFFF000  }
0xa7: {  	[spmem:s3] =	stream.indirect.scatter.add.f32 [tilespmem:s28], [sflag:$0xF], $0x20, s29, s9, $0xb8;
	[tilespmem:$0x1C020] =	vst v63  }
0xa8: {  	s0 =	simm.s32 $0x2000;
	p0 =	por $0x1, $0x1;
	_ =	swait.ge [sflag:s22], $0x1000  }
0xa9: {  	s4 =	simm.s32 $0x4000;
	s18 =	simm.s32 $0x780;
	[sflag:s22] =	ssyncset.done $0x0  }
.LBB2_4:
0xaa: {  	s8 =	simm.s32 @p0 $0x9;
	[sflag:s22] =	ssyncadd.s32 $0xFFFFF000  }
0xab: {  	[spmem:s3] =	stream.indirect.scatter.add.f32 [tilespmem:s10], [sflag:$0x10], $0x20, s18, s9, $0xb8;
	[tilespmem:$0x1C020] =	vst v63  }
0xac: {  	_ =	swait.ge @p0 [sflag:s8], $0x1000  }
0xad: {  	s23 =	simm.s32 @p0 $0xA000;
	s24 =	simm.s32 @p0 $0xA;
	[sflag:s8] =	ssyncset.done @p0 $0x0  }
0xae: {  	s18 =	simm.s32 @p0 $0x80;
	[sflag:s8] =	ssyncadd.s32 @p0 $0xFFFFF000;
	s8 =	sshra.s32 @p0 s0, $0x2  }
0xaf: {  	[tilespmem:s23], [sflag:$0x1] =	stream.indirect.gather @p0 [spmem:s2], $0x20, s8, s18, $0xb8;
	[tilespmem:$0x1C020] =	vst v63  }
0xb0: {  	_ =	swait.ge @p0 [sflag:s24], $0x1000  }
0xb1: {  	s29 =	simm.s32 @p0 $0xB;
	[sflag:s24] =	ssyncset.done @p0 $0x0  }
0xb2: {  	s23 =	sadd.s32 @p0 $0x100, s8;
	[sflag:s24] =	ssyncadd.s32 @p0 $0xFFFFF000;
	s24 =	simm.s32 @p0 $0xB000  }
0xb3: {  	[tilespmem:s24], [sflag:$0x2] =	stream.indirect.gather @p0 [spmem:s2], $0x20, s23, s18, $0xb8;
	[tilespmem:$0x1C020] =	vst v63  }
0xb4: {  	_ =	swait.ge @p0 [sflag:s29], $0x1000  }
0xb5: {  	s25 =	sadd.s32 @p0 $0x200, s8;
	[sflag:s29] =	ssyncset.done @p0 $0x0  }
0xb6: {  	s24 =	simm.s32 @p0 $0xC000;
	[sflag:s29] =	ssyncadd.s32 @p0 $0xFFFFF000;
	s29 =	simm.s32 @p0 $0xC  }
0xb7: {  	[tilespmem:s24], [sflag:$0x3] =	stream.indirect.gather @p0 [spmem:s2], $0x20, s25, s18, $0xb8;
	[tilespmem:$0x1C020] =	vst v63  }
0xb8: {  	_ =	swait.ge @p0 [sflag:s29], $0x1000  }
0xb9: {  	s26 =	sadd.s32 @p0 $0x300, s8;
	[sflag:s29] =	ssyncset.done @p0 $0x0  }
0xba: {  	s24 =	simm.s32 @p0 $0xD000;
	s25 =	simm.s32 @p0 $0xD;
	[sflag:s29] =	ssyncadd.s32 @p0 $0xFFFFF000  }
0xbb: {  	[tilespmem:s24], [sflag:$0x4] =	stream.indirect.gather @p0 [spmem:s2], $0x20, s26, s18, $0xb8;
	[tilespmem:$0x1C020] =	vst v63  }
0xbc: {  	_ =	swait.ge @p0 [sflag:s25], $0x1000  }
0xbd: {  	s28 =	sadd.s32 @p0 $0x400, s8;
	[sflag:s25] =	ssyncset.done @p0 $0x0  }
0xbe: {  	s24 =	simm.s32 @p0 $0xE000;
	[sflag:s25] =	ssyncadd.s32 @p0 $0xFFFFF000;
	s25 =	simm.s32 @p0 $0xE  }
0xbf: {  	[tilespmem:s24], [sflag:$0x5] =	stream.indirect.gather @p0 [spmem:s2], $0x20, s28, s18, $0xb8;
	[tilespmem:$0x1C020] =	vst v63  }
0xc0: {  	_ =	swait.ge @p0 [sflag:s25], $0x1000  }
0xc1: {  	s23 =	sadd.s32 @p0 $0x500, s8;
	[sflag:s25] =	ssyncset.done @p0 $0x0  }
0xc2: {  	s24 =	simm.s32 @p0 $0xF000;
	[sflag:s25] =	ssyncadd.s32 @p0 $0xFFFFF000;
	s25 =	simm.s32 @p0 $0xF  }
0xc3: {  	[tilespmem:s24], [sflag:$0x6] =	stream.indirect.gather @p0 [spmem:s2], $0x20, s23, s18, $0xb8;
	[tilespmem:$0x1C020] =	vst v63  }
0xc4: {  	_ =	swait.ge @p0 [sflag:s25], $0x1000  }
0xc5: {  	s8 =	sadd.s32 @p0 $0x600, s8;
	[sflag:s25] =	ssyncset.done @p0 $0x0  }
0xc6: {  	s23 =	simm.s32 @p0 $0x10000;
	s24 =	simm.s32 @p0 $0x10;
	[sflag:s25] =	ssyncadd.s32 @p0 $0xFFFFF000  }
0xc7: {  	[tilespmem:s23], [sflag:$0x7] =	stream.indirect.gather @p0 [spmem:s2], $0x20, s8, s18, $0xb8;
	[tilespmem:$0x1C020] =	vst v63  }
0xc8: {  	_ =	swait.ge @p0 [sflag:s24], $0x1000  }
0xc9: {  	s8 =	simm.s32 @!p0 $0xA000;
	[sflag:s24] =	ssyncset.done @p0 $0x0  }
0xca: {  	s23 =	sshra.s32 @!p0 s0, $0x2;
	[sflag:s24] =	ssyncadd.s32 @p0 $0xFFFFF000;
	s24 =	simm.s32 @!p0 $0x80  }
0xcb: {  	[tilespmem:s8], [sflag:$0x1] =	stream.indirect.gather @!p0 [spmem:s2], $0x20, s23, s24, $0xb8;
	[tilespmem:$0x1C020] =	vst v63  }
0xcc: {  	s18 =	simm.s32 @!p0 $0xB000;
	s8 =	sadd.s32 @!p0 $0x100, s23  }
0xcd: {  	[tilespmem:s18], [sflag:$0x2] =	stream.indirect.gather @!p0 [spmem:s2], $0x20, s8, s24, $0xb8;
	[tilespmem:$0x1C020] =	vst v63  }
0xce: {  	s25 =	sadd.s32 @!p0 $0x200, s23;
	s8 =	simm.s32 @!p0 $0xC000  }
0xcf: {  	[tilespmem:s8], [sflag:$0x3] =	stream.indirect.gather @!p0 [spmem:s2], $0x20, s25, s24, $0xb8;
	[tilespmem:$0x1C020] =	vst v63  }
0xd0: {  	s26 =	sadd.s32 @!p0 $0x300, s23;
	s8 =	simm.s32 @!p0 $0xD000  }
0xd1: {  	[tilespmem:s8], [sflag:$0x4] =	stream.indirect.gather @!p0 [spmem:s2], $0x20, s26, s24, $0xb8;
	[tilespmem:$0x1C020] =	vst v63  }
0xd2: {  	s18 =	sadd.s32 @!p0 $0x400, s23;
	s8 =	simm.s32 @!p0 $0xE000  }
0xd3: {  	[tilespmem:s8], [sflag:$0x5] =	stream.indirect.gather @!p0 [spmem:s2], $0x20, s18, s24, $0xb8;
	[tilespmem:$0x1C020] =	vst v63  }
0xd4: {  	s28 =	sadd.s32 @!p0 $0x500, s23;
	s8 =	simm.s32 @!p0 $0xF000  }
0xd5: {  	[tilespmem:s8], [sflag:$0x6] =	stream.indirect.gather @!p0 [spmem:s2], $0x20, s28, s24, $0xb8;
	[tilespmem:$0x1C020] =	vst v63  }
0xd6: {  	s23 =	sadd.s32 @!p0 $0x600, s23;
	s18 =	sshra.s32 s0, $0x2;
	s8 =	simm.s32 @!p0 $0x10000  }
0xd7: {  	[tilespmem:s8], [sflag:$0x7] =	stream.indirect.gather @!p0 [spmem:s2], $0x20, s23, s24, $0xb8;
	[tilespmem:$0x1C020] =	vst v63  }
0xd8: {  	s23 =	sadd.s32 $0x700, s18  }
0xd9: {  	[tilespmem:s10], [sflag:$0x8] =	stream.indirect.gather [spmem:s2], $0x20, s23, s9, $0xb8;
	[tilespmem:$0x1C020] =	vst v63  }
0xda: {  	_ =	swait.ge [sflag:s11], $0x1000  }
0xdb: {  	[sflag:s11] =	ssyncset.done $0x0  }
0xdc: {  	s24 =	sadd.s32 $0x80, s18;
	[sflag:s11] =	ssyncadd.s32 $0xFFFFF000  }
0xdd: {  	[spmem:s3] =	stream.indirect.scatter.add.f32 [tilespmem:s7], [sflag:$0x9], $0x20, s24, s9, $0xb8;
	[tilespmem:$0x1C020] =	vst v63  }
0xde: {  	_ =	swait.ge [sflag:s12], $0x1000  }
0xdf: {  	[sflag:s12] =	ssyncset.done $0x0  }
0xe0: {  	s25 =	sadd.s32 $0x180, s18;
	[sflag:s12] =	ssyncadd.s32 $0xFFFFF000  }
0xe1: {  	[spmem:s3] =	stream.indirect.scatter.add.f32 [tilespmem:s13], [sflag:$0xA], $0x20, s25, s9, $0xb8;
	[tilespmem:$0x1C020] =	vst v63  }
0xe2: {  	_ =	swait.ge [sflag:s14], $0x1000  }
0xe3: {  	[sflag:s14] =	ssyncset.done $0x0  }
0xe4: {  	s26 =	sadd.s32 $0x280, s18;
	[sflag:s14] =	ssyncadd.s32 $0xFFFFF000  }
0xe5: {  	[spmem:s3] =	stream.indirect.scatter.add.f32 [tilespmem:s15], [sflag:$0xB], $0x20, s26, s9, $0xb8;
	[tilespmem:$0x1C020] =	vst v63  }
0xe6: {  	_ =	swait.ge [sflag:s16], $0x1000  }
0xe7: {  	[sflag:s16] =	ssyncset.done $0x0  }
0xe8: {  	s29 =	sadd.s32 $0x380, s18;
	s28 =	rddreg [dreg:$0x5];
	[sflag:s16] =	ssyncadd.s32 $0xFFFFF000  }
0xe9: {  	[spmem:s3] =	stream.indirect.scatter.add.f32 [tilespmem:s28], [sflag:$0xC], $0x20, s29, s9, $0xb8;
	[tilespmem:$0x1C020] =	vst v63  }
0xea: {  	_ =	swait.ge [sflag:s17], $0x1000  }
0xeb: {  	[sflag:s17] =	ssyncset.done $0x0  }
0xec: {  	s24 =	sadd.s32 $0x480, s18;
	s23 =	rddreg [dreg:$0x6];
	[sflag:s17] =	ssyncadd.s32 $0xFFFFF000  }
0xed: {  	[spmem:s3] =	stream.indirect.scatter.add.f32 [tilespmem:s23], [sflag:$0xD], $0x20, s24, s9, $0xb8;
	[tilespmem:$0x1C020] =	vst v63  }
0xee: {  	_ =	swait.ge [sflag:s19], $0x1000  }
0xef: {  	s5 =	smov.u32 s4;
	s4 =	sadd.s32 $0x2000, s4;
	[sflag:s19] =	ssyncset.done $0x0  }
0xf0: {  	s26 =	sadd.s32 $0x580, s18;
	s25 =	rddreg [dreg:$0x7];
	[sflag:s19] =	ssyncadd.s32 $0xFFFFF000  }
0xf1: {  	[spmem:s3] =	stream.indirect.scatter.add.f32 [tilespmem:s25], [sflag:$0xE], $0x20, s26, s9, $0xb8;
	[tilespmem:$0x1C020] =	vst v63  }
0xf2: {  	p1 =	sne.s32 s4, $0x28000;
	_ =	swait.ge [sflag:s21], $0x1000  }
.Ltmp1:
0xf3: {  	[sflag:s21] =	ssyncset.done $0x0;
	(pc) =	sbr.rel @p1 .LBB2_4-.Ltmp1, $4  }
0xf4: {  	s29 =	sadd.s32 $0x680, s18;
	s28 =	rddreg [dreg:$0x8];
	[sflag:s21] =	ssyncadd.s32 $0xFFFFF000  }
0xf5: {  	[spmem:s3] =	stream.indirect.scatter.add.f32 [tilespmem:s28], [sflag:$0xF], $0x20, s29, s9, $0xb8;
	[tilespmem:$0x1C020] =	vst v63  }
0xf6: {  	s0 =	smov.u32 s5;
	_ =	swait.ge [sflag:s22], $0x1000  }
0xf7: {  	p0 =	sne.s32 s0, $0x0;
	s18 =	sadd.s32 $0x780, s18;
	[sflag:s22] =	ssyncset.done $0x0  }
0xf8: {  	s4 =	simm.s32 @p0 $0x9;
	[sflag:s22] =	ssyncadd.s32 $0xFFFFF000  }
0xf9: {  	[spmem:s3] =	stream.indirect.scatter.add.f32 [tilespmem:s10], [sflag:$0x10], $0x20, s18, s9, $0xb8;
	[tilespmem:$0x1C020] =	vst v63  }
0xfa: {  	_ =	swait.ge @p0 [sflag:s4], $0x1000  }
0xfb: {  	s5 =	simm.s32 @p0 $0xA000;
	s8 =	simm.s32 @p0 $0xA;
	[sflag:s4] =	ssyncset.done @p0 $0x0  }
0xfc: {  	s18 =	simm.s32 @p0 $0x80;
	[sflag:s4] =	ssyncadd.s32 @p0 $0xFFFFF000;
	s4 =	sshra.s32 @p0 s0, $0x2  }
0xfd: {  	[tilespmem:s5], [sflag:$0x1] =	stream.indirect.gather @p0 [spmem:s2], $0x20, s4, s18, $0xb8;
	[tilespmem:$0x1C020] =	vst v63  }
0xfe: {  	_ =	swait.ge @p0 [sflag:s8], $0x1000  }
0xff: {  	[sflag:s8] =	ssyncset.done @p0 $0x0  }
0x100: {  	s5 =	sadd.s32 @p0 $0x100, s4;
	[sflag:s8] =	ssyncadd.s32 @p0 $0xFFFFF000;
	s8 =	simm.s32 @p0 $0xB000  }
0x101: {  	[tilespmem:s8], [sflag:$0x2] =	stream.indirect.gather @p0 [spmem:s2], $0x20, s5, s18, $0xb8;
	[tilespmem:$0x1C020] =	vst v63  }
0x102: {  	s5 =	simm.s32 @p0 $0xB  }
0x103: {  	_ =	swait.ge @p0 [sflag:s5], $0x1000  }
0x104: {  	[sflag:s5] =	ssyncset.done @p0 $0x0  }
0x105: {  	s8 =	sadd.s32 @p0 $0x200, s4;
	[sflag:s5] =	ssyncadd.s32 @p0 $0xFFFFF000;
	s5 =	simm.s32 @p0 $0xC000  }
0x106: {  	[tilespmem:s5], [sflag:$0x3] =	stream.indirect.gather @p0 [spmem:s2], $0x20, s8, s18, $0xb8;
	[tilespmem:$0x1C020] =	vst v63  }
0x107: {  	s5 =	simm.s32 @p0 $0xC  }
0x108: {  	_ =	swait.ge @p0 [sflag:s5], $0x1000  }
0x109: {  	[sflag:s5] =	ssyncset.done @p0 $0x0  }
0x10a: {  	s8 =	sadd.s32 @p0 $0x300, s4;
	[sflag:s5] =	ssyncadd.s32 @p0 $0xFFFFF000;
	s5 =	simm.s32 @p0 $0xD000  }
0x10b: {  	[tilespmem:s5], [sflag:$0x4] =	stream.indirect.gather @p0 [spmem:s2], $0x20, s8, s18, $0xb8;
	[tilespmem:$0x1C020] =	vst v63  }
0x10c: {  	s5 =	simm.s32 @p0 $0xD  }
0x10d: {  	_ =	swait.ge @p0 [sflag:s5], $0x1000  }
0x10e: {  	[sflag:s5] =	ssyncset.done @p0 $0x0  }
0x10f: {  	s8 =	sadd.s32 @p0 $0x400, s4;
	[sflag:s5] =	ssyncadd.s32 @p0 $0xFFFFF000;
	s5 =	simm.s32 @p0 $0xE000  }
0x110: {  	[tilespmem:s5], [sflag:$0x5] =	stream.indirect.gather @p0 [spmem:s2], $0x20, s8, s18, $0xb8;
	[tilespmem:$0x1C020] =	vst v63  }
0x111: {  	s5 =	simm.s32 @p0 $0xE  }
0x112: {  	_ =	swait.ge @p0 [sflag:s5], $0x1000  }
0x113: {  	[sflag:s5] =	ssyncset.done @p0 $0x0  }
0x114: {  	s8 =	sadd.s32 @p0 $0x500, s4;
	[sflag:s5] =	ssyncadd.s32 @p0 $0xFFFFF000;
	s5 =	simm.s32 @p0 $0xF000  }
0x115: {  	[tilespmem:s5], [sflag:$0x6] =	stream.indirect.gather @p0 [spmem:s2], $0x20, s8, s18, $0xb8;
	[tilespmem:$0x1C020] =	vst v63  }
0x116: {  	s5 =	simm.s32 @p0 $0xF  }
0x117: {  	_ =	swait.ge @p0 [sflag:s5], $0x1000  }
0x118: {  	s4 =	sadd.s32 @p0 $0x600, s4;
	[sflag:s5] =	ssyncset.done @p0 $0x0  }
0x119: {  	s8 =	simm.s32 @p0 $0x10;
	[sflag:s5] =	ssyncadd.s32 @p0 $0xFFFFF000;
	s5 =	simm.s32 @p0 $0x10000  }
0x11a: {  	[tilespmem:s5], [sflag:$0x7] =	stream.indirect.gather @p0 [spmem:s2], $0x20, s4, s18, $0xb8;
	[tilespmem:$0x1C020] =	vst v63  }
0x11b: {  	_ =	swait.ge @p0 [sflag:s8], $0x1000  }
0x11c: {  	s4 =	simm.s32 @!p0 $0xA000;
	[sflag:s8] =	ssyncset.done @p0 $0x0  }
0x11d: {  	s5 =	sshra.s32 @!p0 s0, $0x2;
	[sflag:s8] =	ssyncadd.s32 @p0 $0xFFFFF000;
	s8 =	simm.s32 @!p0 $0x80  }
0x11e: {  	[tilespmem:s4], [sflag:$0x1] =	stream.indirect.gather @!p0 [spmem:s2], $0x20, s5, s8, $0xb8;
	[tilespmem:$0x1C020] =	vst v63  }
0x11f: {  	s18 =	sadd.s32 @!p0 $0x100, s5;
	s4 =	simm.s32 @!p0 $0xB000  }
0x120: {  	[tilespmem:s4], [sflag:$0x2] =	stream.indirect.gather @!p0 [spmem:s2], $0x20, s18, s8, $0xb8;
	[tilespmem:$0x1C020] =	vst v63  }
0x121: {  	s4 =	sadd.s32 @!p0 $0x200, s5;
	s18 =	simm.s32 @!p0 $0xC000  }
0x122: {  	[tilespmem:s18], [sflag:$0x3] =	stream.indirect.gather @!p0 [spmem:s2], $0x20, s4, s8, $0xb8;
	[tilespmem:$0x1C020] =	vst v63  }
0x123: {  	s4 =	sadd.s32 @!p0 $0x300, s5;
	s18 =	simm.s32 @!p0 $0xD000  }
0x124: {  	[tilespmem:s18], [sflag:$0x4] =	stream.indirect.gather @!p0 [spmem:s2], $0x20, s4, s8, $0xb8;
	[tilespmem:$0x1C020] =	vst v63  }
0x125: {  	s4 =	sadd.s32 @!p0 $0x400, s5;
	s18 =	simm.s32 @!p0 $0xE000  }
0x126: {  	[tilespmem:s18], [sflag:$0x5] =	stream.indirect.gather @!p0 [spmem:s2], $0x20, s4, s8, $0xb8;
	[tilespmem:$0x1C020] =	vst v63  }
0x127: {  	s4 =	sadd.s32 @!p0 $0x500, s5;
	s18 =	simm.s32 @!p0 $0xF000  }
0x128: {  	[tilespmem:s18], [sflag:$0x6] =	stream.indirect.gather @!p0 [spmem:s2], $0x20, s4, s8, $0xb8;
	[tilespmem:$0x1C020] =	vst v63  }
0x129: {  	s0 =	sshra.s32 s0, $0x2;
	s4 =	sadd.s32 @!p0 $0x600, s5;
	s5 =	simm.s32 @!p0 $0x10000  }
0x12a: {  	[tilespmem:s5], [sflag:$0x7] =	stream.indirect.gather @!p0 [spmem:s2], $0x20, s4, s8, $0xb8;
	[tilespmem:$0x1C020] =	vst v63  }
0x12b: {  	s25 =	sadd.s32 $0x700, s0  }
0x12c: {  	[tilespmem:s10], [sflag:$0x8] =	stream.indirect.gather [spmem:s2], $0x20, s25, s9, $0xb8;
	[tilespmem:$0x1C020] =	vst v63  }
0x12d: {  	_ =	swait.ge [sflag:s11], $0x1000  }
0x12e: {  	[sflag:s11] =	ssyncset.done $0x0  }
0x12f: {  	s26 =	sadd.s32 $0x80, s0;
	[sflag:s11] =	ssyncadd.s32 $0xFFFFF000  }
0x130: {  	[spmem:s3] =	stream.indirect.scatter.add.f32 [tilespmem:s7], [sflag:$0x9], $0x20, s26, s9, $0xb8;
	[tilespmem:$0x1C020] =	vst v63  }
0x131: {  	_ =	swait.ge [sflag:s12], $0x1000  }
0x132: {  	[sflag:s12] =	ssyncset.done $0x0  }
0x133: {  	s28 =	sadd.s32 $0x180, s0;
	[sflag:s12] =	ssyncadd.s32 $0xFFFFF000  }
0x134: {  	[spmem:s3] =	stream.indirect.scatter.add.f32 [tilespmem:s13], [sflag:$0xA], $0x20, s28, s9, $0xb8;
	[tilespmem:$0x1C020] =	vst v63  }
0x135: {  	_ =	swait.ge [sflag:s14], $0x1000  }
0x136: {  	[sflag:s14] =	ssyncset.done $0x0  }
0x137: {  	s29 =	sadd.s32 $0x280, s0;
	[sflag:s14] =	ssyncadd.s32 $0xFFFFF000  }
0x138: {  	[spmem:s3] =	stream.indirect.scatter.add.f32 [tilespmem:s15], [sflag:$0xB], $0x20, s29, s9, $0xb8;
	[tilespmem:$0x1C020] =	vst v63  }
0x139: {  	_ =	swait.ge [sflag:s16], $0x1000  }
0x13a: {  	[sflag:s16] =	ssyncset.done $0x0  }
0x13b: {  	s8 =	sadd.s32 $0x380, s0;
	s5 =	rddreg [dreg:$0x5];
	[sflag:s16] =	ssyncadd.s32 $0xFFFFF000  }
0x13c: {  	[spmem:s3] =	stream.indirect.scatter.add.f32 [tilespmem:s5], [sflag:$0xC], $0x20, s8, s9, $0xb8;
	[tilespmem:$0x1C020] =	vst v63  }
0x13d: {  	_ =	swait.ge [sflag:s17], $0x1000  }
0x13e: {  	[sflag:s17] =	ssyncset.done $0x0  }
0x13f: {  	s23 =	sadd.s32 $0x480, s0;
	s18 =	rddreg [dreg:$0x6];
	[sflag:s17] =	ssyncadd.s32 $0xFFFFF000  }
0x140: {  	[spmem:s3] =	stream.indirect.scatter.add.f32 [tilespmem:s18], [sflag:$0xD], $0x20, s23, s9, $0xb8;
	[tilespmem:$0x1C020] =	vst v63  }
0x141: {  	_ =	swait.ge [sflag:s19], $0x1000  }
0x142: {  	[sflag:s19] =	ssyncset.done $0x0  }
0x143: {  	s25 =	sadd.s32 $0x580, s0;
	s24 =	rddreg [dreg:$0x7];
	[sflag:s19] =	ssyncadd.s32 $0xFFFFF000  }
0x144: {  	[spmem:s3] =	stream.indirect.scatter.add.f32 [tilespmem:s24], [sflag:$0xE], $0x20, s25, s9, $0xb8;
	[tilespmem:$0x1C020] =	vst v63  }
0x145: {  	_ =	swait.ge [sflag:s21], $0x1000  }
0x146: {  	[sflag:s21] =	ssyncset.done $0x0  }
0x147: {  	s28 =	sadd.s32 $0x680, s0;
	s26 =	rddreg [dreg:$0x8];
	[sflag:s21] =	ssyncadd.s32 $0xFFFFF000  }
0x148: {  	[spmem:s3] =	stream.indirect.scatter.add.f32 [tilespmem:s26], [sflag:$0xF], $0x20, s28, s9, $0xb8;
	[tilespmem:$0x1C020] =	vst v63  }
0x149: {  	_ =	swait.ge [sflag:s22], $0x1000  }
0x14a: {  	[sflag:s22] =	ssyncset.done $0x0  }
0x14b: {  	s0 =	sadd.s32 $0x780, s0;
	s29 =	simm.s32 $0x9;
	[sflag:s22] =	ssyncadd.s32 $0xFFFFF000  }
0x14c: {  	[spmem:s3] =	stream.indirect.scatter.add.f32 [tilespmem:s10], [sflag:$0x10], $0x20, s0, s9, $0xb8;
	[tilespmem:$0x1C020] =	vst v63  }
0x14d: {  	_ =	swait.ge [sflag:s29], $0x1000  }
0x14e: {  	[sflag:s29] =	ssyncset.done $0x0  }
0x14f: {  	s4 =	simm.s32 $0xA;
	[sflag:s29] =	ssyncadd.s32 $0xFFFFF000  }
0x150: {  	_ =	swait.ge [sflag:s4], $0x1000  }
0x151: {  	[sflag:s4] =	ssyncset.done $0x0  }
0x152: {  	s5 =	simm.s32 $0xB;
	[sflag:s4] =	ssyncadd.s32 $0xFFFFF000  }
0x153: {  	_ =	swait.ge [sflag:s5], $0x1000  }
0x154: {  	[sflag:s5] =	ssyncset.done $0x0  }
0x155: {  	s8 =	simm.s32 $0xC;
	[sflag:s5] =	ssyncadd.s32 $0xFFFFF000  }
0x156: {  	_ =	swait.ge [sflag:s8], $0x1000  }
0x157: {  	[sflag:s8] =	ssyncset.done $0x0  }
0x158: {  	s18 =	simm.s32 $0xD;
	[sflag:s8] =	ssyncadd.s32 $0xFFFFF000  }
0x159: {  	_ =	swait.ge [sflag:s18], $0x1000  }
0x15a: {  	[sflag:s18] =	ssyncset.done $0x0  }
0x15b: {  	s23 =	simm.s32 $0xE;
	[sflag:s18] =	ssyncadd.s32 $0xFFFFF000  }
0x15c: {  	_ =	swait.ge [sflag:s23], $0x1000  }
0x15d: {  	[sflag:s23] =	ssyncset.done $0x0  }
0x15e: {  	[sflag:s23] =	ssyncadd.s32 $0xFFFFF000  }
0x15f: {  	_ =	swait.ge [sflag:s30], $0x1000  }
0x160: {  	[sflag:s30] =	ssyncset.done $0x0  }
0x161: {  	[sflag:s30] =	ssyncadd.s32 $0xFFFFF000  }
0x162: {  	_ =	swait.ge [sflag:s31], $0x1000  }
0x163: {  	[sflag:s31] =	ssyncset.done $0x0  }
0x164: {  	[sflag:s31] =	ssyncadd.s32 $0xFFFFF000  }
0x165: {  	[bflag:$0x0] =	sbarrier.arrive $0xFFFF  }
0x166: {  	s24 =	simm.s32 $0x0;
	s26 =	simm.s32 $0x12000;
	s25 =	rddreg [dreg:$0x17]  }
0x167: {  	[tilespmem:s26], [sflag:$0x12] =	stream.linear.gather [hbm4b:s25+s24], $0x20, $0x38;
	[tilespmem:$0x1C020] =	vst v63  }
0x168: {  	_ =	swait.ge [sflag:s6], $0x20  }
0x169: {  	[sflag:s6] =	ssyncset.done $0x0  }
0x16a: {  	s28 =	rddreg [dreg:$0x18];
	[sflag:s6] =	ssyncadd.s32 $0xFFFFFFE0  }
0x16b: {  	[tilespmem:s7], [sflag:$0x12] =	stream.linear.gather [spmem:s28], $0x1000, $0x38;
	[tilespmem:$0x1C020] =	vst v63  }
0x16c: {  	_ =	swait.ge [sflag:s6], $0x1000  }
0x16d: {  	[sflag:s6] =	ssyncset.done $0x0  }
0x16e: {  	[sflag:s6] =	ssyncadd.s32 $0xFFFFF000  }
0x16f: {  	[tilespmem:s13], [sflag:$0x12] =	stream.linear.gather [spmem:s20], $0x1000, $0x38;
	[tilespmem:$0x1C020] =	vst v63  }
0x170: {  	_ =	swait.ge [sflag:s6], $0x1000  }
0x171: {  	[sflag:s6] =	ssyncset.done $0x0  }
0x172: {  	s29 =	rddreg [dreg:$0x9];
	[sflag:s6] =	ssyncadd.s32 $0xFFFFF000  }
0x173: {  	[tilespmem:s15], [sflag:$0x12] =	stream.linear.gather [hbm4b:s29+s24], $0x1000, $0x38;
	[tilespmem:$0x1C020] =	vst v63  }
0x174: {  	_ =	swait.ge [sflag:s6], $0x1000  }
0x175: {  	[sflag:s6] =	ssyncset.done $0x0  }
0x176: {  	s0 =	simm.s32 $0x0;
	[sflag:s6] =	ssyncadd.s32 $0xFFFFF000  }
0x177: {  	v1 =	vld [tilespmem:s0+$0xB000]  }
0x178: {  	v2 =	vld [tilespmem:s0+$0xA000];
	_ =	sdelay $0x1  }
0x179: {  	v3 =	vld [tilespmem:s0+$0xC000];
	_ =	sdelay $0x1  }
0x17a: {  	v4 =	vld [tilespmem:$0x12000]  }
0x17b: {  	v1 =	vadd.f32 v1, v2  }
0x17c: {  	v5 =	vld [tilespmem:s0+$0xA010]  }
0x17d: {  	v2 =	vld [tilespmem:s0+$0xB010];
	v1 =	vmul.f32 v3, v1;
	_ =	sdelay $0x1  }
0x17e: {  	v1 =	vadd.f32 v4, v1  }
0x17f: {  	v3 =	vld [tilespmem:s0+$0xC010]  }
0x180: {  	[tilespmem:s0+$0xA000] =	vst v1  }
0x181: {  	v4 =	vadd.f32 v2, v5;
	v2 =	vld [tilespmem:$0x12010];
	_ =	sdelay $0x1  }
0x182: {  	s5 =	simm.s32 $0x20  }
0x183: {  	s4 =	simm.s32 $0x100;
	v1 =	vld [tilespmem:s5+$0xB000];
	v3 =	vmul.f32 v3, v4  }
.LBB2_6:
0x184: {  	p0 =	sne.s32 s4, $0x3F80;
	v4 =	vld [tilespmem:s5+$0xA000]  }
0x185: {  	v2 =	vadd.f32 v2, v3  }
0x186: {  	v3 =	vld [tilespmem:s5+$0xC000]  }
0x187: {  	[tilespmem:s0+$0xA010] =	vst v2;
	s0 =	smov.u32 s5  }
0x188: {  	v2 =	vld [tilespmem:$0x12000]  }
0x189: {  	v1 =	vadd.f32 v1, v4;
	_ =	sdelay $0x1  }
0x18a: {  	v1 =	vmul.f32 v3, v1;
	v3 =	vld [tilespmem:s0+$0xB010]  }
0x18b: {  	v4 =	vld [tilespmem:s0+$0xA010]  }
0x18c: {  	v1 =	vadd.f32 v2, v1  }
0x18d: {  	v5 =	vld [tilespmem:s0+$0xC010]  }
.Ltmp2:
0x18e: {  	[tilespmem:s0+$0xA000] =	vst v1;
	(pc) =	sbr.rel @p0 .LBB2_6-.Ltmp2, $4  }
0x18f: {  	v2 =	vld [tilespmem:$0x12010]  }
0x190: {  	v3 =	vadd.f32 v3, v4  }
0x191: {  	s5 =	sshra.s32 s4, $0x2  }
0x192: {  	s4 =	sadd.s32 $0x80, s4;
	v1 =	vld [tilespmem:s5+$0xB000];
	v3 =	vmul.f32 v5, v3  }
0x193: {  	v4 =	vld [tilespmem:s5+$0xA000]  }
0x194: {  	v2 =	vadd.f32 v2, v3  }
0x195: {  	v3 =	vld [tilespmem:s5+$0xC000]  }
0x196: {  	[tilespmem:s0+$0xA010] =	vst v2  }
0x197: {  	v2 =	vld [tilespmem:$0x12000]  }
0x198: {  	v1 =	vadd.f32 v1, v4;
	_ =	sdelay $0x1  }
0x199: {  	v4 =	vld [tilespmem:s5+$0xA010];
	v1 =	vmul.f32 v3, v1  }
0x19a: {  	v3 =	vld [tilespmem:s5+$0xB010]  }
0x19b: {  	v1 =	vadd.f32 v2, v1  }
0x19c: {  	v2 =	vld [tilespmem:s5+$0xC010]  }
0x19d: {  	[tilespmem:s5+$0xA000] =	vst v1  }
0x19e: {  	v1 =	vld [tilespmem:$0x12010]  }
0x19f: {  	v3 =	vadd.f32 v3, v4;
	_ =	sdelay $0x1  }
0x1a0: {  	v2 =	vmul.f32 v2, v3;
	_ =	sdelay $0x1  }
0x1a1: {  	v1 =	vadd.f32 v1, v2;
	_ =	sdelay $0x1  }
0x1a2: {  	s25 =	simm.s32 $0x0;
	s4 =	rddreg [dreg:$0xa];
	[tilespmem:s5+$0xA010] =	vst v1  }
0x1a3: {  	[hbm4b:s4+s25] =	stream.linear.scatter [tilespmem:s7], [sflag:$0x12], $0x1000, $0x38;
	[tilespmem:$0x1C020] =	vst v63  }
0x1a4: {  	_ =	swait.ge [sflag:s6], $0x1000  }
0x1a5: {  	[sflag:s6] =	ssyncset.done $0x0  }
0x1a6: {  	s26 =	rddreg [dreg:$0x19];
	[sflag:s6] =	ssyncadd.s32 $0xFFFFF000  }
0x1a7: {  	[tilespmem:s7], [sflag:$0x12] =	stream.linear.gather [spmem:s26], $0x1000, $0x38;
	[tilespmem:$0x1C020] =	vst v63  }
0x1a8: {  	_ =	swait.ge [sflag:s6], $0x1000  }
0x1a9: {  	[sflag:s6] =	ssyncset.done $0x0  }
0x1aa: {  	s28 =	rddreg [dreg:$0x1a];
	[sflag:s6] =	ssyncadd.s32 $0xFFFFF000  }
0x1ab: {  	[tilespmem:s13], [sflag:$0x12] =	stream.linear.gather [spmem:s28], $0x1000, $0x38;
	[tilespmem:$0x1C020] =	vst v63  }
0x1ac: {  	_ =	swait.ge [sflag:s6], $0x1000  }
0x1ad: {  	[sflag:s6] =	ssyncset.done $0x0  }
0x1ae: {  	s29 =	rddreg [dreg:$0xb];
	[sflag:s6] =	ssyncadd.s32 $0xFFFFF000  }
0x1af: {  	[tilespmem:s15], [sflag:$0x12] =	stream.linear.gather [hbm4b:s29+s25], $0x1000, $0x38;
	[tilespmem:$0x1C020] =	vst v63  }
0x1b0: {  	_ =	swait.ge [sflag:s6], $0x1000  }
0x1b1: {  	[sflag:s6] =	ssyncset.done $0x0  }
0x1b2: {  	s0 =	simm.s32 $0x0;
	[sflag:s6] =	ssyncadd.s32 $0xFFFFF000  }
0x1b3: {  	v1 =	vld [tilespmem:s0+$0xB000]  }
0x1b4: {  	v2 =	vld [tilespmem:s0+$0xA000];
	_ =	sdelay $0x1  }
0x1b5: {  	v3 =	vld [tilespmem:s0+$0xC000];
	_ =	sdelay $0x1  }
0x1b6: {  	v4 =	vld [tilespmem:$0x12000]  }
0x1b7: {  	v1 =	vadd.f32 v1, v2  }
0x1b8: {  	v5 =	vld [tilespmem:s0+$0xA010]  }
0x1b9: {  	v2 =	vld [tilespmem:s0+$0xB010];
	v1 =	vmul.f32 v3, v1;
	_ =	sdelay $0x1  }
0x1ba: {  	v1 =	vadd.f32 v4, v1  }
0x1bb: {  	v3 =	vld [tilespmem:s0+$0xC010]  }
0x1bc: {  	[tilespmem:s0+$0xA000] =	vst v1  }
0x1bd: {  	v4 =	vadd.f32 v2, v5;
	v2 =	vld [tilespmem:$0x12010];
	_ =	sdelay $0x1  }
0x1be: {  	s5 =	simm.s32 $0x20  }
0x1bf: {  	s18 =	simm.s32 $0x0;
	s4 =	simm.s32 $0x100;
	v1 =	vld [tilespmem:s5+$0xB000];
	v3 =	vmul.f32 v3, v4  }
.LBB2_8:
0x1c0: {  	p0 =	sne.s32 s4, $0x3F80;
	v4 =	vld [tilespmem:s5+$0xA000]  }
0x1c1: {  	v2 =	vadd.f32 v2, v3  }
0x1c2: {  	v3 =	vld [tilespmem:s5+$0xC000]  }
0x1c3: {  	[tilespmem:s0+$0xA010] =	vst v2;
	s0 =	smov.u32 s5  }
0x1c4: {  	v2 =	vld [tilespmem:$0x12000]  }
0x1c5: {  	v1 =	vadd.f32 v1, v4;
	_ =	sdelay $0x1  }
0x1c6: {  	v1 =	vmul.f32 v3, v1;
	v3 =	vld [tilespmem:s0+$0xB010]  }
0x1c7: {  	v4 =	vld [tilespmem:s0+$0xA010]  }
0x1c8: {  	v1 =	vadd.f32 v2, v1  }
0x1c9: {  	v5 =	vld [tilespmem:s0+$0xC010]  }
.Ltmp3:
0x1ca: {  	[tilespmem:s0+$0xA000] =	vst v1;
	(pc) =	sbr.rel @p0 .LBB2_8-.Ltmp3, $4  }
0x1cb: {  	v2 =	vld [tilespmem:$0x12010]  }
0x1cc: {  	v3 =	vadd.f32 v3, v4  }
0x1cd: {  	s5 =	sshra.s32 s4, $0x2  }
0x1ce: {  	s4 =	sadd.s32 $0x80, s4;
	v1 =	vld [tilespmem:s5+$0xB000];
	v3 =	vmul.f32 v5, v3  }
0x1cf: {  	v4 =	vld [tilespmem:s5+$0xA000]  }
0x1d0: {  	v2 =	vadd.f32 v2, v3  }
0x1d1: {  	v3 =	vld [tilespmem:s5+$0xC000]  }
0x1d2: {  	[tilespmem:s0+$0xA010] =	vst v2  }
0x1d3: {  	v2 =	vld [tilespmem:$0x12000]  }
0x1d4: {  	v1 =	vadd.f32 v1, v4;
	_ =	sdelay $0x1  }
0x1d5: {  	v4 =	vld [tilespmem:s5+$0xA010];
	v1 =	vmul.f32 v3, v1  }
0x1d6: {  	v3 =	vld [tilespmem:s5+$0xB010]  }
0x1d7: {  	v1 =	vadd.f32 v2, v1  }
0x1d8: {  	v2 =	vld [tilespmem:s5+$0xC010]  }
0x1d9: {  	[tilespmem:s5+$0xA000] =	vst v1  }
0x1da: {  	v1 =	vld [tilespmem:$0x12010]  }
0x1db: {  	v3 =	vadd.f32 v3, v4;
	_ =	sdelay $0x1  }
0x1dc: {  	v2 =	vmul.f32 v2, v3;
	_ =	sdelay $0x1  }
0x1dd: {  	v1 =	vadd.f32 v1, v2;
	_ =	sdelay $0x1  }
0x1de: {  	s25 =	simm.s32 $0x0;
	s4 =	rddreg [dreg:$0xc];
	[tilespmem:s5+$0xA010] =	vst v1  }
0x1df: {  	[hbm4b:s4+s25] =	stream.linear.scatter [tilespmem:s7], [sflag:$0x12], $0x1000, $0x38;
	[tilespmem:$0x1C020] =	vst v63  }
0x1e0: {  	_ =	swait.ge [sflag:s6], $0x1000  }
0x1e1: {  	[sflag:s6] =	ssyncset.done $0x0  }
0x1e2: {  	s26 =	rddreg [dreg:$0x1b];
	[sflag:s6] =	ssyncadd.s32 $0xFFFFF000  }
0x1e3: {  	[tilespmem:s7], [sflag:$0x12] =	stream.linear.gather [spmem:s26], $0x1000, $0x38;
	[tilespmem:$0x1C020] =	vst v63  }
0x1e4: {  	_ =	swait.ge [sflag:s6], $0x1000  }
0x1e5: {  	[sflag:s6] =	ssyncset.done $0x0  }
0x1e6: {  	s28 =	rddreg [dreg:$0x1c];
	[sflag:s6] =	ssyncadd.s32 $0xFFFFF000  }
0x1e7: {  	[tilespmem:s13], [sflag:$0x12] =	stream.linear.gather [spmem:s28], $0x1000, $0x38;
	[tilespmem:$0x1C020] =	vst v63  }
0x1e8: {  	_ =	swait.ge [sflag:s6], $0x1000  }
0x1e9: {  	[sflag:s6] =	ssyncset.done $0x0  }
0x1ea: {  	s29 =	rddreg [dreg:$0xd];
	[sflag:s6] =	ssyncadd.s32 $0xFFFFF000  }
0x1eb: {  	[tilespmem:s15], [sflag:$0x12] =	stream.linear.gather [hbm4b:s29+s25], $0x1000, $0x38;
	[tilespmem:$0x1C020] =	vst v63  }
0x1ec: {  	_ =	swait.ge [sflag:s6], $0x1000  }
0x1ed: {  	[sflag:s6] =	ssyncset.done $0x0  }
0x1ee: {  	s0 =	simm.s32 $0x0;
	[sflag:s6] =	ssyncadd.s32 $0xFFFFF000  }
0x1ef: {  	v1 =	vld [tilespmem:s0+$0xB000]  }
0x1f0: {  	v2 =	vld [tilespmem:s0+$0xA000];
	_ =	sdelay $0x1  }
0x1f1: {  	v3 =	vld [tilespmem:s0+$0xC000];
	_ =	sdelay $0x1  }
0x1f2: {  	v4 =	vld [tilespmem:$0x12000]  }
0x1f3: {  	v1 =	vadd.f32 v1, v2  }
0x1f4: {  	v5 =	vld [tilespmem:s0+$0xA010]  }
0x1f5: {  	v2 =	vld [tilespmem:s0+$0xB010];
	v1 =	vmul.f32 v3, v1;
	_ =	sdelay $0x1  }
0x1f6: {  	v1 =	vadd.f32 v4, v1  }
0x1f7: {  	v3 =	vld [tilespmem:s0+$0xC010]  }
0x1f8: {  	[tilespmem:s0+$0xA000] =	vst v1  }
0x1f9: {  	v4 =	vadd.f32 v2, v5;
	v2 =	vld [tilespmem:$0x12010];
	_ =	sdelay $0x1  }
0x1fa: {  	s5 =	simm.s32 $0x20  }
0x1fb: {  	s4 =	simm.s32 $0x100;
	v1 =	vld [tilespmem:s5+$0xB000];
	v3 =	vmul.f32 v3, v4  }
.LBB2_10:
0x1fc: {  	p0 =	sne.s32 s4, $0x3F80;
	v4 =	vld [tilespmem:s5+$0xA000]  }
0x1fd: {  	v2 =	vadd.f32 v2, v3  }
0x1fe: {  	v3 =	vld [tilespmem:s5+$0xC000]  }
0x1ff: {  	[tilespmem:s0+$0xA010] =	vst v2;
	s0 =	smov.u32 s5  }
0x200: {  	v2 =	vld [tilespmem:$0x12000]  }
0x201: {  	v1 =	vadd.f32 v1, v4;
	_ =	sdelay $0x1  }
0x202: {  	v1 =	vmul.f32 v3, v1;
	v3 =	vld [tilespmem:s0+$0xB010]  }
0x203: {  	v4 =	vld [tilespmem:s0+$0xA010]  }
0x204: {  	v1 =	vadd.f32 v2, v1  }
0x205: {  	v5 =	vld [tilespmem:s0+$0xC010]  }
.Ltmp4:
0x206: {  	[tilespmem:s0+$0xA000] =	vst v1;
	(pc) =	sbr.rel @p0 .LBB2_10-.Ltmp4, $4  }
0x207: {  	v2 =	vld [tilespmem:$0x12010]  }
0x208: {  	v3 =	vadd.f32 v3, v4  }
0x209: {  	s5 =	sshra.s32 s4, $0x2  }
0x20a: {  	s4 =	sadd.s32 $0x80, s4;
	v1 =	vld [tilespmem:s5+$0xB000];
	v3 =	vmul.f32 v5, v3  }
0x20b: {  	v4 =	vld [tilespmem:s5+$0xA000]  }
0x20c: {  	v2 =	vadd.f32 v2, v3  }
0x20d: {  	v3 =	vld [tilespmem:s5+$0xC000]  }
0x20e: {  	[tilespmem:s0+$0xA010] =	vst v2  }
0x20f: {  	v2 =	vld [tilespmem:$0x12000]  }
0x210: {  	v1 =	vadd.f32 v1, v4;
	_ =	sdelay $0x1  }
0x211: {  	v4 =	vld [tilespmem:s5+$0xA010];
	v1 =	vmul.f32 v3, v1  }
0x212: {  	v3 =	vld [tilespmem:s5+$0xB010]  }
0x213: {  	v1 =	vadd.f32 v2, v1  }
0x214: {  	v2 =	vld [tilespmem:s5+$0xC010]  }
0x215: {  	[tilespmem:s5+$0xA000] =	vst v1  }
0x216: {  	v1 =	vld [tilespmem:$0x12010]  }
0x217: {  	v3 =	vadd.f32 v3, v4;
	_ =	sdelay $0x1  }
0x218: {  	v2 =	vmul.f32 v2, v3;
	_ =	sdelay $0x1  }
0x219: {  	v1 =	vadd.f32 v1, v2;
	_ =	sdelay $0x1  }
0x21a: {  	s25 =	simm.s32 $0x0;
	s4 =	rddreg [dreg:$0xe];
	[tilespmem:s5+$0xA010] =	vst v1  }
0x21b: {  	[hbm4b:s4+s25] =	stream.linear.scatter [tilespmem:s7], [sflag:$0x12], $0x1000, $0x38;
	[tilespmem:$0x1C020] =	vst v63  }
0x21c: {  	_ =	swait.ge [sflag:s6], $0x1000  }
0x21d: {  	[sflag:s6] =	ssyncset.done $0x0  }
0x21e: {  	s26 =	rddreg [dreg:$0x1d];
	[sflag:s6] =	ssyncadd.s32 $0xFFFFF000  }
0x21f: {  	[tilespmem:s7], [sflag:$0x12] =	stream.linear.gather [spmem:s26], $0x1000, $0x38;
	[tilespmem:$0x1C020] =	vst v63  }
0x220: {  	_ =	swait.ge [sflag:s6], $0x1000  }
0x221: {  	[sflag:s6] =	ssyncset.done $0x0  }
0x222: {  	s28 =	rddreg [dreg:$0x1e];
	[sflag:s6] =	ssyncadd.s32 $0xFFFFF000  }
0x223: {  	[tilespmem:s13], [sflag:$0x12] =	stream.linear.gather [spmem:s28], $0x1000, $0x38;
	[tilespmem:$0x1C020] =	vst v63  }
0x224: {  	_ =	swait.ge [sflag:s6], $0x1000  }
0x225: {  	[sflag:s6] =	ssyncset.done $0x0  }
0x226: {  	s29 =	rddreg [dreg:$0xf];
	[sflag:s6] =	ssyncadd.s32 $0xFFFFF000  }
0x227: {  	[tilespmem:s15], [sflag:$0x12] =	stream.linear.gather [hbm4b:s29+s25], $0x1000, $0x38;
	[tilespmem:$0x1C020] =	vst v63  }
0x228: {  	_ =	swait.ge [sflag:s6], $0x1000  }
0x229: {  	[sflag:s6] =	ssyncset.done $0x0  }
0x22a: {  	s0 =	simm.s32 $0x0;
	[sflag:s6] =	ssyncadd.s32 $0xFFFFF000  }
0x22b: {  	v1 =	vld [tilespmem:s0+$0xB000]  }
0x22c: {  	v2 =	vld [tilespmem:s0+$0xA000];
	_ =	sdelay $0x1  }
0x22d: {  	v3 =	vld [tilespmem:s0+$0xC000];
	_ =	sdelay $0x1  }
0x22e: {  	v4 =	vld [tilespmem:$0x12000]  }
0x22f: {  	v1 =	vadd.f32 v1, v2  }
0x230: {  	v5 =	vld [tilespmem:s0+$0xA010]  }
0x231: {  	v2 =	vld [tilespmem:s0+$0xB010];
	v1 =	vmul.f32 v3, v1;
	_ =	sdelay $0x1  }
0x232: {  	v1 =	vadd.f32 v4, v1  }
0x233: {  	v3 =	vld [tilespmem:s0+$0xC010]  }
0x234: {  	[tilespmem:s0+$0xA000] =	vst v1  }
0x235: {  	v4 =	vadd.f32 v2, v5;
	v2 =	vld [tilespmem:$0x12010];
	_ =	sdelay $0x1  }
0x236: {  	s5 =	simm.s32 $0x20  }
0x237: {  	s4 =	simm.s32 $0x100;
	v1 =	vld [tilespmem:s5+$0xB000];
	v3 =	vmul.f32 v3, v4  }
.LBB2_12:
0x238: {  	p0 =	sne.s32 s4, $0x3F80;
	v4 =	vld [tilespmem:s5+$0xA000]  }
0x239: {  	v2 =	vadd.f32 v2, v3  }
0x23a: {  	v3 =	vld [tilespmem:s5+$0xC000]  }
0x23b: {  	[tilespmem:s0+$0xA010] =	vst v2;
	s0 =	smov.u32 s5  }
0x23c: {  	v2 =	vld [tilespmem:$0x12000]  }
0x23d: {  	v1 =	vadd.f32 v1, v4;
	_ =	sdelay $0x1  }
0x23e: {  	v1 =	vmul.f32 v3, v1;
	v3 =	vld [tilespmem:s0+$0xB010]  }
0x23f: {  	v4 =	vld [tilespmem:s0+$0xA010]  }
0x240: {  	v1 =	vadd.f32 v2, v1  }
0x241: {  	v5 =	vld [tilespmem:s0+$0xC010]  }
.Ltmp5:
0x242: {  	[tilespmem:s0+$0xA000] =	vst v1;
	(pc) =	sbr.rel @p0 .LBB2_12-.Ltmp5, $4  }
0x243: {  	v2 =	vld [tilespmem:$0x12010]  }
0x244: {  	v3 =	vadd.f32 v3, v4  }
0x245: {  	s5 =	sshra.s32 s4, $0x2  }
0x246: {  	s4 =	sadd.s32 $0x80, s4;
	v1 =	vld [tilespmem:s5+$0xB000];
	v3 =	vmul.f32 v5, v3  }
0x247: {  	v4 =	vld [tilespmem:s5+$0xA000]  }
0x248: {  	v2 =	vadd.f32 v2, v3  }
0x249: {  	v3 =	vld [tilespmem:s5+$0xC000]  }
0x24a: {  	[tilespmem:s0+$0xA010] =	vst v2  }
0x24b: {  	v2 =	vld [tilespmem:$0x12000]  }
0x24c: {  	v1 =	vadd.f32 v1, v4;
	_ =	sdelay $0x1  }
0x24d: {  	v4 =	vld [tilespmem:s5+$0xA010];
	v1 =	vmul.f32 v3, v1  }
0x24e: {  	v3 =	vld [tilespmem:s5+$0xB010]  }
0x24f: {  	v1 =	vadd.f32 v2, v1  }
0x250: {  	v2 =	vld [tilespmem:s5+$0xC010]  }
0x251: {  	[tilespmem:s5+$0xA000] =	vst v1  }
0x252: {  	v1 =	vld [tilespmem:$0x12010]  }
0x253: {  	v3 =	vadd.f32 v3, v4;
	_ =	sdelay $0x1  }
0x254: {  	v2 =	vmul.f32 v2, v3;
	_ =	sdelay $0x1  }
0x255: {  	v1 =	vadd.f32 v1, v2;
	_ =	sdelay $0x1  }
0x256: {  	s25 =	simm.s32 $0x0;
	s4 =	rddreg [dreg:$0x10];
	[tilespmem:s5+$0xA010] =	vst v1  }
0x257: {  	[hbm4b:s4+s25] =	stream.linear.scatter [tilespmem:s7], [sflag:$0x12], $0x1000, $0x38;
	[tilespmem:$0x1C020] =	vst v63  }
0x258: {  	_ =	swait.ge [sflag:s6], $0x1000  }
0x259: {  	[sflag:s6] =	ssyncset.done $0x0  }
0x25a: {  	s26 =	rddreg [dreg:$0x1f];
	[sflag:s6] =	ssyncadd.s32 $0xFFFFF000  }
0x25b: {  	[tilespmem:s7], [sflag:$0x12] =	stream.linear.gather [spmem:s26], $0x1000, $0x38;
	[tilespmem:$0x1C020] =	vst v63  }
0x25c: {  	_ =	swait.ge [sflag:s6], $0x1000  }
0x25d: {  	s28 =	sld [smem:$0x7F8]  }
0x25e: {  	[sflag:s6] =	ssyncset.done $0x0  }
0x25f: {  	[sflag:s6] =	ssyncadd.s32 $0xFFFFF000  }
0x260: {  	[tilespmem:s13], [sflag:$0x12] =	stream.linear.gather [spmem:s28], $0x1000, $0x38;
	[tilespmem:$0x1C020] =	vst v63  }
0x261: {  	_ =	swait.ge [sflag:s6], $0x1000  }
0x262: {  	[sflag:s6] =	ssyncset.done $0x0  }
0x263: {  	s29 =	rddreg [dreg:$0x11];
	[sflag:s6] =	ssyncadd.s32 $0xFFFFF000  }
0x264: {  	[tilespmem:s15], [sflag:$0x12] =	stream.linear.gather [hbm4b:s29+s25], $0x1000, $0x38;
	[tilespmem:$0x1C020] =	vst v63  }
0x265: {  	_ =	swait.ge [sflag:s6], $0x1000  }
0x266: {  	[sflag:s6] =	ssyncset.done $0x0  }
0x267: {  	s0 =	simm.s32 $0x0;
	[sflag:s6] =	ssyncadd.s32 $0xFFFFF000  }
0x268: {  	v1 =	vld [tilespmem:s0+$0xB000]  }
0x269: {  	v2 =	vld [tilespmem:s0+$0xA000];
	_ =	sdelay $0x1  }
0x26a: {  	v3 =	vld [tilespmem:s0+$0xC000];
	_ =	sdelay $0x1  }
0x26b: {  	v4 =	vld [tilespmem:$0x12000]  }
0x26c: {  	v1 =	vadd.f32 v1, v2  }
0x26d: {  	v5 =	vld [tilespmem:s0+$0xA010]  }
0x26e: {  	v2 =	vld [tilespmem:s0+$0xB010];
	v1 =	vmul.f32 v3, v1;
	_ =	sdelay $0x1  }
0x26f: {  	v1 =	vadd.f32 v4, v1  }
0x270: {  	v3 =	vld [tilespmem:s0+$0xC010]  }
0x271: {  	[tilespmem:s0+$0xA000] =	vst v1  }
0x272: {  	v4 =	vadd.f32 v2, v5;
	v2 =	vld [tilespmem:$0x12010];
	_ =	sdelay $0x1  }
0x273: {  	s5 =	simm.s32 $0x20  }
0x274: {  	s4 =	simm.s32 $0x100;
	v1 =	vld [tilespmem:s5+$0xB000];
	v3 =	vmul.f32 v3, v4  }
.LBB2_14:
0x275: {  	p0 =	sne.s32 s4, $0x3F80;
	v4 =	vld [tilespmem:s5+$0xA000]  }
0x276: {  	v2 =	vadd.f32 v2, v3  }
0x277: {  	v3 =	vld [tilespmem:s5+$0xC000]  }
0x278: {  	[tilespmem:s0+$0xA010] =	vst v2;
	s0 =	smov.u32 s5  }
0x279: {  	v2 =	vld [tilespmem:$0x12000]  }
0x27a: {  	v1 =	vadd.f32 v1, v4;
	_ =	sdelay $0x1  }
0x27b: {  	v1 =	vmul.f32 v3, v1;
	v3 =	vld [tilespmem:s0+$0xB010]  }
0x27c: {  	v4 =	vld [tilespmem:s0+$0xA010]  }
0x27d: {  	v1 =	vadd.f32 v2, v1  }
0x27e: {  	v5 =	vld [tilespmem:s0+$0xC010]  }
.Ltmp6:
0x27f: {  	[tilespmem:s0+$0xA000] =	vst v1;
	(pc) =	sbr.rel @p0 .LBB2_14-.Ltmp6, $4  }
0x280: {  	v2 =	vld [tilespmem:$0x12010]  }
0x281: {  	v3 =	vadd.f32 v3, v4  }
0x282: {  	s5 =	sshra.s32 s4, $0x2  }
0x283: {  	s4 =	sadd.s32 $0x80, s4;
	v1 =	vld [tilespmem:s5+$0xB000];
	v3 =	vmul.f32 v5, v3  }
0x284: {  	v4 =	vld [tilespmem:s5+$0xA000]  }
0x285: {  	v2 =	vadd.f32 v2, v3  }
0x286: {  	v3 =	vld [tilespmem:s5+$0xC000]  }
0x287: {  	[tilespmem:s0+$0xA010] =	vst v2  }
0x288: {  	v2 =	vld [tilespmem:$0x12000]  }
0x289: {  	v1 =	vadd.f32 v1, v4;
	_ =	sdelay $0x1  }
0x28a: {  	v63 =	vld [tilespmem:s5+$0xA010];
	v1 =	vmul.f32 v3, v1  }
0x28b: {  	v3 =	vld [tilespmem:s5+$0xB010]  }
0x28c: {  	v1 =	vadd.f32 v2, v1  }
0x28d: {  	v2 =	vld [tilespmem:s5+$0xC010]  }
0x28e: {  	[tilespmem:s5+$0xA000] =	vst v1  }
0x28f: {  	v1 =	vld [tilespmem:$0x12010]  }
0x290: {  	v3 =	vadd.f32 v3, v63;
	_ =	sdelay $0x1  }
0x291: {  	v2 =	vmul.f32 v2, v3;
	_ =	sdelay $0x1  }
0x292: {  	v1 =	vadd.f32 v1, v2;
	_ =	sdelay $0x1  }
0x293: {  	s28 =	rddreg [dreg:$0x12];
	[tilespmem:s5+$0xA010] =	vst v1  }
0x294: {  	[hbm4b:s28+s18] =	stream.linear.scatter [tilespmem:s7], [sflag:$0x12], $0x1000, $0x38;
	[tilespmem:$0x1C020] =	vst v63  }
0x295: {  	_ =	swait.ge [sflag:s6], $0x1000  }
0x296: {  	s29 =	sld [smem:$0x7F9];
	_ =	sdelay $0x1  }
0x297: {  	s1 =	sadd.s32 $0x1, s1  }
0x298: {  	p0 =	sne.s32 s1, s29  }
.Ltmp7:
0x299: {  	_ = 	snop;
	(pc) =	sbr.rel @p0 .LBB2_1-.Ltmp7, $3  }
0x29a: {  	_ =	sdelay $0x1  }
0x29b: {  	[sflag:s6] =	ssyncset.done $0x0  }
0x29c: {  	[sflag:s6] =	ssyncadd.s32 $0xFFFFF000  }
0x29d: {  	_ =	sfence.sel $0x180000  }
0x29e: {  	[bflag:$0x0] =	sbarrier.arrive $0xFFFF  }
0x29f: {  	_ =	strace $0x9000004D  }
0x2a0: {  	s0 =	stileid.u32;
	[bflag:$0x2] =	sbarrier.arrive $0xFFFF  }
0x2a1: {  	p0 =	sne.s32 s0, $0x0;
	s0 =	rddreg [dreg:$0x4]  }
0x2a2: {  	s0 =	sadd.s32 @!p0 $0x100000, s0  }
0x2a3: {  	[sflag:s0] =	ssyncadd.tile.s32 @!p0 $0x1;
	_ =	shalt  }
.Lfunc_end2:
_tile_overlayer_lowered:
.L_overlay_start_2:
0x2a4: {  	(tag) =	ssettag $0x2  }
0x2a5: {  	s0 =	rddreg [dreg:$0x0];
	s2 =	stileid.u32  }
0x2a6: {  	s1 =	rddreg [dreg:$0x1];
	p0 =	sne.s32 s2, $0x0  }
0x2a7: {  	s3 =	rddreg [dreg:$0x2];
	[bflag:$0x3] =	sbarrier.arrive $0xFFFF;
	s2 =	simm.s32 @!p0 $0x1C12  }
0x2a8: {  	[timem:s3], [sflag:s2] =	dma.local @!p0 [hbm:s0], s1  }
0x2a9: {  	s0 =	simm.s32 @!p0 $0x12  }
0x2aa: {  	_ =	swait.ge @!p0 [sflag:s0], s1  }
0x2ab: {  	s1 =	ssub.s32 @!p0 $0x0, s1;
	[sflag:s0] =	ssyncset.done @!p0 $0x0  }
0x2ac: {  	[sflag:s0] =	ssyncadd.s32 @!p0 s1  }
0x2ad: {  	[bflag:$0x3] =	sbarrier.arrive $0xFFFF  }
0x2ae: {  	_ =	shalt  }

// kernel: kernel.7.cloned.1.call-start
scs
__scs_entry_jumppad:
0x0: {  	(pc) =	sbr.rel $0x88, $3  }
0x1: {  	(tag) =	ssettag $0x0;
	lr =	simm.s32 $0x1  }
0x2: {  	[smem:$0x3F99] =	sst lr;
	_ =	strace $0xD0000000  }
0x3: {  	_ = 	snop  }
0x4: {  	_ = 	snop  }
0x5: {  	_ = 	snop  }
0x6: {  	_ = 	snop  }
0x7: {  	_ = 	snop  }
__scs_overlays_trampoline_lowered:
0x8: {  	[smem:$0x3FA8] =	sst s0  }
0x9: {  	[smem:$0x3FA9] =	sst s1  }
0xa: {  	[smem:$0x3FAA] =	sst s2  }
0xb: {  	[smem:$0x3FAB] =	sst s3  }
0xc: {  	[smem:$0x3FAC] =	sst s4  }
0xd: {  	[smem:$0x3FAD] =	sst s5  }
0xe: {  	[smem:$0x3FAE] =	sst s6  }
0xf: {  	[smem:$0x3FAF] =	sst s7  }
0x10: {  	[smem:$0x3FB0] =	sst s8  }
0x11: {  	[smem:$0x3FB1] =	sst s9;
	s0 =	simm.s32 @!p0 $0x0  }
0x12: {  	s1 =	sld [smem:$0x3F97];
	s0 =	simm.s32 @p0 $0x1  }
0x13: {  	[smem:$0x3FB2] =	sst s0;
	s0 =	simm.s32 @!p1 $0x0  }
0x14: {  	s2 =	sld [smem:$0x3F96];
	s0 =	simm.s32 @p1 $0x1  }
0x15: {  	[smem:$0x3FB3] =	sst s0;
	s0 =	simm.s32 @!p2 $0x0  }
0x16: {  	s3 =	sld [smem:$0x3FDB];
	s0 =	simm.s32 @p2 $0x1  }
0x17: {  	s4 =	simm.s32 $0x1BF5;
	[smem:$0x3FB5] =	sst s0  }
0x18: {  	s0 =	sld [smem:$0x3F98];
	_ =	swait.ge [sflag:s4], $0x0  }
0x19: {  	s7 =	sld [smem:$0x3F99]  }
0x1a: {  	s8 =	sadd.s32 $0xFFFFE003, lr  }
0x1b: {  	s9 =	sadd.s32 $0xFFFFFEF7, lr;
	s5 =	simm.s32 $0xFFFFFFFF;
	p2 =	slt.u32 s8, $0xFFFFF086  }
0x1c: {  	p1 =	slt.u32 s9, $0xF7A;
	s5 =	simm.s32 @!p2 $0x0  }
0x1d: {  	s5 =	simm.s32 @p1 $0x1;
	p0 =	seq.s32 s7, s2  }
0x1e: {  	s7 =	smul.u32 @!p0 $0xF7A, s2;
	p2 =	seq.s32 @!p0 s5, $0x0  }
0x1f: {  	s9 =	smul.u32 $0xF7A, s1;
	s8 =	simm.s32 @!p0 $0x1BF5;
	p2 =	por !p2, p0  }
0x20: {  	[sflag:s8] =	ssyncset.s32 @!p0 $0xFFFFF086;
	s6 =	sadd.s32 @!p0 s3, s7;
	s7 =	simm.s32 @!p0 $0x108  }
0x21: {  	s3 =	sadd.s32 s3, s9;
	s6 =	sadd.s32 @!p0 $0x88, s6;
	s7 =	simm.s32 @p2 $0x1082  }
0x22: {  	[simem:s7], [sflag:s8] =	dma.local @!p0 [hbm:s6], $0xF7A  }
0x23: {  	s9 =	sor.u32 $0xD0000000, s2;
	s6 =	simm.s32 $0x108;
	_ =	swait.ge @!p0 [sflag:s8], $0x0  }
0x24: {  	s3 =	sadd.s32 $0x88, s3;
	s6 =	simm.s32 @!p1 $0x1082;
	[sflag:s4] =	ssyncset.s32 $0xFFFFF086  }
0x25: {  	[simem:s6], [sflag:s4] =	dma.local [hbm:s3], $0xF7A  }
0x26: {  	[smem:$0x3F99] =	sst s1;
	(tag) =	ssettag s2;
	_ =	strace s9  }
0x27: {  	s1 =	sld [smem:$0x3FA9]  }
0x28: {  	s2 =	sld [smem:$0x3FAA]  }
0x29: {  	s4 =	sld [smem:$0x3FAC]  }
0x2a: {  	p0 =	seq.s32 s5, $0x0;
	s5 =	sld [smem:$0x3FAD]  }
0x2b: {  	s6 =	sld [smem:$0x3FAE]  }
0x2c: {  	s7 =	sld [smem:$0x3FAF]  }
0x2d: {  	s3 =	simm.s32 $0x108;
	s8 =	sld [smem:$0x3FB0]  }
0x2e: {  	s3 =	simm.s32 @!p0 $0x1082;
	s9 =	sld [smem:$0x3FB1]  }
0x2f: {  	lr =	sadd.s32 s0, s3;
	s0 =	sld [smem:$0x3FA8]  }
0x30: {  	s3 =	sld [smem:$0x3FAB]  }
0x31: {  	[smem:$0x3FB4] =	sst s10  }
0x32: {  	s10 =	sld [smem:$0x3FB2];
	_ =	sdelay $0x3  }
0x33: {  	p0 =	seq.s32 s10, $0x1;
	s10 =	sld [smem:$0x3FB4];
	_ =	sdelay $0x3  }
0x34: {  	[smem:$0x3FB4] =	sst s10  }
0x35: {  	s10 =	sld [smem:$0x3FB3];
	_ =	sdelay $0x3  }
0x36: {  	p1 =	seq.s32 s10, $0x1;
	s10 =	sld [smem:$0x3FB4];
	_ =	sdelay $0x3  }
0x37: {  	[smem:$0x3FB4] =	sst s10  }
0x38: {  	s10 =	sld [smem:$0x3FB5]  }
0x39: {  	_ = 	snop;
	(pc) =	sbr.ind lr, $3  }
0x3a: {  	_ = 	snop  }
0x3b: {  	_ = 	snop  }
0x3c: {  	p2 =	seq.s32 s10, $0x1;
	s10 =	sld [smem:$0x3FB4]  }
0x3d: {  	_ =	shalt  }
0x3e: {  	_ =	shalt  }
0x3f: {  	_ =	shalt  }
0x40: {  	_ =	shalt  }
0x41: {  	_ =	shalt  }
0x42: {  	_ =	shalt  }
0x43: {  	_ =	shalt  }
0x44: {  	_ =	shalt  }
0x45: {  	_ =	shalt  }
0x46: {  	_ =	shalt  }
0x47: {  	_ =	shalt  }
0x48: {  	_ =	shalt  }
0x49: {  	_ =	shalt  }
0x4a: {  	_ =	shalt  }
0x4b: {  	_ =	shalt  }
0x4c: {  	_ =	shalt  }
0x4d: {  	_ =	shalt  }
0x4e: {  	_ =	shalt  }
0x4f: {  	_ =	shalt  }
0x50: {  	_ =	shalt  }
0x51: {  	_ =	shalt  }
0x52: {  	_ =	shalt  }
0x53: {  	_ =	shalt  }
0x54: {  	_ =	shalt  }
0x55: {  	_ =	shalt  }
0x56: {  	_ =	shalt  }
0x57: {  	_ =	shalt  }
0x58: {  	_ =	shalt  }
0x59: {  	_ =	shalt  }
0x5a: {  	_ =	shalt  }
0x5b: {  	_ =	shalt  }
0x5c: {  	_ =	shalt  }
0x5d: {  	_ =	shalt  }
0x5e: {  	_ =	shalt  }
0x5f: {  	_ =	shalt  }
0x60: {  	_ =	shalt  }
0x61: {  	_ =	shalt  }
0x62: {  	_ =	shalt  }
0x63: {  	_ =	shalt  }
0x64: {  	_ =	shalt  }
0x65: {  	_ =	shalt  }
0x66: {  	_ =	shalt  }
0x67: {  	_ =	shalt  }
0x68: {  	_ =	shalt  }
0x69: {  	_ =	shalt  }
0x6a: {  	_ =	shalt  }
0x6b: {  	_ =	shalt  }
0x6c: {  	_ =	shalt  }
0x6d: {  	_ =	shalt  }
0x6e: {  	_ =	shalt  }
0x6f: {  	_ =	shalt  }
0x70: {  	_ =	shalt  }
0x71: {  	_ =	shalt  }
0x72: {  	_ =	shalt  }
0x73: {  	_ =	shalt  }
0x74: {  	_ =	shalt  }
0x75: {  	_ =	shalt  }
0x76: {  	_ =	shalt  }
0x77: {  	_ =	shalt  }
0x78: {  	_ =	shalt  }
0x79: {  	_ =	shalt  }
0x7a: {  	_ =	shalt  }
0x7b: {  	_ =	shalt  }
0x7c: {  	_ =	shalt  }
0x7d: {  	_ =	shalt  }
0x7e: {  	_ =	shalt  }
0x7f: {  	_ =	shalt  }
0x80: {  	_ =	shalt  }
0x81: {  	_ =	shalt  }
0x82: {  	_ =	shalt  }
0x83: {  	_ =	shalt  }
0x84: {  	_ =	shalt  }
0x85: {  	_ =	shalt  }
0x86: {  	_ =	shalt  }
0x87: {  	_ =	shalt  }
.Lfunc_end0:
.L_simem_size_0:
called_computation_lowered:
.L_overlay_start_0:
0x88: {  	s2 =	sld [smem:$0x3FD9]  }
0x89: {  	s3 =	sld [smem:$0x3FFE];
	_ =	sdelay $0x1  }
0x8a: {  	s1 =	srdreg.scid  }
0x8b: {  	s0 =	sand.u32 $0x1, s1  }
0x8c: {  	s17 =	sshll.u32 s0, $0xA;
	s2 =	sadd.s32 s3, s2  }
0x8d: {  	s2 =	sadd.s32 s2, s17  }
0x8e: {  	[smem:$0x3FC0] =	sst s2  }
0x8f: {  	_ = 	snop  }
0x90: {  	s2 =	sld [smem:$0x3FD0];
	(tm) =	ssettm $0x1  }
0x91: {  	s18 =	sld [smem:$0x3FFB];
	_ =	sdelay $0x3  }
0x92: {  	_ =	strace s18  }
0x93: {  	s3 =	sld [smem:$0x3FFC];
	_ =	sdelay $0x3  }
0x94: {  	_ =	strace s3  }
0x95: {  	s3 =	sld [smem:$0x3FFD];
	_ =	sdelay $0x3  }
0x96: {  	_ =	strace s3  }
0x97: {  	_ =	strace $0x8FFFFFFF  }
0x98: {  	s19 =	sld [smem:$0x3FDB];
	_ =	sdelay $0x1  }
0x99: {  	s4 =	simm.s32 $_scs_section_size  }
0x9a: {  	s5 =	simm.s32 $_size__tile_overlayer_lowered;
	s6 =	simm.s32 $_tile_overlayer_lowered  }
0x9b: {  	s22 =	simm.s32 $0x1BFF;
	s21 =	sshll.u32 s6, $0x1;
	s3 =	sadd.s32 s4, s19  }
0x9c: {  	s7 =	simm.s32 $0x0;
	s20 =	sshll.u32 s5, $0x1;
	s5 =	sadd.s32 s21, s3  }
0x9d: {  	[timem:s7], [sflag:s22] =	dma.local [hbm:s5], s20  }
0x9e: {  	_ =	swait.ge [sflag:s22], s20  }
0x9f: {  	s4 =	ssub.s32 $0x0, s20;
	[sflag:s22] =	ssyncset.done $0x0  }
0xa0: {  	[sflag:s22] =	ssyncadd.s32 s4;
	_ =	sdelay $0x1  }
0xa1: {  	s23 =	simm.s32 $0x1B8B  }
0xa2: {  	_ =	swait.ge [sflag:s23], $0x1  }
0xa3: {  	[sflag:s23] =	ssyncset.done $0x0  }
0xa4: {  	s25 =	simm.s32 $0x1B8E;
	s24 =	sld [smem:$0x3FFE];
	[sflag:s23] =	ssyncadd.s32 $0xFFFFFFFF  }
0xa5: {  	s26 =	simm.s32 $execute0_lowered;
	[smem:$0x3FD2] =	sst s25  }
0xa6: {  	s5 =	sshll.u32 s26, $0x1;
	_ =	strace $0x80000046;
	[dreg:$0x1] =	wrdreg $0xFFFFFFFF  }
0xa7: {  	s28 =	simm.s32 $_size_execute0_lowered;
	s3 =	sadd.s32 s3, s5;
	[dreg:$0x0] =	wrdreg $0x0  }
0xa8: {  	s5 =	sshll.u32 s28, $0x1;
	[dreg:$0x2] =	wrdreg s3  }
0xa9: {  	[dreg:$0x3] =	wrdreg s5  }
0xaa: {  	[dreg:$0x4] =	wrdreg $0xC0  }
0xab: {  	_ =	task [dreg:s7], $0x5FFFF  }
0xac: {  	[dreg:$0x1] =	wrdreg $0xFFFFFFFF  }
0xad: {  	[dreg:$0x0] =	wrdreg $0x60  }
0xae: {  	[dreg:$0x2] =	wrdreg s24  }
0xaf: {  	[dreg:$0x3] =	wrdreg s2  }
0xb0: {  	[dreg:$0x4] =	wrdreg $0x56000  }
0xb1: {  	[dreg:$0x5] =	wrdreg $0x9  }
0xb2: {  	_ =	task.clear_ibuf [dreg:s7], $0x6FFFF;
	_ =	strace $0x90000046  }
0xb3: {  	s29 =	simm.s32 $0x9;
	_ =	strace $0x80000048  }
0xb4: {  	_ =	swait.ge [sflag:s29], $0x1  }
0xb5: {  	[sflag:s29] =	ssyncadd.s32 $0xFFFFFFFF  }
0xb6: {  	_ =	strace $0x90000048  }
0xb7: {  	_ =	sfence  }
0xb8: {  	s30 =	sld [smem:$0x0];
	_ =	sdelay $0x2  }
0xb9: {  	s31 =	sshll.u32 s1, $0xD;
	s1 =	sshrl.u32 s1, $0x2  }
0xba: {  	s3 =	sand.u32 $0x4000, s31;
	s1 =	sadd.s32 s1, s30  }
0xbb: {  	s0 =	sor.u32 s3, s0;
	s1 =	sshll.u32 s1, $0x11  }
0xbc: {  	s0 =	sor.u32 s1, s0  }
0xbd: {  	s0 =	sadd.s32 $0x8F2B, s0  }
0xbe: {  	[sflag:s0] =	ssyncadd.remote.s32 $0x1  }
0xbf: {  	_ =	sfence.sel $0xFFFF  }
0xc0: {  	[dreg:$0x0] =	wrdreg $0xFFFFFFFF;
	(pc) =	sbr.abs _section_cstart, $3  }
0xc1: {  	[dreg:$0x1] =	wrdreg $0xFFFFFFFF  }
0xc2: {  	_ =	task.clear_ibuf [dreg:s7], $0x2FFFF;
	_ =	strace $0x9FFFFFFF  }
0xc3: {  	(tm) =	ssettm $0x7FFFFFFF  }
tec
execute0_lowered:
.L_overlay_start_1:
0x0: {  	(tag) =	ssettag $0x1  }
0x1: {  	s0 =	srdreg.scid;
	s1 =	rddreg [dreg:$0x0]  }
0x2: {  	s7 =	rddreg [dreg:$0x1];
	s9 =	stileid.u32  }
0x3: {  	s2 =	rddreg [dreg:$0x2];
	s18 =	simm.s32 $0x5000;
	s19 =	simm.s32 $0x7  }
0x4: {  	s20 =	simm.s32 $0x6;
	s21 =	simm.s32 $0x80;
	s22 =	simm.s32 $0x5200  }
0x5: {  	s29 =	simm.s32 $0x1;
	s30 =	simm.s32 $0x2;
	s31 =	simm.s32 $0x3  }
0x6: {  	s23 =	simm.s32 $0x0;
	s0 =	sand.u32 $0x1, s0;
	s8 =	smul.u32 $0x1400, s9  }
0x7: {  	s3 =	sshll.u32 s0, $0x4;
	s5 =	smul.u32 $0x14000, s0;
	s0 =	ssub.s32 $0x2, s0  }
0x8: {  	s4 =	sor.u32 s9, s3;
	s3 =	simm.s32 $0x0;
	s9 =	smul.u32 $0x5000, s9  }
0x9: {  	s24 =	sshrl.u32 s0, $0x1;
	s28 =	sadd.s32 s8, s2;
	s4 =	smul.u32 $0xA00, s4  }
0xa: {  	[smem:$0x7FF] =	sst s3;
	s5 =	sadd.s32 s8, s5;
	s0 =	ssub.s32 s0, s24  }
0xb: {  	_ =	strace $0x80000047;
	s25 =	sshrl.u32 s9, $0x2;
	s26 =	sshrl.u32 s5, $0x3  }
0xc: {  	s8 =	smax.u32 s0, $0x1;
	s0 =	simm.s32 $0x5;
	s6 =	sadd.s32 s4, s1  }
0xd: {  	s4 =	sadd.s32 $0x2200, s1;
	s7 =	sadd.s32 s7, s26;
	s1 =	simm.s32 $0x4  }
0xe: {  	s5 =	sadd.s32 $0x2400, s6;
	s6 =	sadd.s32 s25, s2;
	s25 =	sshrl.u32 s28, $0x3  }
0xf: {  	s9 =	sadd.s32 $0x200, s6;
	s10 =	sadd.s32 $0x400, s6;
	s11 =	sadd.s32 $0x600, s6  }
0x10: {  	s12 =	sadd.s32 $0x800, s6;
	s13 =	sadd.s32 $0xA00, s6;
	s14 =	sadd.s32 $0xC00, s6  }
0x11: {  	s15 =	sadd.s32 $0xE00, s6;
	s16 =	sadd.s32 $0x1000, s6;
	s17 =	sadd.s32 $0x1200, s6  }
.LBB2_1:
0x12: {  	[tilespmem:s3], [sflag:$0x6] =	stream.linear.gather [hbm4b:s5+s3], $0x5000, $0x38;
	[tilespmem:$0x6A00] =	vst v63  }
0x13: {  	_ = 	snop  }
0x14: {  	[tilespmem:s18], [sflag:$0x7] =	stream.linear.gather [hbm4b:s4+s3], $0x600, $0x38;
	[tilespmem:$0x6A00] =	vst v63  }
0x15: {  	_ =	swait.ge [sflag:s19], $0x600  }
0x16: {  	[sflag:s19] =	ssyncset.done $0x0  }
0x17: {  	[sflag:s19] =	ssyncadd.s32 $0xFFFFFA00  }
0x18: {  	[spmem:s6] =	stream.linear.scatter [tilespmem:s18], [sflag:$0x7], $0x200, $0x38;
	[tilespmem:$0x6A00] =	vst v63  }
0x19: {  	_ =	swait.ge [sflag:s19], $0x200  }
0x1a: {  	[sflag:s19] =	ssyncset.done $0x0  }
0x1b: {  	[sflag:s19] =	ssyncadd.s32 $0xFFFFFE00  }
0x1c: {  	[spmem:s9] =	stream.linear.scatter [tilespmem:s18], [sflag:$0x7], $0x200, $0x38;
	[tilespmem:$0x6A00] =	vst v63  }
0x1d: {  	_ =	swait.ge [sflag:s19], $0x200  }
0x1e: {  	[sflag:s19] =	ssyncset.done $0x0  }
0x1f: {  	[sflag:s19] =	ssyncadd.s32 $0xFFFFFE00  }
0x20: {  	[spmem:s10] =	stream.linear.scatter [tilespmem:s18], [sflag:$0x7], $0x200, $0x38;
	[tilespmem:$0x6A00] =	vst v63  }
0x21: {  	_ =	swait.ge [sflag:s19], $0x200  }
0x22: {  	[sflag:s19] =	ssyncset.done $0x0  }
0x23: {  	[sflag:s19] =	ssyncadd.s32 $0xFFFFFE00  }
0x24: {  	[spmem:s11] =	stream.linear.scatter [tilespmem:s18], [sflag:$0x7], $0x200, $0x38;
	[tilespmem:$0x6A00] =	vst v63  }
0x25: {  	_ =	swait.ge [sflag:s19], $0x200  }
0x26: {  	[sflag:s19] =	ssyncset.done $0x0  }
0x27: {  	[sflag:s19] =	ssyncadd.s32 $0xFFFFFE00  }
0x28: {  	[spmem:s12] =	stream.linear.scatter [tilespmem:s18], [sflag:$0x7], $0x200, $0x38;
	[tilespmem:$0x6A00] =	vst v63  }
0x29: {  	_ =	swait.ge [sflag:s19], $0x200  }
0x2a: {  	[sflag:s19] =	ssyncset.done $0x0  }
0x2b: {  	[sflag:s19] =	ssyncadd.s32 $0xFFFFFE00  }
0x2c: {  	[spmem:s13] =	stream.linear.scatter [tilespmem:s18], [sflag:$0x7], $0x200, $0x38;
	[tilespmem:$0x6A00] =	vst v63  }
0x2d: {  	_ =	swait.ge [sflag:s19], $0x200  }
0x2e: {  	[sflag:s19] =	ssyncset.done $0x0  }
0x2f: {  	[sflag:s19] =	ssyncadd.s32 $0xFFFFFE00  }
0x30: {  	[spmem:s14] =	stream.linear.scatter [tilespmem:s18], [sflag:$0x7], $0x200, $0x38;
	[tilespmem:$0x6A00] =	vst v63  }
0x31: {  	_ =	swait.ge [sflag:s19], $0x200  }
0x32: {  	[sflag:s19] =	ssyncset.done $0x0  }
0x33: {  	[sflag:s19] =	ssyncadd.s32 $0xFFFFFE00  }
0x34: {  	[spmem:s15] =	stream.linear.scatter [tilespmem:s18], [sflag:$0x7], $0x200, $0x38;
	[tilespmem:$0x6A00] =	vst v63  }
0x35: {  	_ =	swait.ge [sflag:s19], $0x200  }
0x36: {  	[sflag:s19] =	ssyncset.done $0x0  }
0x37: {  	[sflag:s19] =	ssyncadd.s32 $0xFFFFFE00  }
0x38: {  	[spmem:s16] =	stream.linear.scatter [tilespmem:s18], [sflag:$0x7], $0x200, $0x38;
	[tilespmem:$0x6A00] =	vst v63  }
0x39: {  	_ =	swait.ge [sflag:s19], $0x200  }
0x3a: {  	[sflag:s19] =	ssyncset.done $0x0  }
0x3b: {  	[sflag:s19] =	ssyncadd.s32 $0xFFFFFE00  }
0x3c: {  	[spmem:s17] =	stream.linear.scatter [tilespmem:s18], [sflag:$0x7], $0x200, $0x38;
	[tilespmem:$0x6A00] =	vst v63  }
0x3d: {  	_ =	swait.ge [sflag:s19], $0x200  }
0x3e: {  	[sflag:s19] =	ssyncset.done $0x0  }
0x3f: {  	[sflag:s19] =	ssyncadd.s32 $0xFFFFFE00  }
0x40: {  	_ =	swait.ge [sflag:s20], $0x5000  }
0x41: {  	[sflag:s20] =	ssyncset.done $0x0  }
0x42: {  	[sflag:s20] =	ssyncadd.s32 $0xFFFFB000  }
0x43: {  	[bflag:$0x0] =	sbarrier.arrive $0xFFFF  }
0x44: {  	[spmem:s2] =	stream.indirect.scatter.add.f32 [tilespmem:s22], [sflag:$0x1], $0x8, s21, s21, $0xb8;
	[tilespmem:$0x6A00] =	vst v63  }
0x45: {  	s24 =	simm.s32 $0x180  }
0x46: {  	[spmem:s2] =	stream.indirect.scatter.add.f32 [tilespmem:s22], [sflag:$0x2], $0x8, s24, s21, $0xb8;
	[tilespmem:$0x6A00] =	vst v63  }
0x47: {  	s28 =	simm.s32 $0x280  }
0x48: {  	[spmem:s2] =	stream.indirect.scatter.add.f32 [tilespmem:s22], [sflag:$0x3], $0x8, s28, s21, $0xb8;
	[tilespmem:$0x6A00] =	vst v63  }
0x49: {  	s26 =	simm.s32 $0x380  }
0x4a: {  	[spmem:s2] =	stream.indirect.scatter.add.f32 [tilespmem:s22], [sflag:$0x4], $0x8, s26, s21, $0xb8;
	[tilespmem:$0x6A00] =	vst v63  }
0x4b: {  	s28 =	simm.s32 $0x480  }
0x4c: {  	[spmem:s2] =	stream.indirect.scatter.add.f32 [tilespmem:s22], [sflag:$0x5], $0x8, s28, s21, $0xb8;
	[tilespmem:$0x6A00] =	vst v63  }
0x4d: {  	_ =	swait.ge [sflag:s29], $0x400  }
0x4e: {  	[sflag:s29] =	ssyncset.done $0x0  }
0x4f: {  	s26 =	simm.s32 $0x580;
	[sflag:s29] =	ssyncadd.s32 $0xFFFFFC00  }
0x50: {  	[spmem:s2] =	stream.indirect.scatter.add.f32 [tilespmem:s22], [sflag:$0x1], $0x8, s26, s21, $0xb8;
	[tilespmem:$0x6A00] =	vst v63  }
0x51: {  	_ =	swait.ge [sflag:s30], $0x400  }
0x52: {  	[sflag:s30] =	ssyncset.done $0x0  }
0x53: {  	s28 =	simm.s32 $0x680;
	[sflag:s30] =	ssyncadd.s32 $0xFFFFFC00  }
0x54: {  	[spmem:s2] =	stream.indirect.scatter.add.f32 [tilespmem:s22], [sflag:$0x2], $0x8, s28, s21, $0xb8;
	[tilespmem:$0x6A00] =	vst v63  }
0x55: {  	_ =	swait.ge [sflag:s31], $0x400  }
0x56: {  	[sflag:s31] =	ssyncset.done $0x0  }
0x57: {  	s26 =	simm.s32 $0x780;
	[sflag:s31] =	ssyncadd.s32 $0xFFFFFC00  }
0x58: {  	[spmem:s2] =	stream.indirect.scatter.add.f32 [tilespmem:s22], [sflag:$0x3], $0x8, s26, s21, $0xb8;
	[tilespmem:$0x6A00] =	vst v63  }
0x59: {  	_ =	swait.ge [sflag:s1], $0x400  }
0x5a: {  	[sflag:s1] =	ssyncset.done $0x0  }
0x5b: {  	s28 =	simm.s32 $0x880;
	[sflag:s1] =	ssyncadd.s32 $0xFFFFFC00  }
0x5c: {  	[spmem:s2] =	stream.indirect.scatter.add.f32 [tilespmem:s22], [sflag:$0x4], $0x8, s28, s21, $0xb8;
	[tilespmem:$0x6A00] =	vst v63  }
0x5d: {  	_ =	swait.ge [sflag:s0], $0x400  }
0x5e: {  	[sflag:s0] =	ssyncset.done $0x0  }
0x5f: {  	s24 =	simm.s32 $0xFFFEE800;
	s26 =	simm.s32 $0x980;
	[sflag:s0] =	ssyncadd.s32 $0xFFFFFC00  }
.LBB2_2:
0x60: {  	[spmem:s2] =	stream.indirect.scatter.add.f32 [tilespmem:s22], [sflag:$0x5], $0x8, s26, s21, $0xb8;
	[tilespmem:$0x6A00] =	vst v63  }
0x61: {  	s26 =	smov.u32 s24  }
0x62: {  	p0 =	sne.s32 s24, $0xFFFFEC00;
	s24 =	sadd.s32 $0x1400, s24;
	_ =	swait.ge [sflag:s29], $0x400  }
0x63: {  	s26 =	sshra.s32 s26, $0x2;
	[sflag:s29] =	ssyncset.done $0x0  }
0x64: {  	s28 =	sadd.s32 $0x5080, s26;
	[sflag:s29] =	ssyncadd.s32 $0xFFFFFC00  }
0x65: {  	[spmem:s2] =	stream.indirect.scatter.add.f32 [tilespmem:s22], [sflag:$0x1], $0x8, s28, s21, $0xb8;
	[tilespmem:$0x6A00] =	vst v63  }
0x66: {  	_ =	swait.ge [sflag:s30], $0x400  }
0x67: {  	[sflag:s30] =	ssyncset.done $0x0  }
0x68: {  	s28 =	sadd.s32 $0x5180, s26;
	[sflag:s30] =	ssyncadd.s32 $0xFFFFFC00  }
0x69: {  	[spmem:s2] =	stream.indirect.scatter.add.f32 [tilespmem:s22], [sflag:$0x2], $0x8, s28, s21, $0xb8;
	[tilespmem:$0x6A00] =	vst v63  }
0x6a: {  	_ =	swait.ge [sflag:s31], $0x400  }
0x6b: {  	[sflag:s31] =	ssyncset.done $0x0  }
0x6c: {  	s28 =	sadd.s32 $0x5280, s26;
	[sflag:s31] =	ssyncadd.s32 $0xFFFFFC00  }
0x6d: {  	[spmem:s2] =	stream.indirect.scatter.add.f32 [tilespmem:s22], [sflag:$0x3], $0x8, s28, s21, $0xb8;
	[tilespmem:$0x6A00] =	vst v63  }
0x6e: {  	_ =	swait.ge [sflag:s1], $0x400  }
0x6f: {  	[sflag:s1] =	ssyncset.done $0x0  }
.Ltmp0:
0x70: {  	s28 =	sadd.s32 $0x5380, s26;
	[sflag:s1] =	ssyncadd.s32 $0xFFFFFC00;
	(pc) =	sbr.rel @p0 .LBB2_2-.Ltmp0, $4  }
0x71: {  	[spmem:s2] =	stream.indirect.scatter.add.f32 [tilespmem:s22], [sflag:$0x4], $0x8, s28, s21, $0xb8;
	[tilespmem:$0x6A00] =	vst v63  }
0x72: {  	_ =	swait.ge [sflag:s0], $0x400  }
0x73: {  	[sflag:s0] =	ssyncset.done $0x0  }
0x74: {  	s26 =	sadd.s32 $0x5480, s26;
	[sflag:s0] =	ssyncadd.s32 $0xFFFFFC00  }
0x75: {  	[spmem:s2] =	stream.indirect.scatter.add.f32 [tilespmem:s22], [sflag:$0x5], $0x8, s26, s21, $0xb8;
	[tilespmem:$0x6A00] =	vst v63  }
0x76: {  	_ =	swait.ge [sflag:s29], $0x400  }
0x77: {  	[sflag:s29] =	ssyncset.done $0x0  }
0x78: {  	[sflag:s29] =	ssyncadd.s32 $0xFFFFFC00  }
0x79: {  	_ =	swait.ge [sflag:s30], $0x400  }
0x7a: {  	[sflag:s30] =	ssyncset.done $0x0  }
0x7b: {  	[sflag:s30] =	ssyncadd.s32 $0xFFFFFC00  }
0x7c: {  	_ =	swait.ge [sflag:s31], $0x400  }
0x7d: {  	[sflag:s31] =	ssyncset.done $0x0  }
0x7e: {  	[sflag:s31] =	ssyncadd.s32 $0xFFFFFC00  }
0x7f: {  	_ =	swait.ge [sflag:s1], $0x400  }
0x80: {  	[sflag:s1] =	ssyncset.done $0x0  }
0x81: {  	[sflag:s1] =	ssyncadd.s32 $0xFFFFFC00  }
0x82: {  	_ =	swait.ge [sflag:s0], $0x400  }
0x83: {  	s24 =	stileid.u32;
	s23 =	sadd.s32 $0x1, s23;
	[sflag:s0] =	ssyncset.done $0x0  }
0x84: {  	s24 =	sshll.u32 s24, $0x6;
	p0 =	sne.s32 s23, s8;
	[sflag:s0] =	ssyncadd.s32 $0xFFFFFC00  }
.Ltmp1:
0x85: {  	s24 =	sor.u32 $0x1C07, s24;
	[bflag:$0x0] =	sbarrier.arrive $0xFFFF;
	(pc) =	sbr.rel @p0 .LBB2_1-.Ltmp1, $4  }
0x86: {  	[hbm:s7], [sflag:s24] =	dma.local [spmem:s25], $0x280  }
0x87: {  	_ =	swait.ge [sflag:s19], $0x280  }
0x88: {  	[sflag:s19] =	ssyncset.done $0x0  }
0x89: {  	[sflag:s19] =	ssyncadd.s32 $0xFFFFFD80  }
0x8a: {  	_ =	sfence.sel $0x180000  }
0x8b: {  	[bflag:$0x0] =	sbarrier.arrive $0xFFFF  }
0x8c: {  	_ =	strace $0x90000047  }
0x8d: {  	s0 =	stileid.u32;
	[bflag:$0x2] =	sbarrier.arrive $0xFFFF  }
0x8e: {  	p0 =	sne.s32 s0, $0x0;
	s0 =	rddreg [dreg:$0x3]  }
0x8f: {  	s0 =	sadd.s32 @!p0 $0x100000, s0  }
0x90: {  	[sflag:s0] =	ssyncadd.tile.s32 @!p0 $0x1;
	_ =	shalt  }
.Lfunc_end2:
_tile_overlayer_lowered:
.L_overlay_start_2:
0x91: {  	(tag) =	ssettag $0x2  }
0x92: {  	s0 =	rddreg [dreg:$0x0];
	s2 =	stileid.u32  }
0x93: {  	s1 =	rddreg [dreg:$0x1];
	p0 =	sne.s32 s2, $0x0  }
0x94: {  	s3 =	rddreg [dreg:$0x2];
	[bflag:$0x3] =	sbarrier.arrive $0xFFFF;
	s2 =	simm.s32 @!p0 $0x1C07  }
0x95: {  	[timem:s3], [sflag:s2] =	dma.local @!p0 [hbm:s0], s1  }
0x96: {  	s0 =	simm.s32 @!p0 $0x7  }
0x97: {  	_ =	swait.ge @!p0 [sflag:s0], s1  }
0x98: {  	s1 =	ssub.s32 @!p0 $0x0, s1;
	[sflag:s0] =	ssyncset.done @!p0 $0x0  }
0x99: {  	[sflag:s0] =	ssyncadd.s32 @!p0 s1  }
0x9a: {  	[bflag:$0x3] =	sbarrier.arrive $0xFFFF  }
0x9b: {  	_ =	shalt  }

</sc_bundles>
